<compile_context>
chip_gen: v7x
topology: tpu7x:2x2x1
jax: 0.10.2.dev20260603
libtpu: 0.0.44.dev20260713+nightly
codegen_flags: <defaults>
</compile_context>

<pallas_src>
import jax
import jax.numpy as jnp
from jax import lax
from jax.experimental import pallas as pl
from jax.experimental.pallas import tpu as pltpu
from jax.experimental.pallas import tpu_sc as plsc

_IMAGE_SIZE = 128
_RADIUS = 0.05
_K = 8
_STRIPS = 16
_ROWS = 8
_NW = 32
_PPW = 640
_CAP = 160
_SEG = 32


def _bin_sc_kernel(
    pts_hbm,
    obpx, obpy, obpz, obidx, ocnt,
    vpts, bpx, bpy, bpz, bidx, cnt,
):
    wid = lax.axis_index("s") * 2 + lax.axis_index("c")
    base = wid * _PPW
    pltpu.sync_copy(pts_hbm.at[pl.ds(base * 3, _PPW * 3)], vpts)

    lanes = lax.iota(jnp.int32, 16)
    lanes3 = lanes * 3
    zero = jnp.zeros((16,), jnp.int32)

    def gbody(g, cnts):
        cnts = list(cnts)
        iv = lanes3 + g * 48
        x = plsc.load_gather(vpts, [iv])
        y = plsc.load_gather(vpts, [iv + 1])
        z = plsc.load_gather(vpts, [iv + 2])
        gi = base + g * 16 + lanes
        f_lo = 64.0 * (1.0 - y - (_RADIUS + 1e-4)) - 0.5
        f_hi = 64.0 * (1.0 - y + (_RADIUS + 1e-4)) - 0.5
        ok = (f_hi >= 0.0) & (f_lo <= 127.0)
        i_lo = jnp.clip(f_lo, 0.0, 127.0).astype(jnp.int32)
        i_hi = jnp.clip(f_hi, 0.0, 127.0).astype(jnp.int32)
        slo = jnp.where(ok, i_lo // 8, 1)
        shi = jnp.where(ok, i_hi // 8, 0)
        for s in range(_STRIPS):
            m = (slo <= s) & (s <= shi)
            ranks = plsc.cumsum(m.astype(jnp.int32)) - 1
            dest = cnts[s] + ranks + s * _CAP
            plsc.store_scatter(bpx, [dest], x, mask=m)
            plsc.store_scatter(bpy, [dest], y, mask=m)
            plsc.store_scatter(bpz, [dest], z, mask=m)
            plsc.store_scatter(bidx, [dest], gi, mask=m)
            cnts[s] = cnts[s] + plsc.all_reduce_population_count(m)
        return tuple(cnts)

    cnts = lax.fori_loop(0, _PPW // 16, gbody, (zero,) * _STRIPS)

    dummy = jnp.full((16,), 3.0, jnp.float32)
    dzero = jnp.zeros((16,), jnp.int32)
    padmask = lanes < 15
    for s in range(_STRIPS):
        dest = cnts[s] + lanes + s * _CAP
        plsc.store_scatter(bpx, [dest], dummy, mask=padmask)
        plsc.store_scatter(bpy, [dest], dummy, mask=padmask)
        plsc.store_scatter(bpz, [dest], dummy, mask=padmask)
        plsc.store_scatter(bidx, [dest], dzero, mask=padmask)

    cntvec = zero
    for s in range(_STRIPS):
        cntvec = jnp.where(lanes == s, cnts[s], cntvec)
    cnt[...] = cntvec

    pltpu.sync_copy(bpx, obpx.at[wid])
    pltpu.sync_copy(bpy, obpy.at[wid])
    pltpu.sync_copy(bpz, obpz.at[wid])
    pltpu.sync_copy(bidx, obidx.at[wid])
    pltpu.sync_copy(cnt, ocnt.at[wid])


def _bin_points(pts):
    mesh = plsc.VectorSubcoreMesh(core_axis_name="c", subcore_axis_name="s")
    f32 = jnp.float32
    i32 = jnp.int32
    out_type = [
        jax.ShapeDtypeStruct((_NW, _STRIPS * _CAP), f32),
        jax.ShapeDtypeStruct((_NW, _STRIPS * _CAP), f32),
        jax.ShapeDtypeStruct((_NW, _STRIPS * _CAP), f32),
        jax.ShapeDtypeStruct((_NW, _STRIPS * _CAP), i32),
        jax.ShapeDtypeStruct((_NW, _STRIPS), i32),
    ]
    scratch = [
        pltpu.VMEM((_PPW * 3,), f32),
        pltpu.VMEM((_STRIPS * _CAP,), f32),
        pltpu.VMEM((_STRIPS * _CAP,), f32),
        pltpu.VMEM((_STRIPS * _CAP,), f32),
        pltpu.VMEM((_STRIPS * _CAP,), i32),
        pltpu.VMEM((_STRIPS,), i32),
    ]
    return pl.kernel(
        _bin_sc_kernel,
        out_type=out_type,
        mesh=mesh,
        compiler_params=pltpu.CompilerParams(needs_layout_passes=False),
        scratch_types=scratch,
    )(pts)


def _raster_tc_kernel(
    bpx_ref, bpy_ref, bpz_ref, bidx_ref, cnt_ref, idx_ref, zbuf_ref, dist_ref
):
    s = pl.program_id(0)
    r2 = jnp.float32(_RADIUS * _RADIUS)
    inf = jnp.float32(jnp.inf)

    row = jnp.float32(_ROWS) * s.astype(jnp.float32) + jax.lax.broadcasted_iota(
        jnp.int32, (_ROWS, _IMAGE_SIZE), 0
    ).astype(jnp.float32)
    col = jax.lax.broadcasted_iota(jnp.int32, (_ROWS, _IMAGE_SIZE), 1).astype(
        jnp.float32
    )
    yg = 1.0 - 2.0 * (row + 0.5) / jnp.float32(_IMAGE_SIZE)
    xg = 1.0 - 2.0 * (col + 0.5) / jnp.float32(_IMAGE_SIZE)

    z = [jnp.full((_ROWS, _IMAGE_SIZE), inf, jnp.float32) for _ in range(_K)]
    pay = [jnp.full((_ROWS, _IMAGE_SIZE), 0, jnp.int32) for _ in range(_K)]

    qscale = jnp.float32(1023.9 / (_RADIUS * _RADIUS))

    def one(wl, k, z, pay):
        pxs = bpx_ref[wl, 0, 0, k]
        pys = bpy_ref[0, 0, 0, k]
        pzs = bpz_ref[0, 0, 0, k]
        dx = xg - pxs
        dy = yg - pys
        d2 = dx * dx + dy * dy
        valid = d2 <= r2
        zc = jnp.where(valid, pzs, inf)
        q = (d2 * qscale).astype(jnp.int32)
        pc = (bidx_ref[0, 0, 0, k] << 10) + q
        for j in range(_K):
            m = zc < z[j]
            z[j], zc = jnp.minimum(z[j], zc), jnp.maximum(z[j], zc)
            pay[j], pc = jnp.where(m, pc, pay[j]), jnp.where(m, pay[j], pc)
        return z, pay

    def seg(wl, carry):
        n = cnt_ref[wl, s]

        def body(i, carry):
            z, pay = carry
            z = list(z)
            pay = list(pay)
            for v in range(16):
                z, pay = one(wl, 16 * i + v, z, pay)
            return tuple(z), tuple(pay)

        return jax.lax.fori_loop(0, (n + 15) // 16, body, carry)

    z, pay = jax.lax.fori_loop(0, _SEG, seg, (tuple(z), tuple(pay)))

    for j in range(_K):
        p = pay[j]
        hit = z[j] < inf
        zbuf_ref[j] = jnp.where(hit, z[j], -1.0)
        idx_ref[j] = jnp.where(hit, p >> 10, -1)
        q = (p & 1023).astype(jnp.float32) + 0.5
        dist_ref[j] = jnp.where(hit, q * (r2 / 1023.9), -1.0)


def _rasterize(points):
    P = points.shape[0]
    ppad = _NW * _PPW
    pts = jnp.pad(
        points, ((0, ppad - P), (0, 0)), constant_values=9.0
    ).reshape(-1)

    bpx, bpy, bpz, bidx, cnt = _bin_points(pts)
    shape4 = (_NW, _STRIPS, 1, _CAP)
    bpx = bpx.reshape(shape4)
    bpy = bpy.reshape(shape4)
    bpz = bpz.reshape(shape4)
    bidx = bidx.reshape(shape4)

    grid = (_STRIPS,)
    smem_spec = pl.BlockSpec(
        (_SEG, 1, 1, _CAP), lambda s: (0, s, 0, 0), memory_space=pltpu.SMEM
    )
    tiny_spec = pl.BlockSpec(
        (1, 1, 1, _CAP), lambda s: (0, s, 0, 0), memory_space=pltpu.SMEM
    )
    cnt_spec = pl.BlockSpec(
        (_NW, _STRIPS), lambda s: (0, 0), memory_space=pltpu.SMEM
    )
    out_spec = pl.BlockSpec((_K, _ROWS, _IMAGE_SIZE), lambda s: (0, s, 0))
    idx, zbuf, dist = pl.pallas_call(
        _raster_tc_kernel,
        grid=grid,
        in_specs=[smem_spec, tiny_spec, tiny_spec, tiny_spec, cnt_spec],
        out_specs=[out_spec, out_spec, out_spec],
        out_shape=[
            jax.ShapeDtypeStruct((_K, _IMAGE_SIZE, _IMAGE_SIZE), jnp.int32),
            jax.ShapeDtypeStruct((_K, _IMAGE_SIZE, _IMAGE_SIZE), jnp.float32),
            jax.ShapeDtypeStruct((_K, _IMAGE_SIZE, _IMAGE_SIZE), jnp.float32),
        ],
    )(bpx, bpy, bpz, bidx, cnt)
    return idx, zbuf, dist


def kernel(points):
    N = points.shape[0]
    outs = [_rasterize(points[n]) for n in range(N)]
    ts = [
        [jnp.transpose(o[i], (1, 2, 0)) for o in outs] for i in range(3)
    ]
    if N == 1:
        return tuple(t[0][None] for t in ts)
    return tuple(jnp.stack(t) for t in ts)

# --- scband reference (transcript-rebuilt; emitter-appended) ---
"""Pipeline reference for scband-our-points-rasterizer-13855564497224 (READ-ONLY COPY).

The authoritative reference and input builder live on the scoring server;
editing this copy changes nothing except your own understanding.
"""

import jax, jax.numpy as jnp
import numpy as np

IMAGE_SIZE = 128
RADIUS = 0.05
K = 8


def setup_inputs(seed: int = 0) -> dict:
    key = jax.random.key(seed)
    k1, k2 = jax.random.split(key)
    xy = jax.random.uniform(k1, (1, 20000, 2), minval=-1.0, maxval=1.0)
    z = jax.random.uniform(k2, (1, 20000, 1), minval=0.1, maxval=2.0)
    points = jnp.concatenate([xy, z], axis=-1).astype(jnp.float32)
    return {"points": points}


def reference(points):
    # points: (N, P, 3) in PyTorch3D NDC: +x left, +y up, z toward camera front.
    N, P, _ = points.shape
    H = W = IMAGE_SIZE
    r2 = RADIUS * RADIUS
    # pixel centers in NDC (PyTorch3D convention)
    xs = 1.0 - 2.0 * (jnp.arange(W, dtype=jnp.float32) + 0.5) / W
    ys = 1.0 - 2.0 * (jnp.arange(H, dtype=jnp.float32) + 0.5) / H

    def rasterize_one(pts):
        px, py, pz = pts[:, 0], pts[:, 1], pts[:, 2]

        def row(yc):
            dy2 = (yc - py) ** 2  # (P,)

            def pix(xc):
                d2 = (xc - px) ** 2 + dy2  # (P,)
                valid = (d2 <= r2) & (pz > 0.0)
                zmask = jnp.where(valid, pz, jnp.inf)
                neg_top, idx = jax.lax.top_k(-zmask, K)  # k smallest z
                topz = -neg_top
                hit = jnp.isfinite(topz)
                zbuf = jnp.where(hit, topz, -1.0)
                dsel = jnp.where(hit, d2[idx], -1.0)
                oidx = jnp.where(hit, idx, -1).astype(jnp.int32)
                return oidx, zbuf, dsel

            return jax.vmap(pix)(xs)  # (W, K) each

        return jax.lax.map(row, ys)  # (H, W, K) each

    idx, zbuf, dists = jax.vmap(rasterize_one)(points)
    return idx, zbuf, dists

if __name__ == "__main__":
    import jax
    _d = setup_inputs()
    print(jax.jit(kernel)(*tuple(_d.values())))

</pallas_src>

<mosaic_0001>
#map = affine_map<(d0, d1) -> (0)>
#map1 = affine_map<(d0, d1) -> (0, 0)>
module attributes {stable_mosaic.version = 14 : i64} {
  func.func @_bin_sc_kernel(%arg0: i32, %arg1: i32, %arg2: memref<61440xf32, #tpu.memory_space<hbm>>, %arg3: memref<32x2560xf32, #tpu.memory_space<hbm>>, %arg4: memref<32x2560xf32, #tpu.memory_space<hbm>>, %arg5: memref<32x2560xf32, #tpu.memory_space<hbm>>, %arg6: memref<32x2560xi32, #tpu.memory_space<hbm>>, %arg7: memref<32x16xi32, #tpu.memory_space<hbm>>, %arg8: memref<1920xf32, #tpu.memory_space<vmem>>, %arg9: memref<2560xf32, #tpu.memory_space<vmem>>, %arg10: memref<2560xf32, #tpu.memory_space<vmem>>, %arg11: memref<2560xf32, #tpu.memory_space<vmem>>, %arg12: memref<2560xi32, #tpu.memory_space<vmem>>, %arg13: memref<16xi32, #tpu.memory_space<vmem>>) attributes {dimension_semantics = [#tpu.dimension_semantics<core_parallel>, #tpu.dimension_semantics<subcore_parallel>], iteration_bounds = array<i64: 2, 16>, scalar_prefetch = 0 : i64, scratch_operands = 6 : i64, tpu.core_type = #tpu.core_type<sc_vector_subcore>, window_params = [{transform_indices = #map}, {transform_indices = #map1}, {transform_indices = #map1}, {transform_indices = #map1}, {transform_indices = #map1}, {transform_indices = #map1}]} {
    %mul3A = arith.constant 2 : i32
    %mul3A_0 = arith.muli %arg1, %mul3A : i32
    %add3A = arith.addi %mul3A_0, %arg0 : i32
    %mul3A_1 = arith.constant 640 : i32
    %mul3A_2 = arith.muli %add3A, %mul3A_1 : i32
    %mul3A_3 = arith.constant 3 : i32
    %mul3A_4 = arith.muli %mul3A_2, %mul3A_3 : i32
    "tpu.region"() ({
      %run_scoped3A = tpu.sem_alloc : memref<!tpu.dma_semaphore, #tpu.memory_space<semaphore_mem>>
      %dma_start3A = tpu.memref_slice %arg2[%mul3A_4] : memref<61440xf32, #tpu.memory_space<hbm>> -> memref<1920xf32, #tpu.memory_space<hbm>>
      %dma_start3A_147 = tpu.memref_slice %arg2[%mul3A_4] : memref<61440xf32, #tpu.memory_space<hbm>> -> memref<1920xf32, #tpu.memory_space<hbm>>
      tpu.enqueue_dma source(%dma_start3A_147 : memref<1920xf32, #tpu.memory_space<hbm>>) target(%arg8 : memref<1920xf32, #tpu.memory_space<vmem>>) target_semaphore(%run_scoped3A : memref<!tpu.dma_semaphore, #tpu.memory_space<semaphore_mem>>)
      %dma_wait3A = tpu.memref_slice %arg2[%mul3A_4] : memref<61440xf32, #tpu.memory_space<hbm>> -> memref<1920xf32, #tpu.memory_space<hbm>>
      %dma_wait3A_148 = tpu.memref_slice %arg2[%mul3A_4] : memref<61440xf32, #tpu.memory_space<hbm>> -> memref<1920xf32, #tpu.memory_space<hbm>>
      tpu.wait_dma2 semaphore(%run_scoped3A : memref<!tpu.dma_semaphore, #tpu.memory_space<semaphore_mem>>) src(%dma_wait3A_148 : memref<1920xf32, #tpu.memory_space<hbm>>) dst(%arg8 : memref<1920xf32, #tpu.memory_space<vmem>>)
      tpu.yield
    }) : () -> ()
    %iota3A = tpu.iota {dimensions = array<i32: 0>} : vector<16xi32>
    %mul3A_5 = arith.constant 3 : i32
    %mul3A_6 = vector.broadcast %mul3A_5 : i32 to vector<16xi32>
    %mul3A_7 = arith.muli %iota3A, %mul3A_6 : vector<16xi32>
    %broadcast_in_dim3A = arith.constant 0 : i32
    %broadcast_in_dim3A_8 = vector.broadcast %broadcast_in_dim3A : i32 to vector<16xi32>
    %scan3A = arith.constant 0 : i32
    %scan3A_9 = arith.constant 40 : i32
    %scan3A_10 = arith.addi %scan3A, %scan3A_9 : i32
    %scan3A_11 = arith.constant 1 : i32
    %scan3A_12:16 = scf.for %scan3A_147 = %scan3A to %scan3A_10 step %scan3A_11 iter_args(%scan3A_148 = %broadcast_in_dim3A_8, %scan3A_149 = %broadcast_in_dim3A_8, %scan3A_150 = %broadcast_in_dim3A_8, %scan3A_151 = %broadcast_in_dim3A_8, %scan3A_152 = %broadcast_in_dim3A_8, %scan3A_153 = %broadcast_in_dim3A_8, %scan3A_154 = %broadcast_in_dim3A_8, %scan3A_155 = %broadcast_in_dim3A_8, %scan3A_156 = %broadcast_in_dim3A_8, %scan3A_157 = %broadcast_in_dim3A_8, %scan3A_158 = %broadcast_in_dim3A_8, %scan3A_159 = %broadcast_in_dim3A_8, %scan3A_160 = %broadcast_in_dim3A_8, %scan3A_161 = %broadcast_in_dim3A_8, %scan3A_162 = %broadcast_in_dim3A_8, %scan3A_163 = %broadcast_in_dim3A_8) -> (vector<16xi32>, vector<16xi32>, vector<16xi32>, vector<16xi32>, vector<16xi32>, vector<16xi32>, vector<16xi32>, vector<16xi32>, vector<16xi32>, vector<16xi32>, vector<16xi32>, vector<16xi32>, vector<16xi32>, vector<16xi32>, vector<16xi32>, vector<16xi32>)  : i32 {
      %mul3A_164 = arith.constant 48 : i32
      %mul3A_165 = arith.muli %scan3A_147, %mul3A_164 : i32
      %add3A_166 = vector.broadcast %mul3A_165 : i32 to vector<16xi32>
      %add3A_167 = arith.addi %mul3A_7, %add3A_166 : vector<16xi32>
      %gather3A = tpu.vector_load_idx %arg8[%add3A_167] : memref<1920xf32, #tpu.memory_space<vmem>>[vector<16xi32>], vector<16xf32>,
      %add3A_168 = arith.constant 1 : i32
      %add3A_169 = vector.broadcast %add3A_168 : i32 to vector<16xi32>
      %add3A_170 = arith.addi %add3A_167, %add3A_169 : vector<16xi32>
      %gather3A_171 = tpu.vector_load_idx %arg8[%add3A_170] : memref<1920xf32, #tpu.memory_space<vmem>>[vector<16xi32>], vector<16xf32>,
      %add3A_172 = arith.constant 2 : i32
      %add3A_173 = vector.broadcast %add3A_172 : i32 to vector<16xi32>
      %add3A_174 = arith.addi %add3A_167, %add3A_173 : vector<16xi32>
      %gather3A_175 = tpu.vector_load_idx %arg8[%add3A_174] : memref<1920xf32, #tpu.memory_space<vmem>>[vector<16xi32>], vector<16xf32>,
      %mul3A_176 = arith.constant 16 : i32
      %mul3A_177 = arith.muli %scan3A_147, %mul3A_176 : i32
      %add3A_178 = arith.addi %mul3A_2, %mul3A_177 : i32
      %add3A_179 = vector.broadcast %add3A_178 : i32 to vector<16xi32>
      %add3A_180 = arith.addi %add3A_179, %iota3A : vector<16xi32>
      %sub3A = arith.constant 1.000000e+00 : f32
      %sub3A_181 = vector.broadcast %sub3A : f32 to vector<16xf32>
      %sub3A_182 = arith.subf %sub3A_181, %gather3A_171 : vector<16xf32>
      %sub3A_183 = arith.constant 5.010000e-02 : f32
      %sub3A_184 = vector.broadcast %sub3A_183 : f32 to vector<16xf32>
      %sub3A_185 = arith.subf %sub3A_182, %sub3A_184 : vector<16xf32>
      %mul3A_186 = arith.constant 6.400000e+01 : f32
      %mul3A_187 = vector.broadcast %mul3A_186 : f32 to vector<16xf32>
      %mul3A_188 = arith.mulf %mul3A_187, %sub3A_185 : vector<16xf32>
      %sub3A_189 = arith.constant 5.000000e-01 : f32
      %sub3A_190 = vector.broadcast %sub3A_189 : f32 to vector<16xf32>
      %sub3A_191 = arith.subf %mul3A_188, %sub3A_190 : vector<16xf32>
      %sub3A_192 = arith.constant 1.000000e+00 : f32
      %sub3A_193 = vector.broadcast %sub3A_192 : f32 to vector<16xf32>
      %sub3A_194 = arith.subf %sub3A_193, %gather3A_171 : vector<16xf32>
      %add3A_195 = arith.constant 5.010000e-02 : f32
      %add3A_196 = vector.broadcast %add3A_195 : f32 to vector<16xf32>
      %add3A_197 = arith.addf %sub3A_194, %add3A_196 : vector<16xf32>
      %mul3A_198 = arith.constant 6.400000e+01 : f32
      %mul3A_199 = vector.broadcast %mul3A_198 : f32 to vector<16xf32>
      %mul3A_200 = arith.mulf %mul3A_199, %add3A_197 : vector<16xf32>
      %sub3A_201 = arith.constant 5.000000e-01 : f32
      %sub3A_202 = vector.broadcast %sub3A_201 : f32 to vector<16xf32>
      %sub3A_203 = arith.subf %mul3A_200, %sub3A_202 : vector<16xf32>
      %ge3A = arith.constant 0.000000e+00 : f32
      %ge3A_204 = vector.broadcast %ge3A : f32 to vector<16xf32>
      %ge3A_205 = arith.cmpf oge, %sub3A_203, %ge3A_204 : vector<16xf32>
      %le3A = arith.constant 1.270000e+02 : f32
      %le3A_206 = vector.broadcast %le3A : f32 to vector<16xf32>
      %le3A_207 = arith.cmpf ole, %sub3A_191, %le3A_206 : vector<16xf32>
      %and3A = arith.andi %ge3A_205, %le3A_207 : vector<16xi1>
      %jit3A = arith.constant 0.000000e+00 : f32
      %jit3A_208 = arith.constant 1.270000e+02 : f32
      %max3A = vector.broadcast %jit3A : f32 to vector<16xf32>
      %max3A_209 = arith.maximumf %max3A, %sub3A_191 : vector<16xf32>
      %min3A = vector.broadcast %jit3A_208 : f32 to vector<16xf32>
      %min3A_210 = arith.minimumf %min3A, %max3A_209 : vector<16xf32>
      %convert_element_type3A = arith.fptosi %min3A_210 : vector<16xf32> to vector<16xi32>
      %jit3A_211 = arith.constant 0.000000e+00 : f32
      %jit3A_212 = arith.constant 1.270000e+02 : f32
      %max3A_213 = vector.broadcast %jit3A_211 : f32 to vector<16xf32>
      %max3A_214 = arith.maximumf %max3A_213, %sub3A_203 : vector<16xf32>
      %min3A_215 = vector.broadcast %jit3A_212 : f32 to vector<16xf32>
      %min3A_216 = arith.minimumf %min3A_215, %max3A_214 : vector<16xf32>
      %convert_element_type3A_217 = arith.fptosi %min3A_216 : vector<16xf32> to vector<16xi32>
      %jit3A_218 = arith.constant 8 : i32
      %div3A = vector.broadcast %jit3A_218 : i32 to vector<16xi32>
      %div3A_219 = arith.divsi %convert_element_type3A, %div3A : vector<16xi32>
      %sign3A = arith.constant 0 : i32
      %sign3A_220 = vector.broadcast %sign3A : i32 to vector<16xi32>
      %sign3A_221 = arith.cmpi sgt, %convert_element_type3A, %sign3A_220 : vector<16xi32>
      %sign3A_222 = arith.extui %sign3A_221 : vector<16xi1> to vector<16xi32>
      %sign3A_223 = arith.constant 0 : i32
      %sign3A_224 = vector.broadcast %sign3A_223 : i32 to vector<16xi32>
      %sign3A_225 = arith.cmpi slt, %convert_element_type3A, %sign3A_224 : vector<16xi32>
      %sign3A_226 = arith.extui %sign3A_225 : vector<16xi1> to vector<16xi32>
      %sign3A_227 = arith.subi %sign3A_222, %sign3A_226 : vector<16xi32>
      %sign3A_228 = arith.constant 0 : i32
      %sign3A_229 = arith.cmpi sgt, %jit3A_218, %sign3A_228 : i32
      %sign3A_230 = arith.extui %sign3A_229 : i1 to i32
      %sign3A_231 = arith.constant 0 : i32
      %sign3A_232 = arith.cmpi slt, %jit3A_218, %sign3A_231 : i32
      %sign3A_233 = arith.extui %sign3A_232 : i1 to i32
      %sign3A_234 = arith.subi %sign3A_230, %sign3A_233 : i32
      %ne3A = vector.broadcast %sign3A_234 : i32 to vector<16xi32>
      %ne3A_235 = arith.cmpi ne, %sign3A_227, %ne3A : vector<16xi32>
      %rem3A = vector.broadcast %jit3A_218 : i32 to vector<16xi32>
      %rem3A_236 = arith.remsi %convert_element_type3A, %rem3A : vector<16xi32>
      %ne3A_237 = arith.constant 0 : i32
      %ne3A_238 = vector.broadcast %ne3A_237 : i32 to vector<16xi32>
      %ne3A_239 = arith.cmpi ne, %rem3A_236, %ne3A_238 : vector<16xi32>
      %and3A_240 = arith.andi %ne3A_235, %ne3A_239 : vector<16xi1>
      %sub3A_241 = arith.constant 1 : i32
      %sub3A_242 = vector.broadcast %sub3A_241 : i32 to vector<16xi32>
      %sub3A_243 = arith.subi %div3A_219, %sub3A_242 : vector<16xi32>
      %select_n3A_244 = arith.select %and3A_240, %sub3A_243, %div3A_219 : vector<16xi1>, vector<16xi32>
      %jit3A_245 = arith.constant 1 : i32
      %broadcast_in_dim3A_246 = vector.broadcast %jit3A_245 : i32 to vector<16xi32>
      %select_n3A_247 = arith.select %and3A, %select_n3A_244, %broadcast_in_dim3A_246 : vector<16xi1>, vector<16xi32>
      %jit3A_248 = arith.constant 8 : i32
      %div3A_249 = vector.broadcast %jit3A_248 : i32 to vector<16xi32>
      %div3A_250 = arith.divsi %convert_element_type3A_217, %div3A_249 : vector<16xi32>
      %sign3A_251 = arith.constant 0 : i32
      %sign3A_252 = vector.broadcast %sign3A_251 : i32 to vector<16xi32>
      %sign3A_253 = arith.cmpi sgt, %convert_element_type3A_217, %sign3A_252 : vector<16xi32>
      %sign3A_254 = arith.extui %sign3A_253 : vector<16xi1> to vector<16xi32>
      %sign3A_255 = arith.constant 0 : i32
      %sign3A_256 = vector.broadcast %sign3A_255 : i32 to vector<16xi32>
      %sign3A_257 = arith.cmpi slt, %convert_element_type3A_217, %sign3A_256 : vector<16xi32>
      %sign3A_258 = arith.extui %sign3A_257 : vector<16xi1> to vector<16xi32>
      %sign3A_259 = arith.subi %sign3A_254, %sign3A_258 : vector<16xi32>
      %sign3A_260 = arith.constant 0 : i32
      %sign3A_261 = arith.cmpi sgt, %jit3A_248, %sign3A_260 : i32
      %sign3A_262 = arith.extui %sign3A_261 : i1 to i32
      %sign3A_263 = arith.constant 0 : i32
      %sign3A_264 = arith.cmpi slt, %jit3A_248, %sign3A_263 : i32
      %sign3A_265 = arith.extui %sign3A_264 : i1 to i32
      %sign3A_266 = arith.subi %sign3A_262, %sign3A_265 : i32
      %ne3A_267 = vector.broadcast %sign3A_266 : i32 to vector<16xi32>
      %ne3A_268 = arith.cmpi ne, %sign3A_259, %ne3A_267 : vector<16xi32>
      %rem3A_269 = vector.broadcast %jit3A_248 : i32 to vector<16xi32>
      %rem3A_270 = arith.remsi %convert_element_type3A_217, %rem3A_269 : vector<16xi32>
      %ne3A_271 = arith.constant 0 : i32
      %ne3A_272 = vector.broadcast %ne3A_271 : i32 to vector<16xi32>
      %ne3A_273 = arith.cmpi ne, %rem3A_270, %ne3A_272 : vector<16xi32>
      %and3A_274 = arith.andi %ne3A_268, %ne3A_273 : vector<16xi1>
      %sub3A_275 = arith.constant 1 : i32
      %sub3A_276 = vector.broadcast %sub3A_275 : i32 to vector<16xi32>
      %sub3A_277 = arith.subi %div3A_250, %sub3A_276 : vector<16xi32>
      %select_n3A_278 = arith.select %and3A_274, %sub3A_277, %div3A_250 : vector<16xi1>, vector<16xi32>
      %jit3A_279 = arith.constant 0 : i32
      %broadcast_in_dim3A_280 = vector.broadcast %jit3A_279 : i32 to vector<16xi32>
      %select_n3A_281 = arith.select %and3A, %select_n3A_278, %broadcast_in_dim3A_280 : vector<16xi1>, vector<16xi32>
      %le3A_282 = arith.constant 0 : i32
      %le3A_283 = vector.broadcast %le3A_282 : i32 to vector<16xi32>
      %le3A_284 = arith.cmpi sle, %select_n3A_247, %le3A_283 : vector<16xi32>
      %ge3A_285 = arith.constant 0 : i32
      %ge3A_286 = vector.broadcast %ge3A_285 : i32 to vector<16xi32>
      %ge3A_287 = arith.cmpi sge, %select_n3A_281, %ge3A_286 : vector<16xi32>
      %and3A_288 = arith.andi %le3A_284, %ge3A_287 : vector<16xi1>
      %convert_element_type3A_289 = arith.extui %and3A_288 : vector<16xi1> to vector<16xi32>
      %broadcast_in_dim3A_290 = arith.constant true
      %broadcast_in_dim3A_291 = vector.broadcast %broadcast_in_dim3A_290 : i1 to vector<16xi1>
      %masked_cumsum3A = tpu.scan <sum>, %convert_element_type3A_289 masked %broadcast_in_dim3A_291 : vector<16xi32>, vector<16xi1> -> vector<16xi32>
      %sub3A_292 = arith.constant 1 : i32
      %sub3A_293 = vector.broadcast %sub3A_292 : i32 to vector<16xi32>
      %sub3A_294 = arith.subi %masked_cumsum3A, %sub3A_293 : vector<16xi32>
      %add3A_295 = arith.addi %scan3A_148, %sub3A_294 : vector<16xi32>
      %add3A_296 = arith.constant 0 : i32
      %add3A_297 = vector.broadcast %add3A_296 : i32 to vector<16xi32>
      %add3A_298 = arith.addi %add3A_295, %add3A_297 : vector<16xi32>
      tpu.vector_store_idx %arg9[%add3A_298], %gather3A masked %and3A_288 : memref<2560xf32, #tpu.memory_space<vmem>>[vector<16xi32>], vector<16xf32>, vector<16xi1>
      tpu.vector_store_idx %arg10[%add3A_298], %gather3A_171 masked %and3A_288 : memref<2560xf32, #tpu.memory_space<vmem>>[vector<16xi32>], vector<16xf32>, vector<16xi1>
      tpu.vector_store_idx %arg11[%add3A_298], %gather3A_175 masked %and3A_288 : memref<2560xf32, #tpu.memory_space<vmem>>[vector<16xi32>], vector<16xf32>, vector<16xi1>
      tpu.vector_store_idx %arg12[%add3A_298], %add3A_180 masked %and3A_288 : memref<2560xi32, #tpu.memory_space<vmem>>[vector<16xi32>], vector<16xi32>, vector<16xi1>
      %all_reduce_population_count3A = tpu.all_reduce %and3A_288 {dim = 0 : i64, kind = #tpu.reduction_kind<sum>} : vector<16xi1> -> vector<16xi32>
      %add3A_299 = arith.addi %scan3A_148, %all_reduce_population_count3A : vector<16xi32>
      %le3A_300 = arith.constant 1 : i32
      %le3A_301 = vector.broadcast %le3A_300 : i32 to vector<16xi32>
      %le3A_302 = arith.cmpi sle, %select_n3A_247, %le3A_301 : vector<16xi32>
      %ge3A_303 = arith.constant 1 : i32
      %ge3A_304 = vector.broadcast %ge3A_303 : i32 to vector<16xi32>
      %ge3A_305 = arith.cmpi sge, %select_n3A_281, %ge3A_304 : vector<16xi32>
      %and3A_306 = arith.andi %le3A_302, %ge3A_305 : vector<16xi1>
      %convert_element_type3A_307 = arith.extui %and3A_306 : vector<16xi1> to vector<16xi32>
      %broadcast_in_dim3A_308 = arith.constant true
      %broadcast_in_dim3A_309 = vector.broadcast %broadcast_in_dim3A_308 : i1 to vector<16xi1>
      %masked_cumsum3A_310 = tpu.scan <sum>, %convert_element_type3A_307 masked %broadcast_in_dim3A_309 : vector<16xi32>, vector<16xi1> -> vector<16xi32>
      %sub3A_311 = arith.constant 1 : i32
      %sub3A_312 = vector.broadcast %sub3A_311 : i32 to vector<16xi32>
      %sub3A_313 = arith.subi %masked_cumsum3A_310, %sub3A_312 : vector<16xi32>
      %add3A_314 = arith.addi %scan3A_149, %sub3A_313 : vector<16xi32>
      %add3A_315 = arith.constant 160 : i32
      %add3A_316 = vector.broadcast %add3A_315 : i32 to vector<16xi32>
      %add3A_317 = arith.addi %add3A_314, %add3A_316 : vector<16xi32>
      tpu.vector_store_idx %arg9[%add3A_317], %gather3A masked %and3A_306 : memref<2560xf32, #tpu.memory_space<vmem>>[vector<16xi32>], vector<16xf32>, vector<16xi1>
      tpu.vector_store_idx %arg10[%add3A_317], %gather3A_171 masked %and3A_306 : memref<2560xf32, #tpu.memory_space<vmem>>[vector<16xi32>], vector<16xf32>, vector<16xi1>
      tpu.vector_store_idx %arg11[%add3A_317], %gather3A_175 masked %and3A_306 : memref<2560xf32, #tpu.memory_space<vmem>>[vector<16xi32>], vector<16xf32>, vector<16xi1>
      tpu.vector_store_idx %arg12[%add3A_317], %add3A_180 masked %and3A_306 : memref<2560xi32, #tpu.memory_space<vmem>>[vector<16xi32>], vector<16xi32>, vector<16xi1>
      %all_reduce_population_count3A_318 = tpu.all_reduce %and3A_306 {dim = 0 : i64, kind = #tpu.reduction_kind<sum>} : vector<16xi1> -> vector<16xi32>
      %add3A_319 = arith.addi %scan3A_149, %all_reduce_population_count3A_318 : vector<16xi32>
      %le3A_320 = arith.constant 2 : i32
      %le3A_321 = vector.broadcast %le3A_320 : i32 to vector<16xi32>
      %le3A_322 = arith.cmpi sle, %select_n3A_247, %le3A_321 : vector<16xi32>
      %ge3A_323 = arith.constant 2 : i32
      %ge3A_324 = vector.broadcast %ge3A_323 : i32 to vector<16xi32>
      %ge3A_325 = arith.cmpi sge, %select_n3A_281, %ge3A_324 : vector<16xi32>
      %and3A_326 = arith.andi %le3A_322, %ge3A_325 : vector<16xi1>
      %convert_element_type3A_327 = arith.extui %and3A_326 : vector<16xi1> to vector<16xi32>
      %broadcast_in_dim3A_328 = arith.constant true
      %broadcast_in_dim3A_329 = vector.broadcast %broadcast_in_dim3A_328 : i1 to vector<16xi1>
      %masked_cumsum3A_330 = tpu.scan <sum>, %convert_element_type3A_327 masked %broadcast_in_dim3A_329 : vector<16xi32>, vector<16xi1> -> vector<16xi32>
      %sub3A_331 = arith.constant 1 : i32
      %sub3A_332 = vector.broadcast %sub3A_331 : i32 to vector<16xi32>
      %sub3A_333 = arith.subi %masked_cumsum3A_330, %sub3A_332 : vector<16xi32>
      %add3A_334 = arith.addi %scan3A_150, %sub3A_333 : vector<16xi32>
      %add3A_335 = arith.constant 320 : i32
      %add3A_336 = vector.broadcast %add3A_335 : i32 to vector<16xi32>
      %add3A_337 = arith.addi %add3A_334, %add3A_336 : vector<16xi32>
      tpu.vector_store_idx %arg9[%add3A_337], %gather3A masked %and3A_326 : memref<2560xf32, #tpu.memory_space<vmem>>[vector<16xi32>], vector<16xf32>, vector<16xi1>
      tpu.vector_store_idx %arg10[%add3A_337], %gather3A_171 masked %and3A_326 : memref<2560xf32, #tpu.memory_space<vmem>>[vector<16xi32>], vector<16xf32>, vector<16xi1>
      tpu.vector_store_idx %arg11[%add3A_337], %gather3A_175 masked %and3A_326 : memref<2560xf32, #tpu.memory_space<vmem>>[vector<16xi32>], vector<16xf32>, vector<16xi1>
      tpu.vector_store_idx %arg12[%add3A_337], %add3A_180 masked %and3A_326 : memref<2560xi32, #tpu.memory_space<vmem>>[vector<16xi32>], vector<16xi32>, vector<16xi1>
      %all_reduce_population_count3A_338 = tpu.all_reduce %and3A_326 {dim = 0 : i64, kind = #tpu.reduction_kind<sum>} : vector<16xi1> -> vector<16xi32>
      %add3A_339 = arith.addi %scan3A_150, %all_reduce_population_count3A_338 : vector<16xi32>
      %le3A_340 = arith.constant 3 : i32
      %le3A_341 = vector.broadcast %le3A_340 : i32 to vector<16xi32>
      %le3A_342 = arith.cmpi sle, %select_n3A_247, %le3A_341 : vector<16xi32>
      %ge3A_343 = arith.constant 3 : i32
      %ge3A_344 = vector.broadcast %ge3A_343 : i32 to vector<16xi32>
      %ge3A_345 = arith.cmpi sge, %select_n3A_281, %ge3A_344 : vector<16xi32>
      %and3A_346 = arith.andi %le3A_342, %ge3A_345 : vector<16xi1>
      %convert_element_type3A_347 = arith.extui %and3A_346 : vector<16xi1> to vector<16xi32>
      %broadcast_in_dim3A_348 = arith.constant true
      %broadcast_in_dim3A_349 = vector.broadcast %broadcast_in_dim3A_348 : i1 to vector<16xi1>
      %masked_cumsum3A_350 = tpu.scan <sum>, %convert_element_type3A_347 masked %broadcast_in_dim3A_349 : vector<16xi32>, vector<16xi1> -> vector<16xi32>
      %sub3A_351 = arith.constant 1 : i32
      %sub3A_352 = vector.broadcast %sub3A_351 : i32 to vector<16xi32>
      %sub3A_353 = arith.subi %masked_cumsum3A_350, %sub3A_352 : vector<16xi32>
      %add3A_354 = arith.addi %scan3A_151, %sub3A_353 : vector<16xi32>
      %add3A_355 = arith.constant 480 : i32
      %add3A_356 = vector.broadcast %add3A_355 : i32 to vector<16xi32>
      %add3A_357 = arith.addi %add3A_354, %add3A_356 : vector<16xi32>
      tpu.vector_store_idx %arg9[%add3A_357], %gather3A masked %and3A_346 : memref<2560xf32, #tpu.memory_space<vmem>>[vector<16xi32>], vector<16xf32>, vector<16xi1>
      tpu.vector_store_idx %arg10[%add3A_357], %gather3A_171 masked %and3A_346 : memref<2560xf32, #tpu.memory_space<vmem>>[vector<16xi32>], vector<16xf32>, vector<16xi1>
      tpu.vector_store_idx %arg11[%add3A_357], %gather3A_175 masked %and3A_346 : memref<2560xf32, #tpu.memory_space<vmem>>[vector<16xi32>], vector<16xf32>, vector<16xi1>
      tpu.vector_store_idx %arg12[%add3A_357], %add3A_180 masked %and3A_346 : memref<2560xi32, #tpu.memory_space<vmem>>[vector<16xi32>], vector<16xi32>, vector<16xi1>
      %all_reduce_population_count3A_358 = tpu.all_reduce %and3A_346 {dim = 0 : i64, kind = #tpu.reduction_kind<sum>} : vector<16xi1> -> vector<16xi32>
      %add3A_359 = arith.addi %scan3A_151, %all_reduce_population_count3A_358 : vector<16xi32>
      %le3A_360 = arith.constant 4 : i32
      %le3A_361 = vector.broadcast %le3A_360 : i32 to vector<16xi32>
      %le3A_362 = arith.cmpi sle, %select_n3A_247, %le3A_361 : vector<16xi32>
      %ge3A_363 = arith.constant 4 : i32
      %ge3A_364 = vector.broadcast %ge3A_363 : i32 to vector<16xi32>
      %ge3A_365 = arith.cmpi sge, %select_n3A_281, %ge3A_364 : vector<16xi32>
      %and3A_366 = arith.andi %le3A_362, %ge3A_365 : vector<16xi1>
      %convert_element_type3A_367 = arith.extui %and3A_366 : vector<16xi1> to vector<16xi32>
      %broadcast_in_dim3A_368 = arith.constant true
      %broadcast_in_dim3A_369 = vector.broadcast %broadcast_in_dim3A_368 : i1 to vector<16xi1>
      %masked_cumsum3A_370 = tpu.scan <sum>, %convert_element_type3A_367 masked %broadcast_in_dim3A_369 : vector<16xi32>, vector<16xi1> -> vector<16xi32>
      %sub3A_371 = arith.constant 1 : i32
      %sub3A_372 = vector.broadcast %sub3A_371 : i32 to vector<16xi32>
      %sub3A_373 = arith.subi %masked_cumsum3A_370, %sub3A_372 : vector<16xi32>
      %add3A_374 = arith.addi %scan3A_152, %sub3A_373 : vector<16xi32>
      %add3A_375 = arith.constant 640 : i32
      %add3A_376 = vector.broadcast %add3A_375 : i32 to vector<16xi32>
      %add3A_377 = arith.addi %add3A_374, %add3A_376 : vector<16xi32>
      tpu.vector_store_idx %arg9[%add3A_377], %gather3A masked %and3A_366 : memref<2560xf32, #tpu.memory_space<vmem>>[vector<16xi32>], vector<16xf32>, vector<16xi1>
      tpu.vector_store_idx %arg10[%add3A_377], %gather3A_171 masked %and3A_366 : memref<2560xf32, #tpu.memory_space<vmem>>[vector<16xi32>], vector<16xf32>, vector<16xi1>
      tpu.vector_store_idx %arg11[%add3A_377], %gather3A_175 masked %and3A_366 : memref<2560xf32, #tpu.memory_space<vmem>>[vector<16xi32>], vector<16xf32>, vector<16xi1>
      tpu.vector_store_idx %arg12[%add3A_377], %add3A_180 masked %and3A_366 : memref<2560xi32, #tpu.memory_space<vmem>>[vector<16xi32>], vector<16xi32>, vector<16xi1>
      %all_reduce_population_count3A_378 = tpu.all_reduce %and3A_366 {dim = 0 : i64, kind = #tpu.reduction_kind<sum>} : vector<16xi1> -> vector<16xi32>
      %add3A_379 = arith.addi %scan3A_152, %all_reduce_population_count3A_378 : vector<16xi32>
      %le3A_380 = arith.constant 5 : i32
      %le3A_381 = vector.broadcast %le3A_380 : i32 to vector<16xi32>
      %le3A_382 = arith.cmpi sle, %select_n3A_247, %le3A_381 : vector<16xi32>
      %ge3A_383 = arith.constant 5 : i32
      %ge3A_384 = vector.broadcast %ge3A_383 : i32 to vector<16xi32>
      %ge3A_385 = arith.cmpi sge, %select_n3A_281, %ge3A_384 : vector<16xi32>
      %and3A_386 = arith.andi %le3A_382, %ge3A_385 : vector<16xi1>
      %convert_element_type3A_387 = arith.extui %and3A_386 : vector<16xi1> to vector<16xi32>
      %broadcast_in_dim3A_388 = arith.constant true
      %broadcast_in_dim3A_389 = vector.broadcast %broadcast_in_dim3A_388 : i1 to vector<16xi1>
      %masked_cumsum3A_390 = tpu.scan <sum>, %convert_element_type3A_387 masked %broadcast_in_dim3A_389 : vector<16xi32>, vector<16xi1> -> vector<16xi32>
      %sub3A_391 = arith.constant 1 : i32
      %sub3A_392 = vector.broadcast %sub3A_391 : i32 to vector<16xi32>
      %sub3A_393 = arith.subi %masked_cumsum3A_390, %sub3A_392 : vector<16xi32>
      %add3A_394 = arith.addi %scan3A_153, %sub3A_393 : vector<16xi32>
      %add3A_395 = arith.constant 800 : i32
      %add3A_396 = vector.broadcast %add3A_395 : i32 to vector<16xi32>
      %add3A_397 = arith.addi %add3A_394, %add3A_396 : vector<16xi32>
      tpu.vector_store_idx %arg9[%add3A_397], %gather3A masked %and3A_386 : memref<2560xf32, #tpu.memory_space<vmem>>[vector<16xi32>], vector<16xf32>, vector<16xi1>
      tpu.vector_store_idx %arg10[%add3A_397], %gather3A_171 masked %and3A_386 : memref<2560xf32, #tpu.memory_space<vmem>>[vector<16xi32>], vector<16xf32>, vector<16xi1>
      tpu.vector_store_idx %arg11[%add3A_397], %gather3A_175 masked %and3A_386 : memref<2560xf32, #tpu.memory_space<vmem>>[vector<16xi32>], vector<16xf32>, vector<16xi1>
      tpu.vector_store_idx %arg12[%add3A_397], %add3A_180 masked %and3A_386 : memref<2560xi32, #tpu.memory_space<vmem>>[vector<16xi32>], vector<16xi32>, vector<16xi1>
      %all_reduce_population_count3A_398 = tpu.all_reduce %and3A_386 {dim = 0 : i64, kind = #tpu.reduction_kind<sum>} : vector<16xi1> -> vector<16xi32>
      %add3A_399 = arith.addi %scan3A_153, %all_reduce_population_count3A_398 : vector<16xi32>
      %le3A_400 = arith.constant 6 : i32
      %le3A_401 = vector.broadcast %le3A_400 : i32 to vector<16xi32>
      %le3A_402 = arith.cmpi sle, %select_n3A_247, %le3A_401 : vector<16xi32>
      %ge3A_403 = arith.constant 6 : i32
      %ge3A_404 = vector.broadcast %ge3A_403 : i32 to vector<16xi32>
      %ge3A_405 = arith.cmpi sge, %select_n3A_281, %ge3A_404 : vector<16xi32>
      %and3A_406 = arith.andi %le3A_402, %ge3A_405 : vector<16xi1>
      %convert_element_type3A_407 = arith.extui %and3A_406 : vector<16xi1> to vector<16xi32>
      %broadcast_in_dim3A_408 = arith.constant true
      %broadcast_in_dim3A_409 = vector.broadcast %broadcast_in_dim3A_408 : i1 to vector<16xi1>
      %masked_cumsum3A_410 = tpu.scan <sum>, %convert_element_type3A_407 masked %broadcast_in_dim3A_409 : vector<16xi32>, vector<16xi1> -> vector<16xi32>
      %sub3A_411 = arith.constant 1 : i32
      %sub3A_412 = vector.broadcast %sub3A_411 : i32 to vector<16xi32>
      %sub3A_413 = arith.subi %masked_cumsum3A_410, %sub3A_412 : vector<16xi32>
      %add3A_414 = arith.addi %scan3A_154, %sub3A_413 : vector<16xi32>
      %add3A_415 = arith.constant 960 : i32
      %add3A_416 = vector.broadcast %add3A_415 : i32 to vector<16xi32>
      %add3A_417 = arith.addi %add3A_414, %add3A_416 : vector<16xi32>
      tpu.vector_store_idx %arg9[%add3A_417], %gather3A masked %and3A_406 : memref<2560xf32, #tpu.memory_space<vmem>>[vector<16xi32>], vector<16xf32>, vector<16xi1>
      tpu.vector_store_idx %arg10[%add3A_417], %gather3A_171 masked %and3A_406 : memref<2560xf32, #tpu.memory_space<vmem>>[vector<16xi32>], vector<16xf32>, vector<16xi1>
      tpu.vector_store_idx %arg11[%add3A_417], %gather3A_175 masked %and3A_406 : memref<2560xf32, #tpu.memory_space<vmem>>[vector<16xi32>], vector<16xf32>, vector<16xi1>
      tpu.vector_store_idx %arg12[%add3A_417], %add3A_180 masked %and3A_406 : memref<2560xi32, #tpu.memory_space<vmem>>[vector<16xi32>], vector<16xi32>, vector<16xi1>
      %all_reduce_population_count3A_418 = tpu.all_reduce %and3A_406 {dim = 0 : i64, kind = #tpu.reduction_kind<sum>} : vector<16xi1> -> vector<16xi32>
      %add3A_419 = arith.addi %scan3A_154, %all_reduce_population_count3A_418 : vector<16xi32>
      %le3A_420 = arith.constant 7 : i32
      %le3A_421 = vector.broadcast %le3A_420 : i32 to vector<16xi32>
      %le3A_422 = arith.cmpi sle, %select_n3A_247, %le3A_421 : vector<16xi32>
      %ge3A_423 = arith.constant 7 : i32
      %ge3A_424 = vector.broadcast %ge3A_423 : i32 to vector<16xi32>
      %ge3A_425 = arith.cmpi sge, %select_n3A_281, %ge3A_424 : vector<16xi32>
      %and3A_426 = arith.andi %le3A_422, %ge3A_425 : vector<16xi1>
      %convert_element_type3A_427 = arith.extui %and3A_426 : vector<16xi1> to vector<16xi32>
      %broadcast_in_dim3A_428 = arith.constant true
      %broadcast_in_dim3A_429 = vector.broadcast %broadcast_in_dim3A_428 : i1 to vector<16xi1>
      %masked_cumsum3A_430 = tpu.scan <sum>, %convert_element_type3A_427 masked %broadcast_in_dim3A_429 : vector<16xi32>, vector<16xi1> -> vector<16xi32>
      %sub3A_431 = arith.constant 1 : i32
      %sub3A_432 = vector.broadcast %sub3A_431 : i32 to vector<16xi32>
      %sub3A_433 = arith.subi %masked_cumsum3A_430, %sub3A_432 : vector<16xi32>
      %add3A_434 = arith.addi %scan3A_155, %sub3A_433 : vector<16xi32>
      %add3A_435 = arith.constant 1120 : i32
      %add3A_436 = vector.broadcast %add3A_435 : i32 to vector<16xi32>
      %add3A_437 = arith.addi %add3A_434, %add3A_436 : vector<16xi32>
      tpu.vector_store_idx %arg9[%add3A_437], %gather3A masked %and3A_426 : memref<2560xf32, #tpu.memory_space<vmem>>[vector<16xi32>], vector<16xf32>, vector<16xi1>
      tpu.vector_store_idx %arg10[%add3A_437], %gather3A_171 masked %and3A_426 : memref<2560xf32, #tpu.memory_space<vmem>>[vector<16xi32>], vector<16xf32>, vector<16xi1>
      tpu.vector_store_idx %arg11[%add3A_437], %gather3A_175 masked %and3A_426 : memref<2560xf32, #tpu.memory_space<vmem>>[vector<16xi32>], vector<16xf32>, vector<16xi1>
      tpu.vector_store_idx %arg12[%add3A_437], %add3A_180 masked %and3A_426 : memref<2560xi32, #tpu.memory_space<vmem>>[vector<16xi32>], vector<16xi32>, vector<16xi1>
      %all_reduce_population_count3A_438 = tpu.all_reduce %and3A_426 {dim = 0 : i64, kind = #tpu.reduction_kind<sum>} : vector<16xi1> -> vector<16xi32>
      %add3A_439 = arith.addi %scan3A_155, %all_reduce_population_count3A_438 : vector<16xi32>
      %le3A_440 = arith.constant 8 : i32
      %le3A_441 = vector.broadcast %le3A_440 : i32 to vector<16xi32>
      %le3A_442 = arith.cmpi sle, %select_n3A_247, %le3A_441 : vector<16xi32>
      %ge3A_443 = arith.constant 8 : i32
      %ge3A_444 = vector.broadcast %ge3A_443 : i32 to vector<16xi32>
      %ge3A_445 = arith.cmpi sge, %select_n3A_281, %ge3A_444 : vector<16xi32>
      %and3A_446 = arith.andi %le3A_442, %ge3A_445 : vector<16xi1>
      %convert_element_type3A_447 = arith.extui %and3A_446 : vector<16xi1> to vector<16xi32>
      %broadcast_in_dim3A_448 = arith.constant true
      %broadcast_in_dim3A_449 = vector.broadcast %broadcast_in_dim3A_448 : i1 to vector<16xi1>
      %masked_cumsum3A_450 = tpu.scan <sum>, %convert_element_type3A_447 masked %broadcast_in_dim3A_449 : vector<16xi32>, vector<16xi1> -> vector<16xi32>
      %sub3A_451 = arith.constant 1 : i32
      %sub3A_452 = vector.broadcast %sub3A_451 : i32 to vector<16xi32>
      %sub3A_453 = arith.subi %masked_cumsum3A_450, %sub3A_452 : vector<16xi32>
      %add3A_454 = arith.addi %scan3A_156, %sub3A_453 : vector<16xi32>
      %add3A_455 = arith.constant 1280 : i32
      %add3A_456 = vector.broadcast %add3A_455 : i32 to vector<16xi32>
      %add3A_457 = arith.addi %add3A_454, %add3A_456 : vector<16xi32>
      tpu.vector_store_idx %arg9[%add3A_457], %gather3A masked %and3A_446 : memref<2560xf32, #tpu.memory_space<vmem>>[vector<16xi32>], vector<16xf32>, vector<16xi1>
      tpu.vector_store_idx %arg10[%add3A_457], %gather3A_171 masked %and3A_446 : memref<2560xf32, #tpu.memory_space<vmem>>[vector<16xi32>], vector<16xf32>, vector<16xi1>
      tpu.vector_store_idx %arg11[%add3A_457], %gather3A_175 masked %and3A_446 : memref<2560xf32, #tpu.memory_space<vmem>>[vector<16xi32>], vector<16xf32>, vector<16xi1>
      tpu.vector_store_idx %arg12[%add3A_457], %add3A_180 masked %and3A_446 : memref<2560xi32, #tpu.memory_space<vmem>>[vector<16xi32>], vector<16xi32>, vector<16xi1>
      %all_reduce_population_count3A_458 = tpu.all_reduce %and3A_446 {dim = 0 : i64, kind = #tpu.reduction_kind<sum>} : vector<16xi1> -> vector<16xi32>
      %add3A_459 = arith.addi %scan3A_156, %all_reduce_population_count3A_458 : vector<16xi32>
      %le3A_460 = arith.constant 9 : i32
      %le3A_461 = vector.broadcast %le3A_460 : i32 to vector<16xi32>
      %le3A_462 = arith.cmpi sle, %select_n3A_247, %le3A_461 : vector<16xi32>
      %ge3A_463 = arith.constant 9 : i32
      %ge3A_464 = vector.broadcast %ge3A_463 : i32 to vector<16xi32>
      %ge3A_465 = arith.cmpi sge, %select_n3A_281, %ge3A_464 : vector<16xi32>
      %and3A_466 = arith.andi %le3A_462, %ge3A_465 : vector<16xi1>
      %convert_element_type3A_467 = arith.extui %and3A_466 : vector<16xi1> to vector<16xi32>
      %broadcast_in_dim3A_468 = arith.constant true
      %broadcast_in_dim3A_469 = vector.broadcast %broadcast_in_dim3A_468 : i1 to vector<16xi1>
      %masked_cumsum3A_470 = tpu.scan <sum>, %convert_element_type3A_467 masked %broadcast_in_dim3A_469 : vector<16xi32>, vector<16xi1> -> vector<16xi32>
      %sub3A_471 = arith.constant 1 : i32
      %sub3A_472 = vector.broadcast %sub3A_471 : i32 to vector<16xi32>
      %sub3A_473 = arith.subi %masked_cumsum3A_470, %sub3A_472 : vector<16xi32>
      %add3A_474 = arith.addi %scan3A_157, %sub3A_473 : vector<16xi32>
      %add3A_475 = arith.constant 1440 : i32
      %add3A_476 = vector.broadcast %add3A_475 : i32 to vector<16xi32>
      %add3A_477 = arith.addi %add3A_474, %add3A_476 : vector<16xi32>
      tpu.vector_store_idx %arg9[%add3A_477], %gather3A masked %and3A_466 : memref<2560xf32, #tpu.memory_space<vmem>>[vector<16xi32>], vector<16xf32>, vector<16xi1>
      tpu.vector_store_idx %arg10[%add3A_477], %gather3A_171 masked %and3A_466 : memref<2560xf32, #tpu.memory_space<vmem>>[vector<16xi32>], vector<16xf32>, vector<16xi1>
      tpu.vector_store_idx %arg11[%add3A_477], %gather3A_175 masked %and3A_466 : memref<2560xf32, #tpu.memory_space<vmem>>[vector<16xi32>], vector<16xf32>, vector<16xi1>
      tpu.vector_store_idx %arg12[%add3A_477], %add3A_180 masked %and3A_466 : memref<2560xi32, #tpu.memory_space<vmem>>[vector<16xi32>], vector<16xi32>, vector<16xi1>
      %all_reduce_population_count3A_478 = tpu.all_reduce %and3A_466 {dim = 0 : i64, kind = #tpu.reduction_kind<sum>} : vector<16xi1> -> vector<16xi32>
      %add3A_479 = arith.addi %scan3A_157, %all_reduce_population_count3A_478 : vector<16xi32>
      %le3A_480 = arith.constant 10 : i32
      %le3A_481 = vector.broadcast %le3A_480 : i32 to vector<16xi32>
      %le3A_482 = arith.cmpi sle, %select_n3A_247, %le3A_481 : vector<16xi32>
      %ge3A_483 = arith.constant 10 : i32
      %ge3A_484 = vector.broadcast %ge3A_483 : i32 to vector<16xi32>
      %ge3A_485 = arith.cmpi sge, %select_n3A_281, %ge3A_484 : vector<16xi32>
      %and3A_486 = arith.andi %le3A_482, %ge3A_485 : vector<16xi1>
      %convert_element_type3A_487 = arith.extui %and3A_486 : vector<16xi1> to vector<16xi32>
      %broadcast_in_dim3A_488 = arith.constant true
      %broadcast_in_dim3A_489 = vector.broadcast %broadcast_in_dim3A_488 : i1 to vector<16xi1>
      %masked_cumsum3A_490 = tpu.scan <sum>, %convert_element_type3A_487 masked %broadcast_in_dim3A_489 : vector<16xi32>, vector<16xi1> -> vector<16xi32>
      %sub3A_491 = arith.constant 1 : i32
      %sub3A_492 = vector.broadcast %sub3A_491 : i32 to vector<16xi32>
      %sub3A_493 = arith.subi %masked_cumsum3A_490, %sub3A_492 : vector<16xi32>
      %add3A_494 = arith.addi %scan3A_158, %sub3A_493 : vector<16xi32>
      %add3A_495 = arith.constant 1600 : i32
      %add3A_496 = vector.broadcast %add3A_495 : i32 to vector<16xi32>
      %add3A_497 = arith.addi %add3A_494, %add3A_496 : vector<16xi32>
      tpu.vector_store_idx %arg9[%add3A_497], %gather3A masked %and3A_486 : memref<2560xf32, #tpu.memory_space<vmem>>[vector<16xi32>], vector<16xf32>, vector<16xi1>
      tpu.vector_store_idx %arg10[%add3A_497], %gather3A_171 masked %and3A_486 : memref<2560xf32, #tpu.memory_space<vmem>>[vector<16xi32>], vector<16xf32>, vector<16xi1>
      tpu.vector_store_idx %arg11[%add3A_497], %gather3A_175 masked %and3A_486 : memref<2560xf32, #tpu.memory_space<vmem>>[vector<16xi32>], vector<16xf32>, vector<16xi1>
      tpu.vector_store_idx %arg12[%add3A_497], %add3A_180 masked %and3A_486 : memref<2560xi32, #tpu.memory_space<vmem>>[vector<16xi32>], vector<16xi32>, vector<16xi1>
      %all_reduce_population_count3A_498 = tpu.all_reduce %and3A_486 {dim = 0 : i64, kind = #tpu.reduction_kind<sum>} : vector<16xi1> -> vector<16xi32>
      %add3A_499 = arith.addi %scan3A_158, %all_reduce_population_count3A_498 : vector<16xi32>
      %le3A_500 = arith.constant 11 : i32
      %le3A_501 = vector.broadcast %le3A_500 : i32 to vector<16xi32>
      %le3A_502 = arith.cmpi sle, %select_n3A_247, %le3A_501 : vector<16xi32>
      %ge3A_503 = arith.constant 11 : i32
      %ge3A_504 = vector.broadcast %ge3A_503 : i32 to vector<16xi32>
      %ge3A_505 = arith.cmpi sge, %select_n3A_281, %ge3A_504 : vector<16xi32>
      %and3A_506 = arith.andi %le3A_502, %ge3A_505 : vector<16xi1>
      %convert_element_type3A_507 = arith.extui %and3A_506 : vector<16xi1> to vector<16xi32>
      %broadcast_in_dim3A_508 = arith.constant true
      %broadcast_in_dim3A_509 = vector.broadcast %broadcast_in_dim3A_508 : i1 to vector<16xi1>
      %masked_cumsum3A_510 = tpu.scan <sum>, %convert_element_type3A_507 masked %broadcast_in_dim3A_509 : vector<16xi32>, vector<16xi1> -> vector<16xi32>
      %sub3A_511 = arith.constant 1 : i32
      %sub3A_512 = vector.broadcast %sub3A_511 : i32 to vector<16xi32>
      %sub3A_513 = arith.subi %masked_cumsum3A_510, %sub3A_512 : vector<16xi32>
      %add3A_514 = arith.addi %scan3A_159, %sub3A_513 : vector<16xi32>
      %add3A_515 = arith.constant 1760 : i32
      %add3A_516 = vector.broadcast %add3A_515 : i32 to vector<16xi32>
      %add3A_517 = arith.addi %add3A_514, %add3A_516 : vector<16xi32>
      tpu.vector_store_idx %arg9[%add3A_517], %gather3A masked %and3A_506 : memref<2560xf32, #tpu.memory_space<vmem>>[vector<16xi32>], vector<16xf32>, vector<16xi1>
      tpu.vector_store_idx %arg10[%add3A_517], %gather3A_171 masked %and3A_506 : memref<2560xf32, #tpu.memory_space<vmem>>[vector<16xi32>], vector<16xf32>, vector<16xi1>
      tpu.vector_store_idx %arg11[%add3A_517], %gather3A_175 masked %and3A_506 : memref<2560xf32, #tpu.memory_space<vmem>>[vector<16xi32>], vector<16xf32>, vector<16xi1>
      tpu.vector_store_idx %arg12[%add3A_517], %add3A_180 masked %and3A_506 : memref<2560xi32, #tpu.memory_space<vmem>>[vector<16xi32>], vector<16xi32>, vector<16xi1>
      %all_reduce_population_count3A_518 = tpu.all_reduce %and3A_506 {dim = 0 : i64, kind = #tpu.reduction_kind<sum>} : vector<16xi1> -> vector<16xi32>
      %add3A_519 = arith.addi %scan3A_159, %all_reduce_population_count3A_518 : vector<16xi32>
      %le3A_520 = arith.constant 12 : i32
      %le3A_521 = vector.broadcast %le3A_520 : i32 to vector<16xi32>
      %le3A_522 = arith.cmpi sle, %select_n3A_247, %le3A_521 : vector<16xi32>
      %ge3A_523 = arith.constant 12 : i32
      %ge3A_524 = vector.broadcast %ge3A_523 : i32 to vector<16xi32>
      %ge3A_525 = arith.cmpi sge, %select_n3A_281, %ge3A_524 : vector<16xi32>
      %and3A_526 = arith.andi %le3A_522, %ge3A_525 : vector<16xi1>
      %convert_element_type3A_527 = arith.extui %and3A_526 : vector<16xi1> to vector<16xi32>
      %broadcast_in_dim3A_528 = arith.constant true
      %broadcast_in_dim3A_529 = vector.broadcast %broadcast_in_dim3A_528 : i1 to vector<16xi1>
      %masked_cumsum3A_530 = tpu.scan <sum>, %convert_element_type3A_527 masked %broadcast_in_dim3A_529 : vector<16xi32>, vector<16xi1> -> vector<16xi32>
      %sub3A_531 = arith.constant 1 : i32
      %sub3A_532 = vector.broadcast %sub3A_531 : i32 to vector<16xi32>
      %sub3A_533 = arith.subi %masked_cumsum3A_530, %sub3A_532 : vector<16xi32>
      %add3A_534 = arith.addi %scan3A_160, %sub3A_533 : vector<16xi32>
      %add3A_535 = arith.constant 1920 : i32
      %add3A_536 = vector.broadcast %add3A_535 : i32 to vector<16xi32>
      %add3A_537 = arith.addi %add3A_534, %add3A_536 : vector<16xi32>
      tpu.vector_store_idx %arg9[%add3A_537], %gather3A masked %and3A_526 : memref<2560xf32, #tpu.memory_space<vmem>>[vector<16xi32>], vector<16xf32>, vector<16xi1>
      tpu.vector_store_idx %arg10[%add3A_537], %gather3A_171 masked %and3A_526 : memref<2560xf32, #tpu.memory_space<vmem>>[vector<16xi32>], vector<16xf32>, vector<16xi1>
      tpu.vector_store_idx %arg11[%add3A_537], %gather3A_175 masked %and3A_526 : memref<2560xf32, #tpu.memory_space<vmem>>[vector<16xi32>], vector<16xf32>, vector<16xi1>
      tpu.vector_store_idx %arg12[%add3A_537], %add3A_180 masked %and3A_526 : memref<2560xi32, #tpu.memory_space<vmem>>[vector<16xi32>], vector<16xi32>, vector<16xi1>
      %all_reduce_population_count3A_538 = tpu.all_reduce %and3A_526 {dim = 0 : i64, kind = #tpu.reduction_kind<sum>} : vector<16xi1> -> vector<16xi32>
      %add3A_539 = arith.addi %scan3A_160, %all_reduce_population_count3A_538 : vector<16xi32>
      %le3A_540 = arith.constant 13 : i32
      %le3A_541 = vector.broadcast %le3A_540 : i32 to vector<16xi32>
      %le3A_542 = arith.cmpi sle, %select_n3A_247, %le3A_541 : vector<16xi32>
      %ge3A_543 = arith.constant 13 : i32
      %ge3A_544 = vector.broadcast %ge3A_543 : i32 to vector<16xi32>
      %ge3A_545 = arith.cmpi sge, %select_n3A_281, %ge3A_544 : vector<16xi32>
      %and3A_546 = arith.andi %le3A_542, %ge3A_545 : vector<16xi1>
      %convert_element_type3A_547 = arith.extui %and3A_546 : vector<16xi1> to vector<16xi32>
      %broadcast_in_dim3A_548 = arith.constant true
      %broadcast_in_dim3A_549 = vector.broadcast %broadcast_in_dim3A_548 : i1 to vector<16xi1>
      %masked_cumsum3A_550 = tpu.scan <sum>, %convert_element_type3A_547 masked %broadcast_in_dim3A_549 : vector<16xi32>, vector<16xi1> -> vector<16xi32>
      %sub3A_551 = arith.constant 1 : i32
      %sub3A_552 = vector.broadcast %sub3A_551 : i32 to vector<16xi32>
      %sub3A_553 = arith.subi %masked_cumsum3A_550, %sub3A_552 : vector<16xi32>
      %add3A_554 = arith.addi %scan3A_161, %sub3A_553 : vector<16xi32>
      %add3A_555 = arith.constant 2080 : i32
      %add3A_556 = vector.broadcast %add3A_555 : i32 to vector<16xi32>
      %add3A_557 = arith.addi %add3A_554, %add3A_556 : vector<16xi32>
      tpu.vector_store_idx %arg9[%add3A_557], %gather3A masked %and3A_546 : memref<2560xf32, #tpu.memory_space<vmem>>[vector<16xi32>], vector<16xf32>, vector<16xi1>
      tpu.vector_store_idx %arg10[%add3A_557], %gather3A_171 masked %and3A_546 : memref<2560xf32, #tpu.memory_space<vmem>>[vector<16xi32>], vector<16xf32>, vector<16xi1>
      tpu.vector_store_idx %arg11[%add3A_557], %gather3A_175 masked %and3A_546 : memref<2560xf32, #tpu.memory_space<vmem>>[vector<16xi32>], vector<16xf32>, vector<16xi1>
      tpu.vector_store_idx %arg12[%add3A_557], %add3A_180 masked %and3A_546 : memref<2560xi32, #tpu.memory_space<vmem>>[vector<16xi32>], vector<16xi32>, vector<16xi1>
      %all_reduce_population_count3A_558 = tpu.all_reduce %and3A_546 {dim = 0 : i64, kind = #tpu.reduction_kind<sum>} : vector<16xi1> -> vector<16xi32>
      %add3A_559 = arith.addi %scan3A_161, %all_reduce_population_count3A_558 : vector<16xi32>
      %le3A_560 = arith.constant 14 : i32
      %le3A_561 = vector.broadcast %le3A_560 : i32 to vector<16xi32>
      %le3A_562 = arith.cmpi sle, %select_n3A_247, %le3A_561 : vector<16xi32>
      %ge3A_563 = arith.constant 14 : i32
      %ge3A_564 = vector.broadcast %ge3A_563 : i32 to vector<16xi32>
      %ge3A_565 = arith.cmpi sge, %select_n3A_281, %ge3A_564 : vector<16xi32>
      %and3A_566 = arith.andi %le3A_562, %ge3A_565 : vector<16xi1>
      %convert_element_type3A_567 = arith.extui %and3A_566 : vector<16xi1> to vector<16xi32>
      %broadcast_in_dim3A_568 = arith.constant true
      %broadcast_in_dim3A_569 = vector.broadcast %broadcast_in_dim3A_568 : i1 to vector<16xi1>
      %masked_cumsum3A_570 = tpu.scan <sum>, %convert_element_type3A_567 masked %broadcast_in_dim3A_569 : vector<16xi32>, vector<16xi1> -> vector<16xi32>
      %sub3A_571 = arith.constant 1 : i32
      %sub3A_572 = vector.broadcast %sub3A_571 : i32 to vector<16xi32>
      %sub3A_573 = arith.subi %masked_cumsum3A_570, %sub3A_572 : vector<16xi32>
      %add3A_574 = arith.addi %scan3A_162, %sub3A_573 : vector<16xi32>
      %add3A_575 = arith.constant 2240 : i32
      %add3A_576 = vector.broadcast %add3A_575 : i32 to vector<16xi32>
      %add3A_577 = arith.addi %add3A_574, %add3A_576 : vector<16xi32>
      tpu.vector_store_idx %arg9[%add3A_577], %gather3A masked %and3A_566 : memref<2560xf32, #tpu.memory_space<vmem>>[vector<16xi32>], vector<16xf32>, vector<16xi1>
      tpu.vector_store_idx %arg10[%add3A_577], %gather3A_171 masked %and3A_566 : memref<2560xf32, #tpu.memory_space<vmem>>[vector<16xi32>], vector<16xf32>, vector<16xi1>
      tpu.vector_store_idx %arg11[%add3A_577], %gather3A_175 masked %and3A_566 : memref<2560xf32, #tpu.memory_space<vmem>>[vector<16xi32>], vector<16xf32>, vector<16xi1>
      tpu.vector_store_idx %arg12[%add3A_577], %add3A_180 masked %and3A_566 : memref<2560xi32, #tpu.memory_space<vmem>>[vector<16xi32>], vector<16xi32>, vector<16xi1>
      %all_reduce_population_count3A_578 = tpu.all_reduce %and3A_566 {dim = 0 : i64, kind = #tpu.reduction_kind<sum>} : vector<16xi1> -> vector<16xi32>
      %add3A_579 = arith.addi %scan3A_162, %all_reduce_population_count3A_578 : vector<16xi32>
      %le3A_580 = arith.constant 15 : i32
      %le3A_581 = vector.broadcast %le3A_580 : i32 to vector<16xi32>
      %le3A_582 = arith.cmpi sle, %select_n3A_247, %le3A_581 : vector<16xi32>
      %ge3A_583 = arith.constant 15 : i32
      %ge3A_584 = vector.broadcast %ge3A_583 : i32 to vector<16xi32>
      %ge3A_585 = arith.cmpi sge, %select_n3A_281, %ge3A_584 : vector<16xi32>
      %and3A_586 = arith.andi %le3A_582, %ge3A_585 : vector<16xi1>
      %convert_element_type3A_587 = arith.extui %and3A_586 : vector<16xi1> to vector<16xi32>
      %broadcast_in_dim3A_588 = arith.constant true
      %broadcast_in_dim3A_589 = vector.broadcast %broadcast_in_dim3A_588 : i1 to vector<16xi1>
      %masked_cumsum3A_590 = tpu.scan <sum>, %convert_element_type3A_587 masked %broadcast_in_dim3A_589 : vector<16xi32>, vector<16xi1> -> vector<16xi32>
      %sub3A_591 = arith.constant 1 : i32
      %sub3A_592 = vector.broadcast %sub3A_591 : i32 to vector<16xi32>
      %sub3A_593 = arith.subi %masked_cumsum3A_590, %sub3A_592 : vector<16xi32>
      %add3A_594 = arith.addi %scan3A_163, %sub3A_593 : vector<16xi32>
      %add3A_595 = arith.constant 2400 : i32
      %add3A_596 = vector.broadcast %add3A_595 : i32 to vector<16xi32>
      %add3A_597 = arith.addi %add3A_594, %add3A_596 : vector<16xi32>
      tpu.vector_store_idx %arg9[%add3A_597], %gather3A masked %and3A_586 : memref<2560xf32, #tpu.memory_space<vmem>>[vector<16xi32>], vector<16xf32>, vector<16xi1>
      tpu.vector_store_idx %arg10[%add3A_597], %gather3A_171 masked %and3A_586 : memref<2560xf32, #tpu.memory_space<vmem>>[vector<16xi32>], vector<16xf32>, vector<16xi1>
      tpu.vector_store_idx %arg11[%add3A_597], %gather3A_175 masked %and3A_586 : memref<2560xf32, #tpu.memory_space<vmem>>[vector<16xi32>], vector<16xf32>, vector<16xi1>
      tpu.vector_store_idx %arg12[%add3A_597], %add3A_180 masked %and3A_586 : memref<2560xi32, #tpu.memory_space<vmem>>[vector<16xi32>], vector<16xi32>, vector<16xi1>
      %all_reduce_population_count3A_598 = tpu.all_reduce %and3A_586 {dim = 0 : i64, kind = #tpu.reduction_kind<sum>} : vector<16xi1> -> vector<16xi32>
      %add3A_599 = arith.addi %scan3A_163, %all_reduce_population_count3A_598 : vector<16xi32>
      scf.yield %add3A_299, %add3A_319, %add3A_339, %add3A_359, %add3A_379, %add3A_399, %add3A_419, %add3A_439, %add3A_459, %add3A_479, %add3A_499, %add3A_519, %add3A_539, %add3A_559, %add3A_579, %add3A_599 : vector<16xi32>, vector<16xi32>, vector<16xi32>, vector<16xi32>, vector<16xi32>, vector<16xi32>, vector<16xi32>, vector<16xi32>, vector<16xi32>, vector<16xi32>, vector<16xi32>, vector<16xi32>, vector<16xi32>, vector<16xi32>, vector<16xi32>, vector<16xi32>
    }
    %scan3A_13 = arith.constant 40 : i32
    %broadcast_in_dim3A_14 = arith.constant 3.000000e+00 : f32
    %broadcast_in_dim3A_15 = vector.broadcast %broadcast_in_dim3A_14 : f32 to vector<16xf32>
    %broadcast_in_dim3A_16 = arith.constant 0 : i32
    %broadcast_in_dim3A_17 = vector.broadcast %broadcast_in_dim3A_16 : i32 to vector<16xi32>
    %lt3A = arith.constant 15 : i32
    %lt3A_18 = vector.broadcast %lt3A : i32 to vector<16xi32>
    %lt3A_19 = arith.cmpi slt, %iota3A, %lt3A_18 : vector<16xi32>
    %add3A_20 = arith.addi %scan3A_12#0, %iota3A : vector<16xi32>
    %add3A_21 = arith.constant 0 : i32
    %add3A_22 = vector.broadcast %add3A_21 : i32 to vector<16xi32>
    %add3A_23 = arith.addi %add3A_20, %add3A_22 : vector<16xi32>
    tpu.vector_store_idx %arg9[%add3A_23], %broadcast_in_dim3A_15 masked %lt3A_19 : memref<2560xf32, #tpu.memory_space<vmem>>[vector<16xi32>], vector<16xf32>, vector<16xi1>
    tpu.vector_store_idx %arg10[%add3A_23], %broadcast_in_dim3A_15 masked %lt3A_19 : memref<2560xf32, #tpu.memory_space<vmem>>[vector<16xi32>], vector<16xf32>, vector<16xi1>
    tpu.vector_store_idx %arg11[%add3A_23], %broadcast_in_dim3A_15 masked %lt3A_19 : memref<2560xf32, #tpu.memory_space<vmem>>[vector<16xi32>], vector<16xf32>, vector<16xi1>
    tpu.vector_store_idx %arg12[%add3A_23], %broadcast_in_dim3A_17 masked %lt3A_19 : memref<2560xi32, #tpu.memory_space<vmem>>[vector<16xi32>], vector<16xi32>, vector<16xi1>
    %add3A_24 = arith.addi %scan3A_12#1, %iota3A : vector<16xi32>
    %add3A_25 = arith.constant 160 : i32
    %add3A_26 = vector.broadcast %add3A_25 : i32 to vector<16xi32>
    %add3A_27 = arith.addi %add3A_24, %add3A_26 : vector<16xi32>
    tpu.vector_store_idx %arg9[%add3A_27], %broadcast_in_dim3A_15 masked %lt3A_19 : memref<2560xf32, #tpu.memory_space<vmem>>[vector<16xi32>], vector<16xf32>, vector<16xi1>
    tpu.vector_store_idx %arg10[%add3A_27], %broadcast_in_dim3A_15 masked %lt3A_19 : memref<2560xf32, #tpu.memory_space<vmem>>[vector<16xi32>], vector<16xf32>, vector<16xi1>
    tpu.vector_store_idx %arg11[%add3A_27], %broadcast_in_dim3A_15 masked %lt3A_19 : memref<2560xf32, #tpu.memory_space<vmem>>[vector<16xi32>], vector<16xf32>, vector<16xi1>
    tpu.vector_store_idx %arg12[%add3A_27], %broadcast_in_dim3A_17 masked %lt3A_19 : memref<2560xi32, #tpu.memory_space<vmem>>[vector<16xi32>], vector<16xi32>, vector<16xi1>
    %add3A_28 = arith.addi %scan3A_12#2, %iota3A : vector<16xi32>
    %add3A_29 = arith.constant 320 : i32
    %add3A_30 = vector.broadcast %add3A_29 : i32 to vector<16xi32>
    %add3A_31 = arith.addi %add3A_28, %add3A_30 : vector<16xi32>
    tpu.vector_store_idx %arg9[%add3A_31], %broadcast_in_dim3A_15 masked %lt3A_19 : memref<2560xf32, #tpu.memory_space<vmem>>[vector<16xi32>], vector<16xf32>, vector<16xi1>
    tpu.vector_store_idx %arg10[%add3A_31], %broadcast_in_dim3A_15 masked %lt3A_19 : memref<2560xf32, #tpu.memory_space<vmem>>[vector<16xi32>], vector<16xf32>, vector<16xi1>
    tpu.vector_store_idx %arg11[%add3A_31], %broadcast_in_dim3A_15 masked %lt3A_19 : memref<2560xf32, #tpu.memory_space<vmem>>[vector<16xi32>], vector<16xf32>, vector<16xi1>
    tpu.vector_store_idx %arg12[%add3A_31], %broadcast_in_dim3A_17 masked %lt3A_19 : memref<2560xi32, #tpu.memory_space<vmem>>[vector<16xi32>], vector<16xi32>, vector<16xi1>
    %add3A_32 = arith.addi %scan3A_12#3, %iota3A : vector<16xi32>
    %add3A_33 = arith.constant 480 : i32
    %add3A_34 = vector.broadcast %add3A_33 : i32 to vector<16xi32>
    %add3A_35 = arith.addi %add3A_32, %add3A_34 : vector<16xi32>
    tpu.vector_store_idx %arg9[%add3A_35], %broadcast_in_dim3A_15 masked %lt3A_19 : memref<2560xf32, #tpu.memory_space<vmem>>[vector<16xi32>], vector<16xf32>, vector<16xi1>
    tpu.vector_store_idx %arg10[%add3A_35], %broadcast_in_dim3A_15 masked %lt3A_19 : memref<2560xf32, #tpu.memory_space<vmem>>[vector<16xi32>], vector<16xf32>, vector<16xi1>
    tpu.vector_store_idx %arg11[%add3A_35], %broadcast_in_dim3A_15 masked %lt3A_19 : memref<2560xf32, #tpu.memory_space<vmem>>[vector<16xi32>], vector<16xf32>, vector<16xi1>
    tpu.vector_store_idx %arg12[%add3A_35], %broadcast_in_dim3A_17 masked %lt3A_19 : memref<2560xi32, #tpu.memory_space<vmem>>[vector<16xi32>], vector<16xi32>, vector<16xi1>
    %add3A_36 = arith.addi %scan3A_12#4, %iota3A : vector<16xi32>
    %add3A_37 = arith.constant 640 : i32
    %add3A_38 = vector.broadcast %add3A_37 : i32 to vector<16xi32>
    %add3A_39 = arith.addi %add3A_36, %add3A_38 : vector<16xi32>
    tpu.vector_store_idx %arg9[%add3A_39], %broadcast_in_dim3A_15 masked %lt3A_19 : memref<2560xf32, #tpu.memory_space<vmem>>[vector<16xi32>], vector<16xf32>, vector<16xi1>
    tpu.vector_store_idx %arg10[%add3A_39], %broadcast_in_dim3A_15 masked %lt3A_19 : memref<2560xf32, #tpu.memory_space<vmem>>[vector<16xi32>], vector<16xf32>, vector<16xi1>
    tpu.vector_store_idx %arg11[%add3A_39], %broadcast_in_dim3A_15 masked %lt3A_19 : memref<2560xf32, #tpu.memory_space<vmem>>[vector<16xi32>], vector<16xf32>, vector<16xi1>
    tpu.vector_store_idx %arg12[%add3A_39], %broadcast_in_dim3A_17 masked %lt3A_19 : memref<2560xi32, #tpu.memory_space<vmem>>[vector<16xi32>], vector<16xi32>, vector<16xi1>
    %add3A_40 = arith.addi %scan3A_12#5, %iota3A : vector<16xi32>
    %add3A_41 = arith.constant 800 : i32
    %add3A_42 = vector.broadcast %add3A_41 : i32 to vector<16xi32>
    %add3A_43 = arith.addi %add3A_40, %add3A_42 : vector<16xi32>
    tpu.vector_store_idx %arg9[%add3A_43], %broadcast_in_dim3A_15 masked %lt3A_19 : memref<2560xf32, #tpu.memory_space<vmem>>[vector<16xi32>], vector<16xf32>, vector<16xi1>
    tpu.vector_store_idx %arg10[%add3A_43], %broadcast_in_dim3A_15 masked %lt3A_19 : memref<2560xf32, #tpu.memory_space<vmem>>[vector<16xi32>], vector<16xf32>, vector<16xi1>
    tpu.vector_store_idx %arg11[%add3A_43], %broadcast_in_dim3A_15 masked %lt3A_19 : memref<2560xf32, #tpu.memory_space<vmem>>[vector<16xi32>], vector<16xf32>, vector<16xi1>
    tpu.vector_store_idx %arg12[%add3A_43], %broadcast_in_dim3A_17 masked %lt3A_19 : memref<2560xi32, #tpu.memory_space<vmem>>[vector<16xi32>], vector<16xi32>, vector<16xi1>
    %add3A_44 = arith.addi %scan3A_12#6, %iota3A : vector<16xi32>
    %add3A_45 = arith.constant 960 : i32
    %add3A_46 = vector.broadcast %add3A_45 : i32 to vector<16xi32>
    %add3A_47 = arith.addi %add3A_44, %add3A_46 : vector<16xi32>
    tpu.vector_store_idx %arg9[%add3A_47], %broadcast_in_dim3A_15 masked %lt3A_19 : memref<2560xf32, #tpu.memory_space<vmem>>[vector<16xi32>], vector<16xf32>, vector<16xi1>
    tpu.vector_store_idx %arg10[%add3A_47], %broadcast_in_dim3A_15 masked %lt3A_19 : memref<2560xf32, #tpu.memory_space<vmem>>[vector<16xi32>], vector<16xf32>, vector<16xi1>
    tpu.vector_store_idx %arg11[%add3A_47], %broadcast_in_dim3A_15 masked %lt3A_19 : memref<2560xf32, #tpu.memory_space<vmem>>[vector<16xi32>], vector<16xf32>, vector<16xi1>
    tpu.vector_store_idx %arg12[%add3A_47], %broadcast_in_dim3A_17 masked %lt3A_19 : memref<2560xi32, #tpu.memory_space<vmem>>[vector<16xi32>], vector<16xi32>, vector<16xi1>
    %add3A_48 = arith.addi %scan3A_12#7, %iota3A : vector<16xi32>
    %add3A_49 = arith.constant 1120 : i32
    %add3A_50 = vector.broadcast %add3A_49 : i32 to vector<16xi32>
    %add3A_51 = arith.addi %add3A_48, %add3A_50 : vector<16xi32>
    tpu.vector_store_idx %arg9[%add3A_51], %broadcast_in_dim3A_15 masked %lt3A_19 : memref<2560xf32, #tpu.memory_space<vmem>>[vector<16xi32>], vector<16xf32>, vector<16xi1>
    tpu.vector_store_idx %arg10[%add3A_51], %broadcast_in_dim3A_15 masked %lt3A_19 : memref<2560xf32, #tpu.memory_space<vmem>>[vector<16xi32>], vector<16xf32>, vector<16xi1>
    tpu.vector_store_idx %arg11[%add3A_51], %broadcast_in_dim3A_15 masked %lt3A_19 : memref<2560xf32, #tpu.memory_space<vmem>>[vector<16xi32>], vector<16xf32>, vector<16xi1>
    tpu.vector_store_idx %arg12[%add3A_51], %broadcast_in_dim3A_17 masked %lt3A_19 : memref<2560xi32, #tpu.memory_space<vmem>>[vector<16xi32>], vector<16xi32>, vector<16xi1>
    %add3A_52 = arith.addi %scan3A_12#8, %iota3A : vector<16xi32>
    %add3A_53 = arith.constant 1280 : i32
    %add3A_54 = vector.broadcast %add3A_53 : i32 to vector<16xi32>
    %add3A_55 = arith.addi %add3A_52, %add3A_54 : vector<16xi32>
    tpu.vector_store_idx %arg9[%add3A_55], %broadcast_in_dim3A_15 masked %lt3A_19 : memref<2560xf32, #tpu.memory_space<vmem>>[vector<16xi32>], vector<16xf32>, vector<16xi1>
    tpu.vector_store_idx %arg10[%add3A_55], %broadcast_in_dim3A_15 masked %lt3A_19 : memref<2560xf32, #tpu.memory_space<vmem>>[vector<16xi32>], vector<16xf32>, vector<16xi1>
    tpu.vector_store_idx %arg11[%add3A_55], %broadcast_in_dim3A_15 masked %lt3A_19 : memref<2560xf32, #tpu.memory_space<vmem>>[vector<16xi32>], vector<16xf32>, vector<16xi1>
    tpu.vector_store_idx %arg12[%add3A_55], %broadcast_in_dim3A_17 masked %lt3A_19 : memref<2560xi32, #tpu.memory_space<vmem>>[vector<16xi32>], vector<16xi32>, vector<16xi1>
    %add3A_56 = arith.addi %scan3A_12#9, %iota3A : vector<16xi32>
    %add3A_57 = arith.constant 1440 : i32
    %add3A_58 = vector.broadcast %add3A_57 : i32 to vector<16xi32>
    %add3A_59 = arith.addi %add3A_56, %add3A_58 : vector<16xi32>
    tpu.vector_store_idx %arg9[%add3A_59], %broadcast_in_dim3A_15 masked %lt3A_19 : memref<2560xf32, #tpu.memory_space<vmem>>[vector<16xi32>], vector<16xf32>, vector<16xi1>
    tpu.vector_store_idx %arg10[%add3A_59], %broadcast_in_dim3A_15 masked %lt3A_19 : memref<2560xf32, #tpu.memory_space<vmem>>[vector<16xi32>], vector<16xf32>, vector<16xi1>
    tpu.vector_store_idx %arg11[%add3A_59], %broadcast_in_dim3A_15 masked %lt3A_19 : memref<2560xf32, #tpu.memory_space<vmem>>[vector<16xi32>], vector<16xf32>, vector<16xi1>
    tpu.vector_store_idx %arg12[%add3A_59], %broadcast_in_dim3A_17 masked %lt3A_19 : memref<2560xi32, #tpu.memory_space<vmem>>[vector<16xi32>], vector<16xi32>, vector<16xi1>
    %add3A_60 = arith.addi %scan3A_12#10, %iota3A : vector<16xi32>
    %add3A_61 = arith.constant 1600 : i32
    %add3A_62 = vector.broadcast %add3A_61 : i32 to vector<16xi32>
    %add3A_63 = arith.addi %add3A_60, %add3A_62 : vector<16xi32>
    tpu.vector_store_idx %arg9[%add3A_63], %broadcast_in_dim3A_15 masked %lt3A_19 : memref<2560xf32, #tpu.memory_space<vmem>>[vector<16xi32>], vector<16xf32>, vector<16xi1>
    tpu.vector_store_idx %arg10[%add3A_63], %broadcast_in_dim3A_15 masked %lt3A_19 : memref<2560xf32, #tpu.memory_space<vmem>>[vector<16xi32>], vector<16xf32>, vector<16xi1>
    tpu.vector_store_idx %arg11[%add3A_63], %broadcast_in_dim3A_15 masked %lt3A_19 : memref<2560xf32, #tpu.memory_space<vmem>>[vector<16xi32>], vector<16xf32>, vector<16xi1>
    tpu.vector_store_idx %arg12[%add3A_63], %broadcast_in_dim3A_17 masked %lt3A_19 : memref<2560xi32, #tpu.memory_space<vmem>>[vector<16xi32>], vector<16xi32>, vector<16xi1>
    %add3A_64 = arith.addi %scan3A_12#11, %iota3A : vector<16xi32>
    %add3A_65 = arith.constant 1760 : i32
    %add3A_66 = vector.broadcast %add3A_65 : i32 to vector<16xi32>
    %add3A_67 = arith.addi %add3A_64, %add3A_66 : vector<16xi32>
    tpu.vector_store_idx %arg9[%add3A_67], %broadcast_in_dim3A_15 masked %lt3A_19 : memref<2560xf32, #tpu.memory_space<vmem>>[vector<16xi32>], vector<16xf32>, vector<16xi1>
    tpu.vector_store_idx %arg10[%add3A_67], %broadcast_in_dim3A_15 masked %lt3A_19 : memref<2560xf32, #tpu.memory_space<vmem>>[vector<16xi32>], vector<16xf32>, vector<16xi1>
    tpu.vector_store_idx %arg11[%add3A_67], %broadcast_in_dim3A_15 masked %lt3A_19 : memref<2560xf32, #tpu.memory_space<vmem>>[vector<16xi32>], vector<16xf32>, vector<16xi1>
    tpu.vector_store_idx %arg12[%add3A_67], %broadcast_in_dim3A_17 masked %lt3A_19 : memref<2560xi32, #tpu.memory_space<vmem>>[vector<16xi32>], vector<16xi32>, vector<16xi1>
    %add3A_68 = arith.addi %scan3A_12#12, %iota3A : vector<16xi32>
    %add3A_69 = arith.constant 1920 : i32
    %add3A_70 = vector.broadcast %add3A_69 : i32 to vector<16xi32>
    %add3A_71 = arith.addi %add3A_68, %add3A_70 : vector<16xi32>
    tpu.vector_store_idx %arg9[%add3A_71], %broadcast_in_dim3A_15 masked %lt3A_19 : memref<2560xf32, #tpu.memory_space<vmem>>[vector<16xi32>], vector<16xf32>, vector<16xi1>
    tpu.vector_store_idx %arg10[%add3A_71], %broadcast_in_dim3A_15 masked %lt3A_19 : memref<2560xf32, #tpu.memory_space<vmem>>[vector<16xi32>], vector<16xf32>, vector<16xi1>
    tpu.vector_store_idx %arg11[%add3A_71], %broadcast_in_dim3A_15 masked %lt3A_19 : memref<2560xf32, #tpu.memory_space<vmem>>[vector<16xi32>], vector<16xf32>, vector<16xi1>
    tpu.vector_store_idx %arg12[%add3A_71], %broadcast_in_dim3A_17 masked %lt3A_19 : memref<2560xi32, #tpu.memory_space<vmem>>[vector<16xi32>], vector<16xi32>, vector<16xi1>
    %add3A_72 = arith.addi %scan3A_12#13, %iota3A : vector<16xi32>
    %add3A_73 = arith.constant 2080 : i32
    %add3A_74 = vector.broadcast %add3A_73 : i32 to vector<16xi32>
    %add3A_75 = arith.addi %add3A_72, %add3A_74 : vector<16xi32>
    tpu.vector_store_idx %arg9[%add3A_75], %broadcast_in_dim3A_15 masked %lt3A_19 : memref<2560xf32, #tpu.memory_space<vmem>>[vector<16xi32>], vector<16xf32>, vector<16xi1>
    tpu.vector_store_idx %arg10[%add3A_75], %broadcast_in_dim3A_15 masked %lt3A_19 : memref<2560xf32, #tpu.memory_space<vmem>>[vector<16xi32>], vector<16xf32>, vector<16xi1>
    tpu.vector_store_idx %arg11[%add3A_75], %broadcast_in_dim3A_15 masked %lt3A_19 : memref<2560xf32, #tpu.memory_space<vmem>>[vector<16xi32>], vector<16xf32>, vector<16xi1>
    tpu.vector_store_idx %arg12[%add3A_75], %broadcast_in_dim3A_17 masked %lt3A_19 : memref<2560xi32, #tpu.memory_space<vmem>>[vector<16xi32>], vector<16xi32>, vector<16xi1>
    %add3A_76 = arith.addi %scan3A_12#14, %iota3A : vector<16xi32>
    %add3A_77 = arith.constant 2240 : i32
    %add3A_78 = vector.broadcast %add3A_77 : i32 to vector<16xi32>
    %add3A_79 = arith.addi %add3A_76, %add3A_78 : vector<16xi32>
    tpu.vector_store_idx %arg9[%add3A_79], %broadcast_in_dim3A_15 masked %lt3A_19 : memref<2560xf32, #tpu.memory_space<vmem>>[vector<16xi32>], vector<16xf32>, vector<16xi1>
    tpu.vector_store_idx %arg10[%add3A_79], %broadcast_in_dim3A_15 masked %lt3A_19 : memref<2560xf32, #tpu.memory_space<vmem>>[vector<16xi32>], vector<16xf32>, vector<16xi1>
    tpu.vector_store_idx %arg11[%add3A_79], %broadcast_in_dim3A_15 masked %lt3A_19 : memref<2560xf32, #tpu.memory_space<vmem>>[vector<16xi32>], vector<16xf32>, vector<16xi1>
    tpu.vector_store_idx %arg12[%add3A_79], %broadcast_in_dim3A_17 masked %lt3A_19 : memref<2560xi32, #tpu.memory_space<vmem>>[vector<16xi32>], vector<16xi32>, vector<16xi1>
    %add3A_80 = arith.addi %scan3A_12#15, %iota3A : vector<16xi32>
    %add3A_81 = arith.constant 2400 : i32
    %add3A_82 = vector.broadcast %add3A_81 : i32 to vector<16xi32>
    %add3A_83 = arith.addi %add3A_80, %add3A_82 : vector<16xi32>
    tpu.vector_store_idx %arg9[%add3A_83], %broadcast_in_dim3A_15 masked %lt3A_19 : memref<2560xf32, #tpu.memory_space<vmem>>[vector<16xi32>], vector<16xf32>, vector<16xi1>
    tpu.vector_store_idx %arg10[%add3A_83], %broadcast_in_dim3A_15 masked %lt3A_19 : memref<2560xf32, #tpu.memory_space<vmem>>[vector<16xi32>], vector<16xf32>, vector<16xi1>
    tpu.vector_store_idx %arg11[%add3A_83], %broadcast_in_dim3A_15 masked %lt3A_19 : memref<2560xf32, #tpu.memory_space<vmem>>[vector<16xi32>], vector<16xf32>, vector<16xi1>
    tpu.vector_store_idx %arg12[%add3A_83], %broadcast_in_dim3A_17 masked %lt3A_19 : memref<2560xi32, #tpu.memory_space<vmem>>[vector<16xi32>], vector<16xi32>, vector<16xi1>
    %eq3A = arith.constant 0 : i32
    %eq3A_84 = vector.broadcast %eq3A : i32 to vector<16xi32>
    %eq3A_85 = arith.cmpi eq, %iota3A, %eq3A_84 : vector<16xi32>
    %select_n3A = arith.select %eq3A_85, %scan3A_12#0, %broadcast_in_dim3A_8 : vector<16xi1>, vector<16xi32>
    %eq3A_86 = arith.constant 1 : i32
    %eq3A_87 = vector.broadcast %eq3A_86 : i32 to vector<16xi32>
    %eq3A_88 = arith.cmpi eq, %iota3A, %eq3A_87 : vector<16xi32>
    %select_n3A_89 = arith.select %eq3A_88, %scan3A_12#1, %select_n3A : vector<16xi1>, vector<16xi32>
    %eq3A_90 = arith.constant 2 : i32
    %eq3A_91 = vector.broadcast %eq3A_90 : i32 to vector<16xi32>
    %eq3A_92 = arith.cmpi eq, %iota3A, %eq3A_91 : vector<16xi32>
    %select_n3A_93 = arith.select %eq3A_92, %scan3A_12#2, %select_n3A_89 : vector<16xi1>, vector<16xi32>
    %eq3A_94 = arith.constant 3 : i32
    %eq3A_95 = vector.broadcast %eq3A_94 : i32 to vector<16xi32>
    %eq3A_96 = arith.cmpi eq, %iota3A, %eq3A_95 : vector<16xi32>
    %select_n3A_97 = arith.select %eq3A_96, %scan3A_12#3, %select_n3A_93 : vector<16xi1>, vector<16xi32>
    %eq3A_98 = arith.constant 4 : i32
    %eq3A_99 = vector.broadcast %eq3A_98 : i32 to vector<16xi32>
    %eq3A_100 = arith.cmpi eq, %iota3A, %eq3A_99 : vector<16xi32>
    %select_n3A_101 = arith.select %eq3A_100, %scan3A_12#4, %select_n3A_97 : vector<16xi1>, vector<16xi32>
    %eq3A_102 = arith.constant 5 : i32
    %eq3A_103 = vector.broadcast %eq3A_102 : i32 to vector<16xi32>
    %eq3A_104 = arith.cmpi eq, %iota3A, %eq3A_103 : vector<16xi32>
    %select_n3A_105 = arith.select %eq3A_104, %scan3A_12#5, %select_n3A_101 : vector<16xi1>, vector<16xi32>
    %eq3A_106 = arith.constant 6 : i32
    %eq3A_107 = vector.broadcast %eq3A_106 : i32 to vector<16xi32>
    %eq3A_108 = arith.cmpi eq, %iota3A, %eq3A_107 : vector<16xi32>
    %select_n3A_109 = arith.select %eq3A_108, %scan3A_12#6, %select_n3A_105 : vector<16xi1>, vector<16xi32>
    %eq3A_110 = arith.constant 7 : i32
    %eq3A_111 = vector.broadcast %eq3A_110 : i32 to vector<16xi32>
    %eq3A_112 = arith.cmpi eq, %iota3A, %eq3A_111 : vector<16xi32>
    %select_n3A_113 = arith.select %eq3A_112, %scan3A_12#7, %select_n3A_109 : vector<16xi1>, vector<16xi32>
    %eq3A_114 = arith.constant 8 : i32
    %eq3A_115 = vector.broadcast %eq3A_114 : i32 to vector<16xi32>
    %eq3A_116 = arith.cmpi eq, %iota3A, %eq3A_115 : vector<16xi32>
    %select_n3A_117 = arith.select %eq3A_116, %scan3A_12#8, %select_n3A_113 : vector<16xi1>, vector<16xi32>
    %eq3A_118 = arith.constant 9 : i32
    %eq3A_119 = vector.broadcast %eq3A_118 : i32 to vector<16xi32>
    %eq3A_120 = arith.cmpi eq, %iota3A, %eq3A_119 : vector<16xi32>
    %select_n3A_121 = arith.select %eq3A_120, %scan3A_12#9, %select_n3A_117 : vector<16xi1>, vector<16xi32>
    %eq3A_122 = arith.constant 10 : i32
    %eq3A_123 = vector.broadcast %eq3A_122 : i32 to vector<16xi32>
    %eq3A_124 = arith.cmpi eq, %iota3A, %eq3A_123 : vector<16xi32>
    %select_n3A_125 = arith.select %eq3A_124, %scan3A_12#10, %select_n3A_121 : vector<16xi1>, vector<16xi32>
    %eq3A_126 = arith.constant 11 : i32
    %eq3A_127 = vector.broadcast %eq3A_126 : i32 to vector<16xi32>
    %eq3A_128 = arith.cmpi eq, %iota3A, %eq3A_127 : vector<16xi32>
    %select_n3A_129 = arith.select %eq3A_128, %scan3A_12#11, %select_n3A_125 : vector<16xi1>, vector<16xi32>
    %eq3A_130 = arith.constant 12 : i32
    %eq3A_131 = vector.broadcast %eq3A_130 : i32 to vector<16xi32>
    %eq3A_132 = arith.cmpi eq, %iota3A, %eq3A_131 : vector<16xi32>
    %select_n3A_133 = arith.select %eq3A_132, %scan3A_12#12, %select_n3A_129 : vector<16xi1>, vector<16xi32>
    %eq3A_134 = arith.constant 13 : i32
    %eq3A_135 = vector.broadcast %eq3A_134 : i32 to vector<16xi32>
    %eq3A_136 = arith.cmpi eq, %iota3A, %eq3A_135 : vector<16xi32>
    %select_n3A_137 = arith.select %eq3A_136, %scan3A_12#13, %select_n3A_133 : vector<16xi1>, vector<16xi32>
    %eq3A_138 = arith.constant 14 : i32
    %eq3A_139 = vector.broadcast %eq3A_138 : i32 to vector<16xi32>
    %eq3A_140 = arith.cmpi eq, %iota3A, %eq3A_139 : vector<16xi32>
    %select_n3A_141 = arith.select %eq3A_140, %scan3A_12#14, %select_n3A_137 : vector<16xi1>, vector<16xi32>
    %eq3A_142 = arith.constant 15 : i32
    %eq3A_143 = vector.broadcast %eq3A_142 : i32 to vector<16xi32>
    %eq3A_144 = arith.cmpi eq, %iota3A, %eq3A_143 : vector<16xi32>
    %select_n3A_145 = arith.select %eq3A_144, %scan3A_12#15, %select_n3A_141 : vector<16xi1>, vector<16xi32>
    %swap3A = arith.constant 0 : index
    %swap3A_146 = tpu.vector_load %arg13[%swap3A] {strides = array<i32>} : memref<16xi32, #tpu.memory_space<vmem>>, vector<16xi32>,
    tpu.vector_store %arg13[%swap3A], %select_n3A_145 {strides = array<i32>} : memref<16xi32, #tpu.memory_space<vmem>>, vector<16xi32>,
    "tpu.region"() ({
      %run_scoped3A = tpu.sem_alloc : memref<!tpu.dma_semaphore, #tpu.memory_space<semaphore_mem>>
      %dma_start3A = arith.constant 0 : i32
      %dma_start3A_147 = tpu.memref_slice %arg3[%add3A, %dma_start3A] : memref<32x2560xf32, #tpu.memory_space<hbm>> -> memref<1x2560xf32, #tpu.memory_space<hbm>>
      %dma_start3A_148 = tpu.memref_squeeze %dma_start3A_147 : memref<1x2560xf32, #tpu.memory_space<hbm>> -> memref<2560xf32, #tpu.memory_space<hbm>>
      %dma_start3A_149 = arith.constant 0 : i32
      %dma_start3A_150 = tpu.memref_slice %arg3[%add3A, %dma_start3A_149] : memref<32x2560xf32, #tpu.memory_space<hbm>> -> memref<1x2560xf32, #tpu.memory_space<hbm>>
      %dma_start3A_151 = tpu.memref_squeeze %dma_start3A_150 : memref<1x2560xf32, #tpu.memory_space<hbm>> -> memref<2560xf32, #tpu.memory_space<hbm>>
      tpu.enqueue_dma source(%arg9 : memref<2560xf32, #tpu.memory_space<vmem>>) target(%dma_start3A_151 : memref<2560xf32, #tpu.memory_space<hbm>>) target_semaphore(%run_scoped3A : memref<!tpu.dma_semaphore, #tpu.memory_space<semaphore_mem>>)
      %dma_wait3A = arith.constant 0 : i32
      %dma_wait3A_152 = tpu.memref_slice %arg3[%add3A, %dma_wait3A] : memref<32x2560xf32, #tpu.memory_space<hbm>> -> memref<1x2560xf32, #tpu.memory_space<hbm>>
      %dma_wait3A_153 = tpu.memref_squeeze %dma_wait3A_152 : memref<1x2560xf32, #tpu.memory_space<hbm>> -> memref<2560xf32, #tpu.memory_space<hbm>>
      %dma_wait3A_154 = arith.constant 0 : i32
      %dma_wait3A_155 = tpu.memref_slice %arg3[%add3A, %dma_wait3A_154] : memref<32x2560xf32, #tpu.memory_space<hbm>> -> memref<1x2560xf32, #tpu.memory_space<hbm>>
      %dma_wait3A_156 = tpu.memref_squeeze %dma_wait3A_155 : memref<1x2560xf32, #tpu.memory_space<hbm>> -> memref<2560xf32, #tpu.memory_space<hbm>>
      tpu.wait_dma2 semaphore(%run_scoped3A : memref<!tpu.dma_semaphore, #tpu.memory_space<semaphore_mem>>) src(%arg9 : memref<2560xf32, #tpu.memory_space<vmem>>) dst(%dma_wait3A_156 : memref<2560xf32, #tpu.memory_space<hbm>>)
      tpu.yield
    }) : () -> ()
    "tpu.region"() ({
      %run_scoped3A = tpu.sem_alloc : memref<!tpu.dma_semaphore, #tpu.memory_space<semaphore_mem>>
      %dma_start3A = arith.constant 0 : i32
      %dma_start3A_147 = tpu.memref_slice %arg4[%add3A, %dma_start3A] : memref<32x2560xf32, #tpu.memory_space<hbm>> -> memref<1x2560xf32, #tpu.memory_space<hbm>>
      %dma_start3A_148 = tpu.memref_squeeze %dma_start3A_147 : memref<1x2560xf32, #tpu.memory_space<hbm>> -> memref<2560xf32, #tpu.memory_space<hbm>>
      %dma_start3A_149 = arith.constant 0 : i32
      %dma_start3A_150 = tpu.memref_slice %arg4[%add3A, %dma_start3A_149] : memref<32x2560xf32, #tpu.memory_space<hbm>> -> memref<1x2560xf32, #tpu.memory_space<hbm>>
      %dma_start3A_151 = tpu.memref_squeeze %dma_start3A_150 : memref<1x2560xf32, #tpu.memory_space<hbm>> -> memref<2560xf32, #tpu.memory_space<hbm>>
      tpu.enqueue_dma source(%arg10 : memref<2560xf32, #tpu.memory_space<vmem>>) target(%dma_start3A_151 : memref<2560xf32, #tpu.memory_space<hbm>>) target_semaphore(%run_scoped3A : memref<!tpu.dma_semaphore, #tpu.memory_space<semaphore_mem>>)
      %dma_wait3A = arith.constant 0 : i32
      %dma_wait3A_152 = tpu.memref_slice %arg4[%add3A, %dma_wait3A] : memref<32x2560xf32, #tpu.memory_space<hbm>> -> memref<1x2560xf32, #tpu.memory_space<hbm>>
      %dma_wait3A_153 = tpu.memref_squeeze %dma_wait3A_152 : memref<1x2560xf32, #tpu.memory_space<hbm>> -> memref<2560xf32, #tpu.memory_space<hbm>>
      %dma_wait3A_154 = arith.constant 0 : i32
      %dma_wait3A_155 = tpu.memref_slice %arg4[%add3A, %dma_wait3A_154] : memref<32x2560xf32, #tpu.memory_space<hbm>> -> memref<1x2560xf32, #tpu.memory_space<hbm>>
      %dma_wait3A_156 = tpu.memref_squeeze %dma_wait3A_155 : memref<1x2560xf32, #tpu.memory_space<hbm>> -> memref<2560xf32, #tpu.memory_space<hbm>>
      tpu.wait_dma2 semaphore(%run_scoped3A : memref<!tpu.dma_semaphore, #tpu.memory_space<semaphore_mem>>) src(%arg10 : memref<2560xf32, #tpu.memory_space<vmem>>) dst(%dma_wait3A_156 : memref<2560xf32, #tpu.memory_space<hbm>>)
      tpu.yield
    }) : () -> ()
    "tpu.region"() ({
      %run_scoped3A = tpu.sem_alloc : memref<!tpu.dma_semaphore, #tpu.memory_space<semaphore_mem>>
      %dma_start3A = arith.constant 0 : i32
      %dma_start3A_147 = tpu.memref_slice %arg5[%add3A, %dma_start3A] : memref<32x2560xf32, #tpu.memory_space<hbm>> -> memref<1x2560xf32, #tpu.memory_space<hbm>>
      %dma_start3A_148 = tpu.memref_squeeze %dma_start3A_147 : memref<1x2560xf32, #tpu.memory_space<hbm>> -> memref<2560xf32, #tpu.memory_space<hbm>>
      %dma_start3A_149 = arith.constant 0 : i32
      %dma_start3A_150 = tpu.memref_slice %arg5[%add3A, %dma_start3A_149] : memref<32x2560xf32, #tpu.memory_space<hbm>> -> memref<1x2560xf32, #tpu.memory_space<hbm>>
      %dma_start3A_151 = tpu.memref_squeeze %dma_start3A_150 : memref<1x2560xf32, #tpu.memory_space<hbm>> -> memref<2560xf32, #tpu.memory_space<hbm>>
      tpu.enqueue_dma source(%arg11 : memref<2560xf32, #tpu.memory_space<vmem>>) target(%dma_start3A_151 : memref<2560xf32, #tpu.memory_space<hbm>>) target_semaphore(%run_scoped3A : memref<!tpu.dma_semaphore, #tpu.memory_space<semaphore_mem>>)
      %dma_wait3A = arith.constant 0 : i32
      %dma_wait3A_152 = tpu.memref_slice %arg5[%add3A, %dma_wait3A] : memref<32x2560xf32, #tpu.memory_space<hbm>> -> memref<1x2560xf32, #tpu.memory_space<hbm>>
      %dma_wait3A_153 = tpu.memref_squeeze %dma_wait3A_152 : memref<1x2560xf32, #tpu.memory_space<hbm>> -> memref<2560xf32, #tpu.memory_space<hbm>>
      %dma_wait3A_154 = arith.constant 0 : i32
      %dma_wait3A_155 = tpu.memref_slice %arg5[%add3A, %dma_wait3A_154] : memref<32x2560xf32, #tpu.memory_space<hbm>> -> memref<1x2560xf32, #tpu.memory_space<hbm>>
      %dma_wait3A_156 = tpu.memref_squeeze %dma_wait3A_155 : memref<1x2560xf32, #tpu.memory_space<hbm>> -> memref<2560xf32, #tpu.memory_space<hbm>>
      tpu.wait_dma2 semaphore(%run_scoped3A : memref<!tpu.dma_semaphore, #tpu.memory_space<semaphore_mem>>) src(%arg11 : memref<2560xf32, #tpu.memory_space<vmem>>) dst(%dma_wait3A_156 : memref<2560xf32, #tpu.memory_space<hbm>>)
      tpu.yield
    }) : () -> ()
    "tpu.region"() ({
      %run_scoped3A = tpu.sem_alloc : memref<!tpu.dma_semaphore, #tpu.memory_space<semaphore_mem>>
      %dma_start3A = arith.constant 0 : i32
      %dma_start3A_147 = tpu.memref_slice %arg6[%add3A, %dma_start3A] : memref<32x2560xi32, #tpu.memory_space<hbm>> -> memref<1x2560xi32, #tpu.memory_space<hbm>>
      %dma_start3A_148 = tpu.memref_squeeze %dma_start3A_147 : memref<1x2560xi32, #tpu.memory_space<hbm>> -> memref<2560xi32, #tpu.memory_space<hbm>>
      %dma_start3A_149 = arith.constant 0 : i32
      %dma_start3A_150 = tpu.memref_slice %arg6[%add3A, %dma_start3A_149] : memref<32x2560xi32, #tpu.memory_space<hbm>> -> memref<1x2560xi32, #tpu.memory_space<hbm>>
      %dma_start3A_151 = tpu.memref_squeeze %dma_start3A_150 : memref<1x2560xi32, #tpu.memory_space<hbm>> -> memref<2560xi32, #tpu.memory_space<hbm>>
      tpu.enqueue_dma source(%arg12 : memref<2560xi32, #tpu.memory_space<vmem>>) target(%dma_start3A_151 : memref<2560xi32, #tpu.memory_space<hbm>>) target_semaphore(%run_scoped3A : memref<!tpu.dma_semaphore, #tpu.memory_space<semaphore_mem>>)
      %dma_wait3A = arith.constant 0 : i32
      %dma_wait3A_152 = tpu.memref_slice %arg6[%add3A, %dma_wait3A] : memref<32x2560xi32, #tpu.memory_space<hbm>> -> memref<1x2560xi32, #tpu.memory_space<hbm>>
      %dma_wait3A_153 = tpu.memref_squeeze %dma_wait3A_152 : memref<1x2560xi32, #tpu.memory_space<hbm>> -> memref<2560xi32, #tpu.memory_space<hbm>>
      %dma_wait3A_154 = arith.constant 0 : i32
      %dma_wait3A_155 = tpu.memref_slice %arg6[%add3A, %dma_wait3A_154] : memref<32x2560xi32, #tpu.memory_space<hbm>> -> memref<1x2560xi32, #tpu.memory_space<hbm>>
      %dma_wait3A_156 = tpu.memref_squeeze %dma_wait3A_155 : memref<1x2560xi32, #tpu.memory_space<hbm>> -> memref<2560xi32, #tpu.memory_space<hbm>>
      tpu.wait_dma2 semaphore(%run_scoped3A : memref<!tpu.dma_semaphore, #tpu.memory_space<semaphore_mem>>) src(%arg12 : memref<2560xi32, #tpu.memory_space<vmem>>) dst(%dma_wait3A_156 : memref<2560xi32, #tpu.memory_space<hbm>>)
      tpu.yield
    }) : () -> ()
    "tpu.region"() ({
      %run_scoped3A = tpu.sem_alloc : memref<!tpu.dma_semaphore, #tpu.memory_space<semaphore_mem>>
      %dma_start3A = arith.constant 0 : i32
      %dma_start3A_147 = tpu.memref_slice %arg7[%add3A, %dma_start3A] : memref<32x16xi32, #tpu.memory_space<hbm>> -> memref<1x16xi32, #tpu.memory_space<hbm>>
      %dma_start3A_148 = tpu.memref_squeeze %dma_start3A_147 : memref<1x16xi32, #tpu.memory_space<hbm>> -> memref<16xi32, #tpu.memory_space<hbm>>
      %dma_start3A_149 = arith.constant 0 : i32
      %dma_start3A_150 = tpu.memref_slice %arg7[%add3A, %dma_start3A_149] : memref<32x16xi32, #tpu.memory_space<hbm>> -> memref<1x16xi32, #tpu.memory_space<hbm>>
      %dma_start3A_151 = tpu.memref_squeeze %dma_start3A_150 : memref<1x16xi32, #tpu.memory_space<hbm>> -> memref<16xi32, #tpu.memory_space<hbm>>
      tpu.enqueue_dma source(%arg13 : memref<16xi32, #tpu.memory_space<vmem>>) target(%dma_start3A_151 : memref<16xi32, #tpu.memory_space<hbm>>) target_semaphore(%run_scoped3A : memref<!tpu.dma_semaphore, #tpu.memory_space<semaphore_mem>>)
      %dma_wait3A = arith.constant 0 : i32
      %dma_wait3A_152 = tpu.memref_slice %arg7[%add3A, %dma_wait3A] : memref<32x16xi32, #tpu.memory_space<hbm>> -> memref<1x16xi32, #tpu.memory_space<hbm>>
      %dma_wait3A_153 = tpu.memref_squeeze %dma_wait3A_152 : memref<1x16xi32, #tpu.memory_space<hbm>> -> memref<16xi32, #tpu.memory_space<hbm>>
      %dma_wait3A_154 = arith.constant 0 : i32
      %dma_wait3A_155 = tpu.memref_slice %arg7[%add3A, %dma_wait3A_154] : memref<32x16xi32, #tpu.memory_space<hbm>> -> memref<1x16xi32, #tpu.memory_space<hbm>>
      %dma_wait3A_156 = tpu.memref_squeeze %dma_wait3A_155 : memref<1x16xi32, #tpu.memory_space<hbm>> -> memref<16xi32, #tpu.memory_space<hbm>>
      tpu.wait_dma2 semaphore(%run_scoped3A : memref<!tpu.dma_semaphore, #tpu.memory_space<semaphore_mem>>) src(%arg13 : memref<16xi32, #tpu.memory_space<vmem>>) dst(%dma_wait3A_156 : memref<16xi32, #tpu.memory_space<hbm>>)
      tpu.yield
    }) : () -> ()
    return
  }
}

module attributes {stable_mosaic.version = 14 : i64} {
  func.func @_raster_tc_kernel(%arg0: i32, %arg1: memref<32x1x1x160xf32, #tpu.memory_space<smem>>, %arg2: memref<1x1x1x160xf32, #tpu.memory_space<smem>>, %arg3: memref<1x1x1x160xf32, #tpu.memory_space<smem>>, %arg4: memref<1x1x1x160xi32, #tpu.memory_space<smem>>, %arg5: memref<32x16xi32, #tpu.memory_space<smem>>, %arg6: memref<8x8x128xi32, #tpu.memory_space<vmem>>, %arg7: memref<8x8x128xf32, #tpu.memory_space<vmem>>, %arg8: memref<8x8x128xf32, #tpu.memory_space<vmem>>) attributes {dimension_semantics = [#tpu.dimension_semantics<arbitrary>], iteration_bounds = array<i64: 16>, scalar_prefetch = 0 : i64, scratch_operands = 0 : i64, tpu.core_type = #tpu.core_type<tc>, window_params = [{transform_indices = @transform_0, window_bounds = array<i64: 32, 1, 1, 160>}, {transform_indices = @transform_1, window_bounds = array<i64: 1, 1, 1, 160>}, {transform_indices = @transform_2, window_bounds = array<i64: 1, 1, 1, 160>}, {transform_indices = @transform_3, window_bounds = array<i64: 1, 1, 1, 160>}, {transform_indices = @transform_4, window_bounds = array<i64: 32, 16>}, {transform_indices = @transform_5, window_bounds = array<i64: 8, 8, 128>}, {transform_indices = @transform_6, window_bounds = array<i64: 8, 8, 128>}, {transform_indices = @transform_7, window_bounds = array<i64: 8, 8, 128>}]} {
    %convert_element_type3A = arith.sitofp %arg0 : i32 to f32
    %mul3A = arith.constant 8.000000e+00 : f32
    %mul3A_0 = arith.mulf %mul3A, %convert_element_type3A : f32
    %iota3A = tpu.iota {dimensions = array<i32: 0>} : vector<8x128xi32>
    %convert_element_type3A_1 = arith.sitofp %iota3A : vector<8x128xi32> to vector<8x128xf32>
    %add3A = vector.broadcast %mul3A_0 : f32 to vector<8x128xf32>
    %add3A_2 = arith.addf %add3A, %convert_element_type3A_1 : vector<8x128xf32>
    %iota3A_3 = tpu.iota {dimensions = array<i32: 1>} : vector<8x128xi32>
    %convert_element_type3A_4 = arith.sitofp %iota3A_3 : vector<8x128xi32> to vector<8x128xf32>
    %add3A_5 = arith.constant 5.000000e-01 : f32
    %add3A_6 = vector.broadcast %add3A_5 : f32 to vector<8x128xf32>
    %add3A_7 = arith.addf %add3A_2, %add3A_6 : vector<8x128xf32>
    %mul3A_8 = arith.constant 2.000000e+00 : f32
    %mul3A_9 = vector.broadcast %mul3A_8 : f32 to vector<8x128xf32>
    %mul3A_10 = arith.mulf %mul3A_9, %add3A_7 : vector<8x128xf32>
    %div3A = arith.constant 1.280000e+02 : f32
    %div3A_11 = vector.broadcast %div3A : f32 to vector<8x128xf32>
    %div3A_12 = arith.divf %mul3A_10, %div3A_11 : vector<8x128xf32>
    %sub3A = arith.constant 1.000000e+00 : f32
    %sub3A_13 = vector.broadcast %sub3A : f32 to vector<8x128xf32>
    %sub3A_14 = arith.subf %sub3A_13, %div3A_12 : vector<8x128xf32>
    %add3A_15 = arith.constant 5.000000e-01 : f32
    %add3A_16 = vector.broadcast %add3A_15 : f32 to vector<8x128xf32>
    %add3A_17 = arith.addf %convert_element_type3A_4, %add3A_16 : vector<8x128xf32>
    %mul3A_18 = arith.constant 2.000000e+00 : f32
    %mul3A_19 = vector.broadcast %mul3A_18 : f32 to vector<8x128xf32>
    %mul3A_20 = arith.mulf %mul3A_19, %add3A_17 : vector<8x128xf32>
    %div3A_21 = arith.constant 1.280000e+02 : f32
    %div3A_22 = vector.broadcast %div3A_21 : f32 to vector<8x128xf32>
    %div3A_23 = arith.divf %mul3A_20, %div3A_22 : vector<8x128xf32>
    %sub3A_24 = arith.constant 1.000000e+00 : f32
    %sub3A_25 = vector.broadcast %sub3A_24 : f32 to vector<8x128xf32>
    %sub3A_26 = arith.subf %sub3A_25, %div3A_23 : vector<8x128xf32>
    %broadcast_in_dim3A = arith.constant 0x7F800000 : f32
    %broadcast_in_dim3A_27 = vector.broadcast %broadcast_in_dim3A : f32 to vector<8x128xf32>
    %broadcast_in_dim3A_28 = arith.constant 0x7F800000 : f32
    %broadcast_in_dim3A_29 = vector.broadcast %broadcast_in_dim3A_28 : f32 to vector<8x128xf32>
    %broadcast_in_dim3A_30 = arith.constant 0x7F800000 : f32
    %broadcast_in_dim3A_31 = vector.broadcast %broadcast_in_dim3A_30 : f32 to vector<8x128xf32>
    %broadcast_in_dim3A_32 = arith.constant 0x7F800000 : f32
    %broadcast_in_dim3A_33 = vector.broadcast %broadcast_in_dim3A_32 : f32 to vector<8x128xf32>
    %broadcast_in_dim3A_34 = arith.constant 0x7F800000 : f32
    %broadcast_in_dim3A_35 = vector.broadcast %broadcast_in_dim3A_34 : f32 to vector<8x128xf32>
    %broadcast_in_dim3A_36 = arith.constant 0x7F800000 : f32
    %broadcast_in_dim3A_37 = vector.broadcast %broadcast_in_dim3A_36 : f32 to vector<8x128xf32>
    %broadcast_in_dim3A_38 = arith.constant 0x7F800000 : f32
    %broadcast_in_dim3A_39 = vector.broadcast %broadcast_in_dim3A_38 : f32 to vector<8x128xf32>
    %broadcast_in_dim3A_40 = arith.constant 0x7F800000 : f32
    %broadcast_in_dim3A_41 = vector.broadcast %broadcast_in_dim3A_40 : f32 to vector<8x128xf32>
    %broadcast_in_dim3A_42 = arith.constant 0 : i32
    %broadcast_in_dim3A_43 = vector.broadcast %broadcast_in_dim3A_42 : i32 to vector<8x128xi32>
    %broadcast_in_dim3A_44 = arith.constant 0 : i32
    %broadcast_in_dim3A_45 = vector.broadcast %broadcast_in_dim3A_44 : i32 to vector<8x128xi32>
    %broadcast_in_dim3A_46 = arith.constant 0 : i32
    %broadcast_in_dim3A_47 = vector.broadcast %broadcast_in_dim3A_46 : i32 to vector<8x128xi32>
    %broadcast_in_dim3A_48 = arith.constant 0 : i32
    %broadcast_in_dim3A_49 = vector.broadcast %broadcast_in_dim3A_48 : i32 to vector<8x128xi32>
    %broadcast_in_dim3A_50 = arith.constant 0 : i32
    %broadcast_in_dim3A_51 = vector.broadcast %broadcast_in_dim3A_50 : i32 to vector<8x128xi32>
    %broadcast_in_dim3A_52 = arith.constant 0 : i32
    %broadcast_in_dim3A_53 = vector.broadcast %broadcast_in_dim3A_52 : i32 to vector<8x128xi32>
    %broadcast_in_dim3A_54 = arith.constant 0 : i32
    %broadcast_in_dim3A_55 = vector.broadcast %broadcast_in_dim3A_54 : i32 to vector<8x128xi32>
    %broadcast_in_dim3A_56 = arith.constant 0 : i32
    %broadcast_in_dim3A_57 = vector.broadcast %broadcast_in_dim3A_56 : i32 to vector<8x128xi32>
    %scan3A = arith.constant 2.500000e-03 : f32
    %scan3A_58 = arith.constant 0x7F800000 : f32
    %scan3A_59 = arith.constant 4.095600e+05 : f32
    %scan3A_60 = arith.constant 0 : i32
    %scan3A_61 = arith.constant 32 : i32
    %scan3A_62 = arith.addi %scan3A_60, %scan3A_61 : i32
    %scan3A_63 = arith.constant 1 : i32
    %scan3A_64:16 = scf.for %scan3A_420 = %scan3A_60 to %scan3A_62 step %scan3A_63 iter_args(%scan3A_421 = %broadcast_in_dim3A_27, %scan3A_422 = %broadcast_in_dim3A_29, %scan3A_423 = %broadcast_in_dim3A_31, %scan3A_424 = %broadcast_in_dim3A_33, %scan3A_425 = %broadcast_in_dim3A_35, %scan3A_426 = %broadcast_in_dim3A_37, %scan3A_427 = %broadcast_in_dim3A_39, %scan3A_428 = %broadcast_in_dim3A_41, %scan3A_429 = %broadcast_in_dim3A_43, %scan3A_430 = %broadcast_in_dim3A_45, %scan3A_431 = %broadcast_in_dim3A_47, %scan3A_432 = %broadcast_in_dim3A_49, %scan3A_433 = %broadcast_in_dim3A_51, %scan3A_434 = %broadcast_in_dim3A_53, %scan3A_435 = %broadcast_in_dim3A_55, %scan3A_436 = %broadcast_in_dim3A_57) -> (vector<8x128xf32>, vector<8x128xf32>, vector<8x128xf32>, vector<8x128xf32>, vector<8x128xf32>, vector<8x128xf32>, vector<8x128xf32>, vector<8x128xf32>, vector<8x128xi32>, vector<8x128xi32>, vector<8x128xi32>, vector<8x128xi32>, vector<8x128xi32>, vector<8x128xi32>, vector<8x128xi32>, vector<8x128xi32>)  : i32 {
      %get3A = arith.index_cast %scan3A_420 : i32 to index
      %get3A_437 = arith.index_cast %arg0 : i32 to index
      %get3A_438 = memref.load %arg5[%get3A, %get3A_437] : memref<32x16xi32, #tpu.memory_space<smem>>
      %add3A_439 = arith.constant 15 : i32
      %add3A_440 = arith.addi %get3A_438, %add3A_439 : i32
      %jit3A_441 = arith.constant 16 : i32
      %div3A_442 = arith.divsi %add3A_440, %jit3A_441 : i32
      %sign3A = arith.constant 0 : i32
      %sign3A_443 = arith.cmpi sgt, %add3A_440, %sign3A : i32
      %sign3A_444 = arith.extui %sign3A_443 : i1 to i32
      %sign3A_445 = arith.constant 0 : i32
      %sign3A_446 = arith.cmpi slt, %add3A_440, %sign3A_445 : i32
      %sign3A_447 = arith.extui %sign3A_446 : i1 to i32
      %sign3A_448 = arith.subi %sign3A_444, %sign3A_447 : i32
      %sign3A_449 = arith.constant 0 : i32
      %sign3A_450 = arith.cmpi sgt, %jit3A_441, %sign3A_449 : i32
      %sign3A_451 = arith.extui %sign3A_450 : i1 to i32
      %sign3A_452 = arith.constant 0 : i32
      %sign3A_453 = arith.cmpi slt, %jit3A_441, %sign3A_452 : i32
      %sign3A_454 = arith.extui %sign3A_453 : i1 to i32
      %sign3A_455 = arith.subi %sign3A_451, %sign3A_454 : i32
      %ne3A = arith.cmpi ne, %sign3A_448, %sign3A_455 : i32
      %rem3A = arith.remsi %add3A_440, %jit3A_441 : i32
      %ne3A_456 = arith.constant 0 : i32
      %ne3A_457 = arith.cmpi ne, %rem3A, %ne3A_456 : i32
      %and3A_458 = arith.andi %ne3A, %ne3A_457 : i1
      %sub3A_459 = arith.constant 1 : i32
      %sub3A_460 = arith.subi %div3A_442, %sub3A_459 : i32
      %select_n3A_461 = arith.select %and3A_458, %sub3A_460, %div3A_442 : i32
      %while3A = arith.constant 0 : i32
      %while3A_462 = arith.subi %select_n3A_461, %while3A : i32
      %while3A_463 = arith.addi %while3A, %while3A_462 : i32
      %while3A_464 = arith.constant 1 : i32
      %while3A_465 = arith.divsi %while3A_462, %while3A_464 : i32
      %while3A_466 = arith.muli %while3A_465, %while3A_464 : i32
      %while3A_467 = arith.addi %while3A, %while3A_466 : i32
      %while3A_468 = arith.constant 1 : i32
      %while3A_469:16 = scf.for %while3A_472 = %while3A to %while3A_467 step %while3A_468 iter_args(%while3A_473 = %scan3A_421, %while3A_474 = %scan3A_422, %while3A_475 = %scan3A_423, %while3A_476 = %scan3A_424, %while3A_477 = %scan3A_425, %while3A_478 = %scan3A_426, %while3A_479 = %scan3A_427, %while3A_480 = %scan3A_428, %while3A_481 = %scan3A_429, %while3A_482 = %scan3A_430, %while3A_483 = %scan3A_431, %while3A_484 = %scan3A_432, %while3A_485 = %scan3A_433, %while3A_486 = %scan3A_434, %while3A_487 = %scan3A_435, %while3A_488 = %scan3A_436) -> (vector<8x128xf32>, vector<8x128xf32>, vector<8x128xf32>, vector<8x128xf32>, vector<8x128xf32>, vector<8x128xf32>, vector<8x128xf32>, vector<8x128xf32>, vector<8x128xi32>, vector<8x128xi32>, vector<8x128xi32>, vector<8x128xi32>, vector<8x128xi32>, vector<8x128xi32>, vector<8x128xi32>, vector<8x128xi32>)  : i32 {
        %mul3A_489 = arith.constant 16 : i32
        %mul3A_490 = arith.muli %mul3A_489, %while3A_472 : i32
        %add3A_491 = arith.constant 0 : i32
        %add3A_492 = arith.addi %mul3A_490, %add3A_491 : i32
        %get3A_493 = arith.index_cast %scan3A_420 : i32 to index
        %get3A_494 = arith.constant 0 : index
        %get3A_495 = arith.constant 0 : index
        %get3A_496 = arith.index_cast %add3A_492 : i32 to index
        %get3A_497 = memref.load %arg1[%get3A_493, %get3A_494, %get3A_495, %get3A_496] : memref<32x1x1x160xf32, #tpu.memory_space<smem>>
        %get3A_498 = arith.constant 0 : index
        %get3A_499 = arith.constant 0 : index
        %get3A_500 = arith.constant 0 : index
        %get3A_501 = arith.index_cast %add3A_492 : i32 to index
        %get3A_502 = memref.load %arg2[%get3A_498, %get3A_499, %get3A_500, %get3A_501] : memref<1x1x1x160xf32, #tpu.memory_space<smem>>
        %get3A_503 = arith.constant 0 : index
        %get3A_504 = arith.constant 0 : index
        %get3A_505 = arith.constant 0 : index
        %get3A_506 = arith.index_cast %add3A_492 : i32 to index
        %get3A_507 = memref.load %arg3[%get3A_503, %get3A_504, %get3A_505, %get3A_506] : memref<1x1x1x160xf32, #tpu.memory_space<smem>>
        %sub3A_508 = vector.broadcast %get3A_497 : f32 to vector<8x128xf32>
        %sub3A_509 = arith.subf %sub3A_26, %sub3A_508 : vector<8x128xf32>
        %sub3A_510 = vector.broadcast %get3A_502 : f32 to vector<8x128xf32>
        %sub3A_511 = arith.subf %sub3A_14, %sub3A_510 : vector<8x128xf32>
        %mul3A_512 = arith.mulf %sub3A_509, %sub3A_509 : vector<8x128xf32>
        %mul3A_513 = arith.mulf %sub3A_511, %sub3A_511 : vector<8x128xf32>
        %add3A_514 = arith.addf %mul3A_512, %mul3A_513 : vector<8x128xf32>
        %le3A = vector.broadcast %scan3A : f32 to vector<8x128xf32>
        %le3A_515 = arith.cmpf ole, %add3A_514, %le3A : vector<8x128xf32>
        %broadcast_in_dim3A_516 = vector.broadcast %get3A_507 : f32 to vector<8x128xf32>
        %broadcast_in_dim3A_517 = vector.broadcast %scan3A_58 : f32 to vector<8x128xf32>
        %select_n3A_518 = arith.select %le3A_515, %broadcast_in_dim3A_516, %broadcast_in_dim3A_517 : vector<8x128xi1>, vector<8x128xf32>
        %mul3A_519 = vector.broadcast %scan3A_59 : f32 to vector<8x128xf32>
        %mul3A_520 = arith.mulf %add3A_514, %mul3A_519 : vector<8x128xf32>
        %convert_element_type3A_521 = arith.fptosi %mul3A_520 : vector<8x128xf32> to vector<8x128xi32>
        %get3A_522 = arith.constant 0 : index
        %get3A_523 = arith.constant 0 : index
        %get3A_524 = arith.constant 0 : index
        %get3A_525 = arith.index_cast %add3A_492 : i32 to index
        %get3A_526 = memref.load %arg4[%get3A_522, %get3A_523, %get3A_524, %get3A_525] : memref<1x1x1x160xi32, #tpu.memory_space<smem>>
        %shift_left3A = arith.constant 10 : i32
        %shift_left3A_527 = arith.shli %get3A_526, %shift_left3A : i32
        %add3A_528 = vector.broadcast %shift_left3A_527 : i32 to vector<8x128xi32>
        %add3A_529 = arith.addi %add3A_528, %convert_element_type3A_521 : vector<8x128xi32>
        %lt3A_530 = arith.cmpf olt, %select_n3A_518, %while3A_473 : vector<8x128xf32>
        %min3A = arith.minimumf %while3A_473, %select_n3A_518 : vector<8x128xf32>
        %max3A = arith.maximumf %while3A_473, %select_n3A_518 : vector<8x128xf32>
        %select_n3A_531 = arith.select %lt3A_530, %add3A_529, %while3A_481 : vector<8x128xi1>, vector<8x128xi32>
        %select_n3A_532 = arith.select %lt3A_530, %while3A_481, %add3A_529 : vector<8x128xi1>, vector<8x128xi32>
        %lt3A_533 = arith.cmpf olt, %max3A, %while3A_474 : vector<8x128xf32>
        %min3A_534 = arith.minimumf %while3A_474, %max3A : vector<8x128xf32>
        %max3A_535 = arith.maximumf %while3A_474, %max3A : vector<8x128xf32>
        %select_n3A_536 = arith.select %lt3A_533, %select_n3A_532, %while3A_482 : vector<8x128xi1>, vector<8x128xi32>
        %select_n3A_537 = arith.select %lt3A_533, %while3A_482, %select_n3A_532 : vector<8x128xi1>, vector<8x128xi32>
        %lt3A_538 = arith.cmpf olt, %max3A_535, %while3A_475 : vector<8x128xf32>
        %min3A_539 = arith.minimumf %while3A_475, %max3A_535 : vector<8x128xf32>
        %max3A_540 = arith.maximumf %while3A_475, %max3A_535 : vector<8x128xf32>
        %select_n3A_541 = arith.select %lt3A_538, %select_n3A_537, %while3A_483 : vector<8x128xi1>, vector<8x128xi32>
        %select_n3A_542 = arith.select %lt3A_538, %while3A_483, %select_n3A_537 : vector<8x128xi1>, vector<8x128xi32>
        %lt3A_543 = arith.cmpf olt, %max3A_540, %while3A_476 : vector<8x128xf32>
        %min3A_544 = arith.minimumf %while3A_476, %max3A_540 : vector<8x128xf32>
        %max3A_545 = arith.maximumf %while3A_476, %max3A_540 : vector<8x128xf32>
        %select_n3A_546 = arith.select %lt3A_543, %select_n3A_542, %while3A_484 : vector<8x128xi1>, vector<8x128xi32>
        %select_n3A_547 = arith.select %lt3A_543, %while3A_484, %select_n3A_542 : vector<8x128xi1>, vector<8x128xi32>
        %lt3A_548 = arith.cmpf olt, %max3A_545, %while3A_477 : vector<8x128xf32>
        %min3A_549 = arith.minimumf %while3A_477, %max3A_545 : vector<8x128xf32>
        %max3A_550 = arith.maximumf %while3A_477, %max3A_545 : vector<8x128xf32>
        %select_n3A_551 = arith.select %lt3A_548, %select_n3A_547, %while3A_485 : vector<8x128xi1>, vector<8x128xi32>
        %select_n3A_552 = arith.select %lt3A_548, %while3A_485, %select_n3A_547 : vector<8x128xi1>, vector<8x128xi32>
        %lt3A_553 = arith.cmpf olt, %max3A_550, %while3A_478 : vector<8x128xf32>
        %min3A_554 = arith.minimumf %while3A_478, %max3A_550 : vector<8x128xf32>
        %max3A_555 = arith.maximumf %while3A_478, %max3A_550 : vector<8x128xf32>
        %select_n3A_556 = arith.select %lt3A_553, %select_n3A_552, %while3A_486 : vector<8x128xi1>, vector<8x128xi32>
        %select_n3A_557 = arith.select %lt3A_553, %while3A_486, %select_n3A_552 : vector<8x128xi1>, vector<8x128xi32>
        %lt3A_558 = arith.cmpf olt, %max3A_555, %while3A_479 : vector<8x128xf32>
        %min3A_559 = arith.minimumf %while3A_479, %max3A_555 : vector<8x128xf32>
        %max3A_560 = arith.maximumf %while3A_479, %max3A_555 : vector<8x128xf32>
        %select_n3A_561 = arith.select %lt3A_558, %select_n3A_557, %while3A_487 : vector<8x128xi1>, vector<8x128xi32>
        %select_n3A_562 = arith.select %lt3A_558, %while3A_487, %select_n3A_557 : vector<8x128xi1>, vector<8x128xi32>
        %lt3A_563 = arith.cmpf olt, %max3A_560, %while3A_480 : vector<8x128xf32>
        %min3A_564 = arith.minimumf %while3A_480, %max3A_560 : vector<8x128xf32>
        %max3A_565 = arith.maximumf %while3A_480, %max3A_560 : vector<8x128xf32>
        %select_n3A_566 = arith.select %lt3A_563, %select_n3A_562, %while3A_488 : vector<8x128xi1>, vector<8x128xi32>
        %select_n3A_567 = arith.select %lt3A_563, %while3A_488, %select_n3A_562 : vector<8x128xi1>, vector<8x128xi32>
        %mul3A_568 = arith.constant 16 : i32
        %mul3A_569 = arith.muli %mul3A_568, %while3A_472 : i32
        %add3A_570 = arith.constant 1 : i32
        %add3A_571 = arith.addi %mul3A_569, %add3A_570 : i32
        %get3A_572 = arith.index_cast %scan3A_420 : i32 to index
        %get3A_573 = arith.constant 0 : index
        %get3A_574 = arith.constant 0 : index
        %get3A_575 = arith.index_cast %add3A_571 : i32 to index
        %get3A_576 = memref.load %arg1[%get3A_572, %get3A_573, %get3A_574, %get3A_575] : memref<32x1x1x160xf32, #tpu.memory_space<smem>>
        %get3A_577 = arith.constant 0 : index
        %get3A_578 = arith.constant 0 : index
        %get3A_579 = arith.constant 0 : index
        %get3A_580 = arith.index_cast %add3A_571 : i32 to index
        %get3A_581 = memref.load %arg2[%get3A_577, %get3A_578, %get3A_579, %get3A_580] : memref<1x1x1x160xf32, #tpu.memory_space<smem>>
        %get3A_582 = arith.constant 0 : index
        %get3A_583 = arith.constant 0 : index
        %get3A_584 = arith.constant 0 : index
        %get3A_585 = arith.index_cast %add3A_571 : i32 to index
        %get3A_586 = memref.load %arg3[%get3A_582, %get3A_583, %get3A_584, %get3A_585] : memref<1x1x1x160xf32, #tpu.memory_space<smem>>
        %sub3A_587 = vector.broadcast %get3A_576 : f32 to vector<8x128xf32>
        %sub3A_588 = arith.subf %sub3A_26, %sub3A_587 : vector<8x128xf32>
        %sub3A_589 = vector.broadcast %get3A_581 : f32 to vector<8x128xf32>
        %sub3A_590 = arith.subf %sub3A_14, %sub3A_589 : vector<8x128xf32>
        %mul3A_591 = arith.mulf %sub3A_588, %sub3A_588 : vector<8x128xf32>
        %mul3A_592 = arith.mulf %sub3A_590, %sub3A_590 : vector<8x128xf32>
        %add3A_593 = arith.addf %mul3A_591, %mul3A_592 : vector<8x128xf32>
        %le3A_594 = vector.broadcast %scan3A : f32 to vector<8x128xf32>
        %le3A_595 = arith.cmpf ole, %add3A_593, %le3A_594 : vector<8x128xf32>
        %broadcast_in_dim3A_596 = vector.broadcast %get3A_586 : f32 to vector<8x128xf32>
        %broadcast_in_dim3A_597 = vector.broadcast %scan3A_58 : f32 to vector<8x128xf32>
        %select_n3A_598 = arith.select %le3A_595, %broadcast_in_dim3A_596, %broadcast_in_dim3A_597 : vector<8x128xi1>, vector<8x128xf32>
        %mul3A_599 = vector.broadcast %scan3A_59 : f32 to vector<8x128xf32>
        %mul3A_600 = arith.mulf %add3A_593, %mul3A_599 : vector<8x128xf32>
        %convert_element_type3A_601 = arith.fptosi %mul3A_600 : vector<8x128xf32> to vector<8x128xi32>
        %get3A_602 = arith.constant 0 : index
        %get3A_603 = arith.constant 0 : index
        %get3A_604 = arith.constant 0 : index
        %get3A_605 = arith.index_cast %add3A_571 : i32 to index
        %get3A_606 = memref.load %arg4[%get3A_602, %get3A_603, %get3A_604, %get3A_605] : memref<1x1x1x160xi32, #tpu.memory_space<smem>>
        %shift_left3A_607 = arith.constant 10 : i32
        %shift_left3A_608 = arith.shli %get3A_606, %shift_left3A_607 : i32
        %add3A_609 = vector.broadcast %shift_left3A_608 : i32 to vector<8x128xi32>
        %add3A_610 = arith.addi %add3A_609, %convert_element_type3A_601 : vector<8x128xi32>
        %lt3A_611 = arith.cmpf olt, %select_n3A_598, %min3A : vector<8x128xf32>
        %min3A_612 = arith.minimumf %min3A, %select_n3A_598 : vector<8x128xf32>
        %max3A_613 = arith.maximumf %min3A, %select_n3A_598 : vector<8x128xf32>
        %select_n3A_614 = arith.select %lt3A_611, %add3A_610, %select_n3A_531 : vector<8x128xi1>, vector<8x128xi32>
        %select_n3A_615 = arith.select %lt3A_611, %select_n3A_531, %add3A_610 : vector<8x128xi1>, vector<8x128xi32>
        %lt3A_616 = arith.cmpf olt, %max3A_613, %min3A_534 : vector<8x128xf32>
        %min3A_617 = arith.minimumf %min3A_534, %max3A_613 : vector<8x128xf32>
        %max3A_618 = arith.maximumf %min3A_534, %max3A_613 : vector<8x128xf32>
        %select_n3A_619 = arith.select %lt3A_616, %select_n3A_615, %select_n3A_536 : vector<8x128xi1>, vector<8x128xi32>
        %select_n3A_620 = arith.select %lt3A_616, %select_n3A_536, %select_n3A_615 : vector<8x128xi1>, vector<8x128xi32>
        %lt3A_621 = arith.cmpf olt, %max3A_618, %min3A_539 : vector<8x128xf32>
        %min3A_622 = arith.minimumf %min3A_539, %max3A_618 : vector<8x128xf32>
        %max3A_623 = arith.maximumf %min3A_539, %max3A_618 : vector<8x128xf32>
        %select_n3A_624 = arith.select %lt3A_621, %select_n3A_620, %select_n3A_541 : vector<8x128xi1>, vector<8x128xi32>
        %select_n3A_625 = arith.select %lt3A_621, %select_n3A_541, %select_n3A_620 : vector<8x128xi1>, vector<8x128xi32>
        %lt3A_626 = arith.cmpf olt, %max3A_623, %min3A_544 : vector<8x128xf32>
        %min3A_627 = arith.minimumf %min3A_544, %max3A_623 : vector<8x128xf32>
        %max3A_628 = arith.maximumf %min3A_544, %max3A_623 : vector<8x128xf32>
        %select_n3A_629 = arith.select %lt3A_626, %select_n3A_625, %select_n3A_546 : vector<8x128xi1>, vector<8x128xi32>
        %select_n3A_630 = arith.select %lt3A_626, %select_n3A_546, %select_n3A_625 : vector<8x128xi1>, vector<8x128xi32>
        %lt3A_631 = arith.cmpf olt, %max3A_628, %min3A_549 : vector<8x128xf32>
        %min3A_632 = arith.minimumf %min3A_549, %max3A_628 : vector<8x128xf32>
        %max3A_633 = arith.maximumf %min3A_549, %max3A_628 : vector<8x128xf32>
        %select_n3A_634 = arith.select %lt3A_631, %select_n3A_630, %select_n3A_551 : vector<8x128xi1>, vector<8x128xi32>
        %select_n3A_635 = arith.select %lt3A_631, %select_n3A_551, %select_n3A_630 : vector<8x128xi1>, vector<8x128xi32>
        %lt3A_636 = arith.cmpf olt, %max3A_633, %min3A_554 : vector<8x128xf32>
        %min3A_637 = arith.minimumf %min3A_554, %max3A_633 : vector<8x128xf32>
        %max3A_638 = arith.maximumf %min3A_554, %max3A_633 : vector<8x128xf32>
        %select_n3A_639 = arith.select %lt3A_636, %select_n3A_635, %select_n3A_556 : vector<8x128xi1>, vector<8x128xi32>
        %select_n3A_640 = arith.select %lt3A_636, %select_n3A_556, %select_n3A_635 : vector<8x128xi1>, vector<8x128xi32>
        %lt3A_641 = arith.cmpf olt, %max3A_638, %min3A_559 : vector<8x128xf32>
        %min3A_642 = arith.minimumf %min3A_559, %max3A_638 : vector<8x128xf32>
        %max3A_643 = arith.maximumf %min3A_559, %max3A_638 : vector<8x128xf32>
        %select_n3A_644 = arith.select %lt3A_641, %select_n3A_640, %select_n3A_561 : vector<8x128xi1>, vector<8x128xi32>
        %select_n3A_645 = arith.select %lt3A_641, %select_n3A_561, %select_n3A_640 : vector<8x128xi1>, vector<8x128xi32>
        %lt3A_646 = arith.cmpf olt, %max3A_643, %min3A_564 : vector<8x128xf32>
        %min3A_647 = arith.minimumf %min3A_564, %max3A_643 : vector<8x128xf32>
        %max3A_648 = arith.maximumf %min3A_564, %max3A_643 : vector<8x128xf32>
        %select_n3A_649 = arith.select %lt3A_646, %select_n3A_645, %select_n3A_566 : vector<8x128xi1>, vector<8x128xi32>
        %select_n3A_650 = arith.select %lt3A_646, %select_n3A_566, %select_n3A_645 : vector<8x128xi1>, vector<8x128xi32>
        %mul3A_651 = arith.constant 16 : i32
        %mul3A_652 = arith.muli %mul3A_651, %while3A_472 : i32
        %add3A_653 = arith.constant 2 : i32
        %add3A_654 = arith.addi %mul3A_652, %add3A_653 : i32
        %get3A_655 = arith.index_cast %scan3A_420 : i32 to index
        %get3A_656 = arith.constant 0 : index
        %get3A_657 = arith.constant 0 : index
        %get3A_658 = arith.index_cast %add3A_654 : i32 to index
        %get3A_659 = memref.load %arg1[%get3A_655, %get3A_656, %get3A_657, %get3A_658] : memref<32x1x1x160xf32, #tpu.memory_space<smem>>
        %get3A_660 = arith.constant 0 : index
        %get3A_661 = arith.constant 0 : index
        %get3A_662 = arith.constant 0 : index
        %get3A_663 = arith.index_cast %add3A_654 : i32 to index
        %get3A_664 = memref.load %arg2[%get3A_660, %get3A_661, %get3A_662, %get3A_663] : memref<1x1x1x160xf32, #tpu.memory_space<smem>>
        %get3A_665 = arith.constant 0 : index
        %get3A_666 = arith.constant 0 : index
        %get3A_667 = arith.constant 0 : index
        %get3A_668 = arith.index_cast %add3A_654 : i32 to index
        %get3A_669 = memref.load %arg3[%get3A_665, %get3A_666, %get3A_667, %get3A_668] : memref<1x1x1x160xf32, #tpu.memory_space<smem>>
        %sub3A_670 = vector.broadcast %get3A_659 : f32 to vector<8x128xf32>
        %sub3A_671 = arith.subf %sub3A_26, %sub3A_670 : vector<8x128xf32>
        %sub3A_672 = vector.broadcast %get3A_664 : f32 to vector<8x128xf32>
        %sub3A_673 = arith.subf %sub3A_14, %sub3A_672 : vector<8x128xf32>
        %mul3A_674 = arith.mulf %sub3A_671, %sub3A_671 : vector<8x128xf32>
        %mul3A_675 = arith.mulf %sub3A_673, %sub3A_673 : vector<8x128xf32>
        %add3A_676 = arith.addf %mul3A_674, %mul3A_675 : vector<8x128xf32>
        %le3A_677 = vector.broadcast %scan3A : f32 to vector<8x128xf32>
        %le3A_678 = arith.cmpf ole, %add3A_676, %le3A_677 : vector<8x128xf32>
        %broadcast_in_dim3A_679 = vector.broadcast %get3A_669 : f32 to vector<8x128xf32>
        %broadcast_in_dim3A_680 = vector.broadcast %scan3A_58 : f32 to vector<8x128xf32>
        %select_n3A_681 = arith.select %le3A_678, %broadcast_in_dim3A_679, %broadcast_in_dim3A_680 : vector<8x128xi1>, vector<8x128xf32>
        %mul3A_682 = vector.broadcast %scan3A_59 : f32 to vector<8x128xf32>
        %mul3A_683 = arith.mulf %add3A_676, %mul3A_682 : vector<8x128xf32>
        %convert_element_type3A_684 = arith.fptosi %mul3A_683 : vector<8x128xf32> to vector<8x128xi32>
        %get3A_685 = arith.constant 0 : index
        %get3A_686 = arith.constant 0 : index
        %get3A_687 = arith.constant 0 : index
        %get3A_688 = arith.index_cast %add3A_654 : i32 to index
        %get3A_689 = memref.load %arg4[%get3A_685, %get3A_686, %get3A_687, %get3A_688] : memref<1x1x1x160xi32, #tpu.memory_space<smem>>
        %shift_left3A_690 = arith.constant 10 : i32
        %shift_left3A_691 = arith.shli %get3A_689, %shift_left3A_690 : i32
        %add3A_692 = vector.broadcast %shift_left3A_691 : i32 to vector<8x128xi32>
        %add3A_693 = arith.addi %add3A_692, %convert_element_type3A_684 : vector<8x128xi32>
        %lt3A_694 = arith.cmpf olt, %select_n3A_681, %min3A_612 : vector<8x128xf32>
        %min3A_695 = arith.minimumf %min3A_612, %select_n3A_681 : vector<8x128xf32>
        %max3A_696 = arith.maximumf %min3A_612, %select_n3A_681 : vector<8x128xf32>
        %select_n3A_697 = arith.select %lt3A_694, %add3A_693, %select_n3A_614 : vector<8x128xi1>, vector<8x128xi32>
        %select_n3A_698 = arith.select %lt3A_694, %select_n3A_614, %add3A_693 : vector<8x128xi1>, vector<8x128xi32>
        %lt3A_699 = arith.cmpf olt, %max3A_696, %min3A_617 : vector<8x128xf32>
        %min3A_700 = arith.minimumf %min3A_617, %max3A_696 : vector<8x128xf32>
        %max3A_701 = arith.maximumf %min3A_617, %max3A_696 : vector<8x128xf32>
        %select_n3A_702 = arith.select %lt3A_699, %select_n3A_698, %select_n3A_619 : vector<8x128xi1>, vector<8x128xi32>
        %select_n3A_703 = arith.select %lt3A_699, %select_n3A_619, %select_n3A_698 : vector<8x128xi1>, vector<8x128xi32>
        %lt3A_704 = arith.cmpf olt, %max3A_701, %min3A_622 : vector<8x128xf32>
        %min3A_705 = arith.minimumf %min3A_622, %max3A_701 : vector<8x128xf32>
        %max3A_706 = arith.maximumf %min3A_622, %max3A_701 : vector<8x128xf32>
        %select_n3A_707 = arith.select %lt3A_704, %select_n3A_703, %select_n3A_624 : vector<8x128xi1>, vector<8x128xi32>
        %select_n3A_708 = arith.select %lt3A_704, %select_n3A_624, %select_n3A_703 : vector<8x128xi1>, vector<8x128xi32>
        %lt3A_709 = arith.cmpf olt, %max3A_706, %min3A_627 : vector<8x128xf32>
        %min3A_710 = arith.minimumf %min3A_627, %max3A_706 : vector<8x128xf32>
        %max3A_711 = arith.maximumf %min3A_627, %max3A_706 : vector<8x128xf32>
        %select_n3A_712 = arith.select %lt3A_709, %select_n3A_708, %select_n3A_629 : vector<8x128xi1>, vector<8x128xi32>
        %select_n3A_713 = arith.select %lt3A_709, %select_n3A_629, %select_n3A_708 : vector<8x128xi1>, vector<8x128xi32>
        %lt3A_714 = arith.cmpf olt, %max3A_711, %min3A_632 : vector<8x128xf32>
        %min3A_715 = arith.minimumf %min3A_632, %max3A_711 : vector<8x128xf32>
        %max3A_716 = arith.maximumf %min3A_632, %max3A_711 : vector<8x128xf32>
        %select_n3A_717 = arith.select %lt3A_714, %select_n3A_713, %select_n3A_634 : vector<8x128xi1>, vector<8x128xi32>
        %select_n3A_718 = arith.select %lt3A_714, %select_n3A_634, %select_n3A_713 : vector<8x128xi1>, vector<8x128xi32>
        %lt3A_719 = arith.cmpf olt, %max3A_716, %min3A_637 : vector<8x128xf32>
        %min3A_720 = arith.minimumf %min3A_637, %max3A_716 : vector<8x128xf32>
        %max3A_721 = arith.maximumf %min3A_637, %max3A_716 : vector<8x128xf32>
        %select_n3A_722 = arith.select %lt3A_719, %select_n3A_718, %select_n3A_639 : vector<8x128xi1>, vector<8x128xi32>
        %select_n3A_723 = arith.select %lt3A_719, %select_n3A_639, %select_n3A_718 : vector<8x128xi1>, vector<8x128xi32>
        %lt3A_724 = arith.cmpf olt, %max3A_721, %min3A_642 : vector<8x128xf32>
        %min3A_725 = arith.minimumf %min3A_642, %max3A_721 : vector<8x128xf32>
        %max3A_726 = arith.maximumf %min3A_642, %max3A_721 : vector<8x128xf32>
        %select_n3A_727 = arith.select %lt3A_724, %select_n3A_723, %select_n3A_644 : vector<8x128xi1>, vector<8x128xi32>
        %select_n3A_728 = arith.select %lt3A_724, %select_n3A_644, %select_n3A_723 : vector<8x128xi1>, vector<8x128xi32>
        %lt3A_729 = arith.cmpf olt, %max3A_726, %min3A_647 : vector<8x128xf32>
        %min3A_730 = arith.minimumf %min3A_647, %max3A_726 : vector<8x128xf32>
        %max3A_731 = arith.maximumf %min3A_647, %max3A_726 : vector<8x128xf32>
        %select_n3A_732 = arith.select %lt3A_729, %select_n3A_728, %select_n3A_649 : vector<8x128xi1>, vector<8x128xi32>
        %select_n3A_733 = arith.select %lt3A_729, %select_n3A_649, %select_n3A_728 : vector<8x128xi1>, vector<8x128xi32>
        %mul3A_734 = arith.constant 16 : i32
        %mul3A_735 = arith.muli %mul3A_734, %while3A_472 : i32
        %add3A_736 = arith.constant 3 : i32
        %add3A_737 = arith.addi %mul3A_735, %add3A_736 : i32
        %get3A_738 = arith.index_cast %scan3A_420 : i32 to index
        %get3A_739 = arith.constant 0 : index
        %get3A_740 = arith.constant 0 : index
        %get3A_741 = arith.index_cast %add3A_737 : i32 to index
        %get3A_742 = memref.load %arg1[%get3A_738, %get3A_739, %get3A_740, %get3A_741] : memref<32x1x1x160xf32, #tpu.memory_space<smem>>
        %get3A_743 = arith.constant 0 : index
        %get3A_744 = arith.constant 0 : index
        %get3A_745 = arith.constant 0 : index
        %get3A_746 = arith.index_cast %add3A_737 : i32 to index
        %get3A_747 = memref.load %arg2[%get3A_743, %get3A_744, %get3A_745, %get3A_746] : memref<1x1x1x160xf32, #tpu.memory_space<smem>>
        %get3A_748 = arith.constant 0 : index
        %get3A_749 = arith.constant 0 : index
        %get3A_750 = arith.constant 0 : index
        %get3A_751 = arith.index_cast %add3A_737 : i32 to index
        %get3A_752 = memref.load %arg3[%get3A_748, %get3A_749, %get3A_750, %get3A_751] : memref<1x1x1x160xf32, #tpu.memory_space<smem>>
        %sub3A_753 = vector.broadcast %get3A_742 : f32 to vector<8x128xf32>
        %sub3A_754 = arith.subf %sub3A_26, %sub3A_753 : vector<8x128xf32>
        %sub3A_755 = vector.broadcast %get3A_747 : f32 to vector<8x128xf32>
        %sub3A_756 = arith.subf %sub3A_14, %sub3A_755 : vector<8x128xf32>
        %mul3A_757 = arith.mulf %sub3A_754, %sub3A_754 : vector<8x128xf32>
        %mul3A_758 = arith.mulf %sub3A_756, %sub3A_756 : vector<8x128xf32>
        %add3A_759 = arith.addf %mul3A_757, %mul3A_758 : vector<8x128xf32>
        %le3A_760 = vector.broadcast %scan3A : f32 to vector<8x128xf32>
        %le3A_761 = arith.cmpf ole, %add3A_759, %le3A_760 : vector<8x128xf32>
        %broadcast_in_dim3A_762 = vector.broadcast %get3A_752 : f32 to vector<8x128xf32>
        %broadcast_in_dim3A_763 = vector.broadcast %scan3A_58 : f32 to vector<8x128xf32>
        %select_n3A_764 = arith.select %le3A_761, %broadcast_in_dim3A_762, %broadcast_in_dim3A_763 : vector<8x128xi1>, vector<8x128xf32>
        %mul3A_765 = vector.broadcast %scan3A_59 : f32 to vector<8x128xf32>
        %mul3A_766 = arith.mulf %add3A_759, %mul3A_765 : vector<8x128xf32>
        %convert_element_type3A_767 = arith.fptosi %mul3A_766 : vector<8x128xf32> to vector<8x128xi32>
        %get3A_768 = arith.constant 0 : index
        %get3A_769 = arith.constant 0 : index
        %get3A_770 = arith.constant 0 : index
        %get3A_771 = arith.index_cast %add3A_737 : i32 to index
        %get3A_772 = memref.load %arg4[%get3A_768, %get3A_769, %get3A_770, %get3A_771] : memref<1x1x1x160xi32, #tpu.memory_space<smem>>
        %shift_left3A_773 = arith.constant 10 : i32
        %shift_left3A_774 = arith.shli %get3A_772, %shift_left3A_773 : i32
        %add3A_775 = vector.broadcast %shift_left3A_774 : i32 to vector<8x128xi32>
        %add3A_776 = arith.addi %add3A_775, %convert_element_type3A_767 : vector<8x128xi32>
        %lt3A_777 = arith.cmpf olt, %select_n3A_764, %min3A_695 : vector<8x128xf32>
        %min3A_778 = arith.minimumf %min3A_695, %select_n3A_764 : vector<8x128xf32>
        %max3A_779 = arith.maximumf %min3A_695, %select_n3A_764 : vector<8x128xf32>
        %select_n3A_780 = arith.select %lt3A_777, %add3A_776, %select_n3A_697 : vector<8x128xi1>, vector<8x128xi32>
        %select_n3A_781 = arith.select %lt3A_777, %select_n3A_697, %add3A_776 : vector<8x128xi1>, vector<8x128xi32>
        %lt3A_782 = arith.cmpf olt, %max3A_779, %min3A_700 : vector<8x128xf32>
        %min3A_783 = arith.minimumf %min3A_700, %max3A_779 : vector<8x128xf32>
        %max3A_784 = arith.maximumf %min3A_700, %max3A_779 : vector<8x128xf32>
        %select_n3A_785 = arith.select %lt3A_782, %select_n3A_781, %select_n3A_702 : vector<8x128xi1>, vector<8x128xi32>
        %select_n3A_786 = arith.select %lt3A_782, %select_n3A_702, %select_n3A_781 : vector<8x128xi1>, vector<8x128xi32>
        %lt3A_787 = arith.cmpf olt, %max3A_784, %min3A_705 : vector<8x128xf32>
        %min3A_788 = arith.minimumf %min3A_705, %max3A_784 : vector<8x128xf32>
        %max3A_789 = arith.maximumf %min3A_705, %max3A_784 : vector<8x128xf32>
        %select_n3A_790 = arith.select %lt3A_787, %select_n3A_786, %select_n3A_707 : vector<8x128xi1>, vector<8x128xi32>
        %select_n3A_791 = arith.select %lt3A_787, %select_n3A_707, %select_n3A_786 : vector<8x128xi1>, vector<8x128xi32>
        %lt3A_792 = arith.cmpf olt, %max3A_789, %min3A_710 : vector<8x128xf32>
        %min3A_793 = arith.minimumf %min3A_710, %max3A_789 : vector<8x128xf32>
        %max3A_794 = arith.maximumf %min3A_710, %max3A_789 : vector<8x128xf32>
        %select_n3A_795 = arith.select %lt3A_792, %select_n3A_791, %select_n3A_712 : vector<8x128xi1>, vector<8x128xi32>
        %select_n3A_796 = arith.select %lt3A_792, %select_n3A_712, %select_n3A_791 : vector<8x128xi1>, vector<8x128xi32>
        %lt3A_797 = arith.cmpf olt, %max3A_794, %min3A_715 : vector<8x128xf32>
        %min3A_798 = arith.minimumf %min3A_715, %max3A_794 : vector<8x128xf32>
        %max3A_799 = arith.maximumf %min3A_715, %max3A_794 : vector<8x128xf32>
        %select_n3A_800 = arith.select %lt3A_797, %select_n3A_796, %select_n3A_717 : vector<8x128xi1>, vector<8x128xi32>
        %select_n3A_801 = arith.select %lt3A_797, %select_n3A_717, %select_n3A_796 : vector<8x128xi1>, vector<8x128xi32>
        %lt3A_802 = arith.cmpf olt, %max3A_799, %min3A_720 : vector<8x128xf32>
        %min3A_803 = arith.minimumf %min3A_720, %max3A_799 : vector<8x128xf32>
        %max3A_804 = arith.maximumf %min3A_720, %max3A_799 : vector<8x128xf32>
        %select_n3A_805 = arith.select %lt3A_802, %select_n3A_801, %select_n3A_722 : vector<8x128xi1>, vector<8x128xi32>
        %select_n3A_806 = arith.select %lt3A_802, %select_n3A_722, %select_n3A_801 : vector<8x128xi1>, vector<8x128xi32>
        %lt3A_807 = arith.cmpf olt, %max3A_804, %min3A_725 : vector<8x128xf32>
        %min3A_808 = arith.minimumf %min3A_725, %max3A_804 : vector<8x128xf32>
        %max3A_809 = arith.maximumf %min3A_725, %max3A_804 : vector<8x128xf32>
        %select_n3A_810 = arith.select %lt3A_807, %select_n3A_806, %select_n3A_727 : vector<8x128xi1>, vector<8x128xi32>
        %select_n3A_811 = arith.select %lt3A_807, %select_n3A_727, %select_n3A_806 : vector<8x128xi1>, vector<8x128xi32>
        %lt3A_812 = arith.cmpf olt, %max3A_809, %min3A_730 : vector<8x128xf32>
        %min3A_813 = arith.minimumf %min3A_730, %max3A_809 : vector<8x128xf32>
        %max3A_814 = arith.maximumf %min3A_730, %max3A_809 : vector<8x128xf32>
        %select_n3A_815 = arith.select %lt3A_812, %select_n3A_811, %select_n3A_732 : vector<8x128xi1>, vector<8x128xi32>
        %select_n3A_816 = arith.select %lt3A_812, %select_n3A_732, %select_n3A_811 : vector<8x128xi1>, vector<8x128xi32>
        %mul3A_817 = arith.constant 16 : i32
        %mul3A_818 = arith.muli %mul3A_817, %while3A_472 : i32
        %add3A_819 = arith.constant 4 : i32
        %add3A_820 = arith.addi %mul3A_818, %add3A_819 : i32
        %get3A_821 = arith.index_cast %scan3A_420 : i32 to index
        %get3A_822 = arith.constant 0 : index
        %get3A_823 = arith.constant 0 : index
        %get3A_824 = arith.index_cast %add3A_820 : i32 to index
        %get3A_825 = memref.load %arg1[%get3A_821, %get3A_822, %get3A_823, %get3A_824] : memref<32x1x1x160xf32, #tpu.memory_space<smem>>
        %get3A_826 = arith.constant 0 : index
        %get3A_827 = arith.constant 0 : index
        %get3A_828 = arith.constant 0 : index
        %get3A_829 = arith.index_cast %add3A_820 : i32 to index
        %get3A_830 = memref.load %arg2[%get3A_826, %get3A_827, %get3A_828, %get3A_829] : memref<1x1x1x160xf32, #tpu.memory_space<smem>>
        %get3A_831 = arith.constant 0 : index
        %get3A_832 = arith.constant 0 : index
        %get3A_833 = arith.constant 0 : index
        %get3A_834 = arith.index_cast %add3A_820 : i32 to index
        %get3A_835 = memref.load %arg3[%get3A_831, %get3A_832, %get3A_833, %get3A_834] : memref<1x1x1x160xf32, #tpu.memory_space<smem>>
        %sub3A_836 = vector.broadcast %get3A_825 : f32 to vector<8x128xf32>
        %sub3A_837 = arith.subf %sub3A_26, %sub3A_836 : vector<8x128xf32>
        %sub3A_838 = vector.broadcast %get3A_830 : f32 to vector<8x128xf32>
        %sub3A_839 = arith.subf %sub3A_14, %sub3A_838 : vector<8x128xf32>
        %mul3A_840 = arith.mulf %sub3A_837, %sub3A_837 : vector<8x128xf32>
        %mul3A_841 = arith.mulf %sub3A_839, %sub3A_839 : vector<8x128xf32>
        %add3A_842 = arith.addf %mul3A_840, %mul3A_841 : vector<8x128xf32>
        %le3A_843 = vector.broadcast %scan3A : f32 to vector<8x128xf32>
        %le3A_844 = arith.cmpf ole, %add3A_842, %le3A_843 : vector<8x128xf32>
        %broadcast_in_dim3A_845 = vector.broadcast %get3A_835 : f32 to vector<8x128xf32>
        %broadcast_in_dim3A_846 = vector.broadcast %scan3A_58 : f32 to vector<8x128xf32>
        %select_n3A_847 = arith.select %le3A_844, %broadcast_in_dim3A_845, %broadcast_in_dim3A_846 : vector<8x128xi1>, vector<8x128xf32>
        %mul3A_848 = vector.broadcast %scan3A_59 : f32 to vector<8x128xf32>
        %mul3A_849 = arith.mulf %add3A_842, %mul3A_848 : vector<8x128xf32>
        %convert_element_type3A_850 = arith.fptosi %mul3A_849 : vector<8x128xf32> to vector<8x128xi32>
        %get3A_851 = arith.constant 0 : index
        %get3A_852 = arith.constant 0 : index
        %get3A_853 = arith.constant 0 : index
        %get3A_854 = arith.index_cast %add3A_820 : i32 to index
        %get3A_855 = memref.load %arg4[%get3A_851, %get3A_852, %get3A_853, %get3A_854] : memref<1x1x1x160xi32, #tpu.memory_space<smem>>
        %shift_left3A_856 = arith.constant 10 : i32
        %shift_left3A_857 = arith.shli %get3A_855, %shift_left3A_856 : i32
        %add3A_858 = vector.broadcast %shift_left3A_857 : i32 to vector<8x128xi32>
        %add3A_859 = arith.addi %add3A_858, %convert_element_type3A_850 : vector<8x128xi32>
        %lt3A_860 = arith.cmpf olt, %select_n3A_847, %min3A_778 : vector<8x128xf32>
        %min3A_861 = arith.minimumf %min3A_778, %select_n3A_847 : vector<8x128xf32>
        %max3A_862 = arith.maximumf %min3A_778, %select_n3A_847 : vector<8x128xf32>
        %select_n3A_863 = arith.select %lt3A_860, %add3A_859, %select_n3A_780 : vector<8x128xi1>, vector<8x128xi32>
        %select_n3A_864 = arith.select %lt3A_860, %select_n3A_780, %add3A_859 : vector<8x128xi1>, vector<8x128xi32>
        %lt3A_865 = arith.cmpf olt, %max3A_862, %min3A_783 : vector<8x128xf32>
        %min3A_866 = arith.minimumf %min3A_783, %max3A_862 : vector<8x128xf32>
        %max3A_867 = arith.maximumf %min3A_783, %max3A_862 : vector<8x128xf32>
        %select_n3A_868 = arith.select %lt3A_865, %select_n3A_864, %select_n3A_785 : vector<8x128xi1>, vector<8x128xi32>
        %select_n3A_869 = arith.select %lt3A_865, %select_n3A_785, %select_n3A_864 : vector<8x128xi1>, vector<8x128xi32>
        %lt3A_870 = arith.cmpf olt, %max3A_867, %min3A_788 : vector<8x128xf32>
        %min3A_871 = arith.minimumf %min3A_788, %max3A_867 : vector<8x128xf32>
        %max3A_872 = arith.maximumf %min3A_788, %max3A_867 : vector<8x128xf32>
        %select_n3A_873 = arith.select %lt3A_870, %select_n3A_869, %select_n3A_790 : vector<8x128xi1>, vector<8x128xi32>
        %select_n3A_874 = arith.select %lt3A_870, %select_n3A_790, %select_n3A_869 : vector<8x128xi1>, vector<8x128xi32>
        %lt3A_875 = arith.cmpf olt, %max3A_872, %min3A_793 : vector<8x128xf32>
        %min3A_876 = arith.minimumf %min3A_793, %max3A_872 : vector<8x128xf32>
        %max3A_877 = arith.maximumf %min3A_793, %max3A_872 : vector<8x128xf32>
        %select_n3A_878 = arith.select %lt3A_875, %select_n3A_874, %select_n3A_795 : vector<8x128xi1>, vector<8x128xi32>
        %select_n3A_879 = arith.select %lt3A_875, %select_n3A_795, %select_n3A_874 : vector<8x128xi1>, vector<8x128xi32>
        %lt3A_880 = arith.cmpf olt, %max3A_877, %min3A_798 : vector<8x128xf32>
        %min3A_881 = arith.minimumf %min3A_798, %max3A_877 : vector<8x128xf32>
        %max3A_882 = arith.maximumf %min3A_798, %max3A_877 : vector<8x128xf32>
        %select_n3A_883 = arith.select %lt3A_880, %select_n3A_879, %select_n3A_800 : vector<8x128xi1>, vector<8x128xi32>
        %select_n3A_884 = arith.select %lt3A_880, %select_n3A_800, %select_n3A_879 : vector<8x128xi1>, vector<8x128xi32>
        %lt3A_885 = arith.cmpf olt, %max3A_882, %min3A_803 : vector<8x128xf32>
        %min3A_886 = arith.minimumf %min3A_803, %max3A_882 : vector<8x128xf32>
        %max3A_887 = arith.maximumf %min3A_803, %max3A_882 : vector<8x128xf32>
        %select_n3A_888 = arith.select %lt3A_885, %select_n3A_884, %select_n3A_805 : vector<8x128xi1>, vector<8x128xi32>
        %select_n3A_889 = arith.select %lt3A_885, %select_n3A_805, %select_n3A_884 : vector<8x128xi1>, vector<8x128xi32>
        %lt3A_890 = arith.cmpf olt, %max3A_887, %min3A_808 : vector<8x128xf32>
        %min3A_891 = arith.minimumf %min3A_808, %max3A_887 : vector<8x128xf32>
        %max3A_892 = arith.maximumf %min3A_808, %max3A_887 : vector<8x128xf32>
        %select_n3A_893 = arith.select %lt3A_890, %select_n3A_889, %select_n3A_810 : vector<8x128xi1>, vector<8x128xi32>
        %select_n3A_894 = arith.select %lt3A_890, %select_n3A_810, %select_n3A_889 : vector<8x128xi1>, vector<8x128xi32>
        %lt3A_895 = arith.cmpf olt, %max3A_892, %min3A_813 : vector<8x128xf32>
        %min3A_896 = arith.minimumf %min3A_813, %max3A_892 : vector<8x128xf32>
        %max3A_897 = arith.maximumf %min3A_813, %max3A_892 : vector<8x128xf32>
        %select_n3A_898 = arith.select %lt3A_895, %select_n3A_894, %select_n3A_815 : vector<8x128xi1>, vector<8x128xi32>
        %select_n3A_899 = arith.select %lt3A_895, %select_n3A_815, %select_n3A_894 : vector<8x128xi1>, vector<8x128xi32>
        %mul3A_900 = arith.constant 16 : i32
        %mul3A_901 = arith.muli %mul3A_900, %while3A_472 : i32
        %add3A_902 = arith.constant 5 : i32
        %add3A_903 = arith.addi %mul3A_901, %add3A_902 : i32
        %get3A_904 = arith.index_cast %scan3A_420 : i32 to index
        %get3A_905 = arith.constant 0 : index
        %get3A_906 = arith.constant 0 : index
        %get3A_907 = arith.index_cast %add3A_903 : i32 to index
        %get3A_908 = memref.load %arg1[%get3A_904, %get3A_905, %get3A_906, %get3A_907] : memref<32x1x1x160xf32, #tpu.memory_space<smem>>
        %get3A_909 = arith.constant 0 : index
        %get3A_910 = arith.constant 0 : index
        %get3A_911 = arith.constant 0 : index
        %get3A_912 = arith.index_cast %add3A_903 : i32 to index
        %get3A_913 = memref.load %arg2[%get3A_909, %get3A_910, %get3A_911, %get3A_912] : memref<1x1x1x160xf32, #tpu.memory_space<smem>>
        %get3A_914 = arith.constant 0 : index
        %get3A_915 = arith.constant 0 : index
        %get3A_916 = arith.constant 0 : index
        %get3A_917 = arith.index_cast %add3A_903 : i32 to index
        %get3A_918 = memref.load %arg3[%get3A_914, %get3A_915, %get3A_916, %get3A_917] : memref<1x1x1x160xf32, #tpu.memory_space<smem>>
        %sub3A_919 = vector.broadcast %get3A_908 : f32 to vector<8x128xf32>
        %sub3A_920 = arith.subf %sub3A_26, %sub3A_919 : vector<8x128xf32>
        %sub3A_921 = vector.broadcast %get3A_913 : f32 to vector<8x128xf32>
        %sub3A_922 = arith.subf %sub3A_14, %sub3A_921 : vector<8x128xf32>
        %mul3A_923 = arith.mulf %sub3A_920, %sub3A_920 : vector<8x128xf32>
        %mul3A_924 = arith.mulf %sub3A_922, %sub3A_922 : vector<8x128xf32>
        %add3A_925 = arith.addf %mul3A_923, %mul3A_924 : vector<8x128xf32>
        %le3A_926 = vector.broadcast %scan3A : f32 to vector<8x128xf32>
        %le3A_927 = arith.cmpf ole, %add3A_925, %le3A_926 : vector<8x128xf32>
        %broadcast_in_dim3A_928 = vector.broadcast %get3A_918 : f32 to vector<8x128xf32>
        %broadcast_in_dim3A_929 = vector.broadcast %scan3A_58 : f32 to vector<8x128xf32>
        %select_n3A_930 = arith.select %le3A_927, %broadcast_in_dim3A_928, %broadcast_in_dim3A_929 : vector<8x128xi1>, vector<8x128xf32>
        %mul3A_931 = vector.broadcast %scan3A_59 : f32 to vector<8x128xf32>
        %mul3A_932 = arith.mulf %add3A_925, %mul3A_931 : vector<8x128xf32>
        %convert_element_type3A_933 = arith.fptosi %mul3A_932 : vector<8x128xf32> to vector<8x128xi32>
        %get3A_934 = arith.constant 0 : index
        %get3A_935 = arith.constant 0 : index
        %get3A_936 = arith.constant 0 : index
        %get3A_937 = arith.index_cast %add3A_903 : i32 to index
        %get3A_938 = memref.load %arg4[%get3A_934, %get3A_935, %get3A_936, %get3A_937] : memref<1x1x1x160xi32, #tpu.memory_space<smem>>
        %shift_left3A_939 = arith.constant 10 : i32
        %shift_left3A_940 = arith.shli %get3A_938, %shift_left3A_939 : i32
        %add3A_941 = vector.broadcast %shift_left3A_940 : i32 to vector<8x128xi32>
        %add3A_942 = arith.addi %add3A_941, %convert_element_type3A_933 : vector<8x128xi32>
        %lt3A_943 = arith.cmpf olt, %select_n3A_930, %min3A_861 : vector<8x128xf32>
        %min3A_944 = arith.minimumf %min3A_861, %select_n3A_930 : vector<8x128xf32>
        %max3A_945 = arith.maximumf %min3A_861, %select_n3A_930 : vector<8x128xf32>
        %select_n3A_946 = arith.select %lt3A_943, %add3A_942, %select_n3A_863 : vector<8x128xi1>, vector<8x128xi32>
        %select_n3A_947 = arith.select %lt3A_943, %select_n3A_863, %add3A_942 : vector<8x128xi1>, vector<8x128xi32>
        %lt3A_948 = arith.cmpf olt, %max3A_945, %min3A_866 : vector<8x128xf32>
        %min3A_949 = arith.minimumf %min3A_866, %max3A_945 : vector<8x128xf32>
        %max3A_950 = arith.maximumf %min3A_866, %max3A_945 : vector<8x128xf32>
        %select_n3A_951 = arith.select %lt3A_948, %select_n3A_947, %select_n3A_868 : vector<8x128xi1>, vector<8x128xi32>
        %select_n3A_952 = arith.select %lt3A_948, %select_n3A_868, %select_n3A_947 : vector<8x128xi1>, vector<8x128xi32>
        %lt3A_953 = arith.cmpf olt, %max3A_950, %min3A_871 : vector<8x128xf32>
        %min3A_954 = arith.minimumf %min3A_871, %max3A_950 : vector<8x128xf32>
        %max3A_955 = arith.maximumf %min3A_871, %max3A_950 : vector<8x128xf32>
        %select_n3A_956 = arith.select %lt3A_953, %select_n3A_952, %select_n3A_873 : vector<8x128xi1>, vector<8x128xi32>
        %select_n3A_957 = arith.select %lt3A_953, %select_n3A_873, %select_n3A_952 : vector<8x128xi1>, vector<8x128xi32>
        %lt3A_958 = arith.cmpf olt, %max3A_955, %min3A_876 : vector<8x128xf32>
        %min3A_959 = arith.minimumf %min3A_876, %max3A_955 : vector<8x128xf32>
        %max3A_960 = arith.maximumf %min3A_876, %max3A_955 : vector<8x128xf32>
        %select_n3A_961 = arith.select %lt3A_958, %select_n3A_957, %select_n3A_878 : vector<8x128xi1>, vector<8x128xi32>
        %select_n3A_962 = arith.select %lt3A_958, %select_n3A_878, %select_n3A_957 : vector<8x128xi1>, vector<8x128xi32>
        %lt3A_963 = arith.cmpf olt, %max3A_960, %min3A_881 : vector<8x128xf32>
        %min3A_964 = arith.minimumf %min3A_881, %max3A_960 : vector<8x128xf32>
        %max3A_965 = arith.maximumf %min3A_881, %max3A_960 : vector<8x128xf32>
        %select_n3A_966 = arith.select %lt3A_963, %select_n3A_962, %select_n3A_883 : vector<8x128xi1>, vector<8x128xi32>
        %select_n3A_967 = arith.select %lt3A_963, %select_n3A_883, %select_n3A_962 : vector<8x128xi1>, vector<8x128xi32>
        %lt3A_968 = arith.cmpf olt, %max3A_965, %min3A_886 : vector<8x128xf32>
        %min3A_969 = arith.minimumf %min3A_886, %max3A_965 : vector<8x128xf32>
        %max3A_970 = arith.maximumf %min3A_886, %max3A_965 : vector<8x128xf32>
        %select_n3A_971 = arith.select %lt3A_968, %select_n3A_967, %select_n3A_888 : vector<8x128xi1>, vector<8x128xi32>
        %select_n3A_972 = arith.select %lt3A_968, %select_n3A_888, %select_n3A_967 : vector<8x128xi1>, vector<8x128xi32>
        %lt3A_973 = arith.cmpf olt, %max3A_970, %min3A_891 : vector<8x128xf32>
        %min3A_974 = arith.minimumf %min3A_891, %max3A_970 : vector<8x128xf32>
        %max3A_975 = arith.maximumf %min3A_891, %max3A_970 : vector<8x128xf32>
        %select_n3A_976 = arith.select %lt3A_973, %select_n3A_972, %select_n3A_893 : vector<8x128xi1>, vector<8x128xi32>
        %select_n3A_977 = arith.select %lt3A_973, %select_n3A_893, %select_n3A_972 : vector<8x128xi1>, vector<8x128xi32>
        %lt3A_978 = arith.cmpf olt, %max3A_975, %min3A_896 : vector<8x128xf32>
        %min3A_979 = arith.minimumf %min3A_896, %max3A_975 : vector<8x128xf32>
        %max3A_980 = arith.maximumf %min3A_896, %max3A_975 : vector<8x128xf32>
        %select_n3A_981 = arith.select %lt3A_978, %select_n3A_977, %select_n3A_898 : vector<8x128xi1>, vector<8x128xi32>
        %select_n3A_982 = arith.select %lt3A_978, %select_n3A_898, %select_n3A_977 : vector<8x128xi1>, vector<8x128xi32>
        %mul3A_983 = arith.constant 16 : i32
        %mul3A_984 = arith.muli %mul3A_983, %while3A_472 : i32
        %add3A_985 = arith.constant 6 : i32
        %add3A_986 = arith.addi %mul3A_984, %add3A_985 : i32
        %get3A_987 = arith.index_cast %scan3A_420 : i32 to index
        %get3A_988 = arith.constant 0 : index
        %get3A_989 = arith.constant 0 : index
        %get3A_990 = arith.index_cast %add3A_986 : i32 to index
        %get3A_991 = memref.load %arg1[%get3A_987, %get3A_988, %get3A_989, %get3A_990] : memref<32x1x1x160xf32, #tpu.memory_space<smem>>
        %get3A_992 = arith.constant 0 : index
        %get3A_993 = arith.constant 0 : index
        %get3A_994 = arith.constant 0 : index
        %get3A_995 = arith.index_cast %add3A_986 : i32 to index
        %get3A_996 = memref.load %arg2[%get3A_992, %get3A_993, %get3A_994, %get3A_995] : memref<1x1x1x160xf32, #tpu.memory_space<smem>>
        %get3A_997 = arith.constant 0 : index
        %get3A_998 = arith.constant 0 : index
        %get3A_999 = arith.constant 0 : index
        %get3A_1000 = arith.index_cast %add3A_986 : i32 to index
        %get3A_1001 = memref.load %arg3[%get3A_997, %get3A_998, %get3A_999, %get3A_1000] : memref<1x1x1x160xf32, #tpu.memory_space<smem>>
        %sub3A_1002 = vector.broadcast %get3A_991 : f32 to vector<8x128xf32>
        %sub3A_1003 = arith.subf %sub3A_26, %sub3A_1002 : vector<8x128xf32>
        %sub3A_1004 = vector.broadcast %get3A_996 : f32 to vector<8x128xf32>
        %sub3A_1005 = arith.subf %sub3A_14, %sub3A_1004 : vector<8x128xf32>
        %mul3A_1006 = arith.mulf %sub3A_1003, %sub3A_1003 : vector<8x128xf32>
        %mul3A_1007 = arith.mulf %sub3A_1005, %sub3A_1005 : vector<8x128xf32>
        %add3A_1008 = arith.addf %mul3A_1006, %mul3A_1007 : vector<8x128xf32>
        %le3A_1009 = vector.broadcast %scan3A : f32 to vector<8x128xf32>
        %le3A_1010 = arith.cmpf ole, %add3A_1008, %le3A_1009 : vector<8x128xf32>
        %broadcast_in_dim3A_1011 = vector.broadcast %get3A_1001 : f32 to vector<8x128xf32>
        %broadcast_in_dim3A_1012 = vector.broadcast %scan3A_58 : f32 to vector<8x128xf32>
        %select_n3A_1013 = arith.select %le3A_1010, %broadcast_in_dim3A_1011, %broadcast_in_dim3A_1012 : vector<8x128xi1>, vector<8x128xf32>
        %mul3A_1014 = vector.broadcast %scan3A_59 : f32 to vector<8x128xf32>
        %mul3A_1015 = arith.mulf %add3A_1008, %mul3A_1014 : vector<8x128xf32>
        %convert_element_type3A_1016 = arith.fptosi %mul3A_1015 : vector<8x128xf32> to vector<8x128xi32>
        %get3A_1017 = arith.constant 0 : index
        %get3A_1018 = arith.constant 0 : index
        %get3A_1019 = arith.constant 0 : index
        %get3A_1020 = arith.index_cast %add3A_986 : i32 to index
        %get3A_1021 = memref.load %arg4[%get3A_1017, %get3A_1018, %get3A_1019, %get3A_1020] : memref<1x1x1x160xi32, #tpu.memory_space<smem>>
        %shift_left3A_1022 = arith.constant 10 : i32
        %shift_left3A_1023 = arith.shli %get3A_1021, %shift_left3A_1022 : i32
        %add3A_1024 = vector.broadcast %shift_left3A_1023 : i32 to vector<8x128xi32>
        %add3A_1025 = arith.addi %add3A_1024, %convert_element_type3A_1016 : vector<8x128xi32>
        %lt3A_1026 = arith.cmpf olt, %select_n3A_1013, %min3A_944 : vector<8x128xf32>
        %min3A_1027 = arith.minimumf %min3A_944, %select_n3A_1013 : vector<8x128xf32>
        %max3A_1028 = arith.maximumf %min3A_944, %select_n3A_1013 : vector<8x128xf32>
        %select_n3A_1029 = arith.select %lt3A_1026, %add3A_1025, %select_n3A_946 : vector<8x128xi1>, vector<8x128xi32>
        %select_n3A_1030 = arith.select %lt3A_1026, %select_n3A_946, %add3A_1025 : vector<8x128xi1>, vector<8x128xi32>
        %lt3A_1031 = arith.cmpf olt, %max3A_1028, %min3A_949 : vector<8x128xf32>
        %min3A_1032 = arith.minimumf %min3A_949, %max3A_1028 : vector<8x128xf32>
        %max3A_1033 = arith.maximumf %min3A_949, %max3A_1028 : vector<8x128xf32>
        %select_n3A_1034 = arith.select %lt3A_1031, %select_n3A_1030, %select_n3A_951 : vector<8x128xi1>, vector<8x128xi32>
        %select_n3A_1035 = arith.select %lt3A_1031, %select_n3A_951, %select_n3A_1030 : vector<8x128xi1>, vector<8x128xi32>
        %lt3A_1036 = arith.cmpf olt, %max3A_1033, %min3A_954 : vector<8x128xf32>
        %min3A_1037 = arith.minimumf %min3A_954, %max3A_1033 : vector<8x128xf32>
        %max3A_1038 = arith.maximumf %min3A_954, %max3A_1033 : vector<8x128xf32>
        %select_n3A_1039 = arith.select %lt3A_1036, %select_n3A_1035, %select_n3A_956 : vector<8x128xi1>, vector<8x128xi32>
        %select_n3A_1040 = arith.select %lt3A_1036, %select_n3A_956, %select_n3A_1035 : vector<8x128xi1>, vector<8x128xi32>
        %lt3A_1041 = arith.cmpf olt, %max3A_1038, %min3A_959 : vector<8x128xf32>
        %min3A_1042 = arith.minimumf %min3A_959, %max3A_1038 : vector<8x128xf32>
        %max3A_1043 = arith.maximumf %min3A_959, %max3A_1038 : vector<8x128xf32>
        %select_n3A_1044 = arith.select %lt3A_1041, %select_n3A_1040, %select_n3A_961 : vector<8x128xi1>, vector<8x128xi32>
        %select_n3A_1045 = arith.select %lt3A_1041, %select_n3A_961, %select_n3A_1040 : vector<8x128xi1>, vector<8x128xi32>
        %lt3A_1046 = arith.cmpf olt, %max3A_1043, %min3A_964 : vector<8x128xf32>
        %min3A_1047 = arith.minimumf %min3A_964, %max3A_1043 : vector<8x128xf32>
        %max3A_1048 = arith.maximumf %min3A_964, %max3A_1043 : vector<8x128xf32>
        %select_n3A_1049 = arith.select %lt3A_1046, %select_n3A_1045, %select_n3A_966 : vector<8x128xi1>, vector<8x128xi32>
        %select_n3A_1050 = arith.select %lt3A_1046, %select_n3A_966, %select_n3A_1045 : vector<8x128xi1>, vector<8x128xi32>
        %lt3A_1051 = arith.cmpf olt, %max3A_1048, %min3A_969 : vector<8x128xf32>
        %min3A_1052 = arith.minimumf %min3A_969, %max3A_1048 : vector<8x128xf32>
        %max3A_1053 = arith.maximumf %min3A_969, %max3A_1048 : vector<8x128xf32>
        %select_n3A_1054 = arith.select %lt3A_1051, %select_n3A_1050, %select_n3A_971 : vector<8x128xi1>, vector<8x128xi32>
        %select_n3A_1055 = arith.select %lt3A_1051, %select_n3A_971, %select_n3A_1050 : vector<8x128xi1>, vector<8x128xi32>
        %lt3A_1056 = arith.cmpf olt, %max3A_1053, %min3A_974 : vector<8x128xf32>
        %min3A_1057 = arith.minimumf %min3A_974, %max3A_1053 : vector<8x128xf32>
        %max3A_1058 = arith.maximumf %min3A_974, %max3A_1053 : vector<8x128xf32>
        %select_n3A_1059 = arith.select %lt3A_1056, %select_n3A_1055, %select_n3A_976 : vector<8x128xi1>, vector<8x128xi32>
        %select_n3A_1060 = arith.select %lt3A_1056, %select_n3A_976, %select_n3A_1055 : vector<8x128xi1>, vector<8x128xi32>
        %lt3A_1061 = arith.cmpf olt, %max3A_1058, %min3A_979 : vector<8x128xf32>
        %min3A_1062 = arith.minimumf %min3A_979, %max3A_1058 : vector<8x128xf32>
        %max3A_1063 = arith.maximumf %min3A_979, %max3A_1058 : vector<8x128xf32>
        %select_n3A_1064 = arith.select %lt3A_1061, %select_n3A_1060, %select_n3A_981 : vector<8x128xi1>, vector<8x128xi32>
        %select_n3A_1065 = arith.select %lt3A_1061, %select_n3A_981, %select_n3A_1060 : vector<8x128xi1>, vector<8x128xi32>
        %mul3A_1066 = arith.constant 16 : i32
        %mul3A_1067 = arith.muli %mul3A_1066, %while3A_472 : i32
        %add3A_1068 = arith.constant 7 : i32
        %add3A_1069 = arith.addi %mul3A_1067, %add3A_1068 : i32
        %get3A_1070 = arith.index_cast %scan3A_420 : i32 to index
        %get3A_1071 = arith.constant 0 : index
        %get3A_1072 = arith.constant 0 : index
        %get3A_1073 = arith.index_cast %add3A_1069 : i32 to index
        %get3A_1074 = memref.load %arg1[%get3A_1070, %get3A_1071, %get3A_1072, %get3A_1073] : memref<32x1x1x160xf32, #tpu.memory_space<smem>>
        %get3A_1075 = arith.constant 0 : index
        %get3A_1076 = arith.constant 0 : index
        %get3A_1077 = arith.constant 0 : index
        %get3A_1078 = arith.index_cast %add3A_1069 : i32 to index
        %get3A_1079 = memref.load %arg2[%get3A_1075, %get3A_1076, %get3A_1077, %get3A_1078] : memref<1x1x1x160xf32, #tpu.memory_space<smem>>
        %get3A_1080 = arith.constant 0 : index
        %get3A_1081 = arith.constant 0 : index
        %get3A_1082 = arith.constant 0 : index
        %get3A_1083 = arith.index_cast %add3A_1069 : i32 to index
        %get3A_1084 = memref.load %arg3[%get3A_1080, %get3A_1081, %get3A_1082, %get3A_1083] : memref<1x1x1x160xf32, #tpu.memory_space<smem>>
        %sub3A_1085 = vector.broadcast %get3A_1074 : f32 to vector<8x128xf32>
        %sub3A_1086 = arith.subf %sub3A_26, %sub3A_1085 : vector<8x128xf32>
        %sub3A_1087 = vector.broadcast %get3A_1079 : f32 to vector<8x128xf32>
        %sub3A_1088 = arith.subf %sub3A_14, %sub3A_1087 : vector<8x128xf32>
        %mul3A_1089 = arith.mulf %sub3A_1086, %sub3A_1086 : vector<8x128xf32>
        %mul3A_1090 = arith.mulf %sub3A_1088, %sub3A_1088 : vector<8x128xf32>
        %add3A_1091 = arith.addf %mul3A_1089, %mul3A_1090 : vector<8x128xf32>
        %le3A_1092 = vector.broadcast %scan3A : f32 to vector<8x128xf32>
        %le3A_1093 = arith.cmpf ole, %add3A_1091, %le3A_1092 : vector<8x128xf32>
        %broadcast_in_dim3A_1094 = vector.broadcast %get3A_1084 : f32 to vector<8x128xf32>
        %broadcast_in_dim3A_1095 = vector.broadcast %scan3A_58 : f32 to vector<8x128xf32>
        %select_n3A_1096 = arith.select %le3A_1093, %broadcast_in_dim3A_1094, %broadcast_in_dim3A_1095 : vector<8x128xi1>, vector<8x128xf32>
        %mul3A_1097 = vector.broadcast %scan3A_59 : f32 to vector<8x128xf32>
        %mul3A_1098 = arith.mulf %add3A_1091, %mul3A_1097 : vector<8x128xf32>
        %convert_element_type3A_1099 = arith.fptosi %mul3A_1098 : vector<8x128xf32> to vector<8x128xi32>
        %get3A_1100 = arith.constant 0 : index
        %get3A_1101 = arith.constant 0 : index
        %get3A_1102 = arith.constant 0 : index
        %get3A_1103 = arith.index_cast %add3A_1069 : i32 to index
        %get3A_1104 = memref.load %arg4[%get3A_1100, %get3A_1101, %get3A_1102, %get3A_1103] : memref<1x1x1x160xi32, #tpu.memory_space<smem>>
        %shift_left3A_1105 = arith.constant 10 : i32
        %shift_left3A_1106 = arith.shli %get3A_1104, %shift_left3A_1105 : i32
        %add3A_1107 = vector.broadcast %shift_left3A_1106 : i32 to vector<8x128xi32>
        %add3A_1108 = arith.addi %add3A_1107, %convert_element_type3A_1099 : vector<8x128xi32>
        %lt3A_1109 = arith.cmpf olt, %select_n3A_1096, %min3A_1027 : vector<8x128xf32>
        %min3A_1110 = arith.minimumf %min3A_1027, %select_n3A_1096 : vector<8x128xf32>
        %max3A_1111 = arith.maximumf %min3A_1027, %select_n3A_1096 : vector<8x128xf32>
        %select_n3A_1112 = arith.select %lt3A_1109, %add3A_1108, %select_n3A_1029 : vector<8x128xi1>, vector<8x128xi32>
        %select_n3A_1113 = arith.select %lt3A_1109, %select_n3A_1029, %add3A_1108 : vector<8x128xi1>, vector<8x128xi32>
        %lt3A_1114 = arith.cmpf olt, %max3A_1111, %min3A_1032 : vector<8x128xf32>
        %min3A_1115 = arith.minimumf %min3A_1032, %max3A_1111 : vector<8x128xf32>
        %max3A_1116 = arith.maximumf %min3A_1032, %max3A_1111 : vector<8x128xf32>
        %select_n3A_1117 = arith.select %lt3A_1114, %select_n3A_1113, %select_n3A_1034 : vector<8x128xi1>, vector<8x128xi32>
        %select_n3A_1118 = arith.select %lt3A_1114, %select_n3A_1034, %select_n3A_1113 : vector<8x128xi1>, vector<8x128xi32>
        %lt3A_1119 = arith.cmpf olt, %max3A_1116, %min3A_1037 : vector<8x128xf32>
        %min3A_1120 = arith.minimumf %min3A_1037, %max3A_1116 : vector<8x128xf32>
        %max3A_1121 = arith.maximumf %min3A_1037, %max3A_1116 : vector<8x128xf32>
        %select_n3A_1122 = arith.select %lt3A_1119, %select_n3A_1118, %select_n3A_1039 : vector<8x128xi1>, vector<8x128xi32>
        %select_n3A_1123 = arith.select %lt3A_1119, %select_n3A_1039, %select_n3A_1118 : vector<8x128xi1>, vector<8x128xi32>
        %lt3A_1124 = arith.cmpf olt, %max3A_1121, %min3A_1042 : vector<8x128xf32>
        %min3A_1125 = arith.minimumf %min3A_1042, %max3A_1121 : vector<8x128xf32>
        %max3A_1126 = arith.maximumf %min3A_1042, %max3A_1121 : vector<8x128xf32>
        %select_n3A_1127 = arith.select %lt3A_1124, %select_n3A_1123, %select_n3A_1044 : vector<8x128xi1>, vector<8x128xi32>
        %select_n3A_1128 = arith.select %lt3A_1124, %select_n3A_1044, %select_n3A_1123 : vector<8x128xi1>, vector<8x128xi32>
        %lt3A_1129 = arith.cmpf olt, %max3A_1126, %min3A_1047 : vector<8x128xf32>
        %min3A_1130 = arith.minimumf %min3A_1047, %max3A_1126 : vector<8x128xf32>
        %max3A_1131 = arith.maximumf %min3A_1047, %max3A_1126 : vector<8x128xf32>
        %select_n3A_1132 = arith.select %lt3A_1129, %select_n3A_1128, %select_n3A_1049 : vector<8x128xi1>, vector<8x128xi32>
        %select_n3A_1133 = arith.select %lt3A_1129, %select_n3A_1049, %select_n3A_1128 : vector<8x128xi1>, vector<8x128xi32>
        %lt3A_1134 = arith.cmpf olt, %max3A_1131, %min3A_1052 : vector<8x128xf32>
        %min3A_1135 = arith.minimumf %min3A_1052, %max3A_1131 : vector<8x128xf32>
        %max3A_1136 = arith.maximumf %min3A_1052, %max3A_1131 : vector<8x128xf32>
        %select_n3A_1137 = arith.select %lt3A_1134, %select_n3A_1133, %select_n3A_1054 : vector<8x128xi1>, vector<8x128xi32>
        %select_n3A_1138 = arith.select %lt3A_1134, %select_n3A_1054, %select_n3A_1133 : vector<8x128xi1>, vector<8x128xi32>
        %lt3A_1139 = arith.cmpf olt, %max3A_1136, %min3A_1057 : vector<8x128xf32>
        %min3A_1140 = arith.minimumf %min3A_1057, %max3A_1136 : vector<8x128xf32>
        %max3A_1141 = arith.maximumf %min3A_1057, %max3A_1136 : vector<8x128xf32>
        %select_n3A_1142 = arith.select %lt3A_1139, %select_n3A_1138, %select_n3A_1059 : vector<8x128xi1>, vector<8x128xi32>
        %select_n3A_1143 = arith.select %lt3A_1139, %select_n3A_1059, %select_n3A_1138 : vector<8x128xi1>, vector<8x128xi32>
        %lt3A_1144 = arith.cmpf olt, %max3A_1141, %min3A_1062 : vector<8x128xf32>
        %min3A_1145 = arith.minimumf %min3A_1062, %max3A_1141 : vector<8x128xf32>
        %max3A_1146 = arith.maximumf %min3A_1062, %max3A_1141 : vector<8x128xf32>
        %select_n3A_1147 = arith.select %lt3A_1144, %select_n3A_1143, %select_n3A_1064 : vector<8x128xi1>, vector<8x128xi32>
        %select_n3A_1148 = arith.select %lt3A_1144, %select_n3A_1064, %select_n3A_1143 : vector<8x128xi1>, vector<8x128xi32>
        %mul3A_1149 = arith.constant 16 : i32
        %mul3A_1150 = arith.muli %mul3A_1149, %while3A_472 : i32
        %add3A_1151 = arith.constant 8 : i32
        %add3A_1152 = arith.addi %mul3A_1150, %add3A_1151 : i32
        %get3A_1153 = arith.index_cast %scan3A_420 : i32 to index
        %get3A_1154 = arith.constant 0 : index
        %get3A_1155 = arith.constant 0 : index
        %get3A_1156 = arith.index_cast %add3A_1152 : i32 to index
        %get3A_1157 = memref.load %arg1[%get3A_1153, %get3A_1154, %get3A_1155, %get3A_1156] : memref<32x1x1x160xf32, #tpu.memory_space<smem>>
        %get3A_1158 = arith.constant 0 : index
        %get3A_1159 = arith.constant 0 : index
        %get3A_1160 = arith.constant 0 : index
        %get3A_1161 = arith.index_cast %add3A_1152 : i32 to index
        %get3A_1162 = memref.load %arg2[%get3A_1158, %get3A_1159, %get3A_1160, %get3A_1161] : memref<1x1x1x160xf32, #tpu.memory_space<smem>>
        %get3A_1163 = arith.constant 0 : index
        %get3A_1164 = arith.constant 0 : index
        %get3A_1165 = arith.constant 0 : index
        %get3A_1166 = arith.index_cast %add3A_1152 : i32 to index
        %get3A_1167 = memref.load %arg3[%get3A_1163, %get3A_1164, %get3A_1165, %get3A_1166] : memref<1x1x1x160xf32, #tpu.memory_space<smem>>
        %sub3A_1168 = vector.broadcast %get3A_1157 : f32 to vector<8x128xf32>
        %sub3A_1169 = arith.subf %sub3A_26, %sub3A_1168 : vector<8x128xf32>
        %sub3A_1170 = vector.broadcast %get3A_1162 : f32 to vector<8x128xf32>
        %sub3A_1171 = arith.subf %sub3A_14, %sub3A_1170 : vector<8x128xf32>
        %mul3A_1172 = arith.mulf %sub3A_1169, %sub3A_1169 : vector<8x128xf32>
        %mul3A_1173 = arith.mulf %sub3A_1171, %sub3A_1171 : vector<8x128xf32>
        %add3A_1174 = arith.addf %mul3A_1172, %mul3A_1173 : vector<8x128xf32>
        %le3A_1175 = vector.broadcast %scan3A : f32 to vector<8x128xf32>
        %le3A_1176 = arith.cmpf ole, %add3A_1174, %le3A_1175 : vector<8x128xf32>
        %broadcast_in_dim3A_1177 = vector.broadcast %get3A_1167 : f32 to vector<8x128xf32>
        %broadcast_in_dim3A_1178 = vector.broadcast %scan3A_58 : f32 to vector<8x128xf32>
        %select_n3A_1179 = arith.select %le3A_1176, %broadcast_in_dim3A_1177, %broadcast_in_dim3A_1178 : vector<8x128xi1>, vector<8x128xf32>
        %mul3A_1180 = vector.broadcast %scan3A_59 : f32 to vector<8x128xf32>
        %mul3A_1181 = arith.mulf %add3A_1174, %mul3A_1180 : vector<8x128xf32>
        %convert_element_type3A_1182 = arith.fptosi %mul3A_1181 : vector<8x128xf32> to vector<8x128xi32>
        %get3A_1183 = arith.constant 0 : index
        %get3A_1184 = arith.constant 0 : index
        %get3A_1185 = arith.constant 0 : index
        %get3A_1186 = arith.index_cast %add3A_1152 : i32 to index
        %get3A_1187 = memref.load %arg4[%get3A_1183, %get3A_1184, %get3A_1185, %get3A_1186] : memref<1x1x1x160xi32, #tpu.memory_space<smem>>
        %shift_left3A_1188 = arith.constant 10 : i32
        %shift_left3A_1189 = arith.shli %get3A_1187, %shift_left3A_1188 : i32
        %add3A_1190 = vector.broadcast %shift_left3A_1189 : i32 to vector<8x128xi32>
        %add3A_1191 = arith.addi %add3A_1190, %convert_element_type3A_1182 : vector<8x128xi32>
        %lt3A_1192 = arith.cmpf olt, %select_n3A_1179, %min3A_1110 : vector<8x128xf32>
        %min3A_1193 = arith.minimumf %min3A_1110, %select_n3A_1179 : vector<8x128xf32>
        %max3A_1194 = arith.maximumf %min3A_1110, %select_n3A_1179 : vector<8x128xf32>
        %select_n3A_1195 = arith.select %lt3A_1192, %add3A_1191, %select_n3A_1112 : vector<8x128xi1>, vector<8x128xi32>
        %select_n3A_1196 = arith.select %lt3A_1192, %select_n3A_1112, %add3A_1191 : vector<8x128xi1>, vector<8x128xi32>
        %lt3A_1197 = arith.cmpf olt, %max3A_1194, %min3A_1115 : vector<8x128xf32>
        %min3A_1198 = arith.minimumf %min3A_1115, %max3A_1194 : vector<8x128xf32>
        %max3A_1199 = arith.maximumf %min3A_1115, %max3A_1194 : vector<8x128xf32>
        %select_n3A_1200 = arith.select %lt3A_1197, %select_n3A_1196, %select_n3A_1117 : vector<8x128xi1>, vector<8x128xi32>
        %select_n3A_1201 = arith.select %lt3A_1197, %select_n3A_1117, %select_n3A_1196 : vector<8x128xi1>, vector<8x128xi32>
        %lt3A_1202 = arith.cmpf olt, %max3A_1199, %min3A_1120 : vector<8x128xf32>
        %min3A_1203 = arith.minimumf %min3A_1120, %max3A_1199 : vector<8x128xf32>
        %max3A_1204 = arith.maximumf %min3A_1120, %max3A_1199 : vector<8x128xf32>
        %select_n3A_1205 = arith.select %lt3A_1202, %select_n3A_1201, %select_n3A_1122 : vector<8x128xi1>, vector<8x128xi32>
        %select_n3A_1206 = arith.select %lt3A_1202, %select_n3A_1122, %select_n3A_1201 : vector<8x128xi1>, vector<8x128xi32>
        %lt3A_1207 = arith.cmpf olt, %max3A_1204, %min3A_1125 : vector<8x128xf32>
        %min3A_1208 = arith.minimumf %min3A_1125, %max3A_1204 : vector<8x128xf32>
        %max3A_1209 = arith.maximumf %min3A_1125, %max3A_1204 : vector<8x128xf32>
        %select_n3A_1210 = arith.select %lt3A_1207, %select_n3A_1206, %select_n3A_1127 : vector<8x128xi1>, vector<8x128xi32>
        %select_n3A_1211 = arith.select %lt3A_1207, %select_n3A_1127, %select_n3A_1206 : vector<8x128xi1>, vector<8x128xi32>
        %lt3A_1212 = arith.cmpf olt, %max3A_1209, %min3A_1130 : vector<8x128xf32>
        %min3A_1213 = arith.minimumf %min3A_1130, %max3A_1209 : vector<8x128xf32>
        %max3A_1214 = arith.maximumf %min3A_1130, %max3A_1209 : vector<8x128xf32>
        %select_n3A_1215 = arith.select %lt3A_1212, %select_n3A_1211, %select_n3A_1132 : vector<8x128xi1>, vector<8x128xi32>
        %select_n3A_1216 = arith.select %lt3A_1212, %select_n3A_1132, %select_n3A_1211 : vector<8x128xi1>, vector<8x128xi32>
        %lt3A_1217 = arith.cmpf olt, %max3A_1214, %min3A_1135 : vector<8x128xf32>
        %min3A_1218 = arith.minimumf %min3A_1135, %max3A_1214 : vector<8x128xf32>
        %max3A_1219 = arith.maximumf %min3A_1135, %max3A_1214 : vector<8x128xf32>
        %select_n3A_1220 = arith.select %lt3A_1217, %select_n3A_1216, %select_n3A_1137 : vector<8x128xi1>, vector<8x128xi32>
        %select_n3A_1221 = arith.select %lt3A_1217, %select_n3A_1137, %select_n3A_1216 : vector<8x128xi1>, vector<8x128xi32>
        %lt3A_1222 = arith.cmpf olt, %max3A_1219, %min3A_1140 : vector<8x128xf32>
        %min3A_1223 = arith.minimumf %min3A_1140, %max3A_1219 : vector<8x128xf32>
        %max3A_1224 = arith.maximumf %min3A_1140, %max3A_1219 : vector<8x128xf32>
        %select_n3A_1225 = arith.select %lt3A_1222, %select_n3A_1221, %select_n3A_1142 : vector<8x128xi1>, vector<8x128xi32>
        %select_n3A_1226 = arith.select %lt3A_1222, %select_n3A_1142, %select_n3A_1221 : vector<8x128xi1>, vector<8x128xi32>
        %lt3A_1227 = arith.cmpf olt, %max3A_1224, %min3A_1145 : vector<8x128xf32>
        %min3A_1228 = arith.minimumf %min3A_1145, %max3A_1224 : vector<8x128xf32>
        %max3A_1229 = arith.maximumf %min3A_1145, %max3A_1224 : vector<8x128xf32>
        %select_n3A_1230 = arith.select %lt3A_1227, %select_n3A_1226, %select_n3A_1147 : vector<8x128xi1>, vector<8x128xi32>
        %select_n3A_1231 = arith.select %lt3A_1227, %select_n3A_1147, %select_n3A_1226 : vector<8x128xi1>, vector<8x128xi32>
        %mul3A_1232 = arith.constant 16 : i32
        %mul3A_1233 = arith.muli %mul3A_1232, %while3A_472 : i32
        %add3A_1234 = arith.constant 9 : i32
        %add3A_1235 = arith.addi %mul3A_1233, %add3A_1234 : i32
        %get3A_1236 = arith.index_cast %scan3A_420 : i32 to index
        %get3A_1237 = arith.constant 0 : index
        %get3A_1238 = arith.constant 0 : index
        %get3A_1239 = arith.index_cast %add3A_1235 : i32 to index
        %get3A_1240 = memref.load %arg1[%get3A_1236, %get3A_1237, %get3A_1238, %get3A_1239] : memref<32x1x1x160xf32, #tpu.memory_space<smem>>
        %get3A_1241 = arith.constant 0 : index
        %get3A_1242 = arith.constant 0 : index
        %get3A_1243 = arith.constant 0 : index
        %get3A_1244 = arith.index_cast %add3A_1235 : i32 to index
        %get3A_1245 = memref.load %arg2[%get3A_1241, %get3A_1242, %get3A_1243, %get3A_1244] : memref<1x1x1x160xf32, #tpu.memory_space<smem>>
        %get3A_1246 = arith.constant 0 : index
        %get3A_1247 = arith.constant 0 : index
        %get3A_1248 = arith.constant 0 : index
        %get3A_1249 = arith.index_cast %add3A_1235 : i32 to index
        %get3A_1250 = memref.load %arg3[%get3A_1246, %get3A_1247, %get3A_1248, %get3A_1249] : memref<1x1x1x160xf32, #tpu.memory_space<smem>>
        %sub3A_1251 = vector.broadcast %get3A_1240 : f32 to vector<8x128xf32>
        %sub3A_1252 = arith.subf %sub3A_26, %sub3A_1251 : vector<8x128xf32>
        %sub3A_1253 = vector.broadcast %get3A_1245 : f32 to vector<8x128xf32>
        %sub3A_1254 = arith.subf %sub3A_14, %sub3A_1253 : vector<8x128xf32>
        %mul3A_1255 = arith.mulf %sub3A_1252, %sub3A_1252 : vector<8x128xf32>
        %mul3A_1256 = arith.mulf %sub3A_1254, %sub3A_1254 : vector<8x128xf32>
        %add3A_1257 = arith.addf %mul3A_1255, %mul3A_1256 : vector<8x128xf32>
        %le3A_1258 = vector.broadcast %scan3A : f32 to vector<8x128xf32>
        %le3A_1259 = arith.cmpf ole, %add3A_1257, %le3A_1258 : vector<8x128xf32>
        %broadcast_in_dim3A_1260 = vector.broadcast %get3A_1250 : f32 to vector<8x128xf32>
        %broadcast_in_dim3A_1261 = vector.broadcast %scan3A_58 : f32 to vector<8x128xf32>
        %select_n3A_1262 = arith.select %le3A_1259, %broadcast_in_dim3A_1260, %broadcast_in_dim3A_1261 : vector<8x128xi1>, vector<8x128xf32>
        %mul3A_1263 = vector.broadcast %scan3A_59 : f32 to vector<8x128xf32>
        %mul3A_1264 = arith.mulf %add3A_1257, %mul3A_1263 : vector<8x128xf32>
        %convert_element_type3A_1265 = arith.fptosi %mul3A_1264 : vector<8x128xf32> to vector<8x128xi32>
        %get3A_1266 = arith.constant 0 : index
        %get3A_1267 = arith.constant 0 : index
        %get3A_1268 = arith.constant 0 : index
        %get3A_1269 = arith.index_cast %add3A_1235 : i32 to index
        %get3A_1270 = memref.load %arg4[%get3A_1266, %get3A_1267, %get3A_1268, %get3A_1269] : memref<1x1x1x160xi32, #tpu.memory_space<smem>>
        %shift_left3A_1271 = arith.constant 10 : i32
        %shift_left3A_1272 = arith.shli %get3A_1270, %shift_left3A_1271 : i32
        %add3A_1273 = vector.broadcast %shift_left3A_1272 : i32 to vector<8x128xi32>
        %add3A_1274 = arith.addi %add3A_1273, %convert_element_type3A_1265 : vector<8x128xi32>
        %lt3A_1275 = arith.cmpf olt, %select_n3A_1262, %min3A_1193 : vector<8x128xf32>
        %min3A_1276 = arith.minimumf %min3A_1193, %select_n3A_1262 : vector<8x128xf32>
        %max3A_1277 = arith.maximumf %min3A_1193, %select_n3A_1262 : vector<8x128xf32>
        %select_n3A_1278 = arith.select %lt3A_1275, %add3A_1274, %select_n3A_1195 : vector<8x128xi1>, vector<8x128xi32>
        %select_n3A_1279 = arith.select %lt3A_1275, %select_n3A_1195, %add3A_1274 : vector<8x128xi1>, vector<8x128xi32>
        %lt3A_1280 = arith.cmpf olt, %max3A_1277, %min3A_1198 : vector<8x128xf32>
        %min3A_1281 = arith.minimumf %min3A_1198, %max3A_1277 : vector<8x128xf32>
        %max3A_1282 = arith.maximumf %min3A_1198, %max3A_1277 : vector<8x128xf32>
        %select_n3A_1283 = arith.select %lt3A_1280, %select_n3A_1279, %select_n3A_1200 : vector<8x128xi1>, vector<8x128xi32>
        %select_n3A_1284 = arith.select %lt3A_1280, %select_n3A_1200, %select_n3A_1279 : vector<8x128xi1>, vector<8x128xi32>
        %lt3A_1285 = arith.cmpf olt, %max3A_1282, %min3A_1203 : vector<8x128xf32>
        %min3A_1286 = arith.minimumf %min3A_1203, %max3A_1282 : vector<8x128xf32>
        %max3A_1287 = arith.maximumf %min3A_1203, %max3A_1282 : vector<8x128xf32>
        %select_n3A_1288 = arith.select %lt3A_1285, %select_n3A_1284, %select_n3A_1205 : vector<8x128xi1>, vector<8x128xi32>
        %select_n3A_1289 = arith.select %lt3A_1285, %select_n3A_1205, %select_n3A_1284 : vector<8x128xi1>, vector<8x128xi32>
        %lt3A_1290 = arith.cmpf olt, %max3A_1287, %min3A_1208 : vector<8x128xf32>
        %min3A_1291 = arith.minimumf %min3A_1208, %max3A_1287 : vector<8x128xf32>
        %max3A_1292 = arith.maximumf %min3A_1208, %max3A_1287 : vector<8x128xf32>
        %select_n3A_1293 = arith.select %lt3A_1290, %select_n3A_1289, %select_n3A_1210 : vector<8x128xi1>, vector<8x128xi32>
        %select_n3A_1294 = arith.select %lt3A_1290, %select_n3A_1210, %select_n3A_1289 : vector<8x128xi1>, vector<8x128xi32>
        %lt3A_1295 = arith.cmpf olt, %max3A_1292, %min3A_1213 : vector<8x128xf32>
        %min3A_1296 = arith.minimumf %min3A_1213, %max3A_1292 : vector<8x128xf32>
        %max3A_1297 = arith.maximumf %min3A_1213, %max3A_1292 : vector<8x128xf32>
        %select_n3A_1298 = arith.select %lt3A_1295, %select_n3A_1294, %select_n3A_1215 : vector<8x128xi1>, vector<8x128xi32>
        %select_n3A_1299 = arith.select %lt3A_1295, %select_n3A_1215, %select_n3A_1294 : vector<8x128xi1>, vector<8x128xi32>
        %lt3A_1300 = arith.cmpf olt, %max3A_1297, %min3A_1218 : vector<8x128xf32>
        %min3A_1301 = arith.minimumf %min3A_1218, %max3A_1297 : vector<8x128xf32>
        %max3A_1302 = arith.maximumf %min3A_1218, %max3A_1297 : vector<8x128xf32>
        %select_n3A_1303 = arith.select %lt3A_1300, %select_n3A_1299, %select_n3A_1220 : vector<8x128xi1>, vector<8x128xi32>
        %select_n3A_1304 = arith.select %lt3A_1300, %select_n3A_1220, %select_n3A_1299 : vector<8x128xi1>, vector<8x128xi32>
        %lt3A_1305 = arith.cmpf olt, %max3A_1302, %min3A_1223 : vector<8x128xf32>
        %min3A_1306 = arith.minimumf %min3A_1223, %max3A_1302 : vector<8x128xf32>
        %max3A_1307 = arith.maximumf %min3A_1223, %max3A_1302 : vector<8x128xf32>
        %select_n3A_1308 = arith.select %lt3A_1305, %select_n3A_1304, %select_n3A_1225 : vector<8x128xi1>, vector<8x128xi32>
        %select_n3A_1309 = arith.select %lt3A_1305, %select_n3A_1225, %select_n3A_1304 : vector<8x128xi1>, vector<8x128xi32>
        %lt3A_1310 = arith.cmpf olt, %max3A_1307, %min3A_1228 : vector<8x128xf32>
        %min3A_1311 = arith.minimumf %min3A_1228, %max3A_1307 : vector<8x128xf32>
        %max3A_1312 = arith.maximumf %min3A_1228, %max3A_1307 : vector<8x128xf32>
        %select_n3A_1313 = arith.select %lt3A_1310, %select_n3A_1309, %select_n3A_1230 : vector<8x128xi1>, vector<8x128xi32>
        %select_n3A_1314 = arith.select %lt3A_1310, %select_n3A_1230, %select_n3A_1309 : vector<8x128xi1>, vector<8x128xi32>
        %mul3A_1315 = arith.constant 16 : i32
        %mul3A_1316 = arith.muli %mul3A_1315, %while3A_472 : i32
        %add3A_1317 = arith.constant 10 : i32
        %add3A_1318 = arith.addi %mul3A_1316, %add3A_1317 : i32
        %get3A_1319 = arith.index_cast %scan3A_420 : i32 to index
        %get3A_1320 = arith.constant 0 : index
        %get3A_1321 = arith.constant 0 : index
        %get3A_1322 = arith.index_cast %add3A_1318 : i32 to index
        %get3A_1323 = memref.load %arg1[%get3A_1319, %get3A_1320, %get3A_1321, %get3A_1322] : memref<32x1x1x160xf32, #tpu.memory_space<smem>>
        %get3A_1324 = arith.constant 0 : index
        %get3A_1325 = arith.constant 0 : index
        %get3A_1326 = arith.constant 0 : index
        %get3A_1327 = arith.index_cast %add3A_1318 : i32 to index
        %get3A_1328 = memref.load %arg2[%get3A_1324, %get3A_1325, %get3A_1326, %get3A_1327] : memref<1x1x1x160xf32, #tpu.memory_space<smem>>
        %get3A_1329 = arith.constant 0 : index
        %get3A_1330 = arith.constant 0 : index
        %get3A_1331 = arith.constant 0 : index
        %get3A_1332 = arith.index_cast %add3A_1318 : i32 to index
        %get3A_1333 = memref.load %arg3[%get3A_1329, %get3A_1330, %get3A_1331, %get3A_1332] : memref<1x1x1x160xf32, #tpu.memory_space<smem>>
        %sub3A_1334 = vector.broadcast %get3A_1323 : f32 to vector<8x128xf32>
        %sub3A_1335 = arith.subf %sub3A_26, %sub3A_1334 : vector<8x128xf32>
        %sub3A_1336 = vector.broadcast %get3A_1328 : f32 to vector<8x128xf32>
        %sub3A_1337 = arith.subf %sub3A_14, %sub3A_1336 : vector<8x128xf32>
        %mul3A_1338 = arith.mulf %sub3A_1335, %sub3A_1335 : vector<8x128xf32>
        %mul3A_1339 = arith.mulf %sub3A_1337, %sub3A_1337 : vector<8x128xf32>
        %add3A_1340 = arith.addf %mul3A_1338, %mul3A_1339 : vector<8x128xf32>
        %le3A_1341 = vector.broadcast %scan3A : f32 to vector<8x128xf32>
        %le3A_1342 = arith.cmpf ole, %add3A_1340, %le3A_1341 : vector<8x128xf32>
        %broadcast_in_dim3A_1343 = vector.broadcast %get3A_1333 : f32 to vector<8x128xf32>
        %broadcast_in_dim3A_1344 = vector.broadcast %scan3A_58 : f32 to vector<8x128xf32>
        %select_n3A_1345 = arith.select %le3A_1342, %broadcast_in_dim3A_1343, %broadcast_in_dim3A_1344 : vector<8x128xi1>, vector<8x128xf32>
        %mul3A_1346 = vector.broadcast %scan3A_59 : f32 to vector<8x128xf32>
        %mul3A_1347 = arith.mulf %add3A_1340, %mul3A_1346 : vector<8x128xf32>
        %convert_element_type3A_1348 = arith.fptosi %mul3A_1347 : vector<8x128xf32> to vector<8x128xi32>
        %get3A_1349 = arith.constant 0 : index
        %get3A_1350 = arith.constant 0 : index
        %get3A_1351 = arith.constant 0 : index
        %get3A_1352 = arith.index_cast %add3A_1318 : i32 to index
        %get3A_1353 = memref.load %arg4[%get3A_1349, %get3A_1350, %get3A_1351, %get3A_1352] : memref<1x1x1x160xi32, #tpu.memory_space<smem>>
        %shift_left3A_1354 = arith.constant 10 : i32
        %shift_left3A_1355 = arith.shli %get3A_1353, %shift_left3A_1354 : i32
        %add3A_1356 = vector.broadcast %shift_left3A_1355 : i32 to vector<8x128xi32>
        %add3A_1357 = arith.addi %add3A_1356, %convert_element_type3A_1348 : vector<8x128xi32>
        %lt3A_1358 = arith.cmpf olt, %select_n3A_1345, %min3A_1276 : vector<8x128xf32>
        %min3A_1359 = arith.minimumf %min3A_1276, %select_n3A_1345 : vector<8x128xf32>
        %max3A_1360 = arith.maximumf %min3A_1276, %select_n3A_1345 : vector<8x128xf32>
        %select_n3A_1361 = arith.select %lt3A_1358, %add3A_1357, %select_n3A_1278 : vector<8x128xi1>, vector<8x128xi32>
        %select_n3A_1362 = arith.select %lt3A_1358, %select_n3A_1278, %add3A_1357 : vector<8x128xi1>, vector<8x128xi32>
        %lt3A_1363 = arith.cmpf olt, %max3A_1360, %min3A_1281 : vector<8x128xf32>
        %min3A_1364 = arith.minimumf %min3A_1281, %max3A_1360 : vector<8x128xf32>
        %max3A_1365 = arith.maximumf %min3A_1281, %max3A_1360 : vector<8x128xf32>
        %select_n3A_1366 = arith.select %lt3A_1363, %select_n3A_1362, %select_n3A_1283 : vector<8x128xi1>, vector<8x128xi32>
        %select_n3A_1367 = arith.select %lt3A_1363, %select_n3A_1283, %select_n3A_1362 : vector<8x128xi1>, vector<8x128xi32>
        %lt3A_1368 = arith.cmpf olt, %max3A_1365, %min3A_1286 : vector<8x128xf32>
        %min3A_1369 = arith.minimumf %min3A_1286, %max3A_1365 : vector<8x128xf32>
        %max3A_1370 = arith.maximumf %min3A_1286, %max3A_1365 : vector<8x128xf32>
        %select_n3A_1371 = arith.select %lt3A_1368, %select_n3A_1367, %select_n3A_1288 : vector<8x128xi1>, vector<8x128xi32>
        %select_n3A_1372 = arith.select %lt3A_1368, %select_n3A_1288, %select_n3A_1367 : vector<8x128xi1>, vector<8x128xi32>
        %lt3A_1373 = arith.cmpf olt, %max3A_1370, %min3A_1291 : vector<8x128xf32>
        %min3A_1374 = arith.minimumf %min3A_1291, %max3A_1370 : vector<8x128xf32>
        %max3A_1375 = arith.maximumf %min3A_1291, %max3A_1370 : vector<8x128xf32>
        %select_n3A_1376 = arith.select %lt3A_1373, %select_n3A_1372, %select_n3A_1293 : vector<8x128xi1>, vector<8x128xi32>
        %select_n3A_1377 = arith.select %lt3A_1373, %select_n3A_1293, %select_n3A_1372 : vector<8x128xi1>, vector<8x128xi32>
        %lt3A_1378 = arith.cmpf olt, %max3A_1375, %min3A_1296 : vector<8x128xf32>
        %min3A_1379 = arith.minimumf %min3A_1296, %max3A_1375 : vector<8x128xf32>
        %max3A_1380 = arith.maximumf %min3A_1296, %max3A_1375 : vector<8x128xf32>
        %select_n3A_1381 = arith.select %lt3A_1378, %select_n3A_1377, %select_n3A_1298 : vector<8x128xi1>, vector<8x128xi32>
        %select_n3A_1382 = arith.select %lt3A_1378, %select_n3A_1298, %select_n3A_1377 : vector<8x128xi1>, vector<8x128xi32>
        %lt3A_1383 = arith.cmpf olt, %max3A_1380, %min3A_1301 : vector<8x128xf32>
        %min3A_1384 = arith.minimumf %min3A_1301, %max3A_1380 : vector<8x128xf32>
        %max3A_1385 = arith.maximumf %min3A_1301, %max3A_1380 : vector<8x128xf32>
        %select_n3A_1386 = arith.select %lt3A_1383, %select_n3A_1382, %select_n3A_1303 : vector<8x128xi1>, vector<8x128xi32>
        %select_n3A_1387 = arith.select %lt3A_1383, %select_n3A_1303, %select_n3A_1382 : vector<8x128xi1>, vector<8x128xi32>
        %lt3A_1388 = arith.cmpf olt, %max3A_1385, %min3A_1306 : vector<8x128xf32>
        %min3A_1389 = arith.minimumf %min3A_1306, %max3A_1385 : vector<8x128xf32>
        %max3A_1390 = arith.maximumf %min3A_1306, %max3A_1385 : vector<8x128xf32>
        %select_n3A_1391 = arith.select %lt3A_1388, %select_n3A_1387, %select_n3A_1308 : vector<8x128xi1>, vector<8x128xi32>
        %select_n3A_1392 = arith.select %lt3A_1388, %select_n3A_1308, %select_n3A_1387 : vector<8x128xi1>, vector<8x128xi32>
        %lt3A_1393 = arith.cmpf olt, %max3A_1390, %min3A_1311 : vector<8x128xf32>
        %min3A_1394 = arith.minimumf %min3A_1311, %max3A_1390 : vector<8x128xf32>
        %max3A_1395 = arith.maximumf %min3A_1311, %max3A_1390 : vector<8x128xf32>
        %select_n3A_1396 = arith.select %lt3A_1393, %select_n3A_1392, %select_n3A_1313 : vector<8x128xi1>, vector<8x128xi32>
        %select_n3A_1397 = arith.select %lt3A_1393, %select_n3A_1313, %select_n3A_1392 : vector<8x128xi1>, vector<8x128xi32>
        %mul3A_1398 = arith.constant 16 : i32
        %mul3A_1399 = arith.muli %mul3A_1398, %while3A_472 : i32
        %add3A_1400 = arith.constant 11 : i32
        %add3A_1401 = arith.addi %mul3A_1399, %add3A_1400 : i32
        %get3A_1402 = arith.index_cast %scan3A_420 : i32 to index
        %get3A_1403 = arith.constant 0 : index
        %get3A_1404 = arith.constant 0 : index
        %get3A_1405 = arith.index_cast %add3A_1401 : i32 to index
        %get3A_1406 = memref.load %arg1[%get3A_1402, %get3A_1403, %get3A_1404, %get3A_1405] : memref<32x1x1x160xf32, #tpu.memory_space<smem>>
        %get3A_1407 = arith.constant 0 : index
        %get3A_1408 = arith.constant 0 : index
        %get3A_1409 = arith.constant 0 : index
        %get3A_1410 = arith.index_cast %add3A_1401 : i32 to index
        %get3A_1411 = memref.load %arg2[%get3A_1407, %get3A_1408, %get3A_1409, %get3A_1410] : memref<1x1x1x160xf32, #tpu.memory_space<smem>>
        %get3A_1412 = arith.constant 0 : index
        %get3A_1413 = arith.constant 0 : index
        %get3A_1414 = arith.constant 0 : index
        %get3A_1415 = arith.index_cast %add3A_1401 : i32 to index
        %get3A_1416 = memref.load %arg3[%get3A_1412, %get3A_1413, %get3A_1414, %get3A_1415] : memref<1x1x1x160xf32, #tpu.memory_space<smem>>
        %sub3A_1417 = vector.broadcast %get3A_1406 : f32 to vector<8x128xf32>
        %sub3A_1418 = arith.subf %sub3A_26, %sub3A_1417 : vector<8x128xf32>
        %sub3A_1419 = vector.broadcast %get3A_1411 : f32 to vector<8x128xf32>
        %sub3A_1420 = arith.subf %sub3A_14, %sub3A_1419 : vector<8x128xf32>
        %mul3A_1421 = arith.mulf %sub3A_1418, %sub3A_1418 : vector<8x128xf32>
        %mul3A_1422 = arith.mulf %sub3A_1420, %sub3A_1420 : vector<8x128xf32>
        %add3A_1423 = arith.addf %mul3A_1421, %mul3A_1422 : vector<8x128xf32>
        %le3A_1424 = vector.broadcast %scan3A : f32 to vector<8x128xf32>
        %le3A_1425 = arith.cmpf ole, %add3A_1423, %le3A_1424 : vector<8x128xf32>
        %broadcast_in_dim3A_1426 = vector.broadcast %get3A_1416 : f32 to vector<8x128xf32>
        %broadcast_in_dim3A_1427 = vector.broadcast %scan3A_58 : f32 to vector<8x128xf32>
        %select_n3A_1428 = arith.select %le3A_1425, %broadcast_in_dim3A_1426, %broadcast_in_dim3A_1427 : vector<8x128xi1>, vector<8x128xf32>
        %mul3A_1429 = vector.broadcast %scan3A_59 : f32 to vector<8x128xf32>
        %mul3A_1430 = arith.mulf %add3A_1423, %mul3A_1429 : vector<8x128xf32>
        %convert_element_type3A_1431 = arith.fptosi %mul3A_1430 : vector<8x128xf32> to vector<8x128xi32>
        %get3A_1432 = arith.constant 0 : index
        %get3A_1433 = arith.constant 0 : index
        %get3A_1434 = arith.constant 0 : index
        %get3A_1435 = arith.index_cast %add3A_1401 : i32 to index
        %get3A_1436 = memref.load %arg4[%get3A_1432, %get3A_1433, %get3A_1434, %get3A_1435] : memref<1x1x1x160xi32, #tpu.memory_space<smem>>
        %shift_left3A_1437 = arith.constant 10 : i32
        %shift_left3A_1438 = arith.shli %get3A_1436, %shift_left3A_1437 : i32
        %add3A_1439 = vector.broadcast %shift_left3A_1438 : i32 to vector<8x128xi32>
        %add3A_1440 = arith.addi %add3A_1439, %convert_element_type3A_1431 : vector<8x128xi32>
        %lt3A_1441 = arith.cmpf olt, %select_n3A_1428, %min3A_1359 : vector<8x128xf32>
        %min3A_1442 = arith.minimumf %min3A_1359, %select_n3A_1428 : vector<8x128xf32>
        %max3A_1443 = arith.maximumf %min3A_1359, %select_n3A_1428 : vector<8x128xf32>
        %select_n3A_1444 = arith.select %lt3A_1441, %add3A_1440, %select_n3A_1361 : vector<8x128xi1>, vector<8x128xi32>
        %select_n3A_1445 = arith.select %lt3A_1441, %select_n3A_1361, %add3A_1440 : vector<8x128xi1>, vector<8x128xi32>
        %lt3A_1446 = arith.cmpf olt, %max3A_1443, %min3A_1364 : vector<8x128xf32>
        %min3A_1447 = arith.minimumf %min3A_1364, %max3A_1443 : vector<8x128xf32>
        %max3A_1448 = arith.maximumf %min3A_1364, %max3A_1443 : vector<8x128xf32>
        %select_n3A_1449 = arith.select %lt3A_1446, %select_n3A_1445, %select_n3A_1366 : vector<8x128xi1>, vector<8x128xi32>
        %select_n3A_1450 = arith.select %lt3A_1446, %select_n3A_1366, %select_n3A_1445 : vector<8x128xi1>, vector<8x128xi32>
        %lt3A_1451 = arith.cmpf olt, %max3A_1448, %min3A_1369 : vector<8x128xf32>
        %min3A_1452 = arith.minimumf %min3A_1369, %max3A_1448 : vector<8x128xf32>
        %max3A_1453 = arith.maximumf %min3A_1369, %max3A_1448 : vector<8x128xf32>
        %select_n3A_1454 = arith.select %lt3A_1451, %select_n3A_1450, %select_n3A_1371 : vector<8x128xi1>, vector<8x128xi32>
        %select_n3A_1455 = arith.select %lt3A_1451, %select_n3A_1371, %select_n3A_1450 : vector<8x128xi1>, vector<8x128xi32>
        %lt3A_1456 = arith.cmpf olt, %max3A_1453, %min3A_1374 : vector<8x128xf32>
        %min3A_1457 = arith.minimumf %min3A_1374, %max3A_1453 : vector<8x128xf32>
        %max3A_1458 = arith.maximumf %min3A_1374, %max3A_1453 : vector<8x128xf32>
        %select_n3A_1459 = arith.select %lt3A_1456, %select_n3A_1455, %select_n3A_1376 : vector<8x128xi1>, vector<8x128xi32>
        %select_n3A_1460 = arith.select %lt3A_1456, %select_n3A_1376, %select_n3A_1455 : vector<8x128xi1>, vector<8x128xi32>
        %lt3A_1461 = arith.cmpf olt, %max3A_1458, %min3A_1379 : vector<8x128xf32>
        %min3A_1462 = arith.minimumf %min3A_1379, %max3A_1458 : vector<8x128xf32>
        %max3A_1463 = arith.maximumf %min3A_1379, %max3A_1458 : vector<8x128xf32>
        %select_n3A_1464 = arith.select %lt3A_1461, %select_n3A_1460, %select_n3A_1381 : vector<8x128xi1>, vector<8x128xi32>
        %select_n3A_1465 = arith.select %lt3A_1461, %select_n3A_1381, %select_n3A_1460 : vector<8x128xi1>, vector<8x128xi32>
        %lt3A_1466 = arith.cmpf olt, %max3A_1463, %min3A_1384 : vector<8x128xf32>
        %min3A_1467 = arith.minimumf %min3A_1384, %max3A_1463 : vector<8x128xf32>
        %max3A_1468 = arith.maximumf %min3A_1384, %max3A_1463 : vector<8x128xf32>
        %select_n3A_1469 = arith.select %lt3A_1466, %select_n3A_1465, %select_n3A_1386 : vector<8x128xi1>, vector<8x128xi32>
        %select_n3A_1470 = arith.select %lt3A_1466, %select_n3A_1386, %select_n3A_1465 : vector<8x128xi1>, vector<8x128xi32>
        %lt3A_1471 = arith.cmpf olt, %max3A_1468, %min3A_1389 : vector<8x128xf32>
        %min3A_1472 = arith.minimumf %min3A_1389, %max3A_1468 : vector<8x128xf32>
        %max3A_1473 = arith.maximumf %min3A_1389, %max3A_1468 : vector<8x128xf32>
        %select_n3A_1474 = arith.select %lt3A_1471, %select_n3A_1470, %select_n3A_1391 : vector<8x128xi1>, vector<8x128xi32>
        %select_n3A_1475 = arith.select %lt3A_1471, %select_n3A_1391, %select_n3A_1470 : vector<8x128xi1>, vector<8x128xi32>
        %lt3A_1476 = arith.cmpf olt, %max3A_1473, %min3A_1394 : vector<8x128xf32>
        %min3A_1477 = arith.minimumf %min3A_1394, %max3A_1473 : vector<8x128xf32>
        %max3A_1478 = arith.maximumf %min3A_1394, %max3A_1473 : vector<8x128xf32>
        %select_n3A_1479 = arith.select %lt3A_1476, %select_n3A_1475, %select_n3A_1396 : vector<8x128xi1>, vector<8x128xi32>
        %select_n3A_1480 = arith.select %lt3A_1476, %select_n3A_1396, %select_n3A_1475 : vector<8x128xi1>, vector<8x128xi32>
        %mul3A_1481 = arith.constant 16 : i32
        %mul3A_1482 = arith.muli %mul3A_1481, %while3A_472 : i32
        %add3A_1483 = arith.constant 12 : i32
        %add3A_1484 = arith.addi %mul3A_1482, %add3A_1483 : i32
        %get3A_1485 = arith.index_cast %scan3A_420 : i32 to index
        %get3A_1486 = arith.constant 0 : index
        %get3A_1487 = arith.constant 0 : index
        %get3A_1488 = arith.index_cast %add3A_1484 : i32 to index
        %get3A_1489 = memref.load %arg1[%get3A_1485, %get3A_1486, %get3A_1487, %get3A_1488] : memref<32x1x1x160xf32, #tpu.memory_space<smem>>
        %get3A_1490 = arith.constant 0 : index
        %get3A_1491 = arith.constant 0 : index
        %get3A_1492 = arith.constant 0 : index
        %get3A_1493 = arith.index_cast %add3A_1484 : i32 to index
        %get3A_1494 = memref.load %arg2[%get3A_1490, %get3A_1491, %get3A_1492, %get3A_1493] : memref<1x1x1x160xf32, #tpu.memory_space<smem>>
        %get3A_1495 = arith.constant 0 : index
        %get3A_1496 = arith.constant 0 : index
        %get3A_1497 = arith.constant 0 : index
        %get3A_1498 = arith.index_cast %add3A_1484 : i32 to index
        %get3A_1499 = memref.load %arg3[%get3A_1495, %get3A_1496, %get3A_1497, %get3A_1498] : memref<1x1x1x160xf32, #tpu.memory_space<smem>>
        %sub3A_1500 = vector.broadcast %get3A_1489 : f32 to vector<8x128xf32>
        %sub3A_1501 = arith.subf %sub3A_26, %sub3A_1500 : vector<8x128xf32>
        %sub3A_1502 = vector.broadcast %get3A_1494 : f32 to vector<8x128xf32>
        %sub3A_1503 = arith.subf %sub3A_14, %sub3A_1502 : vector<8x128xf32>
        %mul3A_1504 = arith.mulf %sub3A_1501, %sub3A_1501 : vector<8x128xf32>
        %mul3A_1505 = arith.mulf %sub3A_1503, %sub3A_1503 : vector<8x128xf32>
        %add3A_1506 = arith.addf %mul3A_1504, %mul3A_1505 : vector<8x128xf32>
        %le3A_1507 = vector.broadcast %scan3A : f32 to vector<8x128xf32>
        %le3A_1508 = arith.cmpf ole, %add3A_1506, %le3A_1507 : vector<8x128xf32>
        %broadcast_in_dim3A_1509 = vector.broadcast %get3A_1499 : f32 to vector<8x128xf32>
        %broadcast_in_dim3A_1510 = vector.broadcast %scan3A_58 : f32 to vector<8x128xf32>
        %select_n3A_1511 = arith.select %le3A_1508, %broadcast_in_dim3A_1509, %broadcast_in_dim3A_1510 : vector<8x128xi1>, vector<8x128xf32>
        %mul3A_1512 = vector.broadcast %scan3A_59 : f32 to vector<8x128xf32>
        %mul3A_1513 = arith.mulf %add3A_1506, %mul3A_1512 : vector<8x128xf32>
        %convert_element_type3A_1514 = arith.fptosi %mul3A_1513 : vector<8x128xf32> to vector<8x128xi32>
        %get3A_1515 = arith.constant 0 : index
        %get3A_1516 = arith.constant 0 : index
        %get3A_1517 = arith.constant 0 : index
        %get3A_1518 = arith.index_cast %add3A_1484 : i32 to index
        %get3A_1519 = memref.load %arg4[%get3A_1515, %get3A_1516, %get3A_1517, %get3A_1518] : memref<1x1x1x160xi32, #tpu.memory_space<smem>>
        %shift_left3A_1520 = arith.constant 10 : i32
        %shift_left3A_1521 = arith.shli %get3A_1519, %shift_left3A_1520 : i32
        %add3A_1522 = vector.broadcast %shift_left3A_1521 : i32 to vector<8x128xi32>
        %add3A_1523 = arith.addi %add3A_1522, %convert_element_type3A_1514 : vector<8x128xi32>
        %lt3A_1524 = arith.cmpf olt, %select_n3A_1511, %min3A_1442 : vector<8x128xf32>
        %min3A_1525 = arith.minimumf %min3A_1442, %select_n3A_1511 : vector<8x128xf32>
        %max3A_1526 = arith.maximumf %min3A_1442, %select_n3A_1511 : vector<8x128xf32>
        %select_n3A_1527 = arith.select %lt3A_1524, %add3A_1523, %select_n3A_1444 : vector<8x128xi1>, vector<8x128xi32>
        %select_n3A_1528 = arith.select %lt3A_1524, %select_n3A_1444, %add3A_1523 : vector<8x128xi1>, vector<8x128xi32>
        %lt3A_1529 = arith.cmpf olt, %max3A_1526, %min3A_1447 : vector<8x128xf32>
        %min3A_1530 = arith.minimumf %min3A_1447, %max3A_1526 : vector<8x128xf32>
        %max3A_1531 = arith.maximumf %min3A_1447, %max3A_1526 : vector<8x128xf32>
        %select_n3A_1532 = arith.select %lt3A_1529, %select_n3A_1528, %select_n3A_1449 : vector<8x128xi1>, vector<8x128xi32>
        %select_n3A_1533 = arith.select %lt3A_1529, %select_n3A_1449, %select_n3A_1528 : vector<8x128xi1>, vector<8x128xi32>
        %lt3A_1534 = arith.cmpf olt, %max3A_1531, %min3A_1452 : vector<8x128xf32>
        %min3A_1535 = arith.minimumf %min3A_1452, %max3A_1531 : vector<8x128xf32>
        %max3A_1536 = arith.maximumf %min3A_1452, %max3A_1531 : vector<8x128xf32>
        %select_n3A_1537 = arith.select %lt3A_1534, %select_n3A_1533, %select_n3A_1454 : vector<8x128xi1>, vector<8x128xi32>
        %select_n3A_1538 = arith.select %lt3A_1534, %select_n3A_1454, %select_n3A_1533 : vector<8x128xi1>, vector<8x128xi32>
        %lt3A_1539 = arith.cmpf olt, %max3A_1536, %min3A_1457 : vector<8x128xf32>
        %min3A_1540 = arith.minimumf %min3A_1457, %max3A_1536 : vector<8x128xf32>
        %max3A_1541 = arith.maximumf %min3A_1457, %max3A_1536 : vector<8x128xf32>
        %select_n3A_1542 = arith.select %lt3A_1539, %select_n3A_1538, %select_n3A_1459 : vector<8x128xi1>, vector<8x128xi32>
        %select_n3A_1543 = arith.select %lt3A_1539, %select_n3A_1459, %select_n3A_1538 : vector<8x128xi1>, vector<8x128xi32>
        %lt3A_1544 = arith.cmpf olt, %max3A_1541, %min3A_1462 : vector<8x128xf32>
        %min3A_1545 = arith.minimumf %min3A_1462, %max3A_1541 : vector<8x128xf32>
        %max3A_1546 = arith.maximumf %min3A_1462, %max3A_1541 : vector<8x128xf32>
        %select_n3A_1547 = arith.select %lt3A_1544, %select_n3A_1543, %select_n3A_1464 : vector<8x128xi1>, vector<8x128xi32>
        %select_n3A_1548 = arith.select %lt3A_1544, %select_n3A_1464, %select_n3A_1543 : vector<8x128xi1>, vector<8x128xi32>
        %lt3A_1549 = arith.cmpf olt, %max3A_1546, %min3A_1467 : vector<8x128xf32>
        %min3A_1550 = arith.minimumf %min3A_1467, %max3A_1546 : vector<8x128xf32>
        %max3A_1551 = arith.maximumf %min3A_1467, %max3A_1546 : vector<8x128xf32>
        %select_n3A_1552 = arith.select %lt3A_1549, %select_n3A_1548, %select_n3A_1469 : vector<8x128xi1>, vector<8x128xi32>
        %select_n3A_1553 = arith.select %lt3A_1549, %select_n3A_1469, %select_n3A_1548 : vector<8x128xi1>, vector<8x128xi32>
        %lt3A_1554 = arith.cmpf olt, %max3A_1551, %min3A_1472 : vector<8x128xf32>
        %min3A_1555 = arith.minimumf %min3A_1472, %max3A_1551 : vector<8x128xf32>
        %max3A_1556 = arith.maximumf %min3A_1472, %max3A_1551 : vector<8x128xf32>
        %select_n3A_1557 = arith.select %lt3A_1554, %select_n3A_1553, %select_n3A_1474 : vector<8x128xi1>, vector<8x128xi32>
        %select_n3A_1558 = arith.select %lt3A_1554, %select_n3A_1474, %select_n3A_1553 : vector<8x128xi1>, vector<8x128xi32>
        %lt3A_1559 = arith.cmpf olt, %max3A_1556, %min3A_1477 : vector<8x128xf32>
        %min3A_1560 = arith.minimumf %min3A_1477, %max3A_1556 : vector<8x128xf32>
        %max3A_1561 = arith.maximumf %min3A_1477, %max3A_1556 : vector<8x128xf32>
        %select_n3A_1562 = arith.select %lt3A_1559, %select_n3A_1558, %select_n3A_1479 : vector<8x128xi1>, vector<8x128xi32>
        %select_n3A_1563 = arith.select %lt3A_1559, %select_n3A_1479, %select_n3A_1558 : vector<8x128xi1>, vector<8x128xi32>
        %mul3A_1564 = arith.constant 16 : i32
        %mul3A_1565 = arith.muli %mul3A_1564, %while3A_472 : i32
        %add3A_1566 = arith.constant 13 : i32
        %add3A_1567 = arith.addi %mul3A_1565, %add3A_1566 : i32
        %get3A_1568 = arith.index_cast %scan3A_420 : i32 to index
        %get3A_1569 = arith.constant 0 : index
        %get3A_1570 = arith.constant 0 : index
        %get3A_1571 = arith.index_cast %add3A_1567 : i32 to index
        %get3A_1572 = memref.load %arg1[%get3A_1568, %get3A_1569, %get3A_1570, %get3A_1571] : memref<32x1x1x160xf32, #tpu.memory_space<smem>>
        %get3A_1573 = arith.constant 0 : index
        %get3A_1574 = arith.constant 0 : index
        %get3A_1575 = arith.constant 0 : index
        %get3A_1576 = arith.index_cast %add3A_1567 : i32 to index
        %get3A_1577 = memref.load %arg2[%get3A_1573, %get3A_1574, %get3A_1575, %get3A_1576] : memref<1x1x1x160xf32, #tpu.memory_space<smem>>
        %get3A_1578 = arith.constant 0 : index
        %get3A_1579 = arith.constant 0 : index
        %get3A_1580 = arith.constant 0 : index
        %get3A_1581 = arith.index_cast %add3A_1567 : i32 to index
        %get3A_1582 = memref.load %arg3[%get3A_1578, %get3A_1579, %get3A_1580, %get3A_1581] : memref<1x1x1x160xf32, #tpu.memory_space<smem>>
        %sub3A_1583 = vector.broadcast %get3A_1572 : f32 to vector<8x128xf32>
        %sub3A_1584 = arith.subf %sub3A_26, %sub3A_1583 : vector<8x128xf32>
        %sub3A_1585 = vector.broadcast %get3A_1577 : f32 to vector<8x128xf32>
        %sub3A_1586 = arith.subf %sub3A_14, %sub3A_1585 : vector<8x128xf32>
        %mul3A_1587 = arith.mulf %sub3A_1584, %sub3A_1584 : vector<8x128xf32>
        %mul3A_1588 = arith.mulf %sub3A_1586, %sub3A_1586 : vector<8x128xf32>
        %add3A_1589 = arith.addf %mul3A_1587, %mul3A_1588 : vector<8x128xf32>
        %le3A_1590 = vector.broadcast %scan3A : f32 to vector<8x128xf32>
        %le3A_1591 = arith.cmpf ole, %add3A_1589, %le3A_1590 : vector<8x128xf32>
        %broadcast_in_dim3A_1592 = vector.broadcast %get3A_1582 : f32 to vector<8x128xf32>
        %broadcast_in_dim3A_1593 = vector.broadcast %scan3A_58 : f32 to vector<8x128xf32>
        %select_n3A_1594 = arith.select %le3A_1591, %broadcast_in_dim3A_1592, %broadcast_in_dim3A_1593 : vector<8x128xi1>, vector<8x128xf32>
        %mul3A_1595 = vector.broadcast %scan3A_59 : f32 to vector<8x128xf32>
        %mul3A_1596 = arith.mulf %add3A_1589, %mul3A_1595 : vector<8x128xf32>
        %convert_element_type3A_1597 = arith.fptosi %mul3A_1596 : vector<8x128xf32> to vector<8x128xi32>
        %get3A_1598 = arith.constant 0 : index
        %get3A_1599 = arith.constant 0 : index
        %get3A_1600 = arith.constant 0 : index
        %get3A_1601 = arith.index_cast %add3A_1567 : i32 to index
        %get3A_1602 = memref.load %arg4[%get3A_1598, %get3A_1599, %get3A_1600, %get3A_1601] : memref<1x1x1x160xi32, #tpu.memory_space<smem>>
        %shift_left3A_1603 = arith.constant 10 : i32
        %shift_left3A_1604 = arith.shli %get3A_1602, %shift_left3A_1603 : i32
        %add3A_1605 = vector.broadcast %shift_left3A_1604 : i32 to vector<8x128xi32>
        %add3A_1606 = arith.addi %add3A_1605, %convert_element_type3A_1597 : vector<8x128xi32>
        %lt3A_1607 = arith.cmpf olt, %select_n3A_1594, %min3A_1525 : vector<8x128xf32>
        %min3A_1608 = arith.minimumf %min3A_1525, %select_n3A_1594 : vector<8x128xf32>
        %max3A_1609 = arith.maximumf %min3A_1525, %select_n3A_1594 : vector<8x128xf32>
        %select_n3A_1610 = arith.select %lt3A_1607, %add3A_1606, %select_n3A_1527 : vector<8x128xi1>, vector<8x128xi32>
        %select_n3A_1611 = arith.select %lt3A_1607, %select_n3A_1527, %add3A_1606 : vector<8x128xi1>, vector<8x128xi32>
        %lt3A_1612 = arith.cmpf olt, %max3A_1609, %min3A_1530 : vector<8x128xf32>
        %min3A_1613 = arith.minimumf %min3A_1530, %max3A_1609 : vector<8x128xf32>
        %max3A_1614 = arith.maximumf %min3A_1530, %max3A_1609 : vector<8x128xf32>
        %select_n3A_1615 = arith.select %lt3A_1612, %select_n3A_1611, %select_n3A_1532 : vector<8x128xi1>, vector<8x128xi32>
        %select_n3A_1616 = arith.select %lt3A_1612, %select_n3A_1532, %select_n3A_1611 : vector<8x128xi1>, vector<8x128xi32>
        %lt3A_1617 = arith.cmpf olt, %max3A_1614, %min3A_1535 : vector<8x128xf32>
        %min3A_1618 = arith.minimumf %min3A_1535, %max3A_1614 : vector<8x128xf32>
        %max3A_1619 = arith.maximumf %min3A_1535, %max3A_1614 : vector<8x128xf32>
        %select_n3A_1620 = arith.select %lt3A_1617, %select_n3A_1616, %select_n3A_1537 : vector<8x128xi1>, vector<8x128xi32>
        %select_n3A_1621 = arith.select %lt3A_1617, %select_n3A_1537, %select_n3A_1616 : vector<8x128xi1>, vector<8x128xi32>
        %lt3A_1622 = arith.cmpf olt, %max3A_1619, %min3A_1540 : vector<8x128xf32>
        %min3A_1623 = arith.minimumf %min3A_1540, %max3A_1619 : vector<8x128xf32>
        %max3A_1624 = arith.maximumf %min3A_1540, %max3A_1619 : vector<8x128xf32>
        %select_n3A_1625 = arith.select %lt3A_1622, %select_n3A_1621, %select_n3A_1542 : vector<8x128xi1>, vector<8x128xi32>
        %select_n3A_1626 = arith.select %lt3A_1622, %select_n3A_1542, %select_n3A_1621 : vector<8x128xi1>, vector<8x128xi32>
        %lt3A_1627 = arith.cmpf olt, %max3A_1624, %min3A_1545 : vector<8x128xf32>
        %min3A_1628 = arith.minimumf %min3A_1545, %max3A_1624 : vector<8x128xf32>
        %max3A_1629 = arith.maximumf %min3A_1545, %max3A_1624 : vector<8x128xf32>
        %select_n3A_1630 = arith.select %lt3A_1627, %select_n3A_1626, %select_n3A_1547 : vector<8x128xi1>, vector<8x128xi32>
        %select_n3A_1631 = arith.select %lt3A_1627, %select_n3A_1547, %select_n3A_1626 : vector<8x128xi1>, vector<8x128xi32>
        %lt3A_1632 = arith.cmpf olt, %max3A_1629, %min3A_1550 : vector<8x128xf32>
        %min3A_1633 = arith.minimumf %min3A_1550, %max3A_1629 : vector<8x128xf32>
        %max3A_1634 = arith.maximumf %min3A_1550, %max3A_1629 : vector<8x128xf32>
        %select_n3A_1635 = arith.select %lt3A_1632, %select_n3A_1631, %select_n3A_1552 : vector<8x128xi1>, vector<8x128xi32>
        %select_n3A_1636 = arith.select %lt3A_1632, %select_n3A_1552, %select_n3A_1631 : vector<8x128xi1>, vector<8x128xi32>
        %lt3A_1637 = arith.cmpf olt, %max3A_1634, %min3A_1555 : vector<8x128xf32>
        %min3A_1638 = arith.minimumf %min3A_1555, %max3A_1634 : vector<8x128xf32>
        %max3A_1639 = arith.maximumf %min3A_1555, %max3A_1634 : vector<8x128xf32>
        %select_n3A_1640 = arith.select %lt3A_1637, %select_n3A_1636, %select_n3A_1557 : vector<8x128xi1>, vector<8x128xi32>
        %select_n3A_1641 = arith.select %lt3A_1637, %select_n3A_1557, %select_n3A_1636 : vector<8x128xi1>, vector<8x128xi32>
        %lt3A_1642 = arith.cmpf olt, %max3A_1639, %min3A_1560 : vector<8x128xf32>
        %min3A_1643 = arith.minimumf %min3A_1560, %max3A_1639 : vector<8x128xf32>
        %max3A_1644 = arith.maximumf %min3A_1560, %max3A_1639 : vector<8x128xf32>
        %select_n3A_1645 = arith.select %lt3A_1642, %select_n3A_1641, %select_n3A_1562 : vector<8x128xi1>, vector<8x128xi32>
        %select_n3A_1646 = arith.select %lt3A_1642, %select_n3A_1562, %select_n3A_1641 : vector<8x128xi1>, vector<8x128xi32>
        %mul3A_1647 = arith.constant 16 : i32
        %mul3A_1648 = arith.muli %mul3A_1647, %while3A_472 : i32
        %add3A_1649 = arith.constant 14 : i32
        %add3A_1650 = arith.addi %mul3A_1648, %add3A_1649 : i32
        %get3A_1651 = arith.index_cast %scan3A_420 : i32 to index
        %get3A_1652 = arith.constant 0 : index
        %get3A_1653 = arith.constant 0 : index
        %get3A_1654 = arith.index_cast %add3A_1650 : i32 to index
        %get3A_1655 = memref.load %arg1[%get3A_1651, %get3A_1652, %get3A_1653, %get3A_1654] : memref<32x1x1x160xf32, #tpu.memory_space<smem>>
        %get3A_1656 = arith.constant 0 : index
        %get3A_1657 = arith.constant 0 : index
        %get3A_1658 = arith.constant 0 : index
        %get3A_1659 = arith.index_cast %add3A_1650 : i32 to index
        %get3A_1660 = memref.load %arg2[%get3A_1656, %get3A_1657, %get3A_1658, %get3A_1659] : memref<1x1x1x160xf32, #tpu.memory_space<smem>>
        %get3A_1661 = arith.constant 0 : index
        %get3A_1662 = arith.constant 0 : index
        %get3A_1663 = arith.constant 0 : index
        %get3A_1664 = arith.index_cast %add3A_1650 : i32 to index
        %get3A_1665 = memref.load %arg3[%get3A_1661, %get3A_1662, %get3A_1663, %get3A_1664] : memref<1x1x1x160xf32, #tpu.memory_space<smem>>
        %sub3A_1666 = vector.broadcast %get3A_1655 : f32 to vector<8x128xf32>
        %sub3A_1667 = arith.subf %sub3A_26, %sub3A_1666 : vector<8x128xf32>
        %sub3A_1668 = vector.broadcast %get3A_1660 : f32 to vector<8x128xf32>
        %sub3A_1669 = arith.subf %sub3A_14, %sub3A_1668 : vector<8x128xf32>
        %mul3A_1670 = arith.mulf %sub3A_1667, %sub3A_1667 : vector<8x128xf32>
        %mul3A_1671 = arith.mulf %sub3A_1669, %sub3A_1669 : vector<8x128xf32>
        %add3A_1672 = arith.addf %mul3A_1670, %mul3A_1671 : vector<8x128xf32>
        %le3A_1673 = vector.broadcast %scan3A : f32 to vector<8x128xf32>
        %le3A_1674 = arith.cmpf ole, %add3A_1672, %le3A_1673 : vector<8x128xf32>
        %broadcast_in_dim3A_1675 = vector.broadcast %get3A_1665 : f32 to vector<8x128xf32>
        %broadcast_in_dim3A_1676 = vector.broadcast %scan3A_58 : f32 to vector<8x128xf32>
        %select_n3A_1677 = arith.select %le3A_1674, %broadcast_in_dim3A_1675, %broadcast_in_dim3A_1676 : vector<8x128xi1>, vector<8x128xf32>
        %mul3A_1678 = vector.broadcast %scan3A_59 : f32 to vector<8x128xf32>
        %mul3A_1679 = arith.mulf %add3A_1672, %mul3A_1678 : vector<8x128xf32>
        %convert_element_type3A_1680 = arith.fptosi %mul3A_1679 : vector<8x128xf32> to vector<8x128xi32>
        %get3A_1681 = arith.constant 0 : index
        %get3A_1682 = arith.constant 0 : index
        %get3A_1683 = arith.constant 0 : index
        %get3A_1684 = arith.index_cast %add3A_1650 : i32 to index
        %get3A_1685 = memref.load %arg4[%get3A_1681, %get3A_1682, %get3A_1683, %get3A_1684] : memref<1x1x1x160xi32, #tpu.memory_space<smem>>
        %shift_left3A_1686 = arith.constant 10 : i32
        %shift_left3A_1687 = arith.shli %get3A_1685, %shift_left3A_1686 : i32
        %add3A_1688 = vector.broadcast %shift_left3A_1687 : i32 to vector<8x128xi32>
        %add3A_1689 = arith.addi %add3A_1688, %convert_element_type3A_1680 : vector<8x128xi32>
        %lt3A_1690 = arith.cmpf olt, %select_n3A_1677, %min3A_1608 : vector<8x128xf32>
        %min3A_1691 = arith.minimumf %min3A_1608, %select_n3A_1677 : vector<8x128xf32>
        %max3A_1692 = arith.maximumf %min3A_1608, %select_n3A_1677 : vector<8x128xf32>
        %select_n3A_1693 = arith.select %lt3A_1690, %add3A_1689, %select_n3A_1610 : vector<8x128xi1>, vector<8x128xi32>
        %select_n3A_1694 = arith.select %lt3A_1690, %select_n3A_1610, %add3A_1689 : vector<8x128xi1>, vector<8x128xi32>
        %lt3A_1695 = arith.cmpf olt, %max3A_1692, %min3A_1613 : vector<8x128xf32>
        %min3A_1696 = arith.minimumf %min3A_1613, %max3A_1692 : vector<8x128xf32>
        %max3A_1697 = arith.maximumf %min3A_1613, %max3A_1692 : vector<8x128xf32>
        %select_n3A_1698 = arith.select %lt3A_1695, %select_n3A_1694, %select_n3A_1615 : vector<8x128xi1>, vector<8x128xi32>
        %select_n3A_1699 = arith.select %lt3A_1695, %select_n3A_1615, %select_n3A_1694 : vector<8x128xi1>, vector<8x128xi32>
        %lt3A_1700 = arith.cmpf olt, %max3A_1697, %min3A_1618 : vector<8x128xf32>
        %min3A_1701 = arith.minimumf %min3A_1618, %max3A_1697 : vector<8x128xf32>
        %max3A_1702 = arith.maximumf %min3A_1618, %max3A_1697 : vector<8x128xf32>
        %select_n3A_1703 = arith.select %lt3A_1700, %select_n3A_1699, %select_n3A_1620 : vector<8x128xi1>, vector<8x128xi32>
        %select_n3A_1704 = arith.select %lt3A_1700, %select_n3A_1620, %select_n3A_1699 : vector<8x128xi1>, vector<8x128xi32>
        %lt3A_1705 = arith.cmpf olt, %max3A_1702, %min3A_1623 : vector<8x128xf32>
        %min3A_1706 = arith.minimumf %min3A_1623, %max3A_1702 : vector<8x128xf32>
        %max3A_1707 = arith.maximumf %min3A_1623, %max3A_1702 : vector<8x128xf32>
        %select_n3A_1708 = arith.select %lt3A_1705, %select_n3A_1704, %select_n3A_1625 : vector<8x128xi1>, vector<8x128xi32>
        %select_n3A_1709 = arith.select %lt3A_1705, %select_n3A_1625, %select_n3A_1704 : vector<8x128xi1>, vector<8x128xi32>
        %lt3A_1710 = arith.cmpf olt, %max3A_1707, %min3A_1628 : vector<8x128xf32>
        %min3A_1711 = arith.minimumf %min3A_1628, %max3A_1707 : vector<8x128xf32>
        %max3A_1712 = arith.maximumf %min3A_1628, %max3A_1707 : vector<8x128xf32>
        %select_n3A_1713 = arith.select %lt3A_1710, %select_n3A_1709, %select_n3A_1630 : vector<8x128xi1>, vector<8x128xi32>
        %select_n3A_1714 = arith.select %lt3A_1710, %select_n3A_1630, %select_n3A_1709 : vector<8x128xi1>, vector<8x128xi32>
        %lt3A_1715 = arith.cmpf olt, %max3A_1712, %min3A_1633 : vector<8x128xf32>
        %min3A_1716 = arith.minimumf %min3A_1633, %max3A_1712 : vector<8x128xf32>
        %max3A_1717 = arith.maximumf %min3A_1633, %max3A_1712 : vector<8x128xf32>
        %select_n3A_1718 = arith.select %lt3A_1715, %select_n3A_1714, %select_n3A_1635 : vector<8x128xi1>, vector<8x128xi32>
        %select_n3A_1719 = arith.select %lt3A_1715, %select_n3A_1635, %select_n3A_1714 : vector<8x128xi1>, vector<8x128xi32>
        %lt3A_1720 = arith.cmpf olt, %max3A_1717, %min3A_1638 : vector<8x128xf32>
        %min3A_1721 = arith.minimumf %min3A_1638, %max3A_1717 : vector<8x128xf32>
        %max3A_1722 = arith.maximumf %min3A_1638, %max3A_1717 : vector<8x128xf32>
        %select_n3A_1723 = arith.select %lt3A_1720, %select_n3A_1719, %select_n3A_1640 : vector<8x128xi1>, vector<8x128xi32>
        %select_n3A_1724 = arith.select %lt3A_1720, %select_n3A_1640, %select_n3A_1719 : vector<8x128xi1>, vector<8x128xi32>
        %lt3A_1725 = arith.cmpf olt, %max3A_1722, %min3A_1643 : vector<8x128xf32>
        %min3A_1726 = arith.minimumf %min3A_1643, %max3A_1722 : vector<8x128xf32>
        %max3A_1727 = arith.maximumf %min3A_1643, %max3A_1722 : vector<8x128xf32>
        %select_n3A_1728 = arith.select %lt3A_1725, %select_n3A_1724, %select_n3A_1645 : vector<8x128xi1>, vector<8x128xi32>
        %select_n3A_1729 = arith.select %lt3A_1725, %select_n3A_1645, %select_n3A_1724 : vector<8x128xi1>, vector<8x128xi32>
        %mul3A_1730 = arith.constant 16 : i32
        %mul3A_1731 = arith.muli %mul3A_1730, %while3A_472 : i32
        %add3A_1732 = arith.constant 15 : i32
        %add3A_1733 = arith.addi %mul3A_1731, %add3A_1732 : i32
        %get3A_1734 = arith.index_cast %scan3A_420 : i32 to index
        %get3A_1735 = arith.constant 0 : index
        %get3A_1736 = arith.constant 0 : index
        %get3A_1737 = arith.index_cast %add3A_1733 : i32 to index
        %get3A_1738 = memref.load %arg1[%get3A_1734, %get3A_1735, %get3A_1736, %get3A_1737] : memref<32x1x1x160xf32, #tpu.memory_space<smem>>
        %get3A_1739 = arith.constant 0 : index
        %get3A_1740 = arith.constant 0 : index
        %get3A_1741 = arith.constant 0 : index
        %get3A_1742 = arith.index_cast %add3A_1733 : i32 to index
        %get3A_1743 = memref.load %arg2[%get3A_1739, %get3A_1740, %get3A_1741, %get3A_1742] : memref<1x1x1x160xf32, #tpu.memory_space<smem>>
        %get3A_1744 = arith.constant 0 : index
        %get3A_1745 = arith.constant 0 : index
        %get3A_1746 = arith.constant 0 : index
        %get3A_1747 = arith.index_cast %add3A_1733 : i32 to index
        %get3A_1748 = memref.load %arg3[%get3A_1744, %get3A_1745, %get3A_1746, %get3A_1747] : memref<1x1x1x160xf32, #tpu.memory_space<smem>>
        %sub3A_1749 = vector.broadcast %get3A_1738 : f32 to vector<8x128xf32>
        %sub3A_1750 = arith.subf %sub3A_26, %sub3A_1749 : vector<8x128xf32>
        %sub3A_1751 = vector.broadcast %get3A_1743 : f32 to vector<8x128xf32>
        %sub3A_1752 = arith.subf %sub3A_14, %sub3A_1751 : vector<8x128xf32>
        %mul3A_1753 = arith.mulf %sub3A_1750, %sub3A_1750 : vector<8x128xf32>
        %mul3A_1754 = arith.mulf %sub3A_1752, %sub3A_1752 : vector<8x128xf32>
        %add3A_1755 = arith.addf %mul3A_1753, %mul3A_1754 : vector<8x128xf32>
        %le3A_1756 = vector.broadcast %scan3A : f32 to vector<8x128xf32>
        %le3A_1757 = arith.cmpf ole, %add3A_1755, %le3A_1756 : vector<8x128xf32>
        %broadcast_in_dim3A_1758 = vector.broadcast %get3A_1748 : f32 to vector<8x128xf32>
        %broadcast_in_dim3A_1759 = vector.broadcast %scan3A_58 : f32 to vector<8x128xf32>
        %select_n3A_1760 = arith.select %le3A_1757, %broadcast_in_dim3A_1758, %broadcast_in_dim3A_1759 : vector<8x128xi1>, vector<8x128xf32>
        %mul3A_1761 = vector.broadcast %scan3A_59 : f32 to vector<8x128xf32>
        %mul3A_1762 = arith.mulf %add3A_1755, %mul3A_1761 : vector<8x128xf32>
        %convert_element_type3A_1763 = arith.fptosi %mul3A_1762 : vector<8x128xf32> to vector<8x128xi32>
        %get3A_1764 = arith.constant 0 : index
        %get3A_1765 = arith.constant 0 : index
        %get3A_1766 = arith.constant 0 : index
        %get3A_1767 = arith.index_cast %add3A_1733 : i32 to index
        %get3A_1768 = memref.load %arg4[%get3A_1764, %get3A_1765, %get3A_1766, %get3A_1767] : memref<1x1x1x160xi32, #tpu.memory_space<smem>>
        %shift_left3A_1769 = arith.constant 10 : i32
        %shift_left3A_1770 = arith.shli %get3A_1768, %shift_left3A_1769 : i32
        %add3A_1771 = vector.broadcast %shift_left3A_1770 : i32 to vector<8x128xi32>
        %add3A_1772 = arith.addi %add3A_1771, %convert_element_type3A_1763 : vector<8x128xi32>
        %lt3A_1773 = arith.cmpf olt, %select_n3A_1760, %min3A_1691 : vector<8x128xf32>
        %min3A_1774 = arith.minimumf %min3A_1691, %select_n3A_1760 : vector<8x128xf32>
        %max3A_1775 = arith.maximumf %min3A_1691, %select_n3A_1760 : vector<8x128xf32>
        %select_n3A_1776 = arith.select %lt3A_1773, %add3A_1772, %select_n3A_1693 : vector<8x128xi1>, vector<8x128xi32>
        %select_n3A_1777 = arith.select %lt3A_1773, %select_n3A_1693, %add3A_1772 : vector<8x128xi1>, vector<8x128xi32>
        %lt3A_1778 = arith.cmpf olt, %max3A_1775, %min3A_1696 : vector<8x128xf32>
        %min3A_1779 = arith.minimumf %min3A_1696, %max3A_1775 : vector<8x128xf32>
        %max3A_1780 = arith.maximumf %min3A_1696, %max3A_1775 : vector<8x128xf32>
        %select_n3A_1781 = arith.select %lt3A_1778, %select_n3A_1777, %select_n3A_1698 : vector<8x128xi1>, vector<8x128xi32>
        %select_n3A_1782 = arith.select %lt3A_1778, %select_n3A_1698, %select_n3A_1777 : vector<8x128xi1>, vector<8x128xi32>
        %lt3A_1783 = arith.cmpf olt, %max3A_1780, %min3A_1701 : vector<8x128xf32>
        %min3A_1784 = arith.minimumf %min3A_1701, %max3A_1780 : vector<8x128xf32>
        %max3A_1785 = arith.maximumf %min3A_1701, %max3A_1780 : vector<8x128xf32>
        %select_n3A_1786 = arith.select %lt3A_1783, %select_n3A_1782, %select_n3A_1703 : vector<8x128xi1>, vector<8x128xi32>
        %select_n3A_1787 = arith.select %lt3A_1783, %select_n3A_1703, %select_n3A_1782 : vector<8x128xi1>, vector<8x128xi32>
        %lt3A_1788 = arith.cmpf olt, %max3A_1785, %min3A_1706 : vector<8x128xf32>
        %min3A_1789 = arith.minimumf %min3A_1706, %max3A_1785 : vector<8x128xf32>
        %max3A_1790 = arith.maximumf %min3A_1706, %max3A_1785 : vector<8x128xf32>
        %select_n3A_1791 = arith.select %lt3A_1788, %select_n3A_1787, %select_n3A_1708 : vector<8x128xi1>, vector<8x128xi32>
        %select_n3A_1792 = arith.select %lt3A_1788, %select_n3A_1708, %select_n3A_1787 : vector<8x128xi1>, vector<8x128xi32>
        %lt3A_1793 = arith.cmpf olt, %max3A_1790, %min3A_1711 : vector<8x128xf32>
        %min3A_1794 = arith.minimumf %min3A_1711, %max3A_1790 : vector<8x128xf32>
        %max3A_1795 = arith.maximumf %min3A_1711, %max3A_1790 : vector<8x128xf32>
        %select_n3A_1796 = arith.select %lt3A_1793, %select_n3A_1792, %select_n3A_1713 : vector<8x128xi1>, vector<8x128xi32>
        %select_n3A_1797 = arith.select %lt3A_1793, %select_n3A_1713, %select_n3A_1792 : vector<8x128xi1>, vector<8x128xi32>
        %lt3A_1798 = arith.cmpf olt, %max3A_1795, %min3A_1716 : vector<8x128xf32>
        %min3A_1799 = arith.minimumf %min3A_1716, %max3A_1795 : vector<8x128xf32>
        %max3A_1800 = arith.maximumf %min3A_1716, %max3A_1795 : vector<8x128xf32>
        %select_n3A_1801 = arith.select %lt3A_1798, %select_n3A_1797, %select_n3A_1718 : vector<8x128xi1>, vector<8x128xi32>
        %select_n3A_1802 = arith.select %lt3A_1798, %select_n3A_1718, %select_n3A_1797 : vector<8x128xi1>, vector<8x128xi32>
        %lt3A_1803 = arith.cmpf olt, %max3A_1800, %min3A_1721 : vector<8x128xf32>
        %min3A_1804 = arith.minimumf %min3A_1721, %max3A_1800 : vector<8x128xf32>
        %max3A_1805 = arith.maximumf %min3A_1721, %max3A_1800 : vector<8x128xf32>
        %select_n3A_1806 = arith.select %lt3A_1803, %select_n3A_1802, %select_n3A_1723 : vector<8x128xi1>, vector<8x128xi32>
        %select_n3A_1807 = arith.select %lt3A_1803, %select_n3A_1723, %select_n3A_1802 : vector<8x128xi1>, vector<8x128xi32>
        %lt3A_1808 = arith.cmpf olt, %max3A_1805, %min3A_1726 : vector<8x128xf32>
        %min3A_1809 = arith.minimumf %min3A_1726, %max3A_1805 : vector<8x128xf32>
        %max3A_1810 = arith.maximumf %min3A_1726, %max3A_1805 : vector<8x128xf32>
        %select_n3A_1811 = arith.select %lt3A_1808, %select_n3A_1807, %select_n3A_1728 : vector<8x128xi1>, vector<8x128xi32>
        %select_n3A_1812 = arith.select %lt3A_1808, %select_n3A_1728, %select_n3A_1807 : vector<8x128xi1>, vector<8x128xi32>
        scf.yield %min3A_1774, %min3A_1779, %min3A_1784, %min3A_1789, %min3A_1794, %min3A_1799, %min3A_1804, %min3A_1809, %select_n3A_1776, %select_n3A_1781, %select_n3A_1786, %select_n3A_1791, %select_n3A_1796, %select_n3A_1801, %select_n3A_1806, %select_n3A_1811 : vector<8x128xf32>, vector<8x128xf32>, vector<8x128xf32>, vector<8x128xf32>, vector<8x128xf32>, vector<8x128xf32>, vector<8x128xf32>, vector<8x128xf32>, vector<8x128xi32>, vector<8x128xi32>, vector<8x128xi32>, vector<8x128xi32>, vector<8x128xi32>, vector<8x128xi32>, vector<8x128xi32>, vector<8x128xi32>
      }
      %while3A_470 = arith.constant 1 : i32
      %while3A_471:16 = scf.for %while3A_472 = %while3A_467 to %while3A_463 step %while3A_470 iter_args(%while3A_473 = %while3A_469#0, %while3A_474 = %while3A_469#1, %while3A_475 = %while3A_469#2, %while3A_476 = %while3A_469#3, %while3A_477 = %while3A_469#4, %while3A_478 = %while3A_469#5, %while3A_479 = %while3A_469#6, %while3A_480 = %while3A_469#7, %while3A_481 = %while3A_469#8, %while3A_482 = %while3A_469#9, %while3A_483 = %while3A_469#10, %while3A_484 = %while3A_469#11, %while3A_485 = %while3A_469#12, %while3A_486 = %while3A_469#13, %while3A_487 = %while3A_469#14, %while3A_488 = %while3A_469#15) -> (vector<8x128xf32>, vector<8x128xf32>, vector<8x128xf32>, vector<8x128xf32>, vector<8x128xf32>, vector<8x128xf32>, vector<8x128xf32>, vector<8x128xf32>, vector<8x128xi32>, vector<8x128xi32>, vector<8x128xi32>, vector<8x128xi32>, vector<8x128xi32>, vector<8x128xi32>, vector<8x128xi32>, vector<8x128xi32>)  : i32 {
        %mul3A_489 = arith.constant 16 : i32
        %mul3A_490 = arith.muli %mul3A_489, %while3A_472 : i32
        %add3A_491 = arith.constant 0 : i32
        %add3A_492 = arith.addi %mul3A_490, %add3A_491 : i32
        %get3A_493 = arith.index_cast %scan3A_420 : i32 to index
        %get3A_494 = arith.constant 0 : index
        %get3A_495 = arith.constant 0 : index
        %get3A_496 = arith.index_cast %add3A_492 : i32 to index
        %get3A_497 = memref.load %arg1[%get3A_493, %get3A_494, %get3A_495, %get3A_496] : memref<32x1x1x160xf32, #tpu.memory_space<smem>>
        %get3A_498 = arith.constant 0 : index
        %get3A_499 = arith.constant 0 : index
        %get3A_500 = arith.constant 0 : index
        %get3A_501 = arith.index_cast %add3A_492 : i32 to index
        %get3A_502 = memref.load %arg2[%get3A_498, %get3A_499, %get3A_500, %get3A_501] : memref<1x1x1x160xf32, #tpu.memory_space<smem>>
        %get3A_503 = arith.constant 0 : index
        %get3A_504 = arith.constant 0 : index
        %get3A_505 = arith.constant 0 : index
        %get3A_506 = arith.index_cast %add3A_492 : i32 to index
        %get3A_507 = memref.load %arg3[%get3A_503, %get3A_504, %get3A_505, %get3A_506] : memref<1x1x1x160xf32, #tpu.memory_space<smem>>
        %sub3A_508 = vector.broadcast %get3A_497 : f32 to vector<8x128xf32>
        %sub3A_509 = arith.subf %sub3A_26, %sub3A_508 : vector<8x128xf32>
        %sub3A_510 = vector.broadcast %get3A_502 : f32 to vector<8x128xf32>
        %sub3A_511 = arith.subf %sub3A_14, %sub3A_510 : vector<8x128xf32>
        %mul3A_512 = arith.mulf %sub3A_509, %sub3A_509 : vector<8x128xf32>
        %mul3A_513 = arith.mulf %sub3A_511, %sub3A_511 : vector<8x128xf32>
        %add3A_514 = arith.addf %mul3A_512, %mul3A_513 : vector<8x128xf32>
        %le3A = vector.broadcast %scan3A : f32 to vector<8x128xf32>
        %le3A_515 = arith.cmpf ole, %add3A_514, %le3A : vector<8x128xf32>
        %broadcast_in_dim3A_516 = vector.broadcast %get3A_507 : f32 to vector<8x128xf32>
        %broadcast_in_dim3A_517 = vector.broadcast %scan3A_58 : f32 to vector<8x128xf32>
        %select_n3A_518 = arith.select %le3A_515, %broadcast_in_dim3A_516, %broadcast_in_dim3A_517 : vector<8x128xi1>, vector<8x128xf32>
        %mul3A_519 = vector.broadcast %scan3A_59 : f32 to vector<8x128xf32>
        %mul3A_520 = arith.mulf %add3A_514, %mul3A_519 : vector<8x128xf32>
        %convert_element_type3A_521 = arith.fptosi %mul3A_520 : vector<8x128xf32> to vector<8x128xi32>
        %get3A_522 = arith.constant 0 : index
        %get3A_523 = arith.constant 0 : index
        %get3A_524 = arith.constant 0 : index
        %get3A_525 = arith.index_cast %add3A_492 : i32 to index
        %get3A_526 = memref.load %arg4[%get3A_522, %get3A_523, %get3A_524, %get3A_525] : memref<1x1x1x160xi32, #tpu.memory_space<smem>>
        %shift_left3A = arith.constant 10 : i32
        %shift_left3A_527 = arith.shli %get3A_526, %shift_left3A : i32
        %add3A_528 = vector.broadcast %shift_left3A_527 : i32 to vector<8x128xi32>
        %add3A_529 = arith.addi %add3A_528, %convert_element_type3A_521 : vector<8x128xi32>
        %lt3A_530 = arith.cmpf olt, %select_n3A_518, %while3A_473 : vector<8x128xf32>
        %min3A = arith.minimumf %while3A_473, %select_n3A_518 : vector<8x128xf32>
        %max3A = arith.maximumf %while3A_473, %select_n3A_518 : vector<8x128xf32>
        %select_n3A_531 = arith.select %lt3A_530, %add3A_529, %while3A_481 : vector<8x128xi1>, vector<8x128xi32>
        %select_n3A_532 = arith.select %lt3A_530, %while3A_481, %add3A_529 : vector<8x128xi1>, vector<8x128xi32>
        %lt3A_533 = arith.cmpf olt, %max3A, %while3A_474 : vector<8x128xf32>
        %min3A_534 = arith.minimumf %while3A_474, %max3A : vector<8x128xf32>
        %max3A_535 = arith.maximumf %while3A_474, %max3A : vector<8x128xf32>
        %select_n3A_536 = arith.select %lt3A_533, %select_n3A_532, %while3A_482 : vector<8x128xi1>, vector<8x128xi32>
        %select_n3A_537 = arith.select %lt3A_533, %while3A_482, %select_n3A_532 : vector<8x128xi1>, vector<8x128xi32>
        %lt3A_538 = arith.cmpf olt, %max3A_535, %while3A_475 : vector<8x128xf32>
        %min3A_539 = arith.minimumf %while3A_475, %max3A_535 : vector<8x128xf32>
        %max3A_540 = arith.maximumf %while3A_475, %max3A_535 : vector<8x128xf32>
        %select_n3A_541 = arith.select %lt3A_538, %select_n3A_537, %while3A_483 : vector<8x128xi1>, vector<8x128xi32>
        %select_n3A_542 = arith.select %lt3A_538, %while3A_483, %select_n3A_537 : vector<8x128xi1>, vector<8x128xi32>
        %lt3A_543 = arith.cmpf olt, %max3A_540, %while3A_476 : vector<8x128xf32>
        %min3A_544 = arith.minimumf %while3A_476, %max3A_540 : vector<8x128xf32>
        %max3A_545 = arith.maximumf %while3A_476, %max3A_540 : vector<8x128xf32>
        %select_n3A_546 = arith.select %lt3A_543, %select_n3A_542, %while3A_484 : vector<8x128xi1>, vector<8x128xi32>
        %select_n3A_547 = arith.select %lt3A_543, %while3A_484, %select_n3A_542 : vector<8x128xi1>, vector<8x128xi32>
        %lt3A_548 = arith.cmpf olt, %max3A_545, %while3A_477 : vector<8x128xf32>
        %min3A_549 = arith.minimumf %while3A_477, %max3A_545 : vector<8x128xf32>
        %max3A_550 = arith.maximumf %while3A_477, %max3A_545 : vector<8x128xf32>
        %select_n3A_551 = arith.select %lt3A_548, %select_n3A_547, %while3A_485 : vector<8x128xi1>, vector<8x128xi32>
        %select_n3A_552 = arith.select %lt3A_548, %while3A_485, %select_n3A_547 : vector<8x128xi1>, vector<8x128xi32>
        %lt3A_553 = arith.cmpf olt, %max3A_550, %while3A_478 : vector<8x128xf32>
        %min3A_554 = arith.minimumf %while3A_478, %max3A_550 : vector<8x128xf32>
        %max3A_555 = arith.maximumf %while3A_478, %max3A_550 : vector<8x128xf32>
        %select_n3A_556 = arith.select %lt3A_553, %select_n3A_552, %while3A_486 : vector<8x128xi1>, vector<8x128xi32>
        %select_n3A_557 = arith.select %lt3A_553, %while3A_486, %select_n3A_552 : vector<8x128xi1>, vector<8x128xi32>
        %lt3A_558 = arith.cmpf olt, %max3A_555, %while3A_479 : vector<8x128xf32>
        %min3A_559 = arith.minimumf %while3A_479, %max3A_555 : vector<8x128xf32>
        %max3A_560 = arith.maximumf %while3A_479, %max3A_555 : vector<8x128xf32>
        %select_n3A_561 = arith.select %lt3A_558, %select_n3A_557, %while3A_487 : vector<8x128xi1>, vector<8x128xi32>
        %select_n3A_562 = arith.select %lt3A_558, %while3A_487, %select_n3A_557 : vector<8x128xi1>, vector<8x128xi32>
        %lt3A_563 = arith.cmpf olt, %max3A_560, %while3A_480 : vector<8x128xf32>
        %min3A_564 = arith.minimumf %while3A_480, %max3A_560 : vector<8x128xf32>
        %max3A_565 = arith.maximumf %while3A_480, %max3A_560 : vector<8x128xf32>
        %select_n3A_566 = arith.select %lt3A_563, %select_n3A_562, %while3A_488 : vector<8x128xi1>, vector<8x128xi32>
        %select_n3A_567 = arith.select %lt3A_563, %while3A_488, %select_n3A_562 : vector<8x128xi1>, vector<8x128xi32>
        %mul3A_568 = arith.constant 16 : i32
        %mul3A_569 = arith.muli %mul3A_568, %while3A_472 : i32
        %add3A_570 = arith.constant 1 : i32
        %add3A_571 = arith.addi %mul3A_569, %add3A_570 : i32
        %get3A_572 = arith.index_cast %scan3A_420 : i32 to index
        %get3A_573 = arith.constant 0 : index
        %get3A_574 = arith.constant 0 : index
        %get3A_575 = arith.index_cast %add3A_571 : i32 to index
        %get3A_576 = memref.load %arg1[%get3A_572, %get3A_573, %get3A_574, %get3A_575] : memref<32x1x1x160xf32, #tpu.memory_space<smem>>
        %get3A_577 = arith.constant 0 : index
        %get3A_578 = arith.constant 0 : index
        %get3A_579 = arith.constant 0 : index
        %get3A_580 = arith.index_cast %add3A_571 : i32 to index
        %get3A_581 = memref.load %arg2[%get3A_577, %get3A_578, %get3A_579, %get3A_580] : memref<1x1x1x160xf32, #tpu.memory_space<smem>>
        %get3A_582 = arith.constant 0 : index
        %get3A_583 = arith.constant 0 : index
        %get3A_584 = arith.constant 0 : index
        %get3A_585 = arith.index_cast %add3A_571 : i32 to index
        %get3A_586 = memref.load %arg3[%get3A_582, %get3A_583, %get3A_584, %get3A_585] : memref<1x1x1x160xf32, #tpu.memory_space<smem>>
        %sub3A_587 = vector.broadcast %get3A_576 : f32 to vector<8x128xf32>
        %sub3A_588 = arith.subf %sub3A_26, %sub3A_587 : vector<8x128xf32>
        %sub3A_589 = vector.broadcast %get3A_581 : f32 to vector<8x128xf32>
        %sub3A_590 = arith.subf %sub3A_14, %sub3A_589 : vector<8x128xf32>
        %mul3A_591 = arith.mulf %sub3A_588, %sub3A_588 : vector<8x128xf32>
        %mul3A_592 = arith.mulf %sub3A_590, %sub3A_590 : vector<8x128xf32>
        %add3A_593 = arith.addf %mul3A_591, %mul3A_592 : vector<8x128xf32>
        %le3A_594 = vector.broadcast %scan3A : f32 to vector<8x128xf32>
        %le3A_595 = arith.cmpf ole, %add3A_593, %le3A_594 : vector<8x128xf32>
        %broadcast_in_dim3A_596 = vector.broadcast %get3A_586 : f32 to vector<8x128xf32>
        %broadcast_in_dim3A_597 = vector.broadcast %scan3A_58 : f32 to vector<8x128xf32>
        %select_n3A_598 = arith.select %le3A_595, %broadcast_in_dim3A_596, %broadcast_in_dim3A_597 : vector<8x128xi1>, vector<8x128xf32>
        %mul3A_599 = vector.broadcast %scan3A_59 : f32 to vector<8x128xf32>
        %mul3A_600 = arith.mulf %add3A_593, %mul3A_599 : vector<8x128xf32>
        %convert_element_type3A_601 = arith.fptosi %mul3A_600 : vector<8x128xf32> to vector<8x128xi32>
        %get3A_602 = arith.constant 0 : index
        %get3A_603 = arith.constant 0 : index
        %get3A_604 = arith.constant 0 : index
        %get3A_605 = arith.index_cast %add3A_571 : i32 to index
        %get3A_606 = memref.load %arg4[%get3A_602, %get3A_603, %get3A_604, %get3A_605] : memref<1x1x1x160xi32, #tpu.memory_space<smem>>
        %shift_left3A_607 = arith.constant 10 : i32
        %shift_left3A_608 = arith.shli %get3A_606, %shift_left3A_607 : i32
        %add3A_609 = vector.broadcast %shift_left3A_608 : i32 to vector<8x128xi32>
        %add3A_610 = arith.addi %add3A_609, %convert_element_type3A_601 : vector<8x128xi32>
        %lt3A_611 = arith.cmpf olt, %select_n3A_598, %min3A : vector<8x128xf32>
        %min3A_612 = arith.minimumf %min3A, %select_n3A_598 : vector<8x128xf32>
        %max3A_613 = arith.maximumf %min3A, %select_n3A_598 : vector<8x128xf32>
        %select_n3A_614 = arith.select %lt3A_611, %add3A_610, %select_n3A_531 : vector<8x128xi1>, vector<8x128xi32>
        %select_n3A_615 = arith.select %lt3A_611, %select_n3A_531, %add3A_610 : vector<8x128xi1>, vector<8x128xi32>
        %lt3A_616 = arith.cmpf olt, %max3A_613, %min3A_534 : vector<8x128xf32>
        %min3A_617 = arith.minimumf %min3A_534, %max3A_613 : vector<8x128xf32>
        %max3A_618 = arith.maximumf %min3A_534, %max3A_613 : vector<8x128xf32>
        %select_n3A_619 = arith.select %lt3A_616, %select_n3A_615, %select_n3A_536 : vector<8x128xi1>, vector<8x128xi32>
        %select_n3A_620 = arith.select %lt3A_616, %select_n3A_536, %select_n3A_615 : vector<8x128xi1>, vector<8x128xi32>
        %lt3A_621 = arith.cmpf olt, %max3A_618, %min3A_539 : vector<8x128xf32>
        %min3A_622 = arith.minimumf %min3A_539, %max3A_618 : vector<8x128xf32>
        %max3A_623 = arith.maximumf %min3A_539, %max3A_618 : vector<8x128xf32>
        %select_n3A_624 = arith.select %lt3A_621, %select_n3A_620, %select_n3A_541 : vector<8x128xi1>, vector<8x128xi32>
        %select_n3A_625 = arith.select %lt3A_621, %select_n3A_541, %select_n3A_620 : vector<8x128xi1>, vector<8x128xi32>
        %lt3A_626 = arith.cmpf olt, %max3A_623, %min3A_544 : vector<8x128xf32>
        %min3A_627 = arith.minimumf %min3A_544, %max3A_623 : vector<8x128xf32>
        %max3A_628 = arith.maximumf %min3A_544, %max3A_623 : vector<8x128xf32>
        %select_n3A_629 = arith.select %lt3A_626, %select_n3A_625, %select_n3A_546 : vector<8x128xi1>, vector<8x128xi32>
        %select_n3A_630 = arith.select %lt3A_626, %select_n3A_546, %select_n3A_625 : vector<8x128xi1>, vector<8x128xi32>
        %lt3A_631 = arith.cmpf olt, %max3A_628, %min3A_549 : vector<8x128xf32>
        %min3A_632 = arith.minimumf %min3A_549, %max3A_628 : vector<8x128xf32>
        %max3A_633 = arith.maximumf %min3A_549, %max3A_628 : vector<8x128xf32>
        %select_n3A_634 = arith.select %lt3A_631, %select_n3A_630, %select_n3A_551 : vector<8x128xi1>, vector<8x128xi32>
        %select_n3A_635 = arith.select %lt3A_631, %select_n3A_551, %select_n3A_630 : vector<8x128xi1>, vector<8x128xi32>
        %lt3A_636 = arith.cmpf olt, %max3A_633, %min3A_554 : vector<8x128xf32>
        %min3A_637 = arith.minimumf %min3A_554, %max3A_633 : vector<8x128xf32>
        %max3A_638 = arith.maximumf %min3A_554, %max3A_633 : vector<8x128xf32>
        %select_n3A_639 = arith.select %lt3A_636, %select_n3A_635, %select_n3A_556 : vector<8x128xi1>, vector<8x128xi32>
        %select_n3A_640 = arith.select %lt3A_636, %select_n3A_556, %select_n3A_635 : vector<8x128xi1>, vector<8x128xi32>
        %lt3A_641 = arith.cmpf olt, %max3A_638, %min3A_559 : vector<8x128xf32>
        %min3A_642 = arith.minimumf %min3A_559, %max3A_638 : vector<8x128xf32>
        %max3A_643 = arith.maximumf %min3A_559, %max3A_638 : vector<8x128xf32>
        %select_n3A_644 = arith.select %lt3A_641, %select_n3A_640, %select_n3A_561 : vector<8x128xi1>, vector<8x128xi32>
        %select_n3A_645 = arith.select %lt3A_641, %select_n3A_561, %select_n3A_640 : vector<8x128xi1>, vector<8x128xi32>
        %lt3A_646 = arith.cmpf olt, %max3A_643, %min3A_564 : vector<8x128xf32>
        %min3A_647 = arith.minimumf %min3A_564, %max3A_643 : vector<8x128xf32>
        %max3A_648 = arith.maximumf %min3A_564, %max3A_643 : vector<8x128xf32>
        %select_n3A_649 = arith.select %lt3A_646, %select_n3A_645, %select_n3A_566 : vector<8x128xi1>, vector<8x128xi32>
        %select_n3A_650 = arith.select %lt3A_646, %select_n3A_566, %select_n3A_645 : vector<8x128xi1>, vector<8x128xi32>
        %mul3A_651 = arith.constant 16 : i32
        %mul3A_652 = arith.muli %mul3A_651, %while3A_472 : i32
        %add3A_653 = arith.constant 2 : i32
        %add3A_654 = arith.addi %mul3A_652, %add3A_653 : i32
        %get3A_655 = arith.index_cast %scan3A_420 : i32 to index
        %get3A_656 = arith.constant 0 : index
        %get3A_657 = arith.constant 0 : index
        %get3A_658 = arith.index_cast %add3A_654 : i32 to index
        %get3A_659 = memref.load %arg1[%get3A_655, %get3A_656, %get3A_657, %get3A_658] : memref<32x1x1x160xf32, #tpu.memory_space<smem>>
        %get3A_660 = arith.constant 0 : index
        %get3A_661 = arith.constant 0 : index
        %get3A_662 = arith.constant 0 : index
        %get3A_663 = arith.index_cast %add3A_654 : i32 to index
        %get3A_664 = memref.load %arg2[%get3A_660, %get3A_661, %get3A_662, %get3A_663] : memref<1x1x1x160xf32, #tpu.memory_space<smem>>
        %get3A_665 = arith.constant 0 : index
        %get3A_666 = arith.constant 0 : index
        %get3A_667 = arith.constant 0 : index
        %get3A_668 = arith.index_cast %add3A_654 : i32 to index
        %get3A_669 = memref.load %arg3[%get3A_665, %get3A_666, %get3A_667, %get3A_668] : memref<1x1x1x160xf32, #tpu.memory_space<smem>>
        %sub3A_670 = vector.broadcast %get3A_659 : f32 to vector<8x128xf32>
        %sub3A_671 = arith.subf %sub3A_26, %sub3A_670 : vector<8x128xf32>
        %sub3A_672 = vector.broadcast %get3A_664 : f32 to vector<8x128xf32>
        %sub3A_673 = arith.subf %sub3A_14, %sub3A_672 : vector<8x128xf32>
        %mul3A_674 = arith.mulf %sub3A_671, %sub3A_671 : vector<8x128xf32>
        %mul3A_675 = arith.mulf %sub3A_673, %sub3A_673 : vector<8x128xf32>
        %add3A_676 = arith.addf %mul3A_674, %mul3A_675 : vector<8x128xf32>
        %le3A_677 = vector.broadcast %scan3A : f32 to vector<8x128xf32>
        %le3A_678 = arith.cmpf ole, %add3A_676, %le3A_677 : vector<8x128xf32>
        %broadcast_in_dim3A_679 = vector.broadcast %get3A_669 : f32 to vector<8x128xf32>
        %broadcast_in_dim3A_680 = vector.broadcast %scan3A_58 : f32 to vector<8x128xf32>
        %select_n3A_681 = arith.select %le3A_678, %broadcast_in_dim3A_679, %broadcast_in_dim3A_680 : vector<8x128xi1>, vector<8x128xf32>
        %mul3A_682 = vector.broadcast %scan3A_59 : f32 to vector<8x128xf32>
        %mul3A_683 = arith.mulf %add3A_676, %mul3A_682 : vector<8x128xf32>
        %convert_element_type3A_684 = arith.fptosi %mul3A_683 : vector<8x128xf32> to vector<8x128xi32>
        %get3A_685 = arith.constant 0 : index
        %get3A_686 = arith.constant 0 : index
        %get3A_687 = arith.constant 0 : index
        %get3A_688 = arith.index_cast %add3A_654 : i32 to index
        %get3A_689 = memref.load %arg4[%get3A_685, %get3A_686, %get3A_687, %get3A_688] : memref<1x1x1x160xi32, #tpu.memory_space<smem>>
        %shift_left3A_690 = arith.constant 10 : i32
        %shift_left3A_691 = arith.shli %get3A_689, %shift_left3A_690 : i32
        %add3A_692 = vector.broadcast %shift_left3A_691 : i32 to vector<8x128xi32>
        %add3A_693 = arith.addi %add3A_692, %convert_element_type3A_684 : vector<8x128xi32>
        %lt3A_694 = arith.cmpf olt, %select_n3A_681, %min3A_612 : vector<8x128xf32>
        %min3A_695 = arith.minimumf %min3A_612, %select_n3A_681 : vector<8x128xf32>
        %max3A_696 = arith.maximumf %min3A_612, %select_n3A_681 : vector<8x128xf32>
        %select_n3A_697 = arith.select %lt3A_694, %add3A_693, %select_n3A_614 : vector<8x128xi1>, vector<8x128xi32>
        %select_n3A_698 = arith.select %lt3A_694, %select_n3A_614, %add3A_693 : vector<8x128xi1>, vector<8x128xi32>
        %lt3A_699 = arith.cmpf olt, %max3A_696, %min3A_617 : vector<8x128xf32>
        %min3A_700 = arith.minimumf %min3A_617, %max3A_696 : vector<8x128xf32>
        %max3A_701 = arith.maximumf %min3A_617, %max3A_696 : vector<8x128xf32>
        %select_n3A_702 = arith.select %lt3A_699, %select_n3A_698, %select_n3A_619 : vector<8x128xi1>, vector<8x128xi32>
        %select_n3A_703 = arith.select %lt3A_699, %select_n3A_619, %select_n3A_698 : vector<8x128xi1>, vector<8x128xi32>
        %lt3A_704 = arith.cmpf olt, %max3A_701, %min3A_622 : vector<8x128xf32>
        %min3A_705 = arith.minimumf %min3A_622, %max3A_701 : vector<8x128xf32>
        %max3A_706 = arith.maximumf %min3A_622, %max3A_701 : vector<8x128xf32>
        %select_n3A_707 = arith.select %lt3A_704, %select_n3A_703, %select_n3A_624 : vector<8x128xi1>, vector<8x128xi32>
        %select_n3A_708 = arith.select %lt3A_704, %select_n3A_624, %select_n3A_703 : vector<8x128xi1>, vector<8x128xi32>
        %lt3A_709 = arith.cmpf olt, %max3A_706, %min3A_627 : vector<8x128xf32>
        %min3A_710 = arith.minimumf %min3A_627, %max3A_706 : vector<8x128xf32>
        %max3A_711 = arith.maximumf %min3A_627, %max3A_706 : vector<8x128xf32>
        %select_n3A_712 = arith.select %lt3A_709, %select_n3A_708, %select_n3A_629 : vector<8x128xi1>, vector<8x128xi32>
        %select_n3A_713 = arith.select %lt3A_709, %select_n3A_629, %select_n3A_708 : vector<8x128xi1>, vector<8x128xi32>
        %lt3A_714 = arith.cmpf olt, %max3A_711, %min3A_632 : vector<8x128xf32>
        %min3A_715 = arith.minimumf %min3A_632, %max3A_711 : vector<8x128xf32>
        %max3A_716 = arith.maximumf %min3A_632, %max3A_711 : vector<8x128xf32>
        %select_n3A_717 = arith.select %lt3A_714, %select_n3A_713, %select_n3A_634 : vector<8x128xi1>, vector<8x128xi32>
        %select_n3A_718 = arith.select %lt3A_714, %select_n3A_634, %select_n3A_713 : vector<8x128xi1>, vector<8x128xi32>
        %lt3A_719 = arith.cmpf olt, %max3A_716, %min3A_637 : vector<8x128xf32>
        %min3A_720 = arith.minimumf %min3A_637, %max3A_716 : vector<8x128xf32>
        %max3A_721 = arith.maximumf %min3A_637, %max3A_716 : vector<8x128xf32>
        %select_n3A_722 = arith.select %lt3A_719, %select_n3A_718, %select_n3A_639 : vector<8x128xi1>, vector<8x128xi32>
        %select_n3A_723 = arith.select %lt3A_719, %select_n3A_639, %select_n3A_718 : vector<8x128xi1>, vector<8x128xi32>
        %lt3A_724 = arith.cmpf olt, %max3A_721, %min3A_642 : vector<8x128xf32>
        %min3A_725 = arith.minimumf %min3A_642, %max3A_721 : vector<8x128xf32>
        %max3A_726 = arith.maximumf %min3A_642, %max3A_721 : vector<8x128xf32>
        %select_n3A_727 = arith.select %lt3A_724, %select_n3A_723, %select_n3A_644 : vector<8x128xi1>, vector<8x128xi32>
        %select_n3A_728 = arith.select %lt3A_724, %select_n3A_644, %select_n3A_723 : vector<8x128xi1>, vector<8x128xi32>
        %lt3A_729 = arith.cmpf olt, %max3A_726, %min3A_647 : vector<8x128xf32>
        %min3A_730 = arith.minimumf %min3A_647, %max3A_726 : vector<8x128xf32>
        %max3A_731 = arith.maximumf %min3A_647, %max3A_726 : vector<8x128xf32>
        %select_n3A_732 = arith.select %lt3A_729, %select_n3A_728, %select_n3A_649 : vector<8x128xi1>, vector<8x128xi32>
        %select_n3A_733 = arith.select %lt3A_729, %select_n3A_649, %select_n3A_728 : vector<8x128xi1>, vector<8x128xi32>
        %mul3A_734 = arith.constant 16 : i32
        %mul3A_735 = arith.muli %mul3A_734, %while3A_472 : i32
        %add3A_736 = arith.constant 3 : i32
        %add3A_737 = arith.addi %mul3A_735, %add3A_736 : i32
        %get3A_738 = arith.index_cast %scan3A_420 : i32 to index
        %get3A_739 = arith.constant 0 : index
        %get3A_740 = arith.constant 0 : index
        %get3A_741 = arith.index_cast %add3A_737 : i32 to index
        %get3A_742 = memref.load %arg1[%get3A_738, %get3A_739, %get3A_740, %get3A_741] : memref<32x1x1x160xf32, #tpu.memory_space<smem>>
        %get3A_743 = arith.constant 0 : index
        %get3A_744 = arith.constant 0 : index
        %get3A_745 = arith.constant 0 : index
        %get3A_746 = arith.index_cast %add3A_737 : i32 to index
        %get3A_747 = memref.load %arg2[%get3A_743, %get3A_744, %get3A_745, %get3A_746] : memref<1x1x1x160xf32, #tpu.memory_space<smem>>
        %get3A_748 = arith.constant 0 : index
        %get3A_749 = arith.constant 0 : index
        %get3A_750 = arith.constant 0 : index
        %get3A_751 = arith.index_cast %add3A_737 : i32 to index
        %get3A_752 = memref.load %arg3[%get3A_748, %get3A_749, %get3A_750, %get3A_751] : memref<1x1x1x160xf32, #tpu.memory_space<smem>>
        %sub3A_753 = vector.broadcast %get3A_742 : f32 to vector<8x128xf32>
        %sub3A_754 = arith.subf %sub3A_26, %sub3A_753 : vector<8x128xf32>
        %sub3A_755 = vector.broadcast %get3A_747 : f32 to vector<8x128xf32>
        %sub3A_756 = arith.subf %sub3A_14, %sub3A_755 : vector<8x128xf32>
        %mul3A_757 = arith.mulf %sub3A_754, %sub3A_754 : vector<8x128xf32>
        %mul3A_758 = arith.mulf %sub3A_756, %sub3A_756 : vector<8x128xf32>
        %add3A_759 = arith.addf %mul3A_757, %mul3A_758 : vector<8x128xf32>
        %le3A_760 = vector.broadcast %scan3A : f32 to vector<8x128xf32>
        %le3A_761 = arith.cmpf ole, %add3A_759, %le3A_760 : vector<8x128xf32>
        %broadcast_in_dim3A_762 = vector.broadcast %get3A_752 : f32 to vector<8x128xf32>
        %broadcast_in_dim3A_763 = vector.broadcast %scan3A_58 : f32 to vector<8x128xf32>
        %select_n3A_764 = arith.select %le3A_761, %broadcast_in_dim3A_762, %broadcast_in_dim3A_763 : vector<8x128xi1>, vector<8x128xf32>
        %mul3A_765 = vector.broadcast %scan3A_59 : f32 to vector<8x128xf32>
        %mul3A_766 = arith.mulf %add3A_759, %mul3A_765 : vector<8x128xf32>
        %convert_element_type3A_767 = arith.fptosi %mul3A_766 : vector<8x128xf32> to vector<8x128xi32>
        %get3A_768 = arith.constant 0 : index
        %get3A_769 = arith.constant 0 : index
        %get3A_770 = arith.constant 0 : index
        %get3A_771 = arith.index_cast %add3A_737 : i32 to index
        %get3A_772 = memref.load %arg4[%get3A_768, %get3A_769, %get3A_770, %get3A_771] : memref<1x1x1x160xi32, #tpu.memory_space<smem>>
        %shift_left3A_773 = arith.constant 10 : i32
        %shift_left3A_774 = arith.shli %get3A_772, %shift_left3A_773 : i32
        %add3A_775 = vector.broadcast %shift_left3A_774 : i32 to vector<8x128xi32>
        %add3A_776 = arith.addi %add3A_775, %convert_element_type3A_767 : vector<8x128xi32>
        %lt3A_777 = arith.cmpf olt, %select_n3A_764, %min3A_695 : vector<8x128xf32>
        %min3A_778 = arith.minimumf %min3A_695, %select_n3A_764 : vector<8x128xf32>
        %max3A_779 = arith.maximumf %min3A_695, %select_n3A_764 : vector<8x128xf32>
        %select_n3A_780 = arith.select %lt3A_777, %add3A_776, %select_n3A_697 : vector<8x128xi1>, vector<8x128xi32>
        %select_n3A_781 = arith.select %lt3A_777, %select_n3A_697, %add3A_776 : vector<8x128xi1>, vector<8x128xi32>
        %lt3A_782 = arith.cmpf olt, %max3A_779, %min3A_700 : vector<8x128xf32>
        %min3A_783 = arith.minimumf %min3A_700, %max3A_779 : vector<8x128xf32>
        %max3A_784 = arith.maximumf %min3A_700, %max3A_779 : vector<8x128xf32>
        %select_n3A_785 = arith.select %lt3A_782, %select_n3A_781, %select_n3A_702 : vector<8x128xi1>, vector<8x128xi32>
        %select_n3A_786 = arith.select %lt3A_782, %select_n3A_702, %select_n3A_781 : vector<8x128xi1>, vector<8x128xi32>
        %lt3A_787 = arith.cmpf olt, %max3A_784, %min3A_705 : vector<8x128xf32>
        %min3A_788 = arith.minimumf %min3A_705, %max3A_784 : vector<8x128xf32>
        %max3A_789 = arith.maximumf %min3A_705, %max3A_784 : vector<8x128xf32>
        %select_n3A_790 = arith.select %lt3A_787, %select_n3A_786, %select_n3A_707 : vector<8x128xi1>, vector<8x128xi32>
        %select_n3A_791 = arith.select %lt3A_787, %select_n3A_707, %select_n3A_786 : vector<8x128xi1>, vector<8x128xi32>
        %lt3A_792 = arith.cmpf olt, %max3A_789, %min3A_710 : vector<8x128xf32>
        %min3A_793 = arith.minimumf %min3A_710, %max3A_789 : vector<8x128xf32>
        %max3A_794 = arith.maximumf %min3A_710, %max3A_789 : vector<8x128xf32>
        %select_n3A_795 = arith.select %lt3A_792, %select_n3A_791, %select_n3A_712 : vector<8x128xi1>, vector<8x128xi32>
        %select_n3A_796 = arith.select %lt3A_792, %select_n3A_712, %select_n3A_791 : vector<8x128xi1>, vector<8x128xi32>
        %lt3A_797 = arith.cmpf olt, %max3A_794, %min3A_715 : vector<8x128xf32>
        %min3A_798 = arith.minimumf %min3A_715, %max3A_794 : vector<8x128xf32>
        %max3A_799 = arith.maximumf %min3A_715, %max3A_794 : vector<8x128xf32>
        %select_n3A_800 = arith.select %lt3A_797, %select_n3A_796, %select_n3A_717 : vector<8x128xi1>, vector<8x128xi32>
        %select_n3A_801 = arith.select %lt3A_797, %select_n3A_717, %select_n3A_796 : vector<8x128xi1>, vector<8x128xi32>
        %lt3A_802 = arith.cmpf olt, %max3A_799, %min3A_720 : vector<8x128xf32>
        %min3A_803 = arith.minimumf %min3A_720, %max3A_799 : vector<8x128xf32>
        %max3A_804 = arith.maximumf %min3A_720, %max3A_799 : vector<8x128xf32>
        %select_n3A_805 = arith.select %lt3A_802, %select_n3A_801, %select_n3A_722 : vector<8x128xi1>, vector<8x128xi32>
        %select_n3A_806 = arith.select %lt3A_802, %select_n3A_722, %select_n3A_801 : vector<8x128xi1>, vector<8x128xi32>
        %lt3A_807 = arith.cmpf olt, %max3A_804, %min3A_725 : vector<8x128xf32>
        %min3A_808 = arith.minimumf %min3A_725, %max3A_804 : vector<8x128xf32>
        %max3A_809 = arith.maximumf %min3A_725, %max3A_804 : vector<8x128xf32>
        %select_n3A_810 = arith.select %lt3A_807, %select_n3A_806, %select_n3A_727 : vector<8x128xi1>, vector<8x128xi32>
        %select_n3A_811 = arith.select %lt3A_807, %select_n3A_727, %select_n3A_806 : vector<8x128xi1>, vector<8x128xi32>
        %lt3A_812 = arith.cmpf olt, %max3A_809, %min3A_730 : vector<8x128xf32>
        %min3A_813 = arith.minimumf %min3A_730, %max3A_809 : vector<8x128xf32>
        %max3A_814 = arith.maximumf %min3A_730, %max3A_809 : vector<8x128xf32>
        %select_n3A_815 = arith.select %lt3A_812, %select_n3A_811, %select_n3A_732 : vector<8x128xi1>, vector<8x128xi32>
        %select_n3A_816 = arith.select %lt3A_812, %select_n3A_732, %select_n3A_811 : vector<8x128xi1>, vector<8x128xi32>
        %mul3A_817 = arith.constant 16 : i32
        %mul3A_818 = arith.muli %mul3A_817, %while3A_472 : i32
        %add3A_819 = arith.constant 4 : i32
        %add3A_820 = arith.addi %mul3A_818, %add3A_819 : i32
        %get3A_821 = arith.index_cast %scan3A_420 : i32 to index
        %get3A_822 = arith.constant 0 : index
        %get3A_823 = arith.constant 0 : index
        %get3A_824 = arith.index_cast %add3A_820 : i32 to index
        %get3A_825 = memref.load %arg1[%get3A_821, %get3A_822, %get3A_823, %get3A_824] : memref<32x1x1x160xf32, #tpu.memory_space<smem>>
        %get3A_826 = arith.constant 0 : index
        %get3A_827 = arith.constant 0 : index
        %get3A_828 = arith.constant 0 : index
        %get3A_829 = arith.index_cast %add3A_820 : i32 to index
        %get3A_830 = memref.load %arg2[%get3A_826, %get3A_827, %get3A_828, %get3A_829] : memref<1x1x1x160xf32, #tpu.memory_space<smem>>
        %get3A_831 = arith.constant 0 : index
        %get3A_832 = arith.constant 0 : index
        %get3A_833 = arith.constant 0 : index
        %get3A_834 = arith.index_cast %add3A_820 : i32 to index
        %get3A_835 = memref.load %arg3[%get3A_831, %get3A_832, %get3A_833, %get3A_834] : memref<1x1x1x160xf32, #tpu.memory_space<smem>>
        %sub3A_836 = vector.broadcast %get3A_825 : f32 to vector<8x128xf32>
        %sub3A_837 = arith.subf %sub3A_26, %sub3A_836 : vector<8x128xf32>
        %sub3A_838 = vector.broadcast %get3A_830 : f32 to vector<8x128xf32>
        %sub3A_839 = arith.subf %sub3A_14, %sub3A_838 : vector<8x128xf32>
        %mul3A_840 = arith.mulf %sub3A_837, %sub3A_837 : vector<8x128xf32>
        %mul3A_841 = arith.mulf %sub3A_839, %sub3A_839 : vector<8x128xf32>
        %add3A_842 = arith.addf %mul3A_840, %mul3A_841 : vector<8x128xf32>
        %le3A_843 = vector.broadcast %scan3A : f32 to vector<8x128xf32>
        %le3A_844 = arith.cmpf ole, %add3A_842, %le3A_843 : vector<8x128xf32>
        %broadcast_in_dim3A_845 = vector.broadcast %get3A_835 : f32 to vector<8x128xf32>
        %broadcast_in_dim3A_846 = vector.broadcast %scan3A_58 : f32 to vector<8x128xf32>
        %select_n3A_847 = arith.select %le3A_844, %broadcast_in_dim3A_845, %broadcast_in_dim3A_846 : vector<8x128xi1>, vector<8x128xf32>
        %mul3A_848 = vector.broadcast %scan3A_59 : f32 to vector<8x128xf32>
        %mul3A_849 = arith.mulf %add3A_842, %mul3A_848 : vector<8x128xf32>
        %convert_element_type3A_850 = arith.fptosi %mul3A_849 : vector<8x128xf32> to vector<8x128xi32>
        %get3A_851 = arith.constant 0 : index
        %get3A_852 = arith.constant 0 : index
        %get3A_853 = arith.constant 0 : index
        %get3A_854 = arith.index_cast %add3A_820 : i32 to index
        %get3A_855 = memref.load %arg4[%get3A_851, %get3A_852, %get3A_853, %get3A_854] : memref<1x1x1x160xi32, #tpu.memory_space<smem>>
        %shift_left3A_856 = arith.constant 10 : i32
        %shift_left3A_857 = arith.shli %get3A_855, %shift_left3A_856 : i32
        %add3A_858 = vector.broadcast %shift_left3A_857 : i32 to vector<8x128xi32>
        %add3A_859 = arith.addi %add3A_858, %convert_element_type3A_850 : vector<8x128xi32>
        %lt3A_860 = arith.cmpf olt, %select_n3A_847, %min3A_778 : vector<8x128xf32>
        %min3A_861 = arith.minimumf %min3A_778, %select_n3A_847 : vector<8x128xf32>
        %max3A_862 = arith.maximumf %min3A_778, %select_n3A_847 : vector<8x128xf32>
        %select_n3A_863 = arith.select %lt3A_860, %add3A_859, %select_n3A_780 : vector<8x128xi1>, vector<8x128xi32>
        %select_n3A_864 = arith.select %lt3A_860, %select_n3A_780, %add3A_859 : vector<8x128xi1>, vector<8x128xi32>
        %lt3A_865 = arith.cmpf olt, %max3A_862, %min3A_783 : vector<8x128xf32>
        %min3A_866 = arith.minimumf %min3A_783, %max3A_862 : vector<8x128xf32>
        %max3A_867 = arith.maximumf %min3A_783, %max3A_862 : vector<8x128xf32>
        %select_n3A_868 = arith.select %lt3A_865, %select_n3A_864, %select_n3A_785 : vector<8x128xi1>, vector<8x128xi32>
        %select_n3A_869 = arith.select %lt3A_865, %select_n3A_785, %select_n3A_864 : vector<8x128xi1>, vector<8x128xi32>
        %lt3A_870 = arith.cmpf olt, %max3A_867, %min3A_788 : vector<8x128xf32>
        %min3A_871 = arith.minimumf %min3A_788, %max3A_867 : vector<8x128xf32>
        %max3A_872 = arith.maximumf %min3A_788, %max3A_867 : vector<8x128xf32>
        %select_n3A_873 = arith.select %lt3A_870, %select_n3A_869, %select_n3A_790 : vector<8x128xi1>, vector<8x128xi32>
        %select_n3A_874 = arith.select %lt3A_870, %select_n3A_790, %select_n3A_869 : vector<8x128xi1>, vector<8x128xi32>
        %lt3A_875 = arith.cmpf olt, %max3A_872, %min3A_793 : vector<8x128xf32>
        %min3A_876 = arith.minimumf %min3A_793, %max3A_872 : vector<8x128xf32>
        %max3A_877 = arith.maximumf %min3A_793, %max3A_872 : vector<8x128xf32>
        %select_n3A_878 = arith.select %lt3A_875, %select_n3A_874, %select_n3A_795 : vector<8x128xi1>, vector<8x128xi32>
        %select_n3A_879 = arith.select %lt3A_875, %select_n3A_795, %select_n3A_874 : vector<8x128xi1>, vector<8x128xi32>
        %lt3A_880 = arith.cmpf olt, %max3A_877, %min3A_798 : vector<8x128xf32>
        %min3A_881 = arith.minimumf %min3A_798, %max3A_877 : vector<8x128xf32>
        %max3A_882 = arith.maximumf %min3A_798, %max3A_877 : vector<8x128xf32>
        %select_n3A_883 = arith.select %lt3A_880, %select_n3A_879, %select_n3A_800 : vector<8x128xi1>, vector<8x128xi32>
        %select_n3A_884 = arith.select %lt3A_880, %select_n3A_800, %select_n3A_879 : vector<8x128xi1>, vector<8x128xi32>
        %lt3A_885 = arith.cmpf olt, %max3A_882, %min3A_803 : vector<8x128xf32>
        %min3A_886 = arith.minimumf %min3A_803, %max3A_882 : vector<8x128xf32>
        %max3A_887 = arith.maximumf %min3A_803, %max3A_882 : vector<8x128xf32>
        %select_n3A_888 = arith.select %lt3A_885, %select_n3A_884, %select_n3A_805 : vector<8x128xi1>, vector<8x128xi32>
        %select_n3A_889 = arith.select %lt3A_885, %select_n3A_805, %select_n3A_884 : vector<8x128xi1>, vector<8x128xi32>
        %lt3A_890 = arith.cmpf olt, %max3A_887, %min3A_808 : vector<8x128xf32>
        %min3A_891 = arith.minimumf %min3A_808, %max3A_887 : vector<8x128xf32>
        %max3A_892 = arith.maximumf %min3A_808, %max3A_887 : vector<8x128xf32>
        %select_n3A_893 = arith.select %lt3A_890, %select_n3A_889, %select_n3A_810 : vector<8x128xi1>, vector<8x128xi32>
        %select_n3A_894 = arith.select %lt3A_890, %select_n3A_810, %select_n3A_889 : vector<8x128xi1>, vector<8x128xi32>
        %lt3A_895 = arith.cmpf olt, %max3A_892, %min3A_813 : vector<8x128xf32>
        %min3A_896 = arith.minimumf %min3A_813, %max3A_892 : vector<8x128xf32>
        %max3A_897 = arith.maximumf %min3A_813, %max3A_892 : vector<8x128xf32>
        %select_n3A_898 = arith.select %lt3A_895, %select_n3A_894, %select_n3A_815 : vector<8x128xi1>, vector<8x128xi32>
        %select_n3A_899 = arith.select %lt3A_895, %select_n3A_815, %select_n3A_894 : vector<8x128xi1>, vector<8x128xi32>
        %mul3A_900 = arith.constant 16 : i32
        %mul3A_901 = arith.muli %mul3A_900, %while3A_472 : i32
        %add3A_902 = arith.constant 5 : i32
        %add3A_903 = arith.addi %mul3A_901, %add3A_902 : i32
        %get3A_904 = arith.index_cast %scan3A_420 : i32 to index
        %get3A_905 = arith.constant 0 : index
        %get3A_906 = arith.constant 0 : index
        %get3A_907 = arith.index_cast %add3A_903 : i32 to index
        %get3A_908 = memref.load %arg1[%get3A_904, %get3A_905, %get3A_906, %get3A_907] : memref<32x1x1x160xf32, #tpu.memory_space<smem>>
        %get3A_909 = arith.constant 0 : index
        %get3A_910 = arith.constant 0 : index
        %get3A_911 = arith.constant 0 : index
        %get3A_912 = arith.index_cast %add3A_903 : i32 to index
        %get3A_913 = memref.load %arg2[%get3A_909, %get3A_910, %get3A_911, %get3A_912] : memref<1x1x1x160xf32, #tpu.memory_space<smem>>
        %get3A_914 = arith.constant 0 : index
        %get3A_915 = arith.constant 0 : index
        %get3A_916 = arith.constant 0 : index
        %get3A_917 = arith.index_cast %add3A_903 : i32 to index
        %get3A_918 = memref.load %arg3[%get3A_914, %get3A_915, %get3A_916, %get3A_917] : memref<1x1x1x160xf32, #tpu.memory_space<smem>>
        %sub3A_919 = vector.broadcast %get3A_908 : f32 to vector<8x128xf32>
        %sub3A_920 = arith.subf %sub3A_26, %sub3A_919 : vector<8x128xf32>
        %sub3A_921 = vector.broadcast %get3A_913 : f32 to vector<8x128xf32>
        %sub3A_922 = arith.subf %sub3A_14, %sub3A_921 : vector<8x128xf32>
        %mul3A_923 = arith.mulf %sub3A_920, %sub3A_920 : vector<8x128xf32>
        %mul3A_924 = arith.mulf %sub3A_922, %sub3A_922 : vector<8x128xf32>
        %add3A_925 = arith.addf %mul3A_923, %mul3A_924 : vector<8x128xf32>
        %le3A_926 = vector.broadcast %scan3A : f32 to vector<8x128xf32>
        %le3A_927 = arith.cmpf ole, %add3A_925, %le3A_926 : vector<8x128xf32>
        %broadcast_in_dim3A_928 = vector.broadcast %get3A_918 : f32 to vector<8x128xf32>
        %broadcast_in_dim3A_929 = vector.broadcast %scan3A_58 : f32 to vector<8x128xf32>
        %select_n3A_930 = arith.select %le3A_927, %broadcast_in_dim3A_928, %broadcast_in_dim3A_929 : vector<8x128xi1>, vector<8x128xf32>
        %mul3A_931 = vector.broadcast %scan3A_59 : f32 to vector<8x128xf32>
        %mul3A_932 = arith.mulf %add3A_925, %mul3A_931 : vector<8x128xf32>
        %convert_element_type3A_933 = arith.fptosi %mul3A_932 : vector<8x128xf32> to vector<8x128xi32>
        %get3A_934 = arith.constant 0 : index
        %get3A_935 = arith.constant 0 : index
        %get3A_936 = arith.constant 0 : index
        %get3A_937 = arith.index_cast %add3A_903 : i32 to index
        %get3A_938 = memref.load %arg4[%get3A_934, %get3A_935, %get3A_936, %get3A_937] : memref<1x1x1x160xi32, #tpu.memory_space<smem>>
        %shift_left3A_939 = arith.constant 10 : i32
        %shift_left3A_940 = arith.shli %get3A_938, %shift_left3A_939 : i32
        %add3A_941 = vector.broadcast %shift_left3A_940 : i32 to vector<8x128xi32>
        %add3A_942 = arith.addi %add3A_941, %convert_element_type3A_933 : vector<8x128xi32>
        %lt3A_943 = arith.cmpf olt, %select_n3A_930, %min3A_861 : vector<8x128xf32>
        %min3A_944 = arith.minimumf %min3A_861, %select_n3A_930 : vector<8x128xf32>
        %max3A_945 = arith.maximumf %min3A_861, %select_n3A_930 : vector<8x128xf32>
        %select_n3A_946 = arith.select %lt3A_943, %add3A_942, %select_n3A_863 : vector<8x128xi1>, vector<8x128xi32>
        %select_n3A_947 = arith.select %lt3A_943, %select_n3A_863, %add3A_942 : vector<8x128xi1>, vector<8x128xi32>
        %lt3A_948 = arith.cmpf olt, %max3A_945, %min3A_866 : vector<8x128xf32>
        %min3A_949 = arith.minimumf %min3A_866, %max3A_945 : vector<8x128xf32>
        %max3A_950 = arith.maximumf %min3A_866, %max3A_945 : vector<8x128xf32>
        %select_n3A_951 = arith.select %lt3A_948, %select_n3A_947, %select_n3A_868 : vector<8x128xi1>, vector<8x128xi32>
        %select_n3A_952 = arith.select %lt3A_948, %select_n3A_868, %select_n3A_947 : vector<8x128xi1>, vector<8x128xi32>
        %lt3A_953 = arith.cmpf olt, %max3A_950, %min3A_871 : vector<8x128xf32>
        %min3A_954 = arith.minimumf %min3A_871, %max3A_950 : vector<8x128xf32>
        %max3A_955 = arith.maximumf %min3A_871, %max3A_950 : vector<8x128xf32>
        %select_n3A_956 = arith.select %lt3A_953, %select_n3A_952, %select_n3A_873 : vector<8x128xi1>, vector<8x128xi32>
        %select_n3A_957 = arith.select %lt3A_953, %select_n3A_873, %select_n3A_952 : vector<8x128xi1>, vector<8x128xi32>
        %lt3A_958 = arith.cmpf olt, %max3A_955, %min3A_876 : vector<8x128xf32>
        %min3A_959 = arith.minimumf %min3A_876, %max3A_955 : vector<8x128xf32>
        %max3A_960 = arith.maximumf %min3A_876, %max3A_955 : vector<8x128xf32>
        %select_n3A_961 = arith.select %lt3A_958, %select_n3A_957, %select_n3A_878 : vector<8x128xi1>, vector<8x128xi32>
        %select_n3A_962 = arith.select %lt3A_958, %select_n3A_878, %select_n3A_957 : vector<8x128xi1>, vector<8x128xi32>
        %lt3A_963 = arith.cmpf olt, %max3A_960, %min3A_881 : vector<8x128xf32>
        %min3A_964 = arith.minimumf %min3A_881, %max3A_960 : vector<8x128xf32>
        %max3A_965 = arith.maximumf %min3A_881, %max3A_960 : vector<8x128xf32>
        %select_n3A_966 = arith.select %lt3A_963, %select_n3A_962, %select_n3A_883 : vector<8x128xi1>, vector<8x128xi32>
        %select_n3A_967 = arith.select %lt3A_963, %select_n3A_883, %select_n3A_962 : vector<8x128xi1>, vector<8x128xi32>
        %lt3A_968 = arith.cmpf olt, %max3A_965, %min3A_886 : vector<8x128xf32>
        %min3A_969 = arith.minimumf %min3A_886, %max3A_965 : vector<8x128xf32>
        %max3A_970 = arith.maximumf %min3A_886, %max3A_965 : vector<8x128xf32>
        %select_n3A_971 = arith.select %lt3A_968, %select_n3A_967, %select_n3A_888 : vector<8x128xi1>, vector<8x128xi32>
        %select_n3A_972 = arith.select %lt3A_968, %select_n3A_888, %select_n3A_967 : vector<8x128xi1>, vector<8x128xi32>
        %lt3A_973 = arith.cmpf olt, %max3A_970, %min3A_891 : vector<8x128xf32>
        %min3A_974 = arith.minimumf %min3A_891, %max3A_970 : vector<8x128xf32>
        %max3A_975 = arith.maximumf %min3A_891, %max3A_970 : vector<8x128xf32>
        %select_n3A_976 = arith.select %lt3A_973, %select_n3A_972, %select_n3A_893 : vector<8x128xi1>, vector<8x128xi32>
        %select_n3A_977 = arith.select %lt3A_973, %select_n3A_893, %select_n3A_972 : vector<8x128xi1>, vector<8x128xi32>
        %lt3A_978 = arith.cmpf olt, %max3A_975, %min3A_896 : vector<8x128xf32>
        %min3A_979 = arith.minimumf %min3A_896, %max3A_975 : vector<8x128xf32>
        %max3A_980 = arith.maximumf %min3A_896, %max3A_975 : vector<8x128xf32>
        %select_n3A_981 = arith.select %lt3A_978, %select_n3A_977, %select_n3A_898 : vector<8x128xi1>, vector<8x128xi32>
        %select_n3A_982 = arith.select %lt3A_978, %select_n3A_898, %select_n3A_977 : vector<8x128xi1>, vector<8x128xi32>
        %mul3A_983 = arith.constant 16 : i32
        %mul3A_984 = arith.muli %mul3A_983, %while3A_472 : i32
        %add3A_985 = arith.constant 6 : i32
        %add3A_986 = arith.addi %mul3A_984, %add3A_985 : i32
        %get3A_987 = arith.index_cast %scan3A_420 : i32 to index
        %get3A_988 = arith.constant 0 : index
        %get3A_989 = arith.constant 0 : index
        %get3A_990 = arith.index_cast %add3A_986 : i32 to index
        %get3A_991 = memref.load %arg1[%get3A_987, %get3A_988, %get3A_989, %get3A_990] : memref<32x1x1x160xf32, #tpu.memory_space<smem>>
        %get3A_992 = arith.constant 0 : index
        %get3A_993 = arith.constant 0 : index
        %get3A_994 = arith.constant 0 : index
        %get3A_995 = arith.index_cast %add3A_986 : i32 to index
        %get3A_996 = memref.load %arg2[%get3A_992, %get3A_993, %get3A_994, %get3A_995] : memref<1x1x1x160xf32, #tpu.memory_space<smem>>
        %get3A_997 = arith.constant 0 : index
        %get3A_998 = arith.constant 0 : index
        %get3A_999 = arith.constant 0 : index
        %get3A_1000 = arith.index_cast %add3A_986 : i32 to index
        %get3A_1001 = memref.load %arg3[%get3A_997, %get3A_998, %get3A_999, %get3A_1000] : memref<1x1x1x160xf32, #tpu.memory_space<smem>>
        %sub3A_1002 = vector.broadcast %get3A_991 : f32 to vector<8x128xf32>
        %sub3A_1003 = arith.subf %sub3A_26, %sub3A_1002 : vector<8x128xf32>
        %sub3A_1004 = vector.broadcast %get3A_996 : f32 to vector<8x128xf32>
        %sub3A_1005 = arith.subf %sub3A_14, %sub3A_1004 : vector<8x128xf32>
        %mul3A_1006 = arith.mulf %sub3A_1003, %sub3A_1003 : vector<8x128xf32>
        %mul3A_1007 = arith.mulf %sub3A_1005, %sub3A_1005 : vector<8x128xf32>
        %add3A_1008 = arith.addf %mul3A_1006, %mul3A_1007 : vector<8x128xf32>
        %le3A_1009 = vector.broadcast %scan3A : f32 to vector<8x128xf32>
        %le3A_1010 = arith.cmpf ole, %add3A_1008, %le3A_1009 : vector<8x128xf32>
        %broadcast_in_dim3A_1011 = vector.broadcast %get3A_1001 : f32 to vector<8x128xf32>
        %broadcast_in_dim3A_1012 = vector.broadcast %scan3A_58 : f32 to vector<8x128xf32>
        %select_n3A_1013 = arith.select %le3A_1010, %broadcast_in_dim3A_1011, %broadcast_in_dim3A_1012 : vector<8x128xi1>, vector<8x128xf32>
        %mul3A_1014 = vector.broadcast %scan3A_59 : f32 to vector<8x128xf32>
        %mul3A_1015 = arith.mulf %add3A_1008, %mul3A_1014 : vector<8x128xf32>
        %convert_element_type3A_1016 = arith.fptosi %mul3A_1015 : vector<8x128xf32> to vector<8x128xi32>
        %get3A_1017 = arith.constant 0 : index
        %get3A_1018 = arith.constant 0 : index
        %get3A_1019 = arith.constant 0 : index
        %get3A_1020 = arith.index_cast %add3A_986 : i32 to index
        %get3A_1021 = memref.load %arg4[%get3A_1017, %get3A_1018, %get3A_1019, %get3A_1020] : memref<1x1x1x160xi32, #tpu.memory_space<smem>>
        %shift_left3A_1022 = arith.constant 10 : i32
        %shift_left3A_1023 = arith.shli %get3A_1021, %shift_left3A_1022 : i32
        %add3A_1024 = vector.broadcast %shift_left3A_1023 : i32 to vector<8x128xi32>
        %add3A_1025 = arith.addi %add3A_1024, %convert_element_type3A_1016 : vector<8x128xi32>
        %lt3A_1026 = arith.cmpf olt, %select_n3A_1013, %min3A_944 : vector<8x128xf32>
        %min3A_1027 = arith.minimumf %min3A_944, %select_n3A_1013 : vector<8x128xf32>
        %max3A_1028 = arith.maximumf %min3A_944, %select_n3A_1013 : vector<8x128xf32>
        %select_n3A_1029 = arith.select %lt3A_1026, %add3A_1025, %select_n3A_946 : vector<8x128xi1>, vector<8x128xi32>
        %select_n3A_1030 = arith.select %lt3A_1026, %select_n3A_946, %add3A_1025 : vector<8x128xi1>, vector<8x128xi32>
        %lt3A_1031 = arith.cmpf olt, %max3A_1028, %min3A_949 : vector<8x128xf32>
        %min3A_1032 = arith.minimumf %min3A_949, %max3A_1028 : vector<8x128xf32>
        %max3A_1033 = arith.maximumf %min3A_949, %max3A_1028 : vector<8x128xf32>
        %select_n3A_1034 = arith.select %lt3A_1031, %select_n3A_1030, %select_n3A_951 : vector<8x128xi1>, vector<8x128xi32>
        %select_n3A_1035 = arith.select %lt3A_1031, %select_n3A_951, %select_n3A_1030 : vector<8x128xi1>, vector<8x128xi32>
        %lt3A_1036 = arith.cmpf olt, %max3A_1033, %min3A_954 : vector<8x128xf32>
        %min3A_1037 = arith.minimumf %min3A_954, %max3A_1033 : vector<8x128xf32>
        %max3A_1038 = arith.maximumf %min3A_954, %max3A_1033 : vector<8x128xf32>
        %select_n3A_1039 = arith.select %lt3A_1036, %select_n3A_1035, %select_n3A_956 : vector<8x128xi1>, vector<8x128xi32>
        %select_n3A_1040 = arith.select %lt3A_1036, %select_n3A_956, %select_n3A_1035 : vector<8x128xi1>, vector<8x128xi32>
        %lt3A_1041 = arith.cmpf olt, %max3A_1038, %min3A_959 : vector<8x128xf32>
        %min3A_1042 = arith.minimumf %min3A_959, %max3A_1038 : vector<8x128xf32>
        %max3A_1043 = arith.maximumf %min3A_959, %max3A_1038 : vector<8x128xf32>
        %select_n3A_1044 = arith.select %lt3A_1041, %select_n3A_1040, %select_n3A_961 : vector<8x128xi1>, vector<8x128xi32>
        %select_n3A_1045 = arith.select %lt3A_1041, %select_n3A_961, %select_n3A_1040 : vector<8x128xi1>, vector<8x128xi32>
        %lt3A_1046 = arith.cmpf olt, %max3A_1043, %min3A_964 : vector<8x128xf32>
        %min3A_1047 = arith.minimumf %min3A_964, %max3A_1043 : vector<8x128xf32>
        %max3A_1048 = arith.maximumf %min3A_964, %max3A_1043 : vector<8x128xf32>
        %select_n3A_1049 = arith.select %lt3A_1046, %select_n3A_1045, %select_n3A_966 : vector<8x128xi1>, vector<8x128xi32>
        %select_n3A_1050 = arith.select %lt3A_1046, %select_n3A_966, %select_n3A_1045 : vector<8x128xi1>, vector<8x128xi32>
        %lt3A_1051 = arith.cmpf olt, %max3A_1048, %min3A_969 : vector<8x128xf32>
        %min3A_1052 = arith.minimumf %min3A_969, %max3A_1048 : vector<8x128xf32>
        %max3A_1053 = arith.maximumf %min3A_969, %max3A_1048 : vector<8x128xf32>
        %select_n3A_1054 = arith.select %lt3A_1051, %select_n3A_1050, %select_n3A_971 : vector<8x128xi1>, vector<8x128xi32>
        %select_n3A_1055 = arith.select %lt3A_1051, %select_n3A_971, %select_n3A_1050 : vector<8x128xi1>, vector<8x128xi32>
        %lt3A_1056 = arith.cmpf olt, %max3A_1053, %min3A_974 : vector<8x128xf32>
        %min3A_1057 = arith.minimumf %min3A_974, %max3A_1053 : vector<8x128xf32>
        %max3A_1058 = arith.maximumf %min3A_974, %max3A_1053 : vector<8x128xf32>
        %select_n3A_1059 = arith.select %lt3A_1056, %select_n3A_1055, %select_n3A_976 : vector<8x128xi1>, vector<8x128xi32>
        %select_n3A_1060 = arith.select %lt3A_1056, %select_n3A_976, %select_n3A_1055 : vector<8x128xi1>, vector<8x128xi32>
        %lt3A_1061 = arith.cmpf olt, %max3A_1058, %min3A_979 : vector<8x128xf32>
        %min3A_1062 = arith.minimumf %min3A_979, %max3A_1058 : vector<8x128xf32>
        %max3A_1063 = arith.maximumf %min3A_979, %max3A_1058 : vector<8x128xf32>
        %select_n3A_1064 = arith.select %lt3A_1061, %select_n3A_1060, %select_n3A_981 : vector<8x128xi1>, vector<8x128xi32>
        %select_n3A_1065 = arith.select %lt3A_1061, %select_n3A_981, %select_n3A_1060 : vector<8x128xi1>, vector<8x128xi32>
        %mul3A_1066 = arith.constant 16 : i32
        %mul3A_1067 = arith.muli %mul3A_1066, %while3A_472 : i32
        %add3A_1068 = arith.constant 7 : i32
        %add3A_1069 = arith.addi %mul3A_1067, %add3A_1068 : i32
        %get3A_1070 = arith.index_cast %scan3A_420 : i32 to index
        %get3A_1071 = arith.constant 0 : index
        %get3A_1072 = arith.constant 0 : index
        %get3A_1073 = arith.index_cast %add3A_1069 : i32 to index
        %get3A_1074 = memref.load %arg1[%get3A_1070, %get3A_1071, %get3A_1072, %get3A_1073] : memref<32x1x1x160xf32, #tpu.memory_space<smem>>
        %get3A_1075 = arith.constant 0 : index
        %get3A_1076 = arith.constant 0 : index
        %get3A_1077 = arith.constant 0 : index
        %get3A_1078 = arith.index_cast %add3A_1069 : i32 to index
        %get3A_1079 = memref.load %arg2[%get3A_1075, %get3A_1076, %get3A_1077, %get3A_1078] : memref<1x1x1x160xf32, #tpu.memory_space<smem>>
        %get3A_1080 = arith.constant 0 : index
        %get3A_1081 = arith.constant 0 : index
        %get3A_1082 = arith.constant 0 : index
        %get3A_1083 = arith.index_cast %add3A_1069 : i32 to index
        %get3A_1084 = memref.load %arg3[%get3A_1080, %get3A_1081, %get3A_1082, %get3A_1083] : memref<1x1x1x160xf32, #tpu.memory_space<smem>>
        %sub3A_1085 = vector.broadcast %get3A_1074 : f32 to vector<8x128xf32>
        %sub3A_1086 = arith.subf %sub3A_26, %sub3A_1085 : vector<8x128xf32>
        %sub3A_1087 = vector.broadcast %get3A_1079 : f32 to vector<8x128xf32>
        %sub3A_1088 = arith.subf %sub3A_14, %sub3A_1087 : vector<8x128xf32>
        %mul3A_1089 = arith.mulf %sub3A_1086, %sub3A_1086 : vector<8x128xf32>
        %mul3A_1090 = arith.mulf %sub3A_1088, %sub3A_1088 : vector<8x128xf32>
        %add3A_1091 = arith.addf %mul3A_1089, %mul3A_1090 : vector<8x128xf32>
        %le3A_1092 = vector.broadcast %scan3A : f32 to vector<8x128xf32>
        %le3A_1093 = arith.cmpf ole, %add3A_1091, %le3A_1092 : vector<8x128xf32>
        %broadcast_in_dim3A_1094 = vector.broadcast %get3A_1084 : f32 to vector<8x128xf32>
        %broadcast_in_dim3A_1095 = vector.broadcast %scan3A_58 : f32 to vector<8x128xf32>
        %select_n3A_1096 = arith.select %le3A_1093, %broadcast_in_dim3A_1094, %broadcast_in_dim3A_1095 : vector<8x128xi1>, vector<8x128xf32>
        %mul3A_1097 = vector.broadcast %scan3A_59 : f32 to vector<8x128xf32>
        %mul3A_1098 = arith.mulf %add3A_1091, %mul3A_1097 : vector<8x128xf32>
        %convert_element_type3A_1099 = arith.fptosi %mul3A_1098 : vector<8x128xf32> to vector<8x128xi32>
        %get3A_1100 = arith.constant 0 : index
        %get3A_1101 = arith.constant 0 : index
        %get3A_1102 = arith.constant 0 : index
        %get3A_1103 = arith.index_cast %add3A_1069 : i32 to index
        %get3A_1104 = memref.load %arg4[%get3A_1100, %get3A_1101, %get3A_1102, %get3A_1103] : memref<1x1x1x160xi32, #tpu.memory_space<smem>>
        %shift_left3A_1105 = arith.constant 10 : i32
        %shift_left3A_1106 = arith.shli %get3A_1104, %shift_left3A_1105 : i32
        %add3A_1107 = vector.broadcast %shift_left3A_1106 : i32 to vector<8x128xi32>
        %add3A_1108 = arith.addi %add3A_1107, %convert_element_type3A_1099 : vector<8x128xi32>
        %lt3A_1109 = arith.cmpf olt, %select_n3A_1096, %min3A_1027 : vector<8x128xf32>
        %min3A_1110 = arith.minimumf %min3A_1027, %select_n3A_1096 : vector<8x128xf32>
        %max3A_1111 = arith.maximumf %min3A_1027, %select_n3A_1096 : vector<8x128xf32>
        %select_n3A_1112 = arith.select %lt3A_1109, %add3A_1108, %select_n3A_1029 : vector<8x128xi1>, vector<8x128xi32>
        %select_n3A_1113 = arith.select %lt3A_1109, %select_n3A_1029, %add3A_1108 : vector<8x128xi1>, vector<8x128xi32>
        %lt3A_1114 = arith.cmpf olt, %max3A_1111, %min3A_1032 : vector<8x128xf32>
        %min3A_1115 = arith.minimumf %min3A_1032, %max3A_1111 : vector<8x128xf32>
        %max3A_1116 = arith.maximumf %min3A_1032, %max3A_1111 : vector<8x128xf32>
        %select_n3A_1117 = arith.select %lt3A_1114, %select_n3A_1113, %select_n3A_1034 : vector<8x128xi1>, vector<8x128xi32>
        %select_n3A_1118 = arith.select %lt3A_1114, %select_n3A_1034, %select_n3A_1113 : vector<8x128xi1>, vector<8x128xi32>
        %lt3A_1119 = arith.cmpf olt, %max3A_1116, %min3A_1037 : vector<8x128xf32>
        %min3A_1120 = arith.minimumf %min3A_1037, %max3A_1116 : vector<8x128xf32>
        %max3A_1121 = arith.maximumf %min3A_1037, %max3A_1116 : vector<8x128xf32>
        %select_n3A_1122 = arith.select %lt3A_1119, %select_n3A_1118, %select_n3A_1039 : vector<8x128xi1>, vector<8x128xi32>
        %select_n3A_1123 = arith.select %lt3A_1119, %select_n3A_1039, %select_n3A_1118 : vector<8x128xi1>, vector<8x128xi32>
        %lt3A_1124 = arith.cmpf olt, %max3A_1121, %min3A_1042 : vector<8x128xf32>
        %min3A_1125 = arith.minimumf %min3A_1042, %max3A_1121 : vector<8x128xf32>
        %max3A_1126 = arith.maximumf %min3A_1042, %max3A_1121 : vector<8x128xf32>
        %select_n3A_1127 = arith.select %lt3A_1124, %select_n3A_1123, %select_n3A_1044 : vector<8x128xi1>, vector<8x128xi32>
        %select_n3A_1128 = arith.select %lt3A_1124, %select_n3A_1044, %select_n3A_1123 : vector<8x128xi1>, vector<8x128xi32>
        %lt3A_1129 = arith.cmpf olt, %max3A_1126, %min3A_1047 : vector<8x128xf32>
        %min3A_1130 = arith.minimumf %min3A_1047, %max3A_1126 : vector<8x128xf32>
        %max3A_1131 = arith.maximumf %min3A_1047, %max3A_1126 : vector<8x128xf32>
        %select_n3A_1132 = arith.select %lt3A_1129, %select_n3A_1128, %select_n3A_1049 : vector<8x128xi1>, vector<8x128xi32>
        %select_n3A_1133 = arith.select %lt3A_1129, %select_n3A_1049, %select_n3A_1128 : vector<8x128xi1>, vector<8x128xi32>
        %lt3A_1134 = arith.cmpf olt, %max3A_1131, %min3A_1052 : vector<8x128xf32>
        %min3A_1135 = arith.minimumf %min3A_1052, %max3A_1131 : vector<8x128xf32>
        %max3A_1136 = arith.maximumf %min3A_1052, %max3A_1131 : vector<8x128xf32>
        %select_n3A_1137 = arith.select %lt3A_1134, %select_n3A_1133, %select_n3A_1054 : vector<8x128xi1>, vector<8x128xi32>
        %select_n3A_1138 = arith.select %lt3A_1134, %select_n3A_1054, %select_n3A_1133 : vector<8x128xi1>, vector<8x128xi32>
        %lt3A_1139 = arith.cmpf olt, %max3A_1136, %min3A_1057 : vector<8x128xf32>
        %min3A_1140 = arith.minimumf %min3A_1057, %max3A_1136 : vector<8x128xf32>
        %max3A_1141 = arith.maximumf %min3A_1057, %max3A_1136 : vector<8x128xf32>
        %select_n3A_1142 = arith.select %lt3A_1139, %select_n3A_1138, %select_n3A_1059 : vector<8x128xi1>, vector<8x128xi32>
        %select_n3A_1143 = arith.select %lt3A_1139, %select_n3A_1059, %select_n3A_1138 : vector<8x128xi1>, vector<8x128xi32>
        %lt3A_1144 = arith.cmpf olt, %max3A_1141, %min3A_1062 : vector<8x128xf32>
        %min3A_1145 = arith.minimumf %min3A_1062, %max3A_1141 : vector<8x128xf32>
        %max3A_1146 = arith.maximumf %min3A_1062, %max3A_1141 : vector<8x128xf32>
        %select_n3A_1147 = arith.select %lt3A_1144, %select_n3A_1143, %select_n3A_1064 : vector<8x128xi1>, vector<8x128xi32>
        %select_n3A_1148 = arith.select %lt3A_1144, %select_n3A_1064, %select_n3A_1143 : vector<8x128xi1>, vector<8x128xi32>
        %mul3A_1149 = arith.constant 16 : i32
        %mul3A_1150 = arith.muli %mul3A_1149, %while3A_472 : i32
        %add3A_1151 = arith.constant 8 : i32
        %add3A_1152 = arith.addi %mul3A_1150, %add3A_1151 : i32
        %get3A_1153 = arith.index_cast %scan3A_420 : i32 to index
        %get3A_1154 = arith.constant 0 : index
        %get3A_1155 = arith.constant 0 : index
        %get3A_1156 = arith.index_cast %add3A_1152 : i32 to index
        %get3A_1157 = memref.load %arg1[%get3A_1153, %get3A_1154, %get3A_1155, %get3A_1156] : memref<32x1x1x160xf32, #tpu.memory_space<smem>>
        %get3A_1158 = arith.constant 0 : index
        %get3A_1159 = arith.constant 0 : index
        %get3A_1160 = arith.constant 0 : index
        %get3A_1161 = arith.index_cast %add3A_1152 : i32 to index
        %get3A_1162 = memref.load %arg2[%get3A_1158, %get3A_1159, %get3A_1160, %get3A_1161] : memref<1x1x1x160xf32, #tpu.memory_space<smem>>
        %get3A_1163 = arith.constant 0 : index
        %get3A_1164 = arith.constant 0 : index
        %get3A_1165 = arith.constant 0 : index
        %get3A_1166 = arith.index_cast %add3A_1152 : i32 to index
        %get3A_1167 = memref.load %arg3[%get3A_1163, %get3A_1164, %get3A_1165, %get3A_1166] : memref<1x1x1x160xf32, #tpu.memory_space<smem>>
        %sub3A_1168 = vector.broadcast %get3A_1157 : f32 to vector<8x128xf32>
        %sub3A_1169 = arith.subf %sub3A_26, %sub3A_1168 : vector<8x128xf32>
        %sub3A_1170 = vector.broadcast %get3A_1162 : f32 to vector<8x128xf32>
        %sub3A_1171 = arith.subf %sub3A_14, %sub3A_1170 : vector<8x128xf32>
        %mul3A_1172 = arith.mulf %sub3A_1169, %sub3A_1169 : vector<8x128xf32>
        %mul3A_1173 = arith.mulf %sub3A_1171, %sub3A_1171 : vector<8x128xf32>
        %add3A_1174 = arith.addf %mul3A_1172, %mul3A_1173 : vector<8x128xf32>
        %le3A_1175 = vector.broadcast %scan3A : f32 to vector<8x128xf32>
        %le3A_1176 = arith.cmpf ole, %add3A_1174, %le3A_1175 : vector<8x128xf32>
        %broadcast_in_dim3A_1177 = vector.broadcast %get3A_1167 : f32 to vector<8x128xf32>
        %broadcast_in_dim3A_1178 = vector.broadcast %scan3A_58 : f32 to vector<8x128xf32>
        %select_n3A_1179 = arith.select %le3A_1176, %broadcast_in_dim3A_1177, %broadcast_in_dim3A_1178 : vector<8x128xi1>, vector<8x128xf32>
        %mul3A_1180 = vector.broadcast %scan3A_59 : f32 to vector<8x128xf32>
        %mul3A_1181 = arith.mulf %add3A_1174, %mul3A_1180 : vector<8x128xf32>
        %convert_element_type3A_1182 = arith.fptosi %mul3A_1181 : vector<8x128xf32> to vector<8x128xi32>
        %get3A_1183 = arith.constant 0 : index
        %get3A_1184 = arith.constant 0 : index
        %get3A_1185 = arith.constant 0 : index
        %get3A_1186 = arith.index_cast %add3A_1152 : i32 to index
        %get3A_1187 = memref.load %arg4[%get3A_1183, %get3A_1184, %get3A_1185, %get3A_1186] : memref<1x1x1x160xi32, #tpu.memory_space<smem>>
        %shift_left3A_1188 = arith.constant 10 : i32
        %shift_left3A_1189 = arith.shli %get3A_1187, %shift_left3A_1188 : i32
        %add3A_1190 = vector.broadcast %shift_left3A_1189 : i32 to vector<8x128xi32>
        %add3A_1191 = arith.addi %add3A_1190, %convert_element_type3A_1182 : vector<8x128xi32>
        %lt3A_1192 = arith.cmpf olt, %select_n3A_1179, %min3A_1110 : vector<8x128xf32>
        %min3A_1193 = arith.minimumf %min3A_1110, %select_n3A_1179 : vector<8x128xf32>
        %max3A_1194 = arith.maximumf %min3A_1110, %select_n3A_1179 : vector<8x128xf32>
        %select_n3A_1195 = arith.select %lt3A_1192, %add3A_1191, %select_n3A_1112 : vector<8x128xi1>, vector<8x128xi32>
        %select_n3A_1196 = arith.select %lt3A_1192, %select_n3A_1112, %add3A_1191 : vector<8x128xi1>, vector<8x128xi32>
        %lt3A_1197 = arith.cmpf olt, %max3A_1194, %min3A_1115 : vector<8x128xf32>
        %min3A_1198 = arith.minimumf %min3A_1115, %max3A_1194 : vector<8x128xf32>
        %max3A_1199 = arith.maximumf %min3A_1115, %max3A_1194 : vector<8x128xf32>
        %select_n3A_1200 = arith.select %lt3A_1197, %select_n3A_1196, %select_n3A_1117 : vector<8x128xi1>, vector<8x128xi32>
        %select_n3A_1201 = arith.select %lt3A_1197, %select_n3A_1117, %select_n3A_1196 : vector<8x128xi1>, vector<8x128xi32>
        %lt3A_1202 = arith.cmpf olt, %max3A_1199, %min3A_1120 : vector<8x128xf32>
        %min3A_1203 = arith.minimumf %min3A_1120, %max3A_1199 : vector<8x128xf32>
        %max3A_1204 = arith.maximumf %min3A_1120, %max3A_1199 : vector<8x128xf32>
        %select_n3A_1205 = arith.select %lt3A_1202, %select_n3A_1201, %select_n3A_1122 : vector<8x128xi1>, vector<8x128xi32>
        %select_n3A_1206 = arith.select %lt3A_1202, %select_n3A_1122, %select_n3A_1201 : vector<8x128xi1>, vector<8x128xi32>
        %lt3A_1207 = arith.cmpf olt, %max3A_1204, %min3A_1125 : vector<8x128xf32>
        %min3A_1208 = arith.minimumf %min3A_1125, %max3A_1204 : vector<8x128xf32>
        %max3A_1209 = arith.maximumf %min3A_1125, %max3A_1204 : vector<8x128xf32>
        %select_n3A_1210 = arith.select %lt3A_1207, %select_n3A_1206, %select_n3A_1127 : vector<8x128xi1>, vector<8x128xi32>
        %select_n3A_1211 = arith.select %lt3A_1207, %select_n3A_1127, %select_n3A_1206 : vector<8x128xi1>, vector<8x128xi32>
        %lt3A_1212 = arith.cmpf olt, %max3A_1209, %min3A_1130 : vector<8x128xf32>
        %min3A_1213 = arith.minimumf %min3A_1130, %max3A_1209 : vector<8x128xf32>
        %max3A_1214 = arith.maximumf %min3A_1130, %max3A_1209 : vector<8x128xf32>
        %select_n3A_1215 = arith.select %lt3A_1212, %select_n3A_1211, %select_n3A_1132 : vector<8x128xi1>, vector<8x128xi32>
        %select_n3A_1216 = arith.select %lt3A_1212, %select_n3A_1132, %select_n3A_1211 : vector<8x128xi1>, vector<8x128xi32>
        %lt3A_1217 = arith.cmpf olt, %max3A_1214, %min3A_1135 : vector<8x128xf32>
        %min3A_1218 = arith.minimumf %min3A_1135, %max3A_1214 : vector<8x128xf32>
        %max3A_1219 = arith.maximumf %min3A_1135, %max3A_1214 : vector<8x128xf32>
        %select_n3A_1220 = arith.select %lt3A_1217, %select_n3A_1216, %select_n3A_1137 : vector<8x128xi1>, vector<8x128xi32>
        %select_n3A_1221 = arith.select %lt3A_1217, %select_n3A_1137, %select_n3A_1216 : vector<8x128xi1>, vector<8x128xi32>
        %lt3A_1222 = arith.cmpf olt, %max3A_1219, %min3A_1140 : vector<8x128xf32>
        %min3A_1223 = arith.minimumf %min3A_1140, %max3A_1219 : vector<8x128xf32>
        %max3A_1224 = arith.maximumf %min3A_1140, %max3A_1219 : vector<8x128xf32>
        %select_n3A_1225 = arith.select %lt3A_1222, %select_n3A_1221, %select_n3A_1142 : vector<8x128xi1>, vector<8x128xi32>
        %select_n3A_1226 = arith.select %lt3A_1222, %select_n3A_1142, %select_n3A_1221 : vector<8x128xi1>, vector<8x128xi32>
        %lt3A_1227 = arith.cmpf olt, %max3A_1224, %min3A_1145 : vector<8x128xf32>
        %min3A_1228 = arith.minimumf %min3A_1145, %max3A_1224 : vector<8x128xf32>
        %max3A_1229 = arith.maximumf %min3A_1145, %max3A_1224 : vector<8x128xf32>
        %select_n3A_1230 = arith.select %lt3A_1227, %select_n3A_1226, %select_n3A_1147 : vector<8x128xi1>, vector<8x128xi32>
        %select_n3A_1231 = arith.select %lt3A_1227, %select_n3A_1147, %select_n3A_1226 : vector<8x128xi1>, vector<8x128xi32>
        %mul3A_1232 = arith.constant 16 : i32
        %mul3A_1233 = arith.muli %mul3A_1232, %while3A_472 : i32
        %add3A_1234 = arith.constant 9 : i32
        %add3A_1235 = arith.addi %mul3A_1233, %add3A_1234 : i32
        %get3A_1236 = arith.index_cast %scan3A_420 : i32 to index
        %get3A_1237 = arith.constant 0 : index
        %get3A_1238 = arith.constant 0 : index
        %get3A_1239 = arith.index_cast %add3A_1235 : i32 to index
        %get3A_1240 = memref.load %arg1[%get3A_1236, %get3A_1237, %get3A_1238, %get3A_1239] : memref<32x1x1x160xf32, #tpu.memory_space<smem>>
        %get3A_1241 = arith.constant 0 : index
        %get3A_1242 = arith.constant 0 : index
        %get3A_1243 = arith.constant 0 : index
        %get3A_1244 = arith.index_cast %add3A_1235 : i32 to index
        %get3A_1245 = memref.load %arg2[%get3A_1241, %get3A_1242, %get3A_1243, %get3A_1244] : memref<1x1x1x160xf32, #tpu.memory_space<smem>>
        %get3A_1246 = arith.constant 0 : index
        %get3A_1247 = arith.constant 0 : index
        %get3A_1248 = arith.constant 0 : index
        %get3A_1249 = arith.index_cast %add3A_1235 : i32 to index
        %get3A_1250 = memref.load %arg3[%get3A_1246, %get3A_1247, %get3A_1248, %get3A_1249] : memref<1x1x1x160xf32, #tpu.memory_space<smem>>
        %sub3A_1251 = vector.broadcast %get3A_1240 : f32 to vector<8x128xf32>
        %sub3A_1252 = arith.subf %sub3A_26, %sub3A_1251 : vector<8x128xf32>
        %sub3A_1253 = vector.broadcast %get3A_1245 : f32 to vector<8x128xf32>
        %sub3A_1254 = arith.subf %sub3A_14, %sub3A_1253 : vector<8x128xf32>
        %mul3A_1255 = arith.mulf %sub3A_1252, %sub3A_1252 : vector<8x128xf32>
        %mul3A_1256 = arith.mulf %sub3A_1254, %sub3A_1254 : vector<8x128xf32>
        %add3A_1257 = arith.addf %mul3A_1255, %mul3A_1256 : vector<8x128xf32>
        %le3A_1258 = vector.broadcast %scan3A : f32 to vector<8x128xf32>
        %le3A_1259 = arith.cmpf ole, %add3A_1257, %le3A_1258 : vector<8x128xf32>
        %broadcast_in_dim3A_1260 = vector.broadcast %get3A_1250 : f32 to vector<8x128xf32>
        %broadcast_in_dim3A_1261 = vector.broadcast %scan3A_58 : f32 to vector<8x128xf32>
        %select_n3A_1262 = arith.select %le3A_1259, %broadcast_in_dim3A_1260, %broadcast_in_dim3A_1261 : vector<8x128xi1>, vector<8x128xf32>
        %mul3A_1263 = vector.broadcast %scan3A_59 : f32 to vector<8x128xf32>
        %mul3A_1264 = arith.mulf %add3A_1257, %mul3A_1263 : vector<8x128xf32>
        %convert_element_type3A_1265 = arith.fptosi %mul3A_1264 : vector<8x128xf32> to vector<8x128xi32>
        %get3A_1266 = arith.constant 0 : index
        %get3A_1267 = arith.constant 0 : index
        %get3A_1268 = arith.constant 0 : index
        %get3A_1269 = arith.index_cast %add3A_1235 : i32 to index
        %get3A_1270 = memref.load %arg4[%get3A_1266, %get3A_1267, %get3A_1268, %get3A_1269] : memref<1x1x1x160xi32, #tpu.memory_space<smem>>
        %shift_left3A_1271 = arith.constant 10 : i32
        %shift_left3A_1272 = arith.shli %get3A_1270, %shift_left3A_1271 : i32
        %add3A_1273 = vector.broadcast %shift_left3A_1272 : i32 to vector<8x128xi32>
        %add3A_1274 = arith.addi %add3A_1273, %convert_element_type3A_1265 : vector<8x128xi32>
        %lt3A_1275 = arith.cmpf olt, %select_n3A_1262, %min3A_1193 : vector<8x128xf32>
        %min3A_1276 = arith.minimumf %min3A_1193, %select_n3A_1262 : vector<8x128xf32>
        %max3A_1277 = arith.maximumf %min3A_1193, %select_n3A_1262 : vector<8x128xf32>
        %select_n3A_1278 = arith.select %lt3A_1275, %add3A_1274, %select_n3A_1195 : vector<8x128xi1>, vector<8x128xi32>
        %select_n3A_1279 = arith.select %lt3A_1275, %select_n3A_1195, %add3A_1274 : vector<8x128xi1>, vector<8x128xi32>
        %lt3A_1280 = arith.cmpf olt, %max3A_1277, %min3A_1198 : vector<8x128xf32>
        %min3A_1281 = arith.minimumf %min3A_1198, %max3A_1277 : vector<8x128xf32>
        %max3A_1282 = arith.maximumf %min3A_1198, %max3A_1277 : vector<8x128xf32>
        %select_n3A_1283 = arith.select %lt3A_1280, %select_n3A_1279, %select_n3A_1200 : vector<8x128xi1>, vector<8x128xi32>
        %select_n3A_1284 = arith.select %lt3A_1280, %select_n3A_1200, %select_n3A_1279 : vector<8x128xi1>, vector<8x128xi32>
        %lt3A_1285 = arith.cmpf olt, %max3A_1282, %min3A_1203 : vector<8x128xf32>
        %min3A_1286 = arith.minimumf %min3A_1203, %max3A_1282 : vector<8x128xf32>
        %max3A_1287 = arith.maximumf %min3A_1203, %max3A_1282 : vector<8x128xf32>
        %select_n3A_1288 = arith.select %lt3A_1285, %select_n3A_1284, %select_n3A_1205 : vector<8x128xi1>, vector<8x128xi32>
        %select_n3A_1289 = arith.select %lt3A_1285, %select_n3A_1205, %select_n3A_1284 : vector<8x128xi1>, vector<8x128xi32>
        %lt3A_1290 = arith.cmpf olt, %max3A_1287, %min3A_1208 : vector<8x128xf32>
        %min3A_1291 = arith.minimumf %min3A_1208, %max3A_1287 : vector<8x128xf32>
        %max3A_1292 = arith.maximumf %min3A_1208, %max3A_1287 : vector<8x128xf32>
        %select_n3A_1293 = arith.select %lt3A_1290, %select_n3A_1289, %select_n3A_1210 : vector<8x128xi1>, vector<8x128xi32>
        %select_n3A_1294 = arith.select %lt3A_1290, %select_n3A_1210, %select_n3A_1289 : vector<8x128xi1>, vector<8x128xi32>
        %lt3A_1295 = arith.cmpf olt, %max3A_1292, %min3A_1213 : vector<8x128xf32>
        %min3A_1296 = arith.minimumf %min3A_1213, %max3A_1292 : vector<8x128xf32>
        %max3A_1297 = arith.maximumf %min3A_1213, %max3A_1292 : vector<8x128xf32>
        %select_n3A_1298 = arith.select %lt3A_1295, %select_n3A_1294, %select_n3A_1215 : vector<8x128xi1>, vector<8x128xi32>
        %select_n3A_1299 = arith.select %lt3A_1295, %select_n3A_1215, %select_n3A_1294 : vector<8x128xi1>, vector<8x128xi32>
        %lt3A_1300 = arith.cmpf olt, %max3A_1297, %min3A_1218 : vector<8x128xf32>
        %min3A_1301 = arith.minimumf %min3A_1218, %max3A_1297 : vector<8x128xf32>
        %max3A_1302 = arith.maximumf %min3A_1218, %max3A_1297 : vector<8x128xf32>
        %select_n3A_1303 = arith.select %lt3A_1300, %select_n3A_1299, %select_n3A_1220 : vector<8x128xi1>, vector<8x128xi32>
        %select_n3A_1304 = arith.select %lt3A_1300, %select_n3A_1220, %select_n3A_1299 : vector<8x128xi1>, vector<8x128xi32>
        %lt3A_1305 = arith.cmpf olt, %max3A_1302, %min3A_1223 : vector<8x128xf32>
        %min3A_1306 = arith.minimumf %min3A_1223, %max3A_1302 : vector<8x128xf32>
        %max3A_1307 = arith.maximumf %min3A_1223, %max3A_1302 : vector<8x128xf32>
        %select_n3A_1308 = arith.select %lt3A_1305, %select_n3A_1304, %select_n3A_1225 : vector<8x128xi1>, vector<8x128xi32>
        %select_n3A_1309 = arith.select %lt3A_1305, %select_n3A_1225, %select_n3A_1304 : vector<8x128xi1>, vector<8x128xi32>
        %lt3A_1310 = arith.cmpf olt, %max3A_1307, %min3A_1228 : vector<8x128xf32>
        %min3A_1311 = arith.minimumf %min3A_1228, %max3A_1307 : vector<8x128xf32>
        %max3A_1312 = arith.maximumf %min3A_1228, %max3A_1307 : vector<8x128xf32>
        %select_n3A_1313 = arith.select %lt3A_1310, %select_n3A_1309, %select_n3A_1230 : vector<8x128xi1>, vector<8x128xi32>
        %select_n3A_1314 = arith.select %lt3A_1310, %select_n3A_1230, %select_n3A_1309 : vector<8x128xi1>, vector<8x128xi32>
        %mul3A_1315 = arith.constant 16 : i32
        %mul3A_1316 = arith.muli %mul3A_1315, %while3A_472 : i32
        %add3A_1317 = arith.constant 10 : i32
        %add3A_1318 = arith.addi %mul3A_1316, %add3A_1317 : i32
        %get3A_1319 = arith.index_cast %scan3A_420 : i32 to index
        %get3A_1320 = arith.constant 0 : index
        %get3A_1321 = arith.constant 0 : index
        %get3A_1322 = arith.index_cast %add3A_1318 : i32 to index
        %get3A_1323 = memref.load %arg1[%get3A_1319, %get3A_1320, %get3A_1321, %get3A_1322] : memref<32x1x1x160xf32, #tpu.memory_space<smem>>
        %get3A_1324 = arith.constant 0 : index
        %get3A_1325 = arith.constant 0 : index
        %get3A_1326 = arith.constant 0 : index
        %get3A_1327 = arith.index_cast %add3A_1318 : i32 to index
        %get3A_1328 = memref.load %arg2[%get3A_1324, %get3A_1325, %get3A_1326, %get3A_1327] : memref<1x1x1x160xf32, #tpu.memory_space<smem>>
        %get3A_1329 = arith.constant 0 : index
        %get3A_1330 = arith.constant 0 : index
        %get3A_1331 = arith.constant 0 : index
        %get3A_1332 = arith.index_cast %add3A_1318 : i32 to index
        %get3A_1333 = memref.load %arg3[%get3A_1329, %get3A_1330, %get3A_1331, %get3A_1332] : memref<1x1x1x160xf32, #tpu.memory_space<smem>>
        %sub3A_1334 = vector.broadcast %get3A_1323 : f32 to vector<8x128xf32>
        %sub3A_1335 = arith.subf %sub3A_26, %sub3A_1334 : vector<8x128xf32>
        %sub3A_1336 = vector.broadcast %get3A_1328 : f32 to vector<8x128xf32>
        %sub3A_1337 = arith.subf %sub3A_14, %sub3A_1336 : vector<8x128xf32>
        %mul3A_1338 = arith.mulf %sub3A_1335, %sub3A_1335 : vector<8x128xf32>
        %mul3A_1339 = arith.mulf %sub3A_1337, %sub3A_1337 : vector<8x128xf32>
        %add3A_1340 = arith.addf %mul3A_1338, %mul3A_1339 : vector<8x128xf32>
        %le3A_1341 = vector.broadcast %scan3A : f32 to vector<8x128xf32>
        %le3A_1342 = arith.cmpf ole, %add3A_1340, %le3A_1341 : vector<8x128xf32>
        %broadcast_in_dim3A_1343 = vector.broadcast %get3A_1333 : f32 to vector<8x128xf32>
        %broadcast_in_dim3A_1344 = vector.broadcast %scan3A_58 : f32 to vector<8x128xf32>
        %select_n3A_1345 = arith.select %le3A_1342, %broadcast_in_dim3A_1343, %broadcast_in_dim3A_1344 : vector<8x128xi1>, vector<8x128xf32>
        %mul3A_1346 = vector.broadcast %scan3A_59 : f32 to vector<8x128xf32>
        %mul3A_1347 = arith.mulf %add3A_1340, %mul3A_1346 : vector<8x128xf32>
        %convert_element_type3A_1348 = arith.fptosi %mul3A_1347 : vector<8x128xf32> to vector<8x128xi32>
        %get3A_1349 = arith.constant 0 : index
        %get3A_1350 = arith.constant 0 : index
        %get3A_1351 = arith.constant 0 : index
        %get3A_1352 = arith.index_cast %add3A_1318 : i32 to index
        %get3A_1353 = memref.load %arg4[%get3A_1349, %get3A_1350, %get3A_1351, %get3A_1352] : memref<1x1x1x160xi32, #tpu.memory_space<smem>>
        %shift_left3A_1354 = arith.constant 10 : i32
        %shift_left3A_1355 = arith.shli %get3A_1353, %shift_left3A_1354 : i32
        %add3A_1356 = vector.broadcast %shift_left3A_1355 : i32 to vector<8x128xi32>
        %add3A_1357 = arith.addi %add3A_1356, %convert_element_type3A_1348 : vector<8x128xi32>
        %lt3A_1358 = arith.cmpf olt, %select_n3A_1345, %min3A_1276 : vector<8x128xf32>
        %min3A_1359 = arith.minimumf %min3A_1276, %select_n3A_1345 : vector<8x128xf32>
        %max3A_1360 = arith.maximumf %min3A_1276, %select_n3A_1345 : vector<8x128xf32>
        %select_n3A_1361 = arith.select %lt3A_1358, %add3A_1357, %select_n3A_1278 : vector<8x128xi1>, vector<8x128xi32>
        %select_n3A_1362 = arith.select %lt3A_1358, %select_n3A_1278, %add3A_1357 : vector<8x128xi1>, vector<8x128xi32>
        %lt3A_1363 = arith.cmpf olt, %max3A_1360, %min3A_1281 : vector<8x128xf32>
        %min3A_1364 = arith.minimumf %min3A_1281, %max3A_1360 : vector<8x128xf32>
        %max3A_1365 = arith.maximumf %min3A_1281, %max3A_1360 : vector<8x128xf32>
        %select_n3A_1366 = arith.select %lt3A_1363, %select_n3A_1362, %select_n3A_1283 : vector<8x128xi1>, vector<8x128xi32>
        %select_n3A_1367 = arith.select %lt3A_1363, %select_n3A_1283, %select_n3A_1362 : vector<8x128xi1>, vector<8x128xi32>
        %lt3A_1368 = arith.cmpf olt, %max3A_1365, %min3A_1286 : vector<8x128xf32>
        %min3A_1369 = arith.minimumf %min3A_1286, %max3A_1365 : vector<8x128xf32>
        %max3A_1370 = arith.maximumf %min3A_1286, %max3A_1365 : vector<8x128xf32>
        %select_n3A_1371 = arith.select %lt3A_1368, %select_n3A_1367, %select_n3A_1288 : vector<8x128xi1>, vector<8x128xi32>
        %select_n3A_1372 = arith.select %lt3A_1368, %select_n3A_1288, %select_n3A_1367 : vector<8x128xi1>, vector<8x128xi32>
        %lt3A_1373 = arith.cmpf olt, %max3A_1370, %min3A_1291 : vector<8x128xf32>
        %min3A_1374 = arith.minimumf %min3A_1291, %max3A_1370 : vector<8x128xf32>
        %max3A_1375 = arith.maximumf %min3A_1291, %max3A_1370 : vector<8x128xf32>
        %select_n3A_1376 = arith.select %lt3A_1373, %select_n3A_1372, %select_n3A_1293 : vector<8x128xi1>, vector<8x128xi32>
        %select_n3A_1377 = arith.select %lt3A_1373, %select_n3A_1293, %select_n3A_1372 : vector<8x128xi1>, vector<8x128xi32>
        %lt3A_1378 = arith.cmpf olt, %max3A_1375, %min3A_1296 : vector<8x128xf32>
        %min3A_1379 = arith.minimumf %min3A_1296, %max3A_1375 : vector<8x128xf32>
        %max3A_1380 = arith.maximumf %min3A_1296, %max3A_1375 : vector<8x128xf32>
        %select_n3A_1381 = arith.select %lt3A_1378, %select_n3A_1377, %select_n3A_1298 : vector<8x128xi1>, vector<8x128xi32>
        %select_n3A_1382 = arith.select %lt3A_1378, %select_n3A_1298, %select_n3A_1377 : vector<8x128xi1>, vector<8x128xi32>
        %lt3A_1383 = arith.cmpf olt, %max3A_1380, %min3A_1301 : vector<8x128xf32>
        %min3A_1384 = arith.minimumf %min3A_1301, %max3A_1380 : vector<8x128xf32>
        %max3A_1385 = arith.maximumf %min3A_1301, %max3A_1380 : vector<8x128xf32>
        %select_n3A_1386 = arith.select %lt3A_1383, %select_n3A_1382, %select_n3A_1303 : vector<8x128xi1>, vector<8x128xi32>
        %select_n3A_1387 = arith.select %lt3A_1383, %select_n3A_1303, %select_n3A_1382 : vector<8x128xi1>, vector<8x128xi32>
        %lt3A_1388 = arith.cmpf olt, %max3A_1385, %min3A_1306 : vector<8x128xf32>
        %min3A_1389 = arith.minimumf %min3A_1306, %max3A_1385 : vector<8x128xf32>
        %max3A_1390 = arith.maximumf %min3A_1306, %max3A_1385 : vector<8x128xf32>
        %select_n3A_1391 = arith.select %lt3A_1388, %select_n3A_1387, %select_n3A_1308 : vector<8x128xi1>, vector<8x128xi32>
        %select_n3A_1392 = arith.select %lt3A_1388, %select_n3A_1308, %select_n3A_1387 : vector<8x128xi1>, vector<8x128xi32>
        %lt3A_1393 = arith.cmpf olt, %max3A_1390, %min3A_1311 : vector<8x128xf32>
        %min3A_1394 = arith.minimumf %min3A_1311, %max3A_1390 : vector<8x128xf32>
        %max3A_1395 = arith.maximumf %min3A_1311, %max3A_1390 : vector<8x128xf32>
        %select_n3A_1396 = arith.select %lt3A_1393, %select_n3A_1392, %select_n3A_1313 : vector<8x128xi1>, vector<8x128xi32>
        %select_n3A_1397 = arith.select %lt3A_1393, %select_n3A_1313, %select_n3A_1392 : vector<8x128xi1>, vector<8x128xi32>
        %mul3A_1398 = arith.constant 16 : i32
        %mul3A_1399 = arith.muli %mul3A_1398, %while3A_472 : i32
        %add3A_1400 = arith.constant 11 : i32
        %add3A_1401 = arith.addi %mul3A_1399, %add3A_1400 : i32
        %get3A_1402 = arith.index_cast %scan3A_420 : i32 to index
        %get3A_1403 = arith.constant 0 : index
        %get3A_1404 = arith.constant 0 : index
        %get3A_1405 = arith.index_cast %add3A_1401 : i32 to index
        %get3A_1406 = memref.load %arg1[%get3A_1402, %get3A_1403, %get3A_1404, %get3A_1405] : memref<32x1x1x160xf32, #tpu.memory_space<smem>>
        %get3A_1407 = arith.constant 0 : index
        %get3A_1408 = arith.constant 0 : index
        %get3A_1409 = arith.constant 0 : index
        %get3A_1410 = arith.index_cast %add3A_1401 : i32 to index
        %get3A_1411 = memref.load %arg2[%get3A_1407, %get3A_1408, %get3A_1409, %get3A_1410] : memref<1x1x1x160xf32, #tpu.memory_space<smem>>
        %get3A_1412 = arith.constant 0 : index
        %get3A_1413 = arith.constant 0 : index
        %get3A_1414 = arith.constant 0 : index
        %get3A_1415 = arith.index_cast %add3A_1401 : i32 to index
        %get3A_1416 = memref.load %arg3[%get3A_1412, %get3A_1413, %get3A_1414, %get3A_1415] : memref<1x1x1x160xf32, #tpu.memory_space<smem>>
        %sub3A_1417 = vector.broadcast %get3A_1406 : f32 to vector<8x128xf32>
        %sub3A_1418 = arith.subf %sub3A_26, %sub3A_1417 : vector<8x128xf32>
        %sub3A_1419 = vector.broadcast %get3A_1411 : f32 to vector<8x128xf32>
        %sub3A_1420 = arith.subf %sub3A_14, %sub3A_1419 : vector<8x128xf32>
        %mul3A_1421 = arith.mulf %sub3A_1418, %sub3A_1418 : vector<8x128xf32>
        %mul3A_1422 = arith.mulf %sub3A_1420, %sub3A_1420 : vector<8x128xf32>
        %add3A_1423 = arith.addf %mul3A_1421, %mul3A_1422 : vector<8x128xf32>
        %le3A_1424 = vector.broadcast %scan3A : f32 to vector<8x128xf32>
        %le3A_1425 = arith.cmpf ole, %add3A_1423, %le3A_1424 : vector<8x128xf32>
        %broadcast_in_dim3A_1426 = vector.broadcast %get3A_1416 : f32 to vector<8x128xf32>
        %broadcast_in_dim3A_1427 = vector.broadcast %scan3A_58 : f32 to vector<8x128xf32>
        %select_n3A_1428 = arith.select %le3A_1425, %broadcast_in_dim3A_1426, %broadcast_in_dim3A_1427 : vector<8x128xi1>, vector<8x128xf32>
        %mul3A_1429 = vector.broadcast %scan3A_59 : f32 to vector<8x128xf32>
        %mul3A_1430 = arith.mulf %add3A_1423, %mul3A_1429 : vector<8x128xf32>
        %convert_element_type3A_1431 = arith.fptosi %mul3A_1430 : vector<8x128xf32> to vector<8x128xi32>
        %get3A_1432 = arith.constant 0 : index
        %get3A_1433 = arith.constant 0 : index
        %get3A_1434 = arith.constant 0 : index
        %get3A_1435 = arith.index_cast %add3A_1401 : i32 to index
        %get3A_1436 = memref.load %arg4[%get3A_1432, %get3A_1433, %get3A_1434, %get3A_1435] : memref<1x1x1x160xi32, #tpu.memory_space<smem>>
        %shift_left3A_1437 = arith.constant 10 : i32
        %shift_left3A_1438 = arith.shli %get3A_1436, %shift_left3A_1437 : i32
        %add3A_1439 = vector.broadcast %shift_left3A_1438 : i32 to vector<8x128xi32>
        %add3A_1440 = arith.addi %add3A_1439, %convert_element_type3A_1431 : vector<8x128xi32>
        %lt3A_1441 = arith.cmpf olt, %select_n3A_1428, %min3A_1359 : vector<8x128xf32>
        %min3A_1442 = arith.minimumf %min3A_1359, %select_n3A_1428 : vector<8x128xf32>
        %max3A_1443 = arith.maximumf %min3A_1359, %select_n3A_1428 : vector<8x128xf32>
        %select_n3A_1444 = arith.select %lt3A_1441, %add3A_1440, %select_n3A_1361 : vector<8x128xi1>, vector<8x128xi32>
        %select_n3A_1445 = arith.select %lt3A_1441, %select_n3A_1361, %add3A_1440 : vector<8x128xi1>, vector<8x128xi32>
        %lt3A_1446 = arith.cmpf olt, %max3A_1443, %min3A_1364 : vector<8x128xf32>
        %min3A_1447 = arith.minimumf %min3A_1364, %max3A_1443 : vector<8x128xf32>
        %max3A_1448 = arith.maximumf %min3A_1364, %max3A_1443 : vector<8x128xf32>
        %select_n3A_1449 = arith.select %lt3A_1446, %select_n3A_1445, %select_n3A_1366 : vector<8x128xi1>, vector<8x128xi32>
        %select_n3A_1450 = arith.select %lt3A_1446, %select_n3A_1366, %select_n3A_1445 : vector<8x128xi1>, vector<8x128xi32>
        %lt3A_1451 = arith.cmpf olt, %max3A_1448, %min3A_1369 : vector<8x128xf32>
        %min3A_1452 = arith.minimumf %min3A_1369, %max3A_1448 : vector<8x128xf32>
        %max3A_1453 = arith.maximumf %min3A_1369, %max3A_1448 : vector<8x128xf32>
        %select_n3A_1454 = arith.select %lt3A_1451, %select_n3A_1450, %select_n3A_1371 : vector<8x128xi1>, vector<8x128xi32>
        %select_n3A_1455 = arith.select %lt3A_1451, %select_n3A_1371, %select_n3A_1450 : vector<8x128xi1>, vector<8x128xi32>
        %lt3A_1456 = arith.cmpf olt, %max3A_1453, %min3A_1374 : vector<8x128xf32>
        %min3A_1457 = arith.minimumf %min3A_1374, %max3A_1453 : vector<8x128xf32>
        %max3A_1458 = arith.maximumf %min3A_1374, %max3A_1453 : vector<8x128xf32>
        %select_n3A_1459 = arith.select %lt3A_1456, %select_n3A_1455, %select_n3A_1376 : vector<8x128xi1>, vector<8x128xi32>
        %select_n3A_1460 = arith.select %lt3A_1456, %select_n3A_1376, %select_n3A_1455 : vector<8x128xi1>, vector<8x128xi32>
        %lt3A_1461 = arith.cmpf olt, %max3A_1458, %min3A_1379 : vector<8x128xf32>
        %min3A_1462 = arith.minimumf %min3A_1379, %max3A_1458 : vector<8x128xf32>
        %max3A_1463 = arith.maximumf %min3A_1379, %max3A_1458 : vector<8x128xf32>
        %select_n3A_1464 = arith.select %lt3A_1461, %select_n3A_1460, %select_n3A_1381 : vector<8x128xi1>, vector<8x128xi32>
        %select_n3A_1465 = arith.select %lt3A_1461, %select_n3A_1381, %select_n3A_1460 : vector<8x128xi1>, vector<8x128xi32>
        %lt3A_1466 = arith.cmpf olt, %max3A_1463, %min3A_1384 : vector<8x128xf32>
        %min3A_1467 = arith.minimumf %min3A_1384, %max3A_1463 : vector<8x128xf32>
        %max3A_1468 = arith.maximumf %min3A_1384, %max3A_1463 : vector<8x128xf32>
        %select_n3A_1469 = arith.select %lt3A_1466, %select_n3A_1465, %select_n3A_1386 : vector<8x128xi1>, vector<8x128xi32>
        %select_n3A_1470 = arith.select %lt3A_1466, %select_n3A_1386, %select_n3A_1465 : vector<8x128xi1>, vector<8x128xi32>
        %lt3A_1471 = arith.cmpf olt, %max3A_1468, %min3A_1389 : vector<8x128xf32>
        %min3A_1472 = arith.minimumf %min3A_1389, %max3A_1468 : vector<8x128xf32>
        %max3A_1473 = arith.maximumf %min3A_1389, %max3A_1468 : vector<8x128xf32>
        %select_n3A_1474 = arith.select %lt3A_1471, %select_n3A_1470, %select_n3A_1391 : vector<8x128xi1>, vector<8x128xi32>
        %select_n3A_1475 = arith.select %lt3A_1471, %select_n3A_1391, %select_n3A_1470 : vector<8x128xi1>, vector<8x128xi32>
        %lt3A_1476 = arith.cmpf olt, %max3A_1473, %min3A_1394 : vector<8x128xf32>
        %min3A_1477 = arith.minimumf %min3A_1394, %max3A_1473 : vector<8x128xf32>
        %max3A_1478 = arith.maximumf %min3A_1394, %max3A_1473 : vector<8x128xf32>
        %select_n3A_1479 = arith.select %lt3A_1476, %select_n3A_1475, %select_n3A_1396 : vector<8x128xi1>, vector<8x128xi32>
        %select_n3A_1480 = arith.select %lt3A_1476, %select_n3A_1396, %select_n3A_1475 : vector<8x128xi1>, vector<8x128xi32>
        %mul3A_1481 = arith.constant 16 : i32
        %mul3A_1482 = arith.muli %mul3A_1481, %while3A_472 : i32
        %add3A_1483 = arith.constant 12 : i32
        %add3A_1484 = arith.addi %mul3A_1482, %add3A_1483 : i32
        %get3A_1485 = arith.index_cast %scan3A_420 : i32 to index
        %get3A_1486 = arith.constant 0 : index
        %get3A_1487 = arith.constant 0 : index
        %get3A_1488 = arith.index_cast %add3A_1484 : i32 to index
        %get3A_1489 = memref.load %arg1[%get3A_1485, %get3A_1486, %get3A_1487, %get3A_1488] : memref<32x1x1x160xf32, #tpu.memory_space<smem>>
        %get3A_1490 = arith.constant 0 : index
        %get3A_1491 = arith.constant 0 : index
        %get3A_1492 = arith.constant 0 : index
        %get3A_1493 = arith.index_cast %add3A_1484 : i32 to index
        %get3A_1494 = memref.load %arg2[%get3A_1490, %get3A_1491, %get3A_1492, %get3A_1493] : memref<1x1x1x160xf32, #tpu.memory_space<smem>>
        %get3A_1495 = arith.constant 0 : index
        %get3A_1496 = arith.constant 0 : index
        %get3A_1497 = arith.constant 0 : index
        %get3A_1498 = arith.index_cast %add3A_1484 : i32 to index
        %get3A_1499 = memref.load %arg3[%get3A_1495, %get3A_1496, %get3A_1497, %get3A_1498] : memref<1x1x1x160xf32, #tpu.memory_space<smem>>
        %sub3A_1500 = vector.broadcast %get3A_1489 : f32 to vector<8x128xf32>
        %sub3A_1501 = arith.subf %sub3A_26, %sub3A_1500 : vector<8x128xf32>
        %sub3A_1502 = vector.broadcast %get3A_1494 : f32 to vector<8x128xf32>
        %sub3A_1503 = arith.subf %sub3A_14, %sub3A_1502 : vector<8x128xf32>
        %mul3A_1504 = arith.mulf %sub3A_1501, %sub3A_1501 : vector<8x128xf32>
        %mul3A_1505 = arith.mulf %sub3A_1503, %sub3A_1503 : vector<8x128xf32>
        %add3A_1506 = arith.addf %mul3A_1504, %mul3A_1505 : vector<8x128xf32>
        %le3A_1507 = vector.broadcast %scan3A : f32 to vector<8x128xf32>
        %le3A_1508 = arith.cmpf ole, %add3A_1506, %le3A_1507 : vector<8x128xf32>
        %broadcast_in_dim3A_1509 = vector.broadcast %get3A_1499 : f32 to vector<8x128xf32>
        %broadcast_in_dim3A_1510 = vector.broadcast %scan3A_58 : f32 to vector<8x128xf32>
        %select_n3A_1511 = arith.select %le3A_1508, %broadcast_in_dim3A_1509, %broadcast_in_dim3A_1510 : vector<8x128xi1>, vector<8x128xf32>
        %mul3A_1512 = vector.broadcast %scan3A_59 : f32 to vector<8x128xf32>
        %mul3A_1513 = arith.mulf %add3A_1506, %mul3A_1512 : vector<8x128xf32>
        %convert_element_type3A_1514 = arith.fptosi %mul3A_1513 : vector<8x128xf32> to vector<8x128xi32>
        %get3A_1515 = arith.constant 0 : index
        %get3A_1516 = arith.constant 0 : index
        %get3A_1517 = arith.constant 0 : index
        %get3A_1518 = arith.index_cast %add3A_1484 : i32 to index
        %get3A_1519 = memref.load %arg4[%get3A_1515, %get3A_1516, %get3A_1517, %get3A_1518] : memref<1x1x1x160xi32, #tpu.memory_space<smem>>
        %shift_left3A_1520 = arith.constant 10 : i32
        %shift_left3A_1521 = arith.shli %get3A_1519, %shift_left3A_1520 : i32
        %add3A_1522 = vector.broadcast %shift_left3A_1521 : i32 to vector<8x128xi32>
        %add3A_1523 = arith.addi %add3A_1522, %convert_element_type3A_1514 : vector<8x128xi32>
        %lt3A_1524 = arith.cmpf olt, %select_n3A_1511, %min3A_1442 : vector<8x128xf32>
        %min3A_1525 = arith.minimumf %min3A_1442, %select_n3A_1511 : vector<8x128xf32>
        %max3A_1526 = arith.maximumf %min3A_1442, %select_n3A_1511 : vector<8x128xf32>
        %select_n3A_1527 = arith.select %lt3A_1524, %add3A_1523, %select_n3A_1444 : vector<8x128xi1>, vector<8x128xi32>
        %select_n3A_1528 = arith.select %lt3A_1524, %select_n3A_1444, %add3A_1523 : vector<8x128xi1>, vector<8x128xi32>
        %lt3A_1529 = arith.cmpf olt, %max3A_1526, %min3A_1447 : vector<8x128xf32>
        %min3A_1530 = arith.minimumf %min3A_1447, %max3A_1526 : vector<8x128xf32>
        %max3A_1531 = arith.maximumf %min3A_1447, %max3A_1526 : vector<8x128xf32>
        %select_n3A_1532 = arith.select %lt3A_1529, %select_n3A_1528, %select_n3A_1449 : vector<8x128xi1>, vector<8x128xi32>
        %select_n3A_1533 = arith.select %lt3A_1529, %select_n3A_1449, %select_n3A_1528 : vector<8x128xi1>, vector<8x128xi32>
        %lt3A_1534 = arith.cmpf olt, %max3A_1531, %min3A_1452 : vector<8x128xf32>
        %min3A_1535 = arith.minimumf %min3A_1452, %max3A_1531 : vector<8x128xf32>
        %max3A_1536 = arith.maximumf %min3A_1452, %max3A_1531 : vector<8x128xf32>
        %select_n3A_1537 = arith.select %lt3A_1534, %select_n3A_1533, %select_n3A_1454 : vector<8x128xi1>, vector<8x128xi32>
        %select_n3A_1538 = arith.select %lt3A_1534, %select_n3A_1454, %select_n3A_1533 : vector<8x128xi1>, vector<8x128xi32>
        %lt3A_1539 = arith.cmpf olt, %max3A_1536, %min3A_1457 : vector<8x128xf32>
        %min3A_1540 = arith.minimumf %min3A_1457, %max3A_1536 : vector<8x128xf32>
        %max3A_1541 = arith.maximumf %min3A_1457, %max3A_1536 : vector<8x128xf32>
        %select_n3A_1542 = arith.select %lt3A_1539, %select_n3A_1538, %select_n3A_1459 : vector<8x128xi1>, vector<8x128xi32>
        %select_n3A_1543 = arith.select %lt3A_1539, %select_n3A_1459, %select_n3A_1538 : vector<8x128xi1>, vector<8x128xi32>
        %lt3A_1544 = arith.cmpf olt, %max3A_1541, %min3A_1462 : vector<8x128xf32>
        %min3A_1545 = arith.minimumf %min3A_1462, %max3A_1541 : vector<8x128xf32>
        %max3A_1546 = arith.maximumf %min3A_1462, %max3A_1541 : vector<8x128xf32>
        %select_n3A_1547 = arith.select %lt3A_1544, %select_n3A_1543, %select_n3A_1464 : vector<8x128xi1>, vector<8x128xi32>
        %select_n3A_1548 = arith.select %lt3A_1544, %select_n3A_1464, %select_n3A_1543 : vector<8x128xi1>, vector<8x128xi32>
        %lt3A_1549 = arith.cmpf olt, %max3A_1546, %min3A_1467 : vector<8x128xf32>
        %min3A_1550 = arith.minimumf %min3A_1467, %max3A_1546 : vector<8x128xf32>
        %max3A_1551 = arith.maximumf %min3A_1467, %max3A_1546 : vector<8x128xf32>
        %select_n3A_1552 = arith.select %lt3A_1549, %select_n3A_1548, %select_n3A_1469 : vector<8x128xi1>, vector<8x128xi32>
        %select_n3A_1553 = arith.select %lt3A_1549, %select_n3A_1469, %select_n3A_1548 : vector<8x128xi1>, vector<8x128xi32>
        %lt3A_1554 = arith.cmpf olt, %max3A_1551, %min3A_1472 : vector<8x128xf32>
        %min3A_1555 = arith.minimumf %min3A_1472, %max3A_1551 : vector<8x128xf32>
        %max3A_1556 = arith.maximumf %min3A_1472, %max3A_1551 : vector<8x128xf32>
        %select_n3A_1557 = arith.select %lt3A_1554, %select_n3A_1553, %select_n3A_1474 : vector<8x128xi1>, vector<8x128xi32>
        %select_n3A_1558 = arith.select %lt3A_1554, %select_n3A_1474, %select_n3A_1553 : vector<8x128xi1>, vector<8x128xi32>
        %lt3A_1559 = arith.cmpf olt, %max3A_1556, %min3A_1477 : vector<8x128xf32>
        %min3A_1560 = arith.minimumf %min3A_1477, %max3A_1556 : vector<8x128xf32>
        %max3A_1561 = arith.maximumf %min3A_1477, %max3A_1556 : vector<8x128xf32>
        %select_n3A_1562 = arith.select %lt3A_1559, %select_n3A_1558, %select_n3A_1479 : vector<8x128xi1>, vector<8x128xi32>
        %select_n3A_1563 = arith.select %lt3A_1559, %select_n3A_1479, %select_n3A_1558 : vector<8x128xi1>, vector<8x128xi32>
        %mul3A_1564 = arith.constant 16 : i32
        %mul3A_1565 = arith.muli %mul3A_1564, %while3A_472 : i32
        %add3A_1566 = arith.constant 13 : i32
        %add3A_1567 = arith.addi %mul3A_1565, %add3A_1566 : i32
        %get3A_1568 = arith.index_cast %scan3A_420 : i32 to index
        %get3A_1569 = arith.constant 0 : index
        %get3A_1570 = arith.constant 0 : index
        %get3A_1571 = arith.index_cast %add3A_1567 : i32 to index
        %get3A_1572 = memref.load %arg1[%get3A_1568, %get3A_1569, %get3A_1570, %get3A_1571] : memref<32x1x1x160xf32, #tpu.memory_space<smem>>
        %get3A_1573 = arith.constant 0 : index
        %get3A_1574 = arith.constant 0 : index
        %get3A_1575 = arith.constant 0 : index
        %get3A_1576 = arith.index_cast %add3A_1567 : i32 to index
        %get3A_1577 = memref.load %arg2[%get3A_1573, %get3A_1574, %get3A_1575, %get3A_1576] : memref<1x1x1x160xf32, #tpu.memory_space<smem>>
        %get3A_1578 = arith.constant 0 : index
        %get3A_1579 = arith.constant 0 : index
        %get3A_1580 = arith.constant 0 : index
        %get3A_1581 = arith.index_cast %add3A_1567 : i32 to index
        %get3A_1582 = memref.load %arg3[%get3A_1578, %get3A_1579, %get3A_1580, %get3A_1581] : memref<1x1x1x160xf32, #tpu.memory_space<smem>>
        %sub3A_1583 = vector.broadcast %get3A_1572 : f32 to vector<8x128xf32>
        %sub3A_1584 = arith.subf %sub3A_26, %sub3A_1583 : vector<8x128xf32>
        %sub3A_1585 = vector.broadcast %get3A_1577 : f32 to vector<8x128xf32>
        %sub3A_1586 = arith.subf %sub3A_14, %sub3A_1585 : vector<8x128xf32>
        %mul3A_1587 = arith.mulf %sub3A_1584, %sub3A_1584 : vector<8x128xf32>
        %mul3A_1588 = arith.mulf %sub3A_1586, %sub3A_1586 : vector<8x128xf32>
        %add3A_1589 = arith.addf %mul3A_1587, %mul3A_1588 : vector<8x128xf32>
        %le3A_1590 = vector.broadcast %scan3A : f32 to vector<8x128xf32>
        %le3A_1591 = arith.cmpf ole, %add3A_1589, %le3A_1590 : vector<8x128xf32>
        %broadcast_in_dim3A_1592 = vector.broadcast %get3A_1582 : f32 to vector<8x128xf32>
        %broadcast_in_dim3A_1593 = vector.broadcast %scan3A_58 : f32 to vector<8x128xf32>
        %select_n3A_1594 = arith.select %le3A_1591, %broadcast_in_dim3A_1592, %broadcast_in_dim3A_1593 : vector<8x128xi1>, vector<8x128xf32>
        %mul3A_1595 = vector.broadcast %scan3A_59 : f32 to vector<8x128xf32>
        %mul3A_1596 = arith.mulf %add3A_1589, %mul3A_1595 : vector<8x128xf32>
        %convert_element_type3A_1597 = arith.fptosi %mul3A_1596 : vector<8x128xf32> to vector<8x128xi32>
        %get3A_1598 = arith.constant 0 : index
        %get3A_1599 = arith.constant 0 : index
        %get3A_1600 = arith.constant 0 : index
        %get3A_1601 = arith.index_cast %add3A_1567 : i32 to index
        %get3A_1602 = memref.load %arg4[%get3A_1598, %get3A_1599, %get3A_1600, %get3A_1601] : memref<1x1x1x160xi32, #tpu.memory_space<smem>>
        %shift_left3A_1603 = arith.constant 10 : i32
        %shift_left3A_1604 = arith.shli %get3A_1602, %shift_left3A_1603 : i32
        %add3A_1605 = vector.broadcast %shift_left3A_1604 : i32 to vector<8x128xi32>
        %add3A_1606 = arith.addi %add3A_1605, %convert_element_type3A_1597 : vector<8x128xi32>
        %lt3A_1607 = arith.cmpf olt, %select_n3A_1594, %min3A_1525 : vector<8x128xf32>
        %min3A_1608 = arith.minimumf %min3A_1525, %select_n3A_1594 : vector<8x128xf32>
        %max3A_1609 = arith.maximumf %min3A_1525, %select_n3A_1594 : vector<8x128xf32>
        %select_n3A_1610 = arith.select %lt3A_1607, %add3A_1606, %select_n3A_1527 : vector<8x128xi1>, vector<8x128xi32>
        %select_n3A_1611 = arith.select %lt3A_1607, %select_n3A_1527, %add3A_1606 : vector<8x128xi1>, vector<8x128xi32>
        %lt3A_1612 = arith.cmpf olt, %max3A_1609, %min3A_1530 : vector<8x128xf32>
        %min3A_1613 = arith.minimumf %min3A_1530, %max3A_1609 : vector<8x128xf32>
        %max3A_1614 = arith.maximumf %min3A_1530, %max3A_1609 : vector<8x128xf32>
        %select_n3A_1615 = arith.select %lt3A_1612, %select_n3A_1611, %select_n3A_1532 : vector<8x128xi1>, vector<8x128xi32>
        %select_n3A_1616 = arith.select %lt3A_1612, %select_n3A_1532, %select_n3A_1611 : vector<8x128xi1>, vector<8x128xi32>
        %lt3A_1617 = arith.cmpf olt, %max3A_1614, %min3A_1535 : vector<8x128xf32>
        %min3A_1618 = arith.minimumf %min3A_1535, %max3A_1614 : vector<8x128xf32>
        %max3A_1619 = arith.maximumf %min3A_1535, %max3A_1614 : vector<8x128xf32>
        %select_n3A_1620 = arith.select %lt3A_1617, %select_n3A_1616, %select_n3A_1537 : vector<8x128xi1>, vector<8x128xi32>
        %select_n3A_1621 = arith.select %lt3A_1617, %select_n3A_1537, %select_n3A_1616 : vector<8x128xi1>, vector<8x128xi32>
        %lt3A_1622 = arith.cmpf olt, %max3A_1619, %min3A_1540 : vector<8x128xf32>
        %min3A_1623 = arith.minimumf %min3A_1540, %max3A_1619 : vector<8x128xf32>
        %max3A_1624 = arith.maximumf %min3A_1540, %max3A_1619 : vector<8x128xf32>
        %select_n3A_1625 = arith.select %lt3A_1622, %select_n3A_1621, %select_n3A_1542 : vector<8x128xi1>, vector<8x128xi32>
        %select_n3A_1626 = arith.select %lt3A_1622, %select_n3A_1542, %select_n3A_1621 : vector<8x128xi1>, vector<8x128xi32>
        %lt3A_1627 = arith.cmpf olt, %max3A_1624, %min3A_1545 : vector<8x128xf32>
        %min3A_1628 = arith.minimumf %min3A_1545, %max3A_1624 : vector<8x128xf32>
        %max3A_1629 = arith.maximumf %min3A_1545, %max3A_1624 : vector<8x128xf32>
        %select_n3A_1630 = arith.select %lt3A_1627, %select_n3A_1626, %select_n3A_1547 : vector<8x128xi1>, vector<8x128xi32>
        %select_n3A_1631 = arith.select %lt3A_1627, %select_n3A_1547, %select_n3A_1626 : vector<8x128xi1>, vector<8x128xi32>
        %lt3A_1632 = arith.cmpf olt, %max3A_1629, %min3A_1550 : vector<8x128xf32>
        %min3A_1633 = arith.minimumf %min3A_1550, %max3A_1629 : vector<8x128xf32>
        %max3A_1634 = arith.maximumf %min3A_1550, %max3A_1629 : vector<8x128xf32>
        %select_n3A_1635 = arith.select %lt3A_1632, %select_n3A_1631, %select_n3A_1552 : vector<8x128xi1>, vector<8x128xi32>
        %select_n3A_1636 = arith.select %lt3A_1632, %select_n3A_1552, %select_n3A_1631 : vector<8x128xi1>, vector<8x128xi32>
        %lt3A_1637 = arith.cmpf olt, %max3A_1634, %min3A_1555 : vector<8x128xf32>
        %min3A_1638 = arith.minimumf %min3A_1555, %max3A_1634 : vector<8x128xf32>
        %max3A_1639 = arith.maximumf %min3A_1555, %max3A_1634 : vector<8x128xf32>
        %select_n3A_1640 = arith.select %lt3A_1637, %select_n3A_1636, %select_n3A_1557 : vector<8x128xi1>, vector<8x128xi32>
        %select_n3A_1641 = arith.select %lt3A_1637, %select_n3A_1557, %select_n3A_1636 : vector<8x128xi1>, vector<8x128xi32>
        %lt3A_1642 = arith.cmpf olt, %max3A_1639, %min3A_1560 : vector<8x128xf32>
        %min3A_1643 = arith.minimumf %min3A_1560, %max3A_1639 : vector<8x128xf32>
        %max3A_1644 = arith.maximumf %min3A_1560, %max3A_1639 : vector<8x128xf32>
        %select_n3A_1645 = arith.select %lt3A_1642, %select_n3A_1641, %select_n3A_1562 : vector<8x128xi1>, vector<8x128xi32>
        %select_n3A_1646 = arith.select %lt3A_1642, %select_n3A_1562, %select_n3A_1641 : vector<8x128xi1>, vector<8x128xi32>
        %mul3A_1647 = arith.constant 16 : i32
        %mul3A_1648 = arith.muli %mul3A_1647, %while3A_472 : i32
        %add3A_1649 = arith.constant 14 : i32
        %add3A_1650 = arith.addi %mul3A_1648, %add3A_1649 : i32
        %get3A_1651 = arith.index_cast %scan3A_420 : i32 to index
        %get3A_1652 = arith.constant 0 : index
        %get3A_1653 = arith.constant 0 : index
        %get3A_1654 = arith.index_cast %add3A_1650 : i32 to index
        %get3A_1655 = memref.load %arg1[%get3A_1651, %get3A_1652, %get3A_1653, %get3A_1654] : memref<32x1x1x160xf32, #tpu.memory_space<smem>>
        %get3A_1656 = arith.constant 0 : index
        %get3A_1657 = arith.constant 0 : index
        %get3A_1658 = arith.constant 0 : index
        %get3A_1659 = arith.index_cast %add3A_1650 : i32 to index
        %get3A_1660 = memref.load %arg2[%get3A_1656, %get3A_1657, %get3A_1658, %get3A_1659] : memref<1x1x1x160xf32, #tpu.memory_space<smem>>
        %get3A_1661 = arith.constant 0 : index
        %get3A_1662 = arith.constant 0 : index
        %get3A_1663 = arith.constant 0 : index
        %get3A_1664 = arith.index_cast %add3A_1650 : i32 to index
        %get3A_1665 = memref.load %arg3[%get3A_1661, %get3A_1662, %get3A_1663, %get3A_1664] : memref<1x1x1x160xf32, #tpu.memory_space<smem>>
        %sub3A_1666 = vector.broadcast %get3A_1655 : f32 to vector<8x128xf32>
        %sub3A_1667 = arith.subf %sub3A_26, %sub3A_1666 : vector<8x128xf32>
        %sub3A_1668 = vector.broadcast %get3A_1660 : f32 to vector<8x128xf32>
        %sub3A_1669 = arith.subf %sub3A_14, %sub3A_1668 : vector<8x128xf32>
        %mul3A_1670 = arith.mulf %sub3A_1667, %sub3A_1667 : vector<8x128xf32>
        %mul3A_1671 = arith.mulf %sub3A_1669, %sub3A_1669 : vector<8x128xf32>
        %add3A_1672 = arith.addf %mul3A_1670, %mul3A_1671 : vector<8x128xf32>
        %le3A_1673 = vector.broadcast %scan3A : f32 to vector<8x128xf32>
        %le3A_1674 = arith.cmpf ole, %add3A_1672, %le3A_1673 : vector<8x128xf32>
        %broadcast_in_dim3A_1675 = vector.broadcast %get3A_1665 : f32 to vector<8x128xf32>
        %broadcast_in_dim3A_1676 = vector.broadcast %scan3A_58 : f32 to vector<8x128xf32>
        %select_n3A_1677 = arith.select %le3A_1674, %broadcast_in_dim3A_1675, %broadcast_in_dim3A_1676 : vector<8x128xi1>, vector<8x128xf32>
        %mul3A_1678 = vector.broadcast %scan3A_59 : f32 to vector<8x128xf32>
        %mul3A_1679 = arith.mulf %add3A_1672, %mul3A_1678 : vector<8x128xf32>
        %convert_element_type3A_1680 = arith.fptosi %mul3A_1679 : vector<8x128xf32> to vector<8x128xi32>
        %get3A_1681 = arith.constant 0 : index
        %get3A_1682 = arith.constant 0 : index
        %get3A_1683 = arith.constant 0 : index
        %get3A_1684 = arith.index_cast %add3A_1650 : i32 to index
        %get3A_1685 = memref.load %arg4[%get3A_1681, %get3A_1682, %get3A_1683, %get3A_1684] : memref<1x1x1x160xi32, #tpu.memory_space<smem>>
        %shift_left3A_1686 = arith.constant 10 : i32
        %shift_left3A_1687 = arith.shli %get3A_1685, %shift_left3A_1686 : i32
        %add3A_1688 = vector.broadcast %shift_left3A_1687 : i32 to vector<8x128xi32>
        %add3A_1689 = arith.addi %add3A_1688, %convert_element_type3A_1680 : vector<8x128xi32>
        %lt3A_1690 = arith.cmpf olt, %select_n3A_1677, %min3A_1608 : vector<8x128xf32>
        %min3A_1691 = arith.minimumf %min3A_1608, %select_n3A_1677 : vector<8x128xf32>
        %max3A_1692 = arith.maximumf %min3A_1608, %select_n3A_1677 : vector<8x128xf32>
        %select_n3A_1693 = arith.select %lt3A_1690, %add3A_1689, %select_n3A_1610 : vector<8x128xi1>, vector<8x128xi32>
        %select_n3A_1694 = arith.select %lt3A_1690, %select_n3A_1610, %add3A_1689 : vector<8x128xi1>, vector<8x128xi32>
        %lt3A_1695 = arith.cmpf olt, %max3A_1692, %min3A_1613 : vector<8x128xf32>
        %min3A_1696 = arith.minimumf %min3A_1613, %max3A_1692 : vector<8x128xf32>
        %max3A_1697 = arith.maximumf %min3A_1613, %max3A_1692 : vector<8x128xf32>
        %select_n3A_1698 = arith.select %lt3A_1695, %select_n3A_1694, %select_n3A_1615 : vector<8x128xi1>, vector<8x128xi32>
        %select_n3A_1699 = arith.select %lt3A_1695, %select_n3A_1615, %select_n3A_1694 : vector<8x128xi1>, vector<8x128xi32>
        %lt3A_1700 = arith.cmpf olt, %max3A_1697, %min3A_1618 : vector<8x128xf32>
        %min3A_1701 = arith.minimumf %min3A_1618, %max3A_1697 : vector<8x128xf32>
        %max3A_1702 = arith.maximumf %min3A_1618, %max3A_1697 : vector<8x128xf32>
        %select_n3A_1703 = arith.select %lt3A_1700, %select_n3A_1699, %select_n3A_1620 : vector<8x128xi1>, vector<8x128xi32>
        %select_n3A_1704 = arith.select %lt3A_1700, %select_n3A_1620, %select_n3A_1699 : vector<8x128xi1>, vector<8x128xi32>
        %lt3A_1705 = arith.cmpf olt, %max3A_1702, %min3A_1623 : vector<8x128xf32>
        %min3A_1706 = arith.minimumf %min3A_1623, %max3A_1702 : vector<8x128xf32>
        %max3A_1707 = arith.maximumf %min3A_1623, %max3A_1702 : vector<8x128xf32>
        %select_n3A_1708 = arith.select %lt3A_1705, %select_n3A_1704, %select_n3A_1625 : vector<8x128xi1>, vector<8x128xi32>
        %select_n3A_1709 = arith.select %lt3A_1705, %select_n3A_1625, %select_n3A_1704 : vector<8x128xi1>, vector<8x128xi32>
        %lt3A_1710 = arith.cmpf olt, %max3A_1707, %min3A_1628 : vector<8x128xf32>
        %min3A_1711 = arith.minimumf %min3A_1628, %max3A_1707 : vector<8x128xf32>
        %max3A_1712 = arith.maximumf %min3A_1628, %max3A_1707 : vector<8x128xf32>
        %select_n3A_1713 = arith.select %lt3A_1710, %select_n3A_1709, %select_n3A_1630 : vector<8x128xi1>, vector<8x128xi32>
        %select_n3A_1714 = arith.select %lt3A_1710, %select_n3A_1630, %select_n3A_1709 : vector<8x128xi1>, vector<8x128xi32>
        %lt3A_1715 = arith.cmpf olt, %max3A_1712, %min3A_1633 : vector<8x128xf32>
        %min3A_1716 = arith.minimumf %min3A_1633, %max3A_1712 : vector<8x128xf32>
        %max3A_1717 = arith.maximumf %min3A_1633, %max3A_1712 : vector<8x128xf32>
        %select_n3A_1718 = arith.select %lt3A_1715, %select_n3A_1714, %select_n3A_1635 : vector<8x128xi1>, vector<8x128xi32>
        %select_n3A_1719 = arith.select %lt3A_1715, %select_n3A_1635, %select_n3A_1714 : vector<8x128xi1>, vector<8x128xi32>
        %lt3A_1720 = arith.cmpf olt, %max3A_1717, %min3A_1638 : vector<8x128xf32>
        %min3A_1721 = arith.minimumf %min3A_1638, %max3A_1717 : vector<8x128xf32>
        %max3A_1722 = arith.maximumf %min3A_1638, %max3A_1717 : vector<8x128xf32>
        %select_n3A_1723 = arith.select %lt3A_1720, %select_n3A_1719, %select_n3A_1640 : vector<8x128xi1>, vector<8x128xi32>
        %select_n3A_1724 = arith.select %lt3A_1720, %select_n3A_1640, %select_n3A_1719 : vector<8x128xi1>, vector<8x128xi32>
        %lt3A_1725 = arith.cmpf olt, %max3A_1722, %min3A_1643 : vector<8x128xf32>
        %min3A_1726 = arith.minimumf %min3A_1643, %max3A_1722 : vector<8x128xf32>
        %max3A_1727 = arith.maximumf %min3A_1643, %max3A_1722 : vector<8x128xf32>
        %select_n3A_1728 = arith.select %lt3A_1725, %select_n3A_1724, %select_n3A_1645 : vector<8x128xi1>, vector<8x128xi32>
        %select_n3A_1729 = arith.select %lt3A_1725, %select_n3A_1645, %select_n3A_1724 : vector<8x128xi1>, vector<8x128xi32>
        %mul3A_1730 = arith.constant 16 : i32
        %mul3A_1731 = arith.muli %mul3A_1730, %while3A_472 : i32
        %add3A_1732 = arith.constant 15 : i32
        %add3A_1733 = arith.addi %mul3A_1731, %add3A_1732 : i32
        %get3A_1734 = arith.index_cast %scan3A_420 : i32 to index
        %get3A_1735 = arith.constant 0 : index
        %get3A_1736 = arith.constant 0 : index
        %get3A_1737 = arith.index_cast %add3A_1733 : i32 to index
        %get3A_1738 = memref.load %arg1[%get3A_1734, %get3A_1735, %get3A_1736, %get3A_1737] : memref<32x1x1x160xf32, #tpu.memory_space<smem>>
        %get3A_1739 = arith.constant 0 : index
        %get3A_1740 = arith.constant 0 : index
        %get3A_1741 = arith.constant 0 : index
        %get3A_1742 = arith.index_cast %add3A_1733 : i32 to index
        %get3A_1743 = memref.load %arg2[%get3A_1739, %get3A_1740, %get3A_1741, %get3A_1742] : memref<1x1x1x160xf32, #tpu.memory_space<smem>>
        %get3A_1744 = arith.constant 0 : index
        %get3A_1745 = arith.constant 0 : index
        %get3A_1746 = arith.constant 0 : index
        %get3A_1747 = arith.index_cast %add3A_1733 : i32 to index
        %get3A_1748 = memref.load %arg3[%get3A_1744, %get3A_1745, %get3A_1746, %get3A_1747] : memref<1x1x1x160xf32, #tpu.memory_space<smem>>
        %sub3A_1749 = vector.broadcast %get3A_1738 : f32 to vector<8x128xf32>
        %sub3A_1750 = arith.subf %sub3A_26, %sub3A_1749 : vector<8x128xf32>
        %sub3A_1751 = vector.broadcast %get3A_1743 : f32 to vector<8x128xf32>
        %sub3A_1752 = arith.subf %sub3A_14, %sub3A_1751 : vector<8x128xf32>
        %mul3A_1753 = arith.mulf %sub3A_1750, %sub3A_1750 : vector<8x128xf32>
        %mul3A_1754 = arith.mulf %sub3A_1752, %sub3A_1752 : vector<8x128xf32>
        %add3A_1755 = arith.addf %mul3A_1753, %mul3A_1754 : vector<8x128xf32>
        %le3A_1756 = vector.broadcast %scan3A : f32 to vector<8x128xf32>
        %le3A_1757 = arith.cmpf ole, %add3A_1755, %le3A_1756 : vector<8x128xf32>
        %broadcast_in_dim3A_1758 = vector.broadcast %get3A_1748 : f32 to vector<8x128xf32>
        %broadcast_in_dim3A_1759 = vector.broadcast %scan3A_58 : f32 to vector<8x128xf32>
        %select_n3A_1760 = arith.select %le3A_1757, %broadcast_in_dim3A_1758, %broadcast_in_dim3A_1759 : vector<8x128xi1>, vector<8x128xf32>
        %mul3A_1761 = vector.broadcast %scan3A_59 : f32 to vector<8x128xf32>
        %mul3A_1762 = arith.mulf %add3A_1755, %mul3A_1761 : vector<8x128xf32>
        %convert_element_type3A_1763 = arith.fptosi %mul3A_1762 : vector<8x128xf32> to vector<8x128xi32>
        %get3A_1764 = arith.constant 0 : index
        %get3A_1765 = arith.constant 0 : index
        %get3A_1766 = arith.constant 0 : index
        %get3A_1767 = arith.index_cast %add3A_1733 : i32 to index
        %get3A_1768 = memref.load %arg4[%get3A_1764, %get3A_1765, %get3A_1766, %get3A_1767] : memref<1x1x1x160xi32, #tpu.memory_space<smem>>
        %shift_left3A_1769 = arith.constant 10 : i32
        %shift_left3A_1770 = arith.shli %get3A_1768, %shift_left3A_1769 : i32
        %add3A_1771 = vector.broadcast %shift_left3A_1770 : i32 to vector<8x128xi32>
        %add3A_1772 = arith.addi %add3A_1771, %convert_element_type3A_1763 : vector<8x128xi32>
        %lt3A_1773 = arith.cmpf olt, %select_n3A_1760, %min3A_1691 : vector<8x128xf32>
        %min3A_1774 = arith.minimumf %min3A_1691, %select_n3A_1760 : vector<8x128xf32>
        %max3A_1775 = arith.maximumf %min3A_1691, %select_n3A_1760 : vector<8x128xf32>
        %select_n3A_1776 = arith.select %lt3A_1773, %add3A_1772, %select_n3A_1693 : vector<8x128xi1>, vector<8x128xi32>
        %select_n3A_1777 = arith.select %lt3A_1773, %select_n3A_1693, %add3A_1772 : vector<8x128xi1>, vector<8x128xi32>
        %lt3A_1778 = arith.cmpf olt, %max3A_1775, %min3A_1696 : vector<8x128xf32>
        %min3A_1779 = arith.minimumf %min3A_1696, %max3A_1775 : vector<8x128xf32>
        %max3A_1780 = arith.maximumf %min3A_1696, %max3A_1775 : vector<8x128xf32>
        %select_n3A_1781 = arith.select %lt3A_1778, %select_n3A_1777, %select_n3A_1698 : vector<8x128xi1>, vector<8x128xi32>
        %select_n3A_1782 = arith.select %lt3A_1778, %select_n3A_1698, %select_n3A_1777 : vector<8x128xi1>, vector<8x128xi32>
        %lt3A_1783 = arith.cmpf olt, %max3A_1780, %min3A_1701 : vector<8x128xf32>
        %min3A_1784 = arith.minimumf %min3A_1701, %max3A_1780 : vector<8x128xf32>
        %max3A_1785 = arith.maximumf %min3A_1701, %max3A_1780 : vector<8x128xf32>
        %select_n3A_1786 = arith.select %lt3A_1783, %select_n3A_1782, %select_n3A_1703 : vector<8x128xi1>, vector<8x128xi32>
        %select_n3A_1787 = arith.select %lt3A_1783, %select_n3A_1703, %select_n3A_1782 : vector<8x128xi1>, vector<8x128xi32>
        %lt3A_1788 = arith.cmpf olt, %max3A_1785, %min3A_1706 : vector<8x128xf32>
        %min3A_1789 = arith.minimumf %min3A_1706, %max3A_1785 : vector<8x128xf32>
        %max3A_1790 = arith.maximumf %min3A_1706, %max3A_1785 : vector<8x128xf32>
        %select_n3A_1791 = arith.select %lt3A_1788, %select_n3A_1787, %select_n3A_1708 : vector<8x128xi1>, vector<8x128xi32>
        %select_n3A_1792 = arith.select %lt3A_1788, %select_n3A_1708, %select_n3A_1787 : vector<8x128xi1>, vector<8x128xi32>
        %lt3A_1793 = arith.cmpf olt, %max3A_1790, %min3A_1711 : vector<8x128xf32>
        %min3A_1794 = arith.minimumf %min3A_1711, %max3A_1790 : vector<8x128xf32>
        %max3A_1795 = arith.maximumf %min3A_1711, %max3A_1790 : vector<8x128xf32>
        %select_n3A_1796 = arith.select %lt3A_1793, %select_n3A_1792, %select_n3A_1713 : vector<8x128xi1>, vector<8x128xi32>
        %select_n3A_1797 = arith.select %lt3A_1793, %select_n3A_1713, %select_n3A_1792 : vector<8x128xi1>, vector<8x128xi32>
        %lt3A_1798 = arith.cmpf olt, %max3A_1795, %min3A_1716 : vector<8x128xf32>
        %min3A_1799 = arith.minimumf %min3A_1716, %max3A_1795 : vector<8x128xf32>
        %max3A_1800 = arith.maximumf %min3A_1716, %max3A_1795 : vector<8x128xf32>
        %select_n3A_1801 = arith.select %lt3A_1798, %select_n3A_1797, %select_n3A_1718 : vector<8x128xi1>, vector<8x128xi32>
        %select_n3A_1802 = arith.select %lt3A_1798, %select_n3A_1718, %select_n3A_1797 : vector<8x128xi1>, vector<8x128xi32>
        %lt3A_1803 = arith.cmpf olt, %max3A_1800, %min3A_1721 : vector<8x128xf32>
        %min3A_1804 = arith.minimumf %min3A_1721, %max3A_1800 : vector<8x128xf32>
        %max3A_1805 = arith.maximumf %min3A_1721, %max3A_1800 : vector<8x128xf32>
        %select_n3A_1806 = arith.select %lt3A_1803, %select_n3A_1802, %select_n3A_1723 : vector<8x128xi1>, vector<8x128xi32>
        %select_n3A_1807 = arith.select %lt3A_1803, %select_n3A_1723, %select_n3A_1802 : vector<8x128xi1>, vector<8x128xi32>
        %lt3A_1808 = arith.cmpf olt, %max3A_1805, %min3A_1726 : vector<8x128xf32>
        %min3A_1809 = arith.minimumf %min3A_1726, %max3A_1805 : vector<8x128xf32>
        %max3A_1810 = arith.maximumf %min3A_1726, %max3A_1805 : vector<8x128xf32>
        %select_n3A_1811 = arith.select %lt3A_1808, %select_n3A_1807, %select_n3A_1728 : vector<8x128xi1>, vector<8x128xi32>
        %select_n3A_1812 = arith.select %lt3A_1808, %select_n3A_1728, %select_n3A_1807 : vector<8x128xi1>, vector<8x128xi32>
        scf.yield %min3A_1774, %min3A_1779, %min3A_1784, %min3A_1789, %min3A_1794, %min3A_1799, %min3A_1804, %min3A_1809, %select_n3A_1776, %select_n3A_1781, %select_n3A_1786, %select_n3A_1791, %select_n3A_1796, %select_n3A_1801, %select_n3A_1806, %select_n3A_1811 : vector<8x128xf32>, vector<8x128xf32>, vector<8x128xf32>, vector<8x128xf32>, vector<8x128xf32>, vector<8x128xf32>, vector<8x128xf32>, vector<8x128xf32>, vector<8x128xi32>, vector<8x128xi32>, vector<8x128xi32>, vector<8x128xi32>, vector<8x128xi32>, vector<8x128xi32>, vector<8x128xi32>, vector<8x128xi32>
      }
      scf.yield %while3A_471#0, %while3A_471#1, %while3A_471#2, %while3A_471#3, %while3A_471#4, %while3A_471#5, %while3A_471#6, %while3A_471#7, %while3A_471#8, %while3A_471#9, %while3A_471#10, %while3A_471#11, %while3A_471#12, %while3A_471#13, %while3A_471#14, %while3A_471#15 : vector<8x128xf32>, vector<8x128xf32>, vector<8x128xf32>, vector<8x128xf32>, vector<8x128xf32>, vector<8x128xf32>, vector<8x128xf32>, vector<8x128xf32>, vector<8x128xi32>, vector<8x128xi32>, vector<8x128xi32>, vector<8x128xi32>, vector<8x128xi32>, vector<8x128xi32>, vector<8x128xi32>, vector<8x128xi32>
    }
    %scan3A_65 = arith.constant 32 : i32
    %lt3A = arith.constant 0x7F800000 : f32
    %lt3A_66 = vector.broadcast %lt3A : f32 to vector<8x128xf32>
    %lt3A_67 = arith.cmpf olt, %scan3A_64#0, %lt3A_66 : vector<8x128xf32>
    %jit3A = arith.constant -1.000000e+00 : f32
    %broadcast_in_dim3A_68 = vector.broadcast %jit3A : f32 to vector<8x128xf32>
    %select_n3A = arith.select %lt3A_67, %scan3A_64#0, %broadcast_in_dim3A_68 : vector<8x128xi1>, vector<8x128xf32>
    %swap3A = arith.constant 0 : index
    %swap3A_69 = arith.constant 0 : index
    %swap3A_70 = arith.constant 0 : index
    %swap3A_71 = vector.load %arg7[%swap3A, %swap3A_69, %swap3A_70] : memref<8x8x128xf32, #tpu.memory_space<vmem>>, vector<1x8x128xf32>
    %swap3A_72 = vector.shape_cast %swap3A_71 : vector<1x8x128xf32> to vector<8x128xf32>
    %swap3A_73 = vector.shape_cast %select_n3A : vector<8x128xf32> to vector<1x8x128xf32>
    tpu.vector_store %arg7[%swap3A, %swap3A_69, %swap3A_70], %swap3A_73 {strides = array<i32>} : memref<8x8x128xf32, #tpu.memory_space<vmem>>, vector<1x8x128xf32>,
    %shift_right_arithmetic3A = arith.constant 10 : i32
    %shift_right_arithmetic3A_74 = vector.broadcast %shift_right_arithmetic3A : i32 to vector<8x128xi32>
    %shift_right_arithmetic3A_75 = arith.shrsi %scan3A_64#8, %shift_right_arithmetic3A_74 : vector<8x128xi32>
    %jit3A_76 = arith.constant -1 : i32
    %broadcast_in_dim3A_77 = vector.broadcast %jit3A_76 : i32 to vector<8x128xi32>
    %select_n3A_78 = arith.select %lt3A_67, %shift_right_arithmetic3A_75, %broadcast_in_dim3A_77 : vector<8x128xi1>, vector<8x128xi32>
    %swap3A_79 = arith.constant 0 : index
    %swap3A_80 = arith.constant 0 : index
    %swap3A_81 = arith.constant 0 : index
    %swap3A_82 = vector.load %arg6[%swap3A_79, %swap3A_80, %swap3A_81] : memref<8x8x128xi32, #tpu.memory_space<vmem>>, vector<1x8x128xi32>
    %swap3A_83 = vector.shape_cast %swap3A_82 : vector<1x8x128xi32> to vector<8x128xi32>
    %swap3A_84 = vector.shape_cast %select_n3A_78 : vector<8x128xi32> to vector<1x8x128xi32>
    tpu.vector_store %arg6[%swap3A_79, %swap3A_80, %swap3A_81], %swap3A_84 {strides = array<i32>} : memref<8x8x128xi32, #tpu.memory_space<vmem>>, vector<1x8x128xi32>,
    %and3A = arith.constant 1023 : i32
    %and3A_85 = vector.broadcast %and3A : i32 to vector<8x128xi32>
    %and3A_86 = arith.andi %scan3A_64#8, %and3A_85 : vector<8x128xi32>
    %convert_element_type3A_87 = arith.sitofp %and3A_86 : vector<8x128xi32> to vector<8x128xf32>
    %add3A_88 = arith.constant 5.000000e-01 : f32
    %add3A_89 = vector.broadcast %add3A_88 : f32 to vector<8x128xf32>
    %add3A_90 = arith.addf %convert_element_type3A_87, %add3A_89 : vector<8x128xf32>
    %div3A_91 = arith.constant 2.500000e-03 : f32
    %div3A_92 = arith.constant 1.023900e+03 : f32
    %div3A_93 = arith.divf %div3A_91, %div3A_92 : f32
    %mul3A_94 = vector.broadcast %div3A_93 : f32 to vector<8x128xf32>
    %mul3A_95 = arith.mulf %add3A_90, %mul3A_94 : vector<8x128xf32>
    %jit3A_96 = arith.constant -1.000000e+00 : f32
    %broadcast_in_dim3A_97 = vector.broadcast %jit3A_96 : f32 to vector<8x128xf32>
    %select_n3A_98 = arith.select %lt3A_67, %mul3A_95, %broadcast_in_dim3A_97 : vector<8x128xi1>, vector<8x128xf32>
    %swap3A_99 = arith.constant 0 : index
    %swap3A_100 = arith.constant 0 : index
    %swap3A_101 = arith.constant 0 : index
    %swap3A_102 = vector.load %arg8[%swap3A_99, %swap3A_100, %swap3A_101] : memref<8x8x128xf32, #tpu.memory_space<vmem>>, vector<1x8x128xf32>
    %swap3A_103 = vector.shape_cast %swap3A_102 : vector<1x8x128xf32> to vector<8x128xf32>
    %swap3A_104 = vector.shape_cast %select_n3A_98 : vector<8x128xf32> to vector<1x8x128xf32>
    tpu.vector_store %arg8[%swap3A_99, %swap3A_100, %swap3A_101], %swap3A_104 {strides = array<i32>} : memref<8x8x128xf32, #tpu.memory_space<vmem>>, vector<1x8x128xf32>,
    %lt3A_105 = arith.constant 0x7F800000 : f32
    %lt3A_106 = vector.broadcast %lt3A_105 : f32 to vector<8x128xf32>
    %lt3A_107 = arith.cmpf olt, %scan3A_64#1, %lt3A_106 : vector<8x128xf32>
    %jit3A_108 = arith.constant -1.000000e+00 : f32
    %broadcast_in_dim3A_109 = vector.broadcast %jit3A_108 : f32 to vector<8x128xf32>
    %select_n3A_110 = arith.select %lt3A_107, %scan3A_64#1, %broadcast_in_dim3A_109 : vector<8x128xi1>, vector<8x128xf32>
    %swap3A_111 = arith.constant 1 : index
    %swap3A_112 = arith.constant 0 : index
    %swap3A_113 = arith.constant 0 : index
    %swap3A_114 = vector.load %arg7[%swap3A_111, %swap3A_112, %swap3A_113] : memref<8x8x128xf32, #tpu.memory_space<vmem>>, vector<1x8x128xf32>
    %swap3A_115 = vector.shape_cast %swap3A_114 : vector<1x8x128xf32> to vector<8x128xf32>
    %swap3A_116 = vector.shape_cast %select_n3A_110 : vector<8x128xf32> to vector<1x8x128xf32>
    tpu.vector_store %arg7[%swap3A_111, %swap3A_112, %swap3A_113], %swap3A_116 {strides = array<i32>} : memref<8x8x128xf32, #tpu.memory_space<vmem>>, vector<1x8x128xf32>,
    %shift_right_arithmetic3A_117 = arith.constant 10 : i32
    %shift_right_arithmetic3A_118 = vector.broadcast %shift_right_arithmetic3A_117 : i32 to vector<8x128xi32>
    %shift_right_arithmetic3A_119 = arith.shrsi %scan3A_64#9, %shift_right_arithmetic3A_118 : vector<8x128xi32>
    %jit3A_120 = arith.constant -1 : i32
    %broadcast_in_dim3A_121 = vector.broadcast %jit3A_120 : i32 to vector<8x128xi32>
    %select_n3A_122 = arith.select %lt3A_107, %shift_right_arithmetic3A_119, %broadcast_in_dim3A_121 : vector<8x128xi1>, vector<8x128xi32>
    %swap3A_123 = arith.constant 1 : index
    %swap3A_124 = arith.constant 0 : index
    %swap3A_125 = arith.constant 0 : index
    %swap3A_126 = vector.load %arg6[%swap3A_123, %swap3A_124, %swap3A_125] : memref<8x8x128xi32, #tpu.memory_space<vmem>>, vector<1x8x128xi32>
    %swap3A_127 = vector.shape_cast %swap3A_126 : vector<1x8x128xi32> to vector<8x128xi32>
    %swap3A_128 = vector.shape_cast %select_n3A_122 : vector<8x128xi32> to vector<1x8x128xi32>
    tpu.vector_store %arg6[%swap3A_123, %swap3A_124, %swap3A_125], %swap3A_128 {strides = array<i32>} : memref<8x8x128xi32, #tpu.memory_space<vmem>>, vector<1x8x128xi32>,
    %and3A_129 = arith.constant 1023 : i32
    %and3A_130 = vector.broadcast %and3A_129 : i32 to vector<8x128xi32>
    %and3A_131 = arith.andi %scan3A_64#9, %and3A_130 : vector<8x128xi32>
    %convert_element_type3A_132 = arith.sitofp %and3A_131 : vector<8x128xi32> to vector<8x128xf32>
    %add3A_133 = arith.constant 5.000000e-01 : f32
    %add3A_134 = vector.broadcast %add3A_133 : f32 to vector<8x128xf32>
    %add3A_135 = arith.addf %convert_element_type3A_132, %add3A_134 : vector<8x128xf32>
    %div3A_136 = arith.constant 2.500000e-03 : f32
    %div3A_137 = arith.constant 1.023900e+03 : f32
    %div3A_138 = arith.divf %div3A_136, %div3A_137 : f32
    %mul3A_139 = vector.broadcast %div3A_138 : f32 to vector<8x128xf32>
    %mul3A_140 = arith.mulf %add3A_135, %mul3A_139 : vector<8x128xf32>
    %jit3A_141 = arith.constant -1.000000e+00 : f32
    %broadcast_in_dim3A_142 = vector.broadcast %jit3A_141 : f32 to vector<8x128xf32>
    %select_n3A_143 = arith.select %lt3A_107, %mul3A_140, %broadcast_in_dim3A_142 : vector<8x128xi1>, vector<8x128xf32>
    %swap3A_144 = arith.constant 1 : index
    %swap3A_145 = arith.constant 0 : index
    %swap3A_146 = arith.constant 0 : index
    %swap3A_147 = vector.load %arg8[%swap3A_144, %swap3A_145, %swap3A_146] : memref<8x8x128xf32, #tpu.memory_space<vmem>>, vector<1x8x128xf32>
    %swap3A_148 = vector.shape_cast %swap3A_147 : vector<1x8x128xf32> to vector<8x128xf32>
    %swap3A_149 = vector.shape_cast %select_n3A_143 : vector<8x128xf32> to vector<1x8x128xf32>
    tpu.vector_store %arg8[%swap3A_144, %swap3A_145, %swap3A_146], %swap3A_149 {strides = array<i32>} : memref<8x8x128xf32, #tpu.memory_space<vmem>>, vector<1x8x128xf32>,
    %lt3A_150 = arith.constant 0x7F800000 : f32
    %lt3A_151 = vector.broadcast %lt3A_150 : f32 to vector<8x128xf32>
    %lt3A_152 = arith.cmpf olt, %scan3A_64#2, %lt3A_151 : vector<8x128xf32>
    %jit3A_153 = arith.constant -1.000000e+00 : f32
    %broadcast_in_dim3A_154 = vector.broadcast %jit3A_153 : f32 to vector<8x128xf32>
    %select_n3A_155 = arith.select %lt3A_152, %scan3A_64#2, %broadcast_in_dim3A_154 : vector<8x128xi1>, vector<8x128xf32>
    %swap3A_156 = arith.constant 2 : index
    %swap3A_157 = arith.constant 0 : index
    %swap3A_158 = arith.constant 0 : index
    %swap3A_159 = vector.load %arg7[%swap3A_156, %swap3A_157, %swap3A_158] : memref<8x8x128xf32, #tpu.memory_space<vmem>>, vector<1x8x128xf32>
    %swap3A_160 = vector.shape_cast %swap3A_159 : vector<1x8x128xf32> to vector<8x128xf32>
    %swap3A_161 = vector.shape_cast %select_n3A_155 : vector<8x128xf32> to vector<1x8x128xf32>
    tpu.vector_store %arg7[%swap3A_156, %swap3A_157, %swap3A_158], %swap3A_161 {strides = array<i32>} : memref<8x8x128xf32, #tpu.memory_space<vmem>>, vector<1x8x128xf32>,
    %shift_right_arithmetic3A_162 = arith.constant 10 : i32
    %shift_right_arithmetic3A_163 = vector.broadcast %shift_right_arithmetic3A_162 : i32 to vector<8x128xi32>
    %shift_right_arithmetic3A_164 = arith.shrsi %scan3A_64#10, %shift_right_arithmetic3A_163 : vector<8x128xi32>
    %jit3A_165 = arith.constant -1 : i32
    %broadcast_in_dim3A_166 = vector.broadcast %jit3A_165 : i32 to vector<8x128xi32>
    %select_n3A_167 = arith.select %lt3A_152, %shift_right_arithmetic3A_164, %broadcast_in_dim3A_166 : vector<8x128xi1>, vector<8x128xi32>
    %swap3A_168 = arith.constant 2 : index
    %swap3A_169 = arith.constant 0 : index
    %swap3A_170 = arith.constant 0 : index
    %swap3A_171 = vector.load %arg6[%swap3A_168, %swap3A_169, %swap3A_170] : memref<8x8x128xi32, #tpu.memory_space<vmem>>, vector<1x8x128xi32>
    %swap3A_172 = vector.shape_cast %swap3A_171 : vector<1x8x128xi32> to vector<8x128xi32>
    %swap3A_173 = vector.shape_cast %select_n3A_167 : vector<8x128xi32> to vector<1x8x128xi32>
    tpu.vector_store %arg6[%swap3A_168, %swap3A_169, %swap3A_170], %swap3A_173 {strides = array<i32>} : memref<8x8x128xi32, #tpu.memory_space<vmem>>, vector<1x8x128xi32>,
    %and3A_174 = arith.constant 1023 : i32
    %and3A_175 = vector.broadcast %and3A_174 : i32 to vector<8x128xi32>
    %and3A_176 = arith.andi %scan3A_64#10, %and3A_175 : vector<8x128xi32>
    %convert_element_type3A_177 = arith.sitofp %and3A_176 : vector<8x128xi32> to vector<8x128xf32>
    %add3A_178 = arith.constant 5.000000e-01 : f32
    %add3A_179 = vector.broadcast %add3A_178 : f32 to vector<8x128xf32>
    %add3A_180 = arith.addf %convert_element_type3A_177, %add3A_179 : vector<8x128xf32>
    %div3A_181 = arith.constant 2.500000e-03 : f32
    %div3A_182 = arith.constant 1.023900e+03 : f32
    %div3A_183 = arith.divf %div3A_181, %div3A_182 : f32
    %mul3A_184 = vector.broadcast %div3A_183 : f32 to vector<8x128xf32>
    %mul3A_185 = arith.mulf %add3A_180, %mul3A_184 : vector<8x128xf32>
    %jit3A_186 = arith.constant -1.000000e+00 : f32
    %broadcast_in_dim3A_187 = vector.broadcast %jit3A_186 : f32 to vector<8x128xf32>
    %select_n3A_188 = arith.select %lt3A_152, %mul3A_185, %broadcast_in_dim3A_187 : vector<8x128xi1>, vector<8x128xf32>
    %swap3A_189 = arith.constant 2 : index
    %swap3A_190 = arith.constant 0 : index
    %swap3A_191 = arith.constant 0 : index
    %swap3A_192 = vector.load %arg8[%swap3A_189, %swap3A_190, %swap3A_191] : memref<8x8x128xf32, #tpu.memory_space<vmem>>, vector<1x8x128xf32>
    %swap3A_193 = vector.shape_cast %swap3A_192 : vector<1x8x128xf32> to vector<8x128xf32>
    %swap3A_194 = vector.shape_cast %select_n3A_188 : vector<8x128xf32> to vector<1x8x128xf32>
    tpu.vector_store %arg8[%swap3A_189, %swap3A_190, %swap3A_191], %swap3A_194 {strides = array<i32>} : memref<8x8x128xf32, #tpu.memory_space<vmem>>, vector<1x8x128xf32>,
    %lt3A_195 = arith.constant 0x7F800000 : f32
    %lt3A_196 = vector.broadcast %lt3A_195 : f32 to vector<8x128xf32>
    %lt3A_197 = arith.cmpf olt, %scan3A_64#3, %lt3A_196 : vector<8x128xf32>
    %jit3A_198 = arith.constant -1.000000e+00 : f32
    %broadcast_in_dim3A_199 = vector.broadcast %jit3A_198 : f32 to vector<8x128xf32>
    %select_n3A_200 = arith.select %lt3A_197, %scan3A_64#3, %broadcast_in_dim3A_199 : vector<8x128xi1>, vector<8x128xf32>
    %swap3A_201 = arith.constant 3 : index
    %swap3A_202 = arith.constant 0 : index
    %swap3A_203 = arith.constant 0 : index
    %swap3A_204 = vector.load %arg7[%swap3A_201, %swap3A_202, %swap3A_203] : memref<8x8x128xf32, #tpu.memory_space<vmem>>, vector<1x8x128xf32>
    %swap3A_205 = vector.shape_cast %swap3A_204 : vector<1x8x128xf32> to vector<8x128xf32>
    %swap3A_206 = vector.shape_cast %select_n3A_200 : vector<8x128xf32> to vector<1x8x128xf32>
    tpu.vector_store %arg7[%swap3A_201, %swap3A_202, %swap3A_203], %swap3A_206 {strides = array<i32>} : memref<8x8x128xf32, #tpu.memory_space<vmem>>, vector<1x8x128xf32>,
    %shift_right_arithmetic3A_207 = arith.constant 10 : i32
    %shift_right_arithmetic3A_208 = vector.broadcast %shift_right_arithmetic3A_207 : i32 to vector<8x128xi32>
    %shift_right_arithmetic3A_209 = arith.shrsi %scan3A_64#11, %shift_right_arithmetic3A_208 : vector<8x128xi32>
    %jit3A_210 = arith.constant -1 : i32
    %broadcast_in_dim3A_211 = vector.broadcast %jit3A_210 : i32 to vector<8x128xi32>
    %select_n3A_212 = arith.select %lt3A_197, %shift_right_arithmetic3A_209, %broadcast_in_dim3A_211 : vector<8x128xi1>, vector<8x128xi32>
    %swap3A_213 = arith.constant 3 : index
    %swap3A_214 = arith.constant 0 : index
    %swap3A_215 = arith.constant 0 : index
    %swap3A_216 = vector.load %arg6[%swap3A_213, %swap3A_214, %swap3A_215] : memref<8x8x128xi32, #tpu.memory_space<vmem>>, vector<1x8x128xi32>
    %swap3A_217 = vector.shape_cast %swap3A_216 : vector<1x8x128xi32> to vector<8x128xi32>
    %swap3A_218 = vector.shape_cast %select_n3A_212 : vector<8x128xi32> to vector<1x8x128xi32>
    tpu.vector_store %arg6[%swap3A_213, %swap3A_214, %swap3A_215], %swap3A_218 {strides = array<i32>} : memref<8x8x128xi32, #tpu.memory_space<vmem>>, vector<1x8x128xi32>,
    %and3A_219 = arith.constant 1023 : i32
    %and3A_220 = vector.broadcast %and3A_219 : i32 to vector<8x128xi32>
    %and3A_221 = arith.andi %scan3A_64#11, %and3A_220 : vector<8x128xi32>
    %convert_element_type3A_222 = arith.sitofp %and3A_221 : vector<8x128xi32> to vector<8x128xf32>
    %add3A_223 = arith.constant 5.000000e-01 : f32
    %add3A_224 = vector.broadcast %add3A_223 : f32 to vector<8x128xf32>
    %add3A_225 = arith.addf %convert_element_type3A_222, %add3A_224 : vector<8x128xf32>
    %div3A_226 = arith.constant 2.500000e-03 : f32
    %div3A_227 = arith.constant 1.023900e+03 : f32
    %div3A_228 = arith.divf %div3A_226, %div3A_227 : f32
    %mul3A_229 = vector.broadcast %div3A_228 : f32 to vector<8x128xf32>
    %mul3A_230 = arith.mulf %add3A_225, %mul3A_229 : vector<8x128xf32>
    %jit3A_231 = arith.constant -1.000000e+00 : f32
    %broadcast_in_dim3A_232 = vector.broadcast %jit3A_231 : f32 to vector<8x128xf32>
    %select_n3A_233 = arith.select %lt3A_197, %mul3A_230, %broadcast_in_dim3A_232 : vector<8x128xi1>, vector<8x128xf32>
    %swap3A_234 = arith.constant 3 : index
    %swap3A_235 = arith.constant 0 : index
    %swap3A_236 = arith.constant 0 : index
    %swap3A_237 = vector.load %arg8[%swap3A_234, %swap3A_235, %swap3A_236] : memref<8x8x128xf32, #tpu.memory_space<vmem>>, vector<1x8x128xf32>
    %swap3A_238 = vector.shape_cast %swap3A_237 : vector<1x8x128xf32> to vector<8x128xf32>
    %swap3A_239 = vector.shape_cast %select_n3A_233 : vector<8x128xf32> to vector<1x8x128xf32>
    tpu.vector_store %arg8[%swap3A_234, %swap3A_235, %swap3A_236], %swap3A_239 {strides = array<i32>} : memref<8x8x128xf32, #tpu.memory_space<vmem>>, vector<1x8x128xf32>,
    %lt3A_240 = arith.constant 0x7F800000 : f32
    %lt3A_241 = vector.broadcast %lt3A_240 : f32 to vector<8x128xf32>
    %lt3A_242 = arith.cmpf olt, %scan3A_64#4, %lt3A_241 : vector<8x128xf32>
    %jit3A_243 = arith.constant -1.000000e+00 : f32
    %broadcast_in_dim3A_244 = vector.broadcast %jit3A_243 : f32 to vector<8x128xf32>
    %select_n3A_245 = arith.select %lt3A_242, %scan3A_64#4, %broadcast_in_dim3A_244 : vector<8x128xi1>, vector<8x128xf32>
    %swap3A_246 = arith.constant 4 : index
    %swap3A_247 = arith.constant 0 : index
    %swap3A_248 = arith.constant 0 : index
    %swap3A_249 = vector.load %arg7[%swap3A_246, %swap3A_247, %swap3A_248] : memref<8x8x128xf32, #tpu.memory_space<vmem>>, vector<1x8x128xf32>
    %swap3A_250 = vector.shape_cast %swap3A_249 : vector<1x8x128xf32> to vector<8x128xf32>
    %swap3A_251 = vector.shape_cast %select_n3A_245 : vector<8x128xf32> to vector<1x8x128xf32>
    tpu.vector_store %arg7[%swap3A_246, %swap3A_247, %swap3A_248], %swap3A_251 {strides = array<i32>} : memref<8x8x128xf32, #tpu.memory_space<vmem>>, vector<1x8x128xf32>,
    %shift_right_arithmetic3A_252 = arith.constant 10 : i32
    %shift_right_arithmetic3A_253 = vector.broadcast %shift_right_arithmetic3A_252 : i32 to vector<8x128xi32>
    %shift_right_arithmetic3A_254 = arith.shrsi %scan3A_64#12, %shift_right_arithmetic3A_253 : vector<8x128xi32>
    %jit3A_255 = arith.constant -1 : i32
    %broadcast_in_dim3A_256 = vector.broadcast %jit3A_255 : i32 to vector<8x128xi32>
    %select_n3A_257 = arith.select %lt3A_242, %shift_right_arithmetic3A_254, %broadcast_in_dim3A_256 : vector<8x128xi1>, vector<8x128xi32>
    %swap3A_258 = arith.constant 4 : index
    %swap3A_259 = arith.constant 0 : index
    %swap3A_260 = arith.constant 0 : index
    %swap3A_261 = vector.load %arg6[%swap3A_258, %swap3A_259, %swap3A_260] : memref<8x8x128xi32, #tpu.memory_space<vmem>>, vector<1x8x128xi32>
    %swap3A_262 = vector.shape_cast %swap3A_261 : vector<1x8x128xi32> to vector<8x128xi32>
    %swap3A_263 = vector.shape_cast %select_n3A_257 : vector<8x128xi32> to vector<1x8x128xi32>
    tpu.vector_store %arg6[%swap3A_258, %swap3A_259, %swap3A_260], %swap3A_263 {strides = array<i32>} : memref<8x8x128xi32, #tpu.memory_space<vmem>>, vector<1x8x128xi32>,
    %and3A_264 = arith.constant 1023 : i32
    %and3A_265 = vector.broadcast %and3A_264 : i32 to vector<8x128xi32>
    %and3A_266 = arith.andi %scan3A_64#12, %and3A_265 : vector<8x128xi32>
    %convert_element_type3A_267 = arith.sitofp %and3A_266 : vector<8x128xi32> to vector<8x128xf32>
    %add3A_268 = arith.constant 5.000000e-01 : f32
    %add3A_269 = vector.broadcast %add3A_268 : f32 to vector<8x128xf32>
    %add3A_270 = arith.addf %convert_element_type3A_267, %add3A_269 : vector<8x128xf32>
    %div3A_271 = arith.constant 2.500000e-03 : f32
    %div3A_272 = arith.constant 1.023900e+03 : f32
    %div3A_273 = arith.divf %div3A_271, %div3A_272 : f32
    %mul3A_274 = vector.broadcast %div3A_273 : f32 to vector<8x128xf32>
    %mul3A_275 = arith.mulf %add3A_270, %mul3A_274 : vector<8x128xf32>
    %jit3A_276 = arith.constant -1.000000e+00 : f32
    %broadcast_in_dim3A_277 = vector.broadcast %jit3A_276 : f32 to vector<8x128xf32>
    %select_n3A_278 = arith.select %lt3A_242, %mul3A_275, %broadcast_in_dim3A_277 : vector<8x128xi1>, vector<8x128xf32>
    %swap3A_279 = arith.constant 4 : index
    %swap3A_280 = arith.constant 0 : index
    %swap3A_281 = arith.constant 0 : index
    %swap3A_282 = vector.load %arg8[%swap3A_279, %swap3A_280, %swap3A_281] : memref<8x8x128xf32, #tpu.memory_space<vmem>>, vector<1x8x128xf32>
    %swap3A_283 = vector.shape_cast %swap3A_282 : vector<1x8x128xf32> to vector<8x128xf32>
    %swap3A_284 = vector.shape_cast %select_n3A_278 : vector<8x128xf32> to vector<1x8x128xf32>
    tpu.vector_store %arg8[%swap3A_279, %swap3A_280, %swap3A_281], %swap3A_284 {strides = array<i32>} : memref<8x8x128xf32, #tpu.memory_space<vmem>>, vector<1x8x128xf32>,
    %lt3A_285 = arith.constant 0x7F800000 : f32
    %lt3A_286 = vector.broadcast %lt3A_285 : f32 to vector<8x128xf32>
    %lt3A_287 = arith.cmpf olt, %scan3A_64#5, %lt3A_286 : vector<8x128xf32>
    %jit3A_288 = arith.constant -1.000000e+00 : f32
    %broadcast_in_dim3A_289 = vector.broadcast %jit3A_288 : f32 to vector<8x128xf32>
    %select_n3A_290 = arith.select %lt3A_287, %scan3A_64#5, %broadcast_in_dim3A_289 : vector<8x128xi1>, vector<8x128xf32>
    %swap3A_291 = arith.constant 5 : index
    %swap3A_292 = arith.constant 0 : index
    %swap3A_293 = arith.constant 0 : index
    %swap3A_294 = vector.load %arg7[%swap3A_291, %swap3A_292, %swap3A_293] : memref<8x8x128xf32, #tpu.memory_space<vmem>>, vector<1x8x128xf32>
    %swap3A_295 = vector.shape_cast %swap3A_294 : vector<1x8x128xf32> to vector<8x128xf32>
    %swap3A_296 = vector.shape_cast %select_n3A_290 : vector<8x128xf32> to vector<1x8x128xf32>
    tpu.vector_store %arg7[%swap3A_291, %swap3A_292, %swap3A_293], %swap3A_296 {strides = array<i32>} : memref<8x8x128xf32, #tpu.memory_space<vmem>>, vector<1x8x128xf32>,
    %shift_right_arithmetic3A_297 = arith.constant 10 : i32
    %shift_right_arithmetic3A_298 = vector.broadcast %shift_right_arithmetic3A_297 : i32 to vector<8x128xi32>
    %shift_right_arithmetic3A_299 = arith.shrsi %scan3A_64#13, %shift_right_arithmetic3A_298 : vector<8x128xi32>
    %jit3A_300 = arith.constant -1 : i32
    %broadcast_in_dim3A_301 = vector.broadcast %jit3A_300 : i32 to vector<8x128xi32>
    %select_n3A_302 = arith.select %lt3A_287, %shift_right_arithmetic3A_299, %broadcast_in_dim3A_301 : vector<8x128xi1>, vector<8x128xi32>
    %swap3A_303 = arith.constant 5 : index
    %swap3A_304 = arith.constant 0 : index
    %swap3A_305 = arith.constant 0 : index
    %swap3A_306 = vector.load %arg6[%swap3A_303, %swap3A_304, %swap3A_305] : memref<8x8x128xi32, #tpu.memory_space<vmem>>, vector<1x8x128xi32>
    %swap3A_307 = vector.shape_cast %swap3A_306 : vector<1x8x128xi32> to vector<8x128xi32>
    %swap3A_308 = vector.shape_cast %select_n3A_302 : vector<8x128xi32> to vector<1x8x128xi32>
    tpu.vector_store %arg6[%swap3A_303, %swap3A_304, %swap3A_305], %swap3A_308 {strides = array<i32>} : memref<8x8x128xi32, #tpu.memory_space<vmem>>, vector<1x8x128xi32>,
    %and3A_309 = arith.constant 1023 : i32
    %and3A_310 = vector.broadcast %and3A_309 : i32 to vector<8x128xi32>
    %and3A_311 = arith.andi %scan3A_64#13, %and3A_310 : vector<8x128xi32>
    %convert_element_type3A_312 = arith.sitofp %and3A_311 : vector<8x128xi32> to vector<8x128xf32>
    %add3A_313 = arith.constant 5.000000e-01 : f32
    %add3A_314 = vector.broadcast %add3A_313 : f32 to vector<8x128xf32>
    %add3A_315 = arith.addf %convert_element_type3A_312, %add3A_314 : vector<8x128xf32>
    %div3A_316 = arith.constant 2.500000e-03 : f32
    %div3A_317 = arith.constant 1.023900e+03 : f32
    %div3A_318 = arith.divf %div3A_316, %div3A_317 : f32
    %mul3A_319 = vector.broadcast %div3A_318 : f32 to vector<8x128xf32>
    %mul3A_320 = arith.mulf %add3A_315, %mul3A_319 : vector<8x128xf32>
    %jit3A_321 = arith.constant -1.000000e+00 : f32
    %broadcast_in_dim3A_322 = vector.broadcast %jit3A_321 : f32 to vector<8x128xf32>
    %select_n3A_323 = arith.select %lt3A_287, %mul3A_320, %broadcast_in_dim3A_322 : vector<8x128xi1>, vector<8x128xf32>
    %swap3A_324 = arith.constant 5 : index
    %swap3A_325 = arith.constant 0 : index
    %swap3A_326 = arith.constant 0 : index
    %swap3A_327 = vector.load %arg8[%swap3A_324, %swap3A_325, %swap3A_326] : memref<8x8x128xf32, #tpu.memory_space<vmem>>, vector<1x8x128xf32>
    %swap3A_328 = vector.shape_cast %swap3A_327 : vector<1x8x128xf32> to vector<8x128xf32>
    %swap3A_329 = vector.shape_cast %select_n3A_323 : vector<8x128xf32> to vector<1x8x128xf32>
    tpu.vector_store %arg8[%swap3A_324, %swap3A_325, %swap3A_326], %swap3A_329 {strides = array<i32>} : memref<8x8x128xf32, #tpu.memory_space<vmem>>, vector<1x8x128xf32>,
    %lt3A_330 = arith.constant 0x7F800000 : f32
    %lt3A_331 = vector.broadcast %lt3A_330 : f32 to vector<8x128xf32>
    %lt3A_332 = arith.cmpf olt, %scan3A_64#6, %lt3A_331 : vector<8x128xf32>
    %jit3A_333 = arith.constant -1.000000e+00 : f32
    %broadcast_in_dim3A_334 = vector.broadcast %jit3A_333 : f32 to vector<8x128xf32>
    %select_n3A_335 = arith.select %lt3A_332, %scan3A_64#6, %broadcast_in_dim3A_334 : vector<8x128xi1>, vector<8x128xf32>
    %swap3A_336 = arith.constant 6 : index
    %swap3A_337 = arith.constant 0 : index
    %swap3A_338 = arith.constant 0 : index
    %swap3A_339 = vector.load %arg7[%swap3A_336, %swap3A_337, %swap3A_338] : memref<8x8x128xf32, #tpu.memory_space<vmem>>, vector<1x8x128xf32>
    %swap3A_340 = vector.shape_cast %swap3A_339 : vector<1x8x128xf32> to vector<8x128xf32>
    %swap3A_341 = vector.shape_cast %select_n3A_335 : vector<8x128xf32> to vector<1x8x128xf32>
    tpu.vector_store %arg7[%swap3A_336, %swap3A_337, %swap3A_338], %swap3A_341 {strides = array<i32>} : memref<8x8x128xf32, #tpu.memory_space<vmem>>, vector<1x8x128xf32>,
    %shift_right_arithmetic3A_342 = arith.constant 10 : i32
    %shift_right_arithmetic3A_343 = vector.broadcast %shift_right_arithmetic3A_342 : i32 to vector<8x128xi32>
    %shift_right_arithmetic3A_344 = arith.shrsi %scan3A_64#14, %shift_right_arithmetic3A_343 : vector<8x128xi32>
    %jit3A_345 = arith.constant -1 : i32
    %broadcast_in_dim3A_346 = vector.broadcast %jit3A_345 : i32 to vector<8x128xi32>
    %select_n3A_347 = arith.select %lt3A_332, %shift_right_arithmetic3A_344, %broadcast_in_dim3A_346 : vector<8x128xi1>, vector<8x128xi32>
    %swap3A_348 = arith.constant 6 : index
    %swap3A_349 = arith.constant 0 : index
    %swap3A_350 = arith.constant 0 : index
    %swap3A_351 = vector.load %arg6[%swap3A_348, %swap3A_349, %swap3A_350] : memref<8x8x128xi32, #tpu.memory_space<vmem>>, vector<1x8x128xi32>
    %swap3A_352 = vector.shape_cast %swap3A_351 : vector<1x8x128xi32> to vector<8x128xi32>
    %swap3A_353 = vector.shape_cast %select_n3A_347 : vector<8x128xi32> to vector<1x8x128xi32>
    tpu.vector_store %arg6[%swap3A_348, %swap3A_349, %swap3A_350], %swap3A_353 {strides = array<i32>} : memref<8x8x128xi32, #tpu.memory_space<vmem>>, vector<1x8x128xi32>,
    %and3A_354 = arith.constant 1023 : i32
    %and3A_355 = vector.broadcast %and3A_354 : i32 to vector<8x128xi32>
    %and3A_356 = arith.andi %scan3A_64#14, %and3A_355 : vector<8x128xi32>
    %convert_element_type3A_357 = arith.sitofp %and3A_356 : vector<8x128xi32> to vector<8x128xf32>
    %add3A_358 = arith.constant 5.000000e-01 : f32
    %add3A_359 = vector.broadcast %add3A_358 : f32 to vector<8x128xf32>
    %add3A_360 = arith.addf %convert_element_type3A_357, %add3A_359 : vector<8x128xf32>
    %div3A_361 = arith.constant 2.500000e-03 : f32
    %div3A_362 = arith.constant 1.023900e+03 : f32
    %div3A_363 = arith.divf %div3A_361, %div3A_362 : f32
    %mul3A_364 = vector.broadcast %div3A_363 : f32 to vector<8x128xf32>
    %mul3A_365 = arith.mulf %add3A_360, %mul3A_364 : vector<8x128xf32>
    %jit3A_366 = arith.constant -1.000000e+00 : f32
    %broadcast_in_dim3A_367 = vector.broadcast %jit3A_366 : f32 to vector<8x128xf32>
    %select_n3A_368 = arith.select %lt3A_332, %mul3A_365, %broadcast_in_dim3A_367 : vector<8x128xi1>, vector<8x128xf32>
    %swap3A_369 = arith.constant 6 : index
    %swap3A_370 = arith.constant 0 : index
    %swap3A_371 = arith.constant 0 : index
    %swap3A_372 = vector.load %arg8[%swap3A_369, %swap3A_370, %swap3A_371] : memref<8x8x128xf32, #tpu.memory_space<vmem>>, vector<1x8x128xf32>
    %swap3A_373 = vector.shape_cast %swap3A_372 : vector<1x8x128xf32> to vector<8x128xf32>
    %swap3A_374 = vector.shape_cast %select_n3A_368 : vector<8x128xf32> to vector<1x8x128xf32>
    tpu.vector_store %arg8[%swap3A_369, %swap3A_370, %swap3A_371], %swap3A_374 {strides = array<i32>} : memref<8x8x128xf32, #tpu.memory_space<vmem>>, vector<1x8x128xf32>,
    %lt3A_375 = arith.constant 0x7F800000 : f32
    %lt3A_376 = vector.broadcast %lt3A_375 : f32 to vector<8x128xf32>
    %lt3A_377 = arith.cmpf olt, %scan3A_64#7, %lt3A_376 : vector<8x128xf32>
    %jit3A_378 = arith.constant -1.000000e+00 : f32
    %broadcast_in_dim3A_379 = vector.broadcast %jit3A_378 : f32 to vector<8x128xf32>
    %select_n3A_380 = arith.select %lt3A_377, %scan3A_64#7, %broadcast_in_dim3A_379 : vector<8x128xi1>, vector<8x128xf32>
    %swap3A_381 = arith.constant 7 : index
    %swap3A_382 = arith.constant 0 : index
    %swap3A_383 = arith.constant 0 : index
    %swap3A_384 = vector.load %arg7[%swap3A_381, %swap3A_382, %swap3A_383] : memref<8x8x128xf32, #tpu.memory_space<vmem>>, vector<1x8x128xf32>
    %swap3A_385 = vector.shape_cast %swap3A_384 : vector<1x8x128xf32> to vector<8x128xf32>
    %swap3A_386 = vector.shape_cast %select_n3A_380 : vector<8x128xf32> to vector<1x8x128xf32>
    tpu.vector_store %arg7[%swap3A_381, %swap3A_382, %swap3A_383], %swap3A_386 {strides = array<i32>} : memref<8x8x128xf32, #tpu.memory_space<vmem>>, vector<1x8x128xf32>,
    %shift_right_arithmetic3A_387 = arith.constant 10 : i32
    %shift_right_arithmetic3A_388 = vector.broadcast %shift_right_arithmetic3A_387 : i32 to vector<8x128xi32>
    %shift_right_arithmetic3A_389 = arith.shrsi %scan3A_64#15, %shift_right_arithmetic3A_388 : vector<8x128xi32>
    %jit3A_390 = arith.constant -1 : i32
    %broadcast_in_dim3A_391 = vector.broadcast %jit3A_390 : i32 to vector<8x128xi32>
    %select_n3A_392 = arith.select %lt3A_377, %shift_right_arithmetic3A_389, %broadcast_in_dim3A_391 : vector<8x128xi1>, vector<8x128xi32>
    %swap3A_393 = arith.constant 7 : index
    %swap3A_394 = arith.constant 0 : index
    %swap3A_395 = arith.constant 0 : index
    %swap3A_396 = vector.load %arg6[%swap3A_393, %swap3A_394, %swap3A_395] : memref<8x8x128xi32, #tpu.memory_space<vmem>>, vector<1x8x128xi32>
    %swap3A_397 = vector.shape_cast %swap3A_396 : vector<1x8x128xi32> to vector<8x128xi32>
    %swap3A_398 = vector.shape_cast %select_n3A_392 : vector<8x128xi32> to vector<1x8x128xi32>
    tpu.vector_store %arg6[%swap3A_393, %swap3A_394, %swap3A_395], %swap3A_398 {strides = array<i32>} : memref<8x8x128xi32, #tpu.memory_space<vmem>>, vector<1x8x128xi32>,
    %and3A_399 = arith.constant 1023 : i32
    %and3A_400 = vector.broadcast %and3A_399 : i32 to vector<8x128xi32>
    %and3A_401 = arith.andi %scan3A_64#15, %and3A_400 : vector<8x128xi32>
    %convert_element_type3A_402 = arith.sitofp %and3A_401 : vector<8x128xi32> to vector<8x128xf32>
    %add3A_403 = arith.constant 5.000000e-01 : f32
    %add3A_404 = vector.broadcast %add3A_403 : f32 to vector<8x128xf32>
    %add3A_405 = arith.addf %convert_element_type3A_402, %add3A_404 : vector<8x128xf32>
    %div3A_406 = arith.constant 2.500000e-03 : f32
    %div3A_407 = arith.constant 1.023900e+03 : f32
    %div3A_408 = arith.divf %div3A_406, %div3A_407 : f32
    %mul3A_409 = vector.broadcast %div3A_408 : f32 to vector<8x128xf32>
    %mul3A_410 = arith.mulf %add3A_405, %mul3A_409 : vector<8x128xf32>
    %jit3A_411 = arith.constant -1.000000e+00 : f32
    %broadcast_in_dim3A_412 = vector.broadcast %jit3A_411 : f32 to vector<8x128xf32>
    %select_n3A_413 = arith.select %lt3A_377, %mul3A_410, %broadcast_in_dim3A_412 : vector<8x128xi1>, vector<8x128xf32>
    %swap3A_414 = arith.constant 7 : index
    %swap3A_415 = arith.constant 0 : index
    %swap3A_416 = arith.constant 0 : index
    %swap3A_417 = vector.load %arg8[%swap3A_414, %swap3A_415, %swap3A_416] : memref<8x8x128xf32, #tpu.memory_space<vmem>>, vector<1x8x128xf32>
    %swap3A_418 = vector.shape_cast %swap3A_417 : vector<1x8x128xf32> to vector<8x128xf32>
    %swap3A_419 = vector.shape_cast %select_n3A_413 : vector<8x128xf32> to vector<1x8x128xf32>
    tpu.vector_store %arg8[%swap3A_414, %swap3A_415, %swap3A_416], %swap3A_419 {strides = array<i32>} : memref<8x8x128xf32, #tpu.memory_space<vmem>>, vector<1x8x128xf32>,
    return
  }
  func.func @transform_0(%arg0: i32) -> (i32, i32, i32, i32) {
    %c0_i32 = arith.constant 0 : i32
    %c0_i32_0 = arith.constant 0 : i32
    %c0_i32_1 = arith.constant 0 : i32
    %c0_i32_2 = arith.constant 0 : i32
    return %c0_i32, %arg0, %c0_i32_0, %c0_i32_1 : i32, i32, i32, i32
  }
  func.func @transform_1(%arg0: i32) -> (i32, i32, i32, i32) {
    %c0_i32 = arith.constant 0 : i32
    %c0_i32_0 = arith.constant 0 : i32
    %c0_i32_1 = arith.constant 0 : i32
    %c0_i32_2 = arith.constant 0 : i32
    return %c0_i32, %arg0, %c0_i32_0, %c0_i32_1 : i32, i32, i32, i32
  }
  func.func @transform_2(%arg0: i32) -> (i32, i32, i32, i32) {
    %c0_i32 = arith.constant 0 : i32
    %c0_i32_0 = arith.constant 0 : i32
    %c0_i32_1 = arith.constant 0 : i32
    %c0_i32_2 = arith.constant 0 : i32
    return %c0_i32, %arg0, %c0_i32_0, %c0_i32_1 : i32, i32, i32, i32
  }
  func.func @transform_3(%arg0: i32) -> (i32, i32, i32, i32) {
    %c0_i32 = arith.constant 0 : i32
    %c0_i32_0 = arith.constant 0 : i32
    %c0_i32_1 = arith.constant 0 : i32
    %c0_i32_2 = arith.constant 0 : i32
    return %c0_i32, %arg0, %c0_i32_0, %c0_i32_1 : i32, i32, i32, i32
  }
  func.func @transform_4(%arg0: i32) -> (i32, i32) {
    %c0_i32 = arith.constant 0 : i32
    %c0_i32_0 = arith.constant 0 : i32
    %c0_i32_1 = arith.constant 0 : i32
    return %c0_i32, %c0_i32_0 : i32, i32
  }
  func.func @transform_5(%arg0: i32) -> (i32, i32, i32) {
    %c0_i32 = arith.constant 0 : i32
    %c0_i32_0 = arith.constant 0 : i32
    %c0_i32_1 = arith.constant 0 : i32
    return %c0_i32, %arg0, %c0_i32_0 : i32, i32, i32
  }
  func.func @transform_6(%arg0: i32) -> (i32, i32, i32) {
    %c0_i32 = arith.constant 0 : i32
    %c0_i32_0 = arith.constant 0 : i32
    %c0_i32_1 = arith.constant 0 : i32
    return %c0_i32, %arg0, %c0_i32_0 : i32, i32, i32
  }
  func.func @transform_7(%arg0: i32) -> (i32, i32, i32) {
    %c0_i32 = arith.constant 0 : i32
    %c0_i32_0 = arith.constant 0 : i32
    %c0_i32_1 = arith.constant 0 : i32
    return %c0_i32, %arg0, %c0_i32_0 : i32, i32, i32
  }
}

</mosaic_0001>

<sc_bundles>
// kernel: kernel.4.cloned.1.call-start
scs
__scs_entry_jumppad:
0x0: {  	(pc) =	sbr.rel $0x88, $3  }
0x1: {  	(tag) =	ssettag $0x0;
	lr =	simm.s32 $0x1  }
0x2: {  	[smem:$0x3FA0] =	sst lr;
	_ =	strace $0xD0000000  }
0x3: {  	_ = 	snop  }
0x4: {  	_ = 	snop  }
0x5: {  	_ = 	snop  }
0x6: {  	_ = 	snop  }
0x7: {  	_ = 	snop  }
__scs_overlays_trampoline_lowered:
0x8: {  	[smem:$0x3FAF] =	sst s0  }
0x9: {  	[smem:$0x3FB0] =	sst s1  }
0xa: {  	[smem:$0x3FB1] =	sst s2  }
0xb: {  	[smem:$0x3FB2] =	sst s3  }
0xc: {  	[smem:$0x3FB3] =	sst s4  }
0xd: {  	[smem:$0x3FB4] =	sst s5  }
0xe: {  	[smem:$0x3FB5] =	sst s6  }
0xf: {  	[smem:$0x3FB6] =	sst s7  }
0x10: {  	[smem:$0x3FB7] =	sst s8  }
0x11: {  	[smem:$0x3FB8] =	sst s9;
	s0 =	simm.s32 @!p0 $0x0  }
0x12: {  	s1 =	sld [smem:$0x3F9E];
	s0 =	simm.s32 @p0 $0x1  }
0x13: {  	[smem:$0x3FB9] =	sst s0;
	s0 =	simm.s32 @!p1 $0x0  }
0x14: {  	s2 =	sld [smem:$0x3F9D];
	s0 =	simm.s32 @p1 $0x1  }
0x15: {  	[smem:$0x3FBA] =	sst s0;
	s0 =	simm.s32 @!p2 $0x0  }
0x16: {  	s3 =	sld [smem:$0x3FDB];
	s0 =	simm.s32 @p2 $0x1  }
0x17: {  	s4 =	simm.s32 $0x1BF5;
	[smem:$0x3FBC] =	sst s0  }
0x18: {  	s0 =	sld [smem:$0x3F9F];
	_ =	swait.ge [sflag:s4], $0x0  }
0x19: {  	s7 =	sld [smem:$0x3FA0]  }
0x1a: {  	s8 =	sadd.s32 $0xFFFFE003, lr  }
0x1b: {  	s9 =	sadd.s32 $0xFFFFFEF7, lr;
	s5 =	simm.s32 $0xFFFFFFFF;
	p2 =	slt.u32 s8, $0xFFFFF086  }
0x1c: {  	p1 =	slt.u32 s9, $0xF7A;
	s5 =	simm.s32 @!p2 $0x0  }
0x1d: {  	s5 =	simm.s32 @p1 $0x1;
	p0 =	seq.s32 s7, s2  }
0x1e: {  	s7 =	smul.u32 @!p0 $0xF7A, s2;
	p2 =	seq.s32 @!p0 s5, $0x0  }
0x1f: {  	s9 =	smul.u32 $0xF7A, s1;
	s8 =	simm.s32 @!p0 $0x1BF5;
	p2 =	por !p2, p0  }
0x20: {  	[sflag:s8] =	ssyncset.s32 @!p0 $0xFFFFF086;
	s6 =	sadd.s32 @!p0 s3, s7;
	s7 =	simm.s32 @!p0 $0x108  }
0x21: {  	s3 =	sadd.s32 s3, s9;
	s6 =	sadd.s32 @!p0 $0x88, s6;
	s7 =	simm.s32 @p2 $0x1082  }
0x22: {  	[simem:s7], [sflag:s8] =	dma.local @!p0 [hbm:s6], $0xF7A  }
0x23: {  	s9 =	sor.u32 $0xD0000000, s2;
	s6 =	simm.s32 $0x108;
	_ =	swait.ge @!p0 [sflag:s8], $0x0  }
0x24: {  	s3 =	sadd.s32 $0x88, s3;
	s6 =	simm.s32 @!p1 $0x1082;
	[sflag:s4] =	ssyncset.s32 $0xFFFFF086  }
0x25: {  	[simem:s6], [sflag:s4] =	dma.local [hbm:s3], $0xF7A  }
0x26: {  	[smem:$0x3FA0] =	sst s1;
	(tag) =	ssettag s2;
	_ =	strace s9  }
0x27: {  	s1 =	sld [smem:$0x3FB0]  }
0x28: {  	s2 =	sld [smem:$0x3FB1]  }
0x29: {  	s4 =	sld [smem:$0x3FB3]  }
0x2a: {  	p0 =	seq.s32 s5, $0x0;
	s5 =	sld [smem:$0x3FB4]  }
0x2b: {  	s6 =	sld [smem:$0x3FB5]  }
0x2c: {  	s7 =	sld [smem:$0x3FB6]  }
0x2d: {  	s3 =	simm.s32 $0x108;
	s8 =	sld [smem:$0x3FB7]  }
0x2e: {  	s3 =	simm.s32 @!p0 $0x1082;
	s9 =	sld [smem:$0x3FB8]  }
0x2f: {  	lr =	sadd.s32 s0, s3;
	s0 =	sld [smem:$0x3FAF]  }
0x30: {  	s3 =	sld [smem:$0x3FB2]  }
0x31: {  	[smem:$0x3FBB] =	sst s10  }
0x32: {  	s10 =	sld [smem:$0x3FB9];
	_ =	sdelay $0x3  }
0x33: {  	p0 =	seq.s32 s10, $0x1;
	s10 =	sld [smem:$0x3FBB];
	_ =	sdelay $0x3  }
0x34: {  	[smem:$0x3FBB] =	sst s10  }
0x35: {  	s10 =	sld [smem:$0x3FBA];
	_ =	sdelay $0x3  }
0x36: {  	p1 =	seq.s32 s10, $0x1;
	s10 =	sld [smem:$0x3FBB];
	_ =	sdelay $0x3  }
0x37: {  	[smem:$0x3FBB] =	sst s10  }
0x38: {  	s10 =	sld [smem:$0x3FBC]  }
0x39: {  	_ = 	snop;
	(pc) =	sbr.ind lr, $3  }
0x3a: {  	_ = 	snop  }
0x3b: {  	_ = 	snop  }
0x3c: {  	p2 =	seq.s32 s10, $0x1;
	s10 =	sld [smem:$0x3FBB]  }
0x3d: {  	_ =	shalt  }
0x3e: {  	_ =	shalt  }
0x3f: {  	_ =	shalt  }
0x40: {  	_ =	shalt  }
0x41: {  	_ =	shalt  }
0x42: {  	_ =	shalt  }
0x43: {  	_ =	shalt  }
0x44: {  	_ =	shalt  }
0x45: {  	_ =	shalt  }
0x46: {  	_ =	shalt  }
0x47: {  	_ =	shalt  }
0x48: {  	_ =	shalt  }
0x49: {  	_ =	shalt  }
0x4a: {  	_ =	shalt  }
0x4b: {  	_ =	shalt  }
0x4c: {  	_ =	shalt  }
0x4d: {  	_ =	shalt  }
0x4e: {  	_ =	shalt  }
0x4f: {  	_ =	shalt  }
0x50: {  	_ =	shalt  }
0x51: {  	_ =	shalt  }
0x52: {  	_ =	shalt  }
0x53: {  	_ =	shalt  }
0x54: {  	_ =	shalt  }
0x55: {  	_ =	shalt  }
0x56: {  	_ =	shalt  }
0x57: {  	_ =	shalt  }
0x58: {  	_ =	shalt  }
0x59: {  	_ =	shalt  }
0x5a: {  	_ =	shalt  }
0x5b: {  	_ =	shalt  }
0x5c: {  	_ =	shalt  }
0x5d: {  	_ =	shalt  }
0x5e: {  	_ =	shalt  }
0x5f: {  	_ =	shalt  }
0x60: {  	_ =	shalt  }
0x61: {  	_ =	shalt  }
0x62: {  	_ =	shalt  }
0x63: {  	_ =	shalt  }
0x64: {  	_ =	shalt  }
0x65: {  	_ =	shalt  }
0x66: {  	_ =	shalt  }
0x67: {  	_ =	shalt  }
0x68: {  	_ =	shalt  }
0x69: {  	_ =	shalt  }
0x6a: {  	_ =	shalt  }
0x6b: {  	_ =	shalt  }
0x6c: {  	_ =	shalt  }
0x6d: {  	_ =	shalt  }
0x6e: {  	_ =	shalt  }
0x6f: {  	_ =	shalt  }
0x70: {  	_ =	shalt  }
0x71: {  	_ =	shalt  }
0x72: {  	_ =	shalt  }
0x73: {  	_ =	shalt  }
0x74: {  	_ =	shalt  }
0x75: {  	_ =	shalt  }
0x76: {  	_ =	shalt  }
0x77: {  	_ =	shalt  }
0x78: {  	_ =	shalt  }
0x79: {  	_ =	shalt  }
0x7a: {  	_ =	shalt  }
0x7b: {  	_ =	shalt  }
0x7c: {  	_ =	shalt  }
0x7d: {  	_ =	shalt  }
0x7e: {  	_ =	shalt  }
0x7f: {  	_ =	shalt  }
0x80: {  	_ =	shalt  }
0x81: {  	_ =	shalt  }
0x82: {  	_ =	shalt  }
0x83: {  	_ =	shalt  }
0x84: {  	_ =	shalt  }
0x85: {  	_ =	shalt  }
0x86: {  	_ =	shalt  }
0x87: {  	_ =	shalt  }
.Lfunc_end0:
.L_simem_size_0:
called_computation_lowered:
.L_overlay_start_0:
0x88: {  	s2 =	sld [smem:$0x3FD9]  }
0x89: {  	s3 =	sld [smem:$0x3FFE];
	_ =	sdelay $0x1  }
0x8a: {  	s1 =	srdreg.scid  }
0x8b: {  	s0 =	sand.u32 $0x1, s1  }
0x8c: {  	s14 =	sshll.u32 s0, $0xA;
	s2 =	sadd.s32 s3, s2  }
0x8d: {  	s2 =	sadd.s32 s2, s14  }
0x8e: {  	[smem:$0x3FC7] =	sst s2  }
0x8f: {  	_ = 	snop  }
0x90: {  	s2 =	sld [smem:$0x3FD0];
	_ =	sdelay $0x2  }
0x91: {  	s15 =	simm.s32 $0xA;
	s4 =	simm.s32 $0x10  }
0x92: {  	[smem:s4], [sflag:s15] =	dma.local [hbm:s2], $0x1  }
0x93: {  	_ =	swait.eq [sflag:s15], $0x1  }
0x94: {  	s16 =	sld [smem:$0x10];
	[sflag:s15] =	ssyncset.done $0x0  }
0x95: {  	s17 =	sld [smem:$0x11];
	[sflag:s15] =	ssyncadd.s32 $0xFFFFFFFF  }
0x96: {  	s18 =	sld [smem:$0x12];
	(tm) =	ssettm $0x1  }
0x97: {  	s5 =	sld [smem:$0x3FFB];
	_ =	sdelay $0x3  }
0x98: {  	_ =	strace s5  }
0x99: {  	s5 =	sld [smem:$0x3FFC];
	_ =	sdelay $0x3  }
0x9a: {  	_ =	strace s5  }
0x9b: {  	s5 =	sld [smem:$0x3FFD];
	_ =	sdelay $0x3  }
0x9c: {  	_ =	strace s5  }
0x9d: {  	_ =	strace $0x8FFFFFFF  }
0x9e: {  	s19 =	sld [smem:$0x3FDB];
	_ =	sdelay $0x1  }
0x9f: {  	s6 =	simm.s32 $_scs_section_size  }
0xa0: {  	s7 =	simm.s32 $_size__tile_overlayer_lowered;
	s8 =	simm.s32 $_tile_overlayer_lowered  }
0xa1: {  	s22 =	simm.s32 $0x1BFF;
	s21 =	sshll.u32 s8, $0x1;
	s5 =	sadd.s32 s6, s19  }
0xa2: {  	s9 =	simm.s32 $0x0;
	s20 =	sshll.u32 s7, $0x1;
	s7 =	sadd.s32 s21, s5  }
0xa3: {  	[timem:s9], [sflag:s22] =	dma.local [hbm:s7], s20  }
0xa4: {  	_ =	swait.ge [sflag:s22], s20  }
0xa5: {  	s6 =	ssub.s32 $0x0, s20;
	[sflag:s22] =	ssyncset.done $0x0  }
0xa6: {  	[sflag:s22] =	ssyncadd.s32 s6;
	_ =	sdelay $0x1  }
0xa7: {  	s23 =	simm.s32 $0x1B8B  }
0xa8: {  	_ =	swait.ge [sflag:s23], $0x1  }
0xa9: {  	[sflag:s23] =	ssyncset.done $0x0  }
0xaa: {  	s25 =	simm.s32 $0x1B8E;
	s24 =	sld [smem:$0x3FFE];
	[sflag:s23] =	ssyncadd.s32 $0xFFFFFFFF  }
0xab: {  	s26 =	simm.s32 $execute0_lowered;
	[smem:$0x3FD2] =	sst s25  }
0xac: {  	s7 =	sshll.u32 s26, $0x1;
	_ =	strace $0x80000046;
	[dreg:$0x1] =	wrdreg $0xFFFFFFFF  }
0xad: {  	s28 =	simm.s32 $_size_execute0_lowered;
	s5 =	sadd.s32 s5, s7;
	[dreg:$0x0] =	wrdreg $0x0  }
0xae: {  	s7 =	sshll.u32 s28, $0x1;
	[dreg:$0x2] =	wrdreg s5  }
0xaf: {  	[dreg:$0x3] =	wrdreg s7  }
0xb0: {  	[dreg:$0x4] =	wrdreg $0xC0  }
0xb1: {  	_ =	task [dreg:s9], $0x5FFFF  }
0xb2: {  	[dreg:$0x1] =	wrdreg $0xFFFFFFFF  }
0xb3: {  	[dreg:$0x0] =	wrdreg $0x60  }
0xb4: {  	[dreg:$0x2] =	wrdreg s24  }
0xb5: {  	[dreg:$0x3] =	wrdreg s18  }
0xb6: {  	[dreg:$0x4] =	wrdreg s17  }
0xb7: {  	[dreg:$0x5] =	wrdreg s16  }
0xb8: {  	[dreg:$0x6] =	wrdreg $0x9  }
0xb9: {  	_ =	task.clear_ibuf [dreg:s9], $0x7FFFF;
	_ =	strace $0x90000046  }
0xba: {  	s29 =	simm.s32 $0x9;
	_ =	strace $0x80000048  }
0xbb: {  	_ =	swait.ge [sflag:s29], $0x1  }
0xbc: {  	[sflag:s29] =	ssyncadd.s32 $0xFFFFFFFF  }
0xbd: {  	_ =	strace $0x90000048  }
0xbe: {  	_ =	sfence  }
0xbf: {  	s30 =	sld [smem:$0x0];
	_ =	sdelay $0x2  }
0xc0: {  	s31 =	sshll.u32 s1, $0xD;
	s1 =	sshrl.u32 s1, $0x2  }
0xc1: {  	s3 =	sand.u32 $0x4000, s31;
	s1 =	sadd.s32 s1, s30  }
0xc2: {  	s0 =	sor.u32 s3, s0;
	s1 =	sshll.u32 s1, $0x11  }
0xc3: {  	s0 =	sor.u32 s1, s0  }
0xc4: {  	s0 =	sadd.s32 $0x8F2B, s0  }
0xc5: {  	[sflag:s0] =	ssyncadd.remote.s32 $0x1  }
0xc6: {  	_ =	sfence.sel $0xFFFF  }
0xc7: {  	[dreg:$0x0] =	wrdreg $0xFFFFFFFF;
	(pc) =	sbr.abs _section_cstart, $3  }
0xc8: {  	[dreg:$0x1] =	wrdreg $0xFFFFFFFF  }
0xc9: {  	_ =	task.clear_ibuf [dreg:s9], $0x2FFFF;
	_ =	strace $0x9FFFFFFF  }
0xca: {  	(tm) =	ssettm $0x7FFFFFFF  }
0xcb: {  	_ =	shalt  }
tec
execute0_lowered:
.L_overlay_start_1:
0x0: {  	(tag) =	ssettag $0x1  }
0x1: {  	s3 =	rddreg [dreg:$0x0]  }
0x2: {  	s4 =	rddreg [dreg:$0x1]  }
0x3: {  	s5 =	rddreg [dreg:$0x2];
	s1 =	srdreg.scid  }
0x4: {  	s0 =	stileid.u32;
	s6 =	rddreg [dreg:$0x3]  }
0x5: {  	s15 =	simm.s32 $0x2580;
	s16 =	simm.s32 $0x80;
	s17 =	simm.s32 $0x400  }
0x6: {  	s18 =	simm.s32 $0x2F80;
	s19 =	simm.s32 $0x0;
	s7 =	sand.u32 $0x1, s1  }
0x7: {  	s2 =	sshll.u32 s0, $0x1;
	s10 =	sshrl.u32 s0, $0x2;
	s31 =	smul.u32 $0x500, s0  }
0x8: {  	s1 =	rddreg [dreg:$0x4];
	s8 =	sor.u32 s7, s2;
	s11 =	smul.u32 $0x5000, s10  }
0x9: {  	s2 =	simm.s32 $0x0;
	s10 =	sshll.u32 s10, $0xA;
	s14 =	smul.u32 $0x280, s7  }
0xa: {  	s30 =	ssub.s32 $0x2, s7;
	s9 =	smul.u32 $0xF0, s8;
	s8 =	sshll.u32 s8, $0x7  }
0xb: {  	[smem:$0x7FF] =	sst s2;
	s13 =	sshrl.u32 s30, $0x1;
	s8 =	sand.u32 $0x380, s8  }
0xc: {  	_ =	strace $0x80000047;
	s9 =	sadd.s32 s9, s3;
	s11 =	sor.u32 s11, s8  }
0xd: {  	s8 =	sor.u32 s10, s8;
	s10 =	ssub.s32 s30, s13;
	s11 =	sshrl.u32 s11, $0x3  }
0xe: {  	s13 =	simm.s32 $0x1180;
	s8 =	sshrl.u32 s8, $0x3;
	s12 =	sadd.s32 s11, s3  }
0xf: {  	v0 =	vlaneseq.u32;
	s8 =	sadd.s32 s8, s3;
	s3 =	sadd.s32 $0xC00, s9;
	s4 =	sadd.s32 s4, s11  }
0x10: {  	v1 =	vmul.u32 $0x3, v0;
	s5 =	sadd.s32 s5, s11;
	s6 =	sadd.s32 s6, s11;
	s9 =	smax.u32 s10, $0x1  }
0x11: {  	v4 =	vimm.s32 $0x0;
	s10 =	sadd.s32 s14, s31;
	s11 =	simm.s32 $0x1;
	s14 =	simm.s32 $0x1B80  }
0x12: {  	v5 =	vimm.f32 $3.000000000e+00;
	v2 =	vadd.s32 $0x1, v1;
	v3 =	vadd.s32 $0x2, v1;
	s7 =	sadd.s32 $0x2A00, s12;
	s8 =	sadd.s32 $0x5200, s8;
	s12 =	simm.s32 $0x780  }
.LBB2_1:
0x13: {  	v6 =	vadd.s32 s2, v2  }
0x14: {  	[tilespmem:s2], [sflag:$0x1] =	stream.linear.gather [hbm4b:s3+s2], $0x780, $0x38;
	[tilespmem:$0x3000] =	vst v63  }
0x15: {  	_ =	swait.ge [sflag:s11], $0x780  }
0x16: {  	[sflag:s11] =	ssyncset.done $0x0  }
0x17: {  	[sflag:s11] =	ssyncadd.s32 $0xFFFFF880  }
0x18: {  	v20 =	vld.idx.msk [tilespmem:v6+s2+$0x0], $0xffff;
	_ =	sdelay $0x4  }
0x19: {  	v6 =	vsub.f32 $1.000000000e+00, v20;
	_ =	sdelay $0x1  }
0x1a: {  	v7 =	vadd.f32 $-5.009999870e-02, v6;
	v6 =	vadd.f32 $5.009999870e-02, v6;
	_ =	sdelay $0x1  }
0x1b: {  	v7 =	vmul.f32 $6.400000000e+01, v7;
	v6 =	vmul.f32 $6.400000000e+01, v6;
	_ =	sdelay $0x1  }
0x1c: {  	v7 =	vadd.f32 $-5.000000000e-01, v7;
	v6 =	vadd.f32 $-5.000000000e-01, v6;
	_ =	sdelay $0x1  }
0x1d: {  	v8 =	vmax.f32 v7, $0.0e+00;
	v9 =	vmax.f32 v6, $0.0e+00  }
0x1e: {  	v8 =	vmin.f32 v8, $1.270000000e+02;
	v9 =	vmin.f32 v9, $1.270000000e+02  }
0x1f: {  	v8 =	vtrunc.f32 v8;
	v9 =	vtrunc.f32 v9  }
0x20: {  	v8 =	vcvt.f32.s32 v8;
	v9 =	vcvt.f32.s32 v9  }
0x21: {  	vm0 =	vge.f32 v6, $0.0e+00;
	vm1 =	vle.f32 v7, $1.270000000e+02  }
0x22: {  	v6 =	vshra.s32 v8, $0x1F;
	vm2 =	vlt.s32 v8, $0x1;
	v7 =	vand.u32 $0x7, v9  }
0x23: {  	v10 =	vand.u32 $0x7, v8;
	v11 =	vshra.s32 v9, $0x1F;
	vm3 =	vlt.s32 v9, $0x1  }
0x24: {  	vm4 =	vne.s32 v10, $0x0;
	v10 =	vshrl.u32 v11, $0x1D;
	vm5 =	vne.s32 v7, $0x0  }
0x25: {  	v6 =	vshrl.u32 v6, $0x1D;
	vm2 =	vmand vm2, vm4;
	v7 =	vadd.s32 v10, v9  }
0x26: {  	v6 =	vadd.s32 v6, v8;
	vm3 =	vmand vm3, vm5;
	v7 =	vshra.s32 v7, $0x3  }
0x27: {  	v6 =	vshra.s32 v6, $0x3;
	v8 =	vsel vm2, $0xFFFFFFFF, v4;
	v9 =	vsel vm3, $0xFFFFFFFF, v4  }
0x28: {  	vm0 =	vmand vm0, vm1;
	v6 =	vadd.s32 v8, v6;
	v8 =	vadd.s32 v9, v7  }
0x29: {  	v7 =	vnsel vm0, $0x1, v6;
	v6 =	vnsel vm0, $0x0, v8  }
0x2a: {  	vm0 =	vlt.s32 v7, $0x1;
	vm1 =	vgt.s32 v6, $0xFFFFFFFF  }
0x2b: {  	vm1 =	vmand vm0, vm1  }
0x2c: {  	v10 =	vsel vm1, $0x1, v4  }
0x2d: {  	(xrf0) =	vadd.scan.msk.s32 $0xffff, v10  }
0x2e: {  	vm2 =	vgt.s32 v6, $0x5;
	vm15 =	vlt.s32 v7, $0x7  }
0x2f: {  	vm3 =	vgt.s32 v6, $0x0;
	vm12 =	vlt.s32 v7, $0x2;
	vm2 =	vmand vm15, vm2  }
0x30: {  	vm3 =	vmand vm12, vm3;
	v10 =	vsel vm2, $0x1, v4  }
0x31: {  	v9 =	vadd.s32 s2, v1;
	v8 =	vadd.s32 s2, v3;
	v11 =	vsel vm3, $0x1, v4;
	(xrf0) =	vadd.scan.msk.s32 $0xffff, v10  }
0x32: {  	vm7 =	vlt.s32 v7, $0x3;
	vm13 =	vgt.s32 v6, $0xA;
	vm14 =	vlt.s32 v7, $0xB;
	(xrf0) =	vadd.scan.msk.s32 $0xffff, v11  }
0x33: {  	vm8 =	vgt.s32 v6, $0x9;
	vm10 =	vlt.s32 v7, $0xC;
	vm11 =	vgt.s32 v6, $0x1;
	v12, _, _ =	vpop (xrf0)  }
0x34: {  	vm5 =	vmand vm14, vm8;
	vm4 =	vmand vm10, vm13;
	v12 =	vadd.s32 v12, v4  }
0x35: {  	vm7 =	vmand vm7, vm11;
	v10 =	vsel vm5, $0x1, v4;
	v11 =	vsel vm4, $0x1, v4  }
0x36: {  	vm6 =	vgt.s32 v6, $0xB;
	vm15 =	vlt.s32 v7, $0xD;
	v13 =	vsel vm7, $0x1, v4;
	(xrf0) =	vadd.scan.msk.s32 $0xffff, v10  }
0x37: {  	vm8 =	vmand vm15, vm6;
	v31 =	vld.idx.msk [tilespmem:v9+s2+$0x0], $0xffff;
	(xrf0) =	vadd.scan.msk.s32 $0xffff, v13;
	v9 =	vadd.s32 $0xFFFFFFFF, v12;
	v12, _, _ =	vpop (xrf0)  }
0x38: {  	vm9 =	vlt.s32 v7, $0x4;
	v10 =	vsel vm8, $0x1, v4;
	(xrf0) =	vadd.scan.msk.s32 $0xffff, v11;
	v11, _, _ =	vpop (xrf0)  }
0x39: {  	vm0 =	vgt.s32 v6, $0xC;
	vm12 =	vlt.s32 v7, $0xE;
	(xrf0) =	vadd.scan.msk.s32 $0xffff, v10;
	v10 =	vadd.s32 v11, v4  }
0x3a: {  	vm13 =	vgt.s32 v6, $0x2;
	vm14 =	vgt.s32 v6, $0x3;
	vm6 =	vmand vm12, vm0  }
0x3b: {  	vm9 =	vmand vm9, vm13;
	vm0 =	vlt.s32 v7, $0x5;
	v32 =	vld.idx.msk [tilespmem:v8+s2+$0x0], $0xffff;
	v8 =	vsel vm6, $0x1, v4  }
0x3c: {  	vm10 =	vmand vm0, vm14;
	v11 =	vsel vm9, $0x1, v4;
	(xrf0) =	vadd.scan.msk.s32 $0xffff, v8;
	v8 =	vadd.s32 $0x9F, v10;
	v10, _, _ =	vpop (xrf0)  }
0x3d: {  	(xrf0) =	vadd.scan.msk.s32 $0xffff, v11;
	v11 =	vsel vm10, $0x1, v4;
	v13, _, _ =	vpop (xrf0)  }
0x3e: {  	v14 =	vimm.s32 $0x0;
	[tilespmem:v9+s12+$0x0] =	vst.idx.msk vm1, v31;
	v13 =	vadd.s32 v13, v4  }
0x3f: {  	v14 =	vsel vm1, $0xFFFFFFFF, v14;
	[tilespmem:v9+s13+$0x0] =	vst.idx.msk vm1, v20  }
0x40: {  	v29 =	vor.u32 s10, v0;
	[tilespmem:v9+s14+$0x0] =	vst.idx.msk vm1, v32;
	(xrf0) =	vadd.scan.msk.s32 $0xffff, v11;
	v11, _, _ =	vpop (xrf0)  }
0x41: {  	vm11 =	vgt.s32 v6, $0xE;
	vm0 =	vlt.s32 v7, $0x10;
	[tilespmem:v9+s15+$0x0] =	vst.idx.msk vm1, v29;
	v9 =	vadd.s32 $0x13F, v13;
	v13, _, _ =	vpop (xrf0)  }
0x42: {  	[tilespmem:$0x1FFF0] =	vst v14;
	vm0 =	vmand vm0, vm11;
	v14, _, _ =	vpop (xrf0)  }
0x43: {  	vm12 =	vlt.s32 v7, $0x6;
	vm15 =	vgt.s32 v6, $0x4;
	v15 =	vsel vm0, $0x1, v4;
	[tilespmem:v8+s12+$0x0] =	vst.idx.msk vm3, v31;
	v16, _, _ =	vpop (xrf0)  }
0x44: {  	vm11 =	vmand vm12, vm15;
	(xrf0) =	vadd.scan.msk.s32 $0xffff, v15;
	[tilespmem:v8+s13+$0x0] =	vst.idx.msk vm3, v20;
	v15 =	vadd.s32 v16, v4  }
0x45: {  	[tilespmem:v8+s14+$0x0] =	vst.idx.msk vm3, v32;
	v16 =	vsel vm11, $0x1, v4  }
0x46: {  	[tilespmem:v8+s15+$0x0] =	vst.idx.msk vm3, v29;
	v8 =	vadd.s32 $0x1DF, v15;
	(xrf0) =	vadd.scan.msk.s32 $0xffff, v16  }
0x47: {  	[tilespmem:v9+s12+$0x0] =	vst.idx.msk vm7, v31;
	v15, _, _ =	vpop (xrf0)  }
0x48: {  	[tilespmem:v9+s13+$0x0] =	vst.idx.msk vm7, v20;
	v15 =	vadd.s32 v15, v4  }
0x49: {  	[tilespmem:v9+s14+$0x0] =	vst.idx.msk vm7, v32;
	v15 =	vadd.s32 $0x280, v15  }
0x4a: {  	vm13 =	vgt.s32 v6, $0x6;
	vm12 =	vlt.s32 v7, $0x8;
	[tilespmem:v9+s15+$0x0] =	vst.idx.msk vm7, v29;
	v9 =	vadd.s32 $0xFFFFFFFF, v15  }
0x4b: {  	vm12 =	vmand vm12, vm13;
	v16, _, _ =	vpop (xrf0);
	[tilespmem:v8+s12+$0x0] =	vst.idx.msk vm9, v31  }
0x4c: {  	v17 =	vsel vm12, $0x1, v4;
	[tilespmem:v8+s13+$0x0] =	vst.idx.msk vm9, v20;
	v15, _, _ =	vpop (xrf0)  }
0x4d: {  	(xrf0) =	vadd.scan.msk.s32 $0xffff, v17;
	[tilespmem:v8+s14+$0x0] =	vst.idx.msk vm9, v32;
	v15 =	vadd.s32 v15, v4  }
0x4e: {  	vm14 =	vlt.s32 v7, $0x9;
	vm13 =	vgt.s32 v6, $0x7;
	[tilespmem:v8+s15+$0x0] =	vst.idx.msk vm9, v29;
	v8 =	vadd.s32 $0x31F, v15  }
0x4f: {  	vm13 =	vmand vm14, vm13;
	[tilespmem:v9+s12+$0x0] =	vst.idx.msk vm10, v31  }
0x50: {  	v12 =	vadd.s32 v12, v4;
	v15 =	vsel vm13, $0x1, v4;
	[tilespmem:v9+s13+$0x0] =	vst.idx.msk vm10, v20  }
0x51: {  	(xrf0) =	vadd.scan.msk.s32 $0xffff, v15;
	[tilespmem:v9+s14+$0x0] =	vst.idx.msk vm10, v32  }
0x52: {  	[tilespmem:v9+s15+$0x0] =	vst.idx.msk vm10, v29;
	v9 =	vadd.s32 $0x3BF, v12  }
0x53: {  	vm15 =	vgt.s32 v6, $0x8;
	vm14 =	vlt.s32 v7, $0xA;
	v12, _, _ =	vpop (xrf0);
	[tilespmem:v8+s12+$0x0] =	vst.idx.msk vm11, v31  }
0x54: {  	vm14 =	vmand vm14, vm15;
	v12 =	vadd.s32 v12, v4;
	[tilespmem:v8+s13+$0x0] =	vst.idx.msk vm11, v20  }
0x55: {  	v15 =	vsel vm14, $0x1, v4;
	[tilespmem:v8+s14+$0x0] =	vst.idx.msk vm11, v32  }
0x56: {  	(xrf0) =	vadd.scan.msk.s32 $0xffff, v15;
	[tilespmem:v8+s15+$0x0] =	vst.idx.msk vm11, v29;
	v8 =	vadd.s32 $0x45F, v12  }
0x57: {  	v12, _, _ =	vpop (xrf0);
	[tilespmem:v9+s12+$0x0] =	vst.idx.msk vm2, v31  }
0x58: {  	v12 =	vadd.s32 v12, v4;
	[tilespmem:v9+s13+$0x0] =	vst.idx.msk vm2, v20  }
0x59: {  	v12 =	vadd.s32 $0x500, v12;
	[tilespmem:v9+s14+$0x0] =	vst.idx.msk vm2, v32  }
0x5a: {  	[tilespmem:v9+s15+$0x0] =	vst.idx.msk vm2, v29;
	v9 =	vadd.s32 $0xFFFFFFFF, v12  }
0x5b: {  	[tilespmem:v8+s12+$0x0] =	vst.idx.msk vm12, v31  }
0x5c: {  	v12, _, _ =	vpop (xrf0);
	[tilespmem:v8+s13+$0x0] =	vst.idx.msk vm12, v20  }
0x5d: {  	v12 =	vadd.s32 v12, v4;
	[tilespmem:v8+s14+$0x0] =	vst.idx.msk vm12, v32  }
0x5e: {  	[tilespmem:v8+s15+$0x0] =	vst.idx.msk vm12, v29;
	v8 =	vadd.s32 $0x59F, v12  }
0x5f: {  	[tilespmem:v9+s12+$0x0] =	vst.idx.msk vm13, v31  }
0x60: {  	[tilespmem:v9+s13+$0x0] =	vst.idx.msk vm13, v20  }
0x61: {  	v10 =	vadd.s32 v10, v4;
	[tilespmem:v9+s14+$0x0] =	vst.idx.msk vm13, v32  }
0x62: {  	[tilespmem:v9+s15+$0x0] =	vst.idx.msk vm13, v29;
	v9 =	vadd.s32 $0x63F, v10  }
0x63: {  	[tilespmem:v8+s12+$0x0] =	vst.idx.msk vm14, v31  }
0x64: {  	[tilespmem:v8+s13+$0x0] =	vst.idx.msk vm14, v20  }
0x65: {  	v10 =	vadd.s32 v11, v4;
	[tilespmem:v8+s14+$0x0] =	vst.idx.msk vm14, v32  }
0x66: {  	[tilespmem:v8+s15+$0x0] =	vst.idx.msk vm14, v29;
	v8 =	vadd.s32 $0x6DF, v10  }
0x67: {  	[tilespmem:v9+s12+$0x0] =	vst.idx.msk vm5, v31  }
0x68: {  	v10 =	vadd.s32 v13, v4;
	[tilespmem:v9+s13+$0x0] =	vst.idx.msk vm5, v20  }
0x69: {  	vm15 =	vlt.s32 v7, $0xF;
	vm1 =	vgt.s32 v6, $0xD;
	v10 =	vadd.s32 $0x780, v10;
	[tilespmem:v9+s14+$0x0] =	vst.idx.msk vm5, v32  }
0x6a: {  	vm15 =	vmand vm15, vm1;
	v7 =	vadd.s32 $0xFFFFFFFF, v10;
	[tilespmem:v9+s15+$0x0] =	vst.idx.msk vm5, v29  }
0x6b: {  	v6 =	vsel vm15, $0x1, v4;
	[tilespmem:v8+s12+$0x0] =	vst.idx.msk vm4, v31  }
0x6c: {  	(xrf0) =	vadd.scan.msk.s32 $0xffff, v6;
	[tilespmem:v8+s13+$0x0] =	vst.idx.msk vm4, v20  }
0x6d: {  	[tilespmem:v8+s14+$0x0] =	vst.idx.msk vm4, v32  }
0x6e: {  	v22 =	vmpcnt.ones.xlane vm4;
	v23 =	vmpcnt.ones.xlane vm3;
	[tilespmem:v8+s15+$0x0] =	vst.idx.msk vm4, v29  }
0x6f: {  	v24 =	vmpcnt.ones.xlane vm2;
	v18 =	vmpcnt.ones.xlane vm0;
	v9 =	vadd.s32 v14, v4;
	[tilespmem:v7+s12+$0x0] =	vst.idx.msk vm8, v31  }
0x70: {  	s21 =	simm.s32 $0x30;
	v21 =	vmpcnt.ones.xlane vm13;
	v26 =	vmpcnt.ones.xlane vm14;
	v6 =	vadd.s32 $0x81F, v9;
	[tilespmem:v7+s13+$0x0] =	vst.idx.msk vm8, v20  }
0x71: {  	v34 =	vadd.s32 s21, v2;
	v13 =	vmpcnt.ones.xlane vm8;
	v9 =	vmpcnt.ones.xlane vm11;
	[tilespmem:v7+s14+$0x0] =	vst.idx.msk vm8, v32  }
0x72: {  	v27 =	vadd.s32 v16, v4;
	v12 =	vmpcnt.ones.xlane vm5;
	v11 =	vmpcnt.ones.xlane vm7;
	[tilespmem:v7+s15+$0x0] =	vst.idx.msk vm8, v29;
	v7, _, _ =	vpop (xrf0)  }
0x73: {  	v15 =	vadd.s32 v4, v9;
	v9 =	vadd.s32 v4, v13;
	v13 =	vld [tilespmem:$0x1FFF0];
	v7 =	vadd.s32 v7, v4  }
0x74: {  	v16 =	vadd.s32 v4, v24;
	v19 =	vadd.s32 v4, v11;
	v25 =	vadd.s32 $0x8BF, v7  }
0x75: {  	v11 =	vadd.s32 v4, v12;
	v14 =	vmpcnt.ones.xlane vm12;
	v8 =	vmpcnt.ones.xlane vm10;
	[tilespmem:v6+s12+$0x0] =	vst.idx.msk vm6, v31  }
0x76: {  	v33 =	vadd.s32 $0x95F, v27;
	v12 =	vadd.s32 v4, v21;
	v21 =	vadd.s32 v4, v23;
	[tilespmem:v6+s13+$0x0] =	vst.idx.msk vm6, v20  }
0x77: {  	v10 =	vmpcnt.ones.xlane vm9;
	v14 =	vadd.s32 v4, v14;
	v17 =	vadd.s32 v4, v8;
	[tilespmem:v6+s14+$0x0] =	vst.idx.msk vm6, v32  }
0x78: {  	v27 =	vmovc v14;
	v28 =	vmovc v15;
	v8 =	vmpcnt.ones.xlane vm15;
	v30 =	vmov v17;
	vm1 =	vnez.u8 v13;
	[tilespmem:v6+s15+$0x0] =	vst.idx.msk vm6, v29  }
0x79: {  	v13 =	vadd.s32 v4, v26;
	v7 =	vmpcnt.ones.xlane vm6;
	v6 =	vadd.s32 v4, v18;
	[tilespmem:v25+s12+$0x0] =	vst.idx.msk vm15, v31  }
0x7a: {  	v18 =	vadd.s32 v4, v10;
	v10 =	vadd.s32 v4, v22;
	v22 =	vmpcnt.ones.xlane vm1;
	[tilespmem:v25+s13+$0x0] =	vst.idx.msk vm15, v20  }
0x7b: {  	v8 =	vadd.s32 v4, v8;
	v26 =	vmov v12;
	v7 =	vadd.s32 v4, v7;
	[tilespmem:v25+s14+$0x0] =	vst.idx.msk vm15, v32  }
0x7c: {  	s22 =	simm.s32 $0x60;
	s20 =	smov.u32 s10;
	v23 =	vmovc v8;
	v24 =	vmov v6;
	v22 =	vadd.s32 v4, v22;
	[tilespmem:v25+s15+$0x0] =	vst.idx.msk vm15, v29;
	v25 =	vmov v13  }
.LBB2_2:
0x7d: {  	_ =	sdelay $0x3  }
0x7e: {  	[tilespmem:v33+s12+$0x0] =	vst.idx.msk vm0, v31  }
0x7f: {  	[tilespmem:v33+s13+$0x0] =	vst.idx.msk vm0, v20  }
0x80: {  	[tilespmem:v33+s14+$0x0] =	vst.idx.msk vm0, v32  }
0x81: {  	[tilespmem:v33+s15+$0x0] =	vst.idx.msk vm0, v29  }
0x82: {  	v20 =	vld.idx.msk [tilespmem:v34+s2+$0x0], $0xffff;
	_ =	sdelay $0x4  }
0x83: {  	v29 =	vsub.f32 $1.000000000e+00, v20;
	_ =	sdelay $0x1  }
0x84: {  	v31 =	vadd.f32 $-5.009999870e-02, v29;
	v29 =	vadd.f32 $5.009999870e-02, v29;
	_ =	sdelay $0x1  }
0x85: {  	v31 =	vmul.f32 $6.400000000e+01, v31;
	v29 =	vmul.f32 $6.400000000e+01, v29;
	_ =	sdelay $0x1  }
0x86: {  	v31 =	vadd.f32 $-5.000000000e-01, v31;
	v29 =	vadd.f32 $-5.000000000e-01, v29;
	_ =	sdelay $0x1  }
0x87: {  	vm0 =	vge.f32 v29, $0.0e+00;
	v52 =	vmax.f32 v31, $0.0e+00;
	v29 =	vmax.f32 v29, $0.0e+00  }
0x88: {  	vm1 =	vle.f32 v31, $1.270000000e+02;
	v31 =	vmin.f32 v52, $1.270000000e+02;
	v29 =	vmin.f32 v29, $1.270000000e+02  }
0x89: {  	v31 =	vtrunc.f32 v31;
	v29 =	vtrunc.f32 v29  }
0x8a: {  	v31 =	vcvt.f32.s32 v31;
	v53 =	vcvt.f32.s32 v29  }
0x8b: {  	v35 =	vadd.s32 s21, v3;
	v59 =	vadd.s32 s21, v1  }
0x8c: {  	v54 =	vshra.s32 v31, $0x1F;
	vm2 =	vlt.s32 v31, $0x1;
	v55 =	vand.u32 $0x7, v53  }
0x8d: {  	v36 =	vand.u32 $0x7, v31;
	v37 =	vshra.s32 v53, $0x1F;
	vm3 =	vlt.s32 v53, $0x1  }
0x8e: {  	vm4 =	vne.s32 v36, $0x0;
	v56 =	vshrl.u32 v37, $0x1D;
	vm5 =	vne.s32 v55, $0x0  }
0x8f: {  	v33 =	vshrl.u32 v54, $0x1D;
	vm2 =	vmand vm2, vm4;
	v32 =	vadd.s32 v56, v53  }
0x90: {  	v31 =	vadd.s32 v33, v31;
	vm3 =	vmand vm3, vm5;
	v32 =	vshra.s32 v32, $0x3  }
0x91: {  	v31 =	vshra.s32 v31, $0x3;
	v57 =	vsel vm2, $0xFFFFFFFF, v4;
	v58 =	vsel vm3, $0xFFFFFFFF, v4  }
0x92: {  	vm0 =	vmand vm0, vm1;
	v31 =	vadd.s32 v57, v31;
	v32 =	vadd.s32 v58, v32  }
0x93: {  	v61 =	vimm.s32 $0x0;
	v34 =	vnsel vm0, $0x1, v31;
	v33 =	vnsel vm0, $0x0, v32  }
0x94: {  	v50 =	vimm.s32 $0x0;
	vm1 =	vlt.s32 v34, $0x1;
	vm2 =	vgt.s32 v33, $0xFFFFFFFF  }
0x95: {  	vm9 =	vgt.s32 v33, $0xC;
	vm3 =	vgt.s32 v33, $0x5;
	vm7 =	vmand vm1, vm2  }
0x96: {  	vm0 =	vlt.s32 v34, $0x4;
	vm12 =	vlt.s32 v34, $0x3;
	v31 =	vsel vm7, $0x1, v4  }
0x97: {  	vm14 =	vlt.s32 v34, $0x7;
	vm8 =	vlt.s32 v34, $0x2;
	vm4 =	vgt.s32 v33, $0x9;
	(xrf0) =	vadd.scan.msk.s32 $0xffff, v31  }
0x98: {  	vm13 =	vlt.s32 v34, $0xC;
	vm1 =	vgt.s32 v33, $0x0;
	vm5 =	vmand vm14, vm3  }
0x99: {  	vm2 =	vgt.s32 v33, $0xB;
	vm10 =	vmand vm8, vm1;
	v31 =	vsel vm5, $0x1, v4  }
0x9a: {  	vm3 =	vlt.s32 v34, $0xA;
	vm14 =	vgt.s32 v33, $0x1;
	v60 =	vsel vm10, $0x1, v4;
	(xrf0) =	vadd.scan.msk.s32 $0xffff, v31  }
0x9b: {  	vm1 =	vgt.s32 v33, $0xA;
	v37 =	vsel vm3, $0xFFFFFFFF, v61;
	vm3 =	vlt.s32 v34, $0xB;
	(xrf0) =	vadd.scan.msk.s32 $0xffff, v60  }
0x9c: {  	vm12 =	vmand vm12, vm14;
	vm4 =	vmand vm3, vm4;
	vm6 =	vmand vm13, vm1  }
0x9d: {  	[tilespmem:$0x1FFD0] =	vst v37;
	v44 =	vsel vm12, $0x1, v4;
	vm3 =	vlt.s32 v34, $0xD;
	v62 =	vsel vm4, $0x1, v4;
	v38, _, _ =	vpop (xrf0)  }
0x9e: {  	vm13 =	vgt.s32 v33, $0x2;
	v63 =	vsel vm6, $0x1, v4;
	(xrf0) =	vadd.scan.msk.s32 $0xffff, v62;
	v40 =	vadd.s32 v38, v22  }
0x9f: {  	v31 =	vld.idx.msk [tilespmem:v59+s2+$0x0], $0xffff;
	vm3 =	vmand vm3, vm2;
	vm2 =	vlt.s32 v34, $0xE;
	(xrf0) =	vadd.scan.msk.s32 $0xffff, v44;
	v39 =	vadd.s32 $0xFFFFFFFF, v40  }
0xa0: {  	vm14 =	vmand vm0, vm13;
	v45 =	vsel vm3, $0x1, v4;
	vm2 =	vmand vm2, vm9;
	v46, _, _ =	vpop (xrf0);
	(xrf0) =	vadd.scan.msk.s32 $0xffff, v63  }
0xa1: {  	v32 =	vld.idx.msk [tilespmem:v35+s2+$0x0], $0xffff;
	vm0 =	vlt.s32 v34, $0xF;
	v49 =	vsel vm14, $0x1, v4;
	v47 =	vsel vm2, $0x1, v4;
	v48, _, _ =	vpop (xrf0);
	(xrf0) =	vadd.scan.msk.s32 $0xffff, v45  }
0xa2: {  	vm9 =	vgt.s32 v33, $0x3;
	v38 =	vsel vm0, $0xFFFFFFFF, v50;
	v42 =	vadd.s32 v48, v21;
	(xrf0) =	vadd.scan.msk.s32 $0xffff, v47  }
0xa3: {  	s20 =	sadd.s32 $0x10, s20;
	vm0 =	vlt.s32 v34, $0x5;
	[tilespmem:$0x1FFE0] =	vst v38;
	v41 =	vadd.s32 $0x9F, v42;
	(xrf0) =	vadd.scan.msk.s32 $0xffff, v49  }
0xa4: {  	v29 =	vor.u32 s20, v0;
	vm13 =	vmand vm0, vm9;
	v51, _, _ =	vpop (xrf0);
	[tilespmem:v39+s12+$0x0] =	vst.idx.msk vm7, v31  }
0xa5: {  	vm15 =	vlt.s32 v34, $0x6;
	vm1 =	vlt.s32 v34, $0x10;
	v52 =	vsel vm13, $0x1, v4;
	v54, _, _ =	vpop (xrf0);
	[tilespmem:v39+s13+$0x0] =	vst.idx.msk vm7, v20  }
0xa6: {  	vm0 =	vgt.s32 v33, $0xE;
	(xrf0) =	vadd.scan.msk.s32 $0xffff, v52;
	v35 =	vadd.s32 v54, v19;
	v55, _, _ =	vpop (xrf0);
	[tilespmem:v39+s14+$0x0] =	vst.idx.msk vm7, v32  }
0xa7: {  	vm0 =	vmand vm1, vm0;
	vm1 =	vgt.s32 v33, $0x4;
	v56 =	vadd.s32 $0x13F, v35;
	v58, _, _ =	vpop (xrf0);
	[tilespmem:v39+s15+$0x0] =	vst.idx.msk vm7, v29  }
0xa8: {  	vm15 =	vmand vm15, vm1;
	v43, _, _ =	vpop (xrf0);
	[tilespmem:v41+s12+$0x0] =	vst.idx.msk vm10, v31  }
0xa9: {  	v57 =	vsel vm0, $0x1, v4;
	v44 =	vsel vm15, $0x1, v4;
	v59, _, _ =	vpop (xrf0);
	[tilespmem:v41+s13+$0x0] =	vst.idx.msk vm10, v20  }
0xaa: {  	(xrf0) =	vadd.scan.msk.s32 $0xffff, v57;
	v35 =	vadd.s32 v43, v7;
	v43 =	vadd.s32 v59, v18;
	[tilespmem:v41+s14+$0x0] =	vst.idx.msk vm10, v32  }
0xab: {  	(xrf0) =	vadd.scan.msk.s32 $0xffff, v44;
	v60 =	vadd.s32 $0x1DF, v43;
	[tilespmem:v41+s15+$0x0] =	vst.idx.msk vm10, v29  }
0xac: {  	v62, _, _ =	vpop (xrf0);
	[tilespmem:v56+s12+$0x0] =	vst.idx.msk vm12, v31  }
0xad: {  	v30 =	vadd.s32 v62, v30;
	[tilespmem:v56+s13+$0x0] =	vst.idx.msk vm12, v20  }
0xae: {  	v48 =	vadd.s32 $0x280, v30;
	[tilespmem:v56+s14+$0x0] =	vst.idx.msk vm12, v32  }
0xaf: {  	v36 =	vadd.s32 v51, v11;
	v51 =	vadd.s32 $0xFFFFFFFF, v48;
	[tilespmem:v56+s15+$0x0] =	vst.idx.msk vm12, v29  }
0xb0: {  	vm11 =	vlt.s32 v34, $0x8;
	v40 =	vadd.s32 v46, v16;
	vm1 =	vgt.s32 v33, $0x6;
	v50, _, _ =	vpop (xrf0);
	[tilespmem:v60+s12+$0x0] =	vst.idx.msk vm14, v31  }
0xb1: {  	v46 =	vmpcnt.ones.xlane vm14;
	vm11 =	vmand vm11, vm1;
	v39 =	vadd.s32 v50, v24;
	v24, _, _ =	vpop (xrf0);
	[tilespmem:v60+s13+$0x0] =	vst.idx.msk vm14, v20  }
0xb2: {  	vm1 =	vgt.s32 v33, $0x7;
	v54 =	vsel vm11, $0x1, v4;
	v47 =	vadd.s32 v24, v28;
	[tilespmem:v60+s14+$0x0] =	vst.idx.msk vm14, v32  }
0xb3: {  	v48 =	vld [tilespmem:$0x1FFD0];
	(xrf0) =	vadd.scan.msk.s32 $0xffff, v54;
	v56 =	vadd.s32 $0x31F, v47;
	[tilespmem:v60+s15+$0x0] =	vst.idx.msk vm14, v29;
	vm14 =	vlt.s32 v34, $0x9  }
0xb4: {  	v53 =	vmpcnt.ones.xlane vm13;
	[tilespmem:v51+s12+$0x0] =	vst.idx.msk vm13, v31;
	vm9 =	vmand vm14, vm1  }
0xb5: {  	v61 =	vmpcnt.ones.xlane vm0;
	v49 =	vmpcnt.ones.xlane vm3;
	[tilespmem:v51+s13+$0x0] =	vst.idx.msk vm13, v20;
	v57 =	vsel vm9, $0x1, v4  }
0xb6: {  	vm8 =	vgt.s32 v33, $0x8;
	[tilespmem:v51+s14+$0x0] =	vst.idx.msk vm13, v32;
	(xrf0) =	vadd.scan.msk.s32 $0xffff, v57  }
0xb7: {  	v17 =	vadd.s32 v17, v53;
	v6 =	vadd.s32 v6, v61;
	v61 =	vadd.s32 $0x3BF, v40;
	[tilespmem:v51+s15+$0x0] =	vst.idx.msk vm13, v29  }
0xb8: {  	v53 =	vmpcnt.ones.xlane vm4;
	v52 =	vmpcnt.ones.xlane vm12;
	vm1 =	vnez.u8 v48;
	[tilespmem:v56+s12+$0x0] =	vst.idx.msk vm15, v31  }
0xb9: {  	v37 =	vadd.s32 v58, v9;
	v9 =	vadd.s32 v9, v49;
	v49, _, _ =	vpop (xrf0);
	vm14 =	vmand vm1, vm8;
	[tilespmem:v56+s13+$0x0] =	vst.idx.msk vm15, v20  }
0xba: {  	v43 =	vadd.s32 v49, v27;
	v50 =	vsel vm14, $0x1, v4;
	[tilespmem:v56+s14+$0x0] =	vst.idx.msk vm15, v32  }
0xbb: {  	v19 =	vadd.s32 v19, v52;
	v52 =	vadd.s32 $0x45F, v43;
	(xrf0) =	vadd.scan.msk.s32 $0xffff, v50;
	[tilespmem:v56+s15+$0x0] =	vst.idx.msk vm15, v29  }
0xbc: {  	v11 =	vadd.s32 v11, v53;
	[tilespmem:v61+s12+$0x0] =	vst.idx.msk vm5, v31;
	v53, _, _ =	vpop (xrf0)  }
0xbd: {  	v38 =	vadd.s32 v55, v10;
	v55 =	vmpcnt.ones.xlane vm11;
	[tilespmem:v61+s13+$0x0] =	vst.idx.msk vm5, v20;
	v40 =	vadd.s32 v53, v26  }
0xbe: {  	[tilespmem:v61+s14+$0x0] =	vst.idx.msk vm5, v32;
	v40 =	vadd.s32 $0x500, v40  }
0xbf: {  	[tilespmem:v61+s15+$0x0] =	vst.idx.msk vm5, v29;
	v54 =	vadd.s32 $0xFFFFFFFF, v40  }
0xc0: {  	[tilespmem:v52+s12+$0x0] =	vst.idx.msk vm11, v31  }
0xc1: {  	v14 =	vadd.s32 v14, v55;
	v55, _, _ =	vpop (xrf0);
	[tilespmem:v52+s13+$0x0] =	vst.idx.msk vm11, v20  }
0xc2: {  	v40 =	vadd.s32 v55, v25;
	[tilespmem:v52+s14+$0x0] =	vst.idx.msk vm11, v32  }
0xc3: {  	v40 =	vadd.s32 $0x59F, v40;
	[tilespmem:v52+s15+$0x0] =	vst.idx.msk vm11, v29  }
0xc4: {  	[tilespmem:v54+s12+$0x0] =	vst.idx.msk vm9, v31  }
0xc5: {  	v58 =	vmpcnt.ones.xlane vm9;
	[tilespmem:v54+s13+$0x0] =	vst.idx.msk vm9, v20  }
0xc6: {  	[tilespmem:v54+s14+$0x0] =	vst.idx.msk vm9, v32  }
0xc7: {  	v12 =	vadd.s32 v12, v58;
	v58 =	vld [tilespmem:$0x1FFE0];
	v56 =	vadd.s32 $0x63F, v36;
	[tilespmem:v54+s15+$0x0] =	vst.idx.msk vm9, v29  }
0xc8: {  	[tilespmem:v40+s12+$0x0] =	vst.idx.msk vm14, v31  }
0xc9: {  	[tilespmem:v40+s13+$0x0] =	vst.idx.msk vm14, v20  }
0xca: {  	[tilespmem:v40+s14+$0x0] =	vst.idx.msk vm14, v32  }
0xcb: {  	v63 =	vmpcnt.ones.xlane vm2;
	v45 =	vmpcnt.ones.xlane vm15;
	v57 =	vadd.s32 $0x6DF, v38;
	[tilespmem:v40+s15+$0x0] =	vst.idx.msk vm14, v29  }
0xcc: {  	v59 =	vmpcnt.ones.xlane vm6;
	vm1 =	vgt.s32 v33, $0xD;
	vm15 =	vnez.u8 v58;
	[tilespmem:v56+s12+$0x0] =	vst.idx.msk vm4, v31  }
0xcd: {  	v7 =	vadd.s32 v7, v63;
	v63 =	vmpcnt.ones.xlane vm5;
	vm5 =	vmand vm15, vm1;
	[tilespmem:v56+s13+$0x0] =	vst.idx.msk vm4, v20  }
0xce: {  	v37 =	vadd.s32 $0x780, v37;
	v10 =	vadd.s32 v10, v59;
	v59 =	vsel vm5, $0x1, v4;
	[tilespmem:v56+s14+$0x0] =	vst.idx.msk vm4, v32  }
0xcf: {  	v61 =	vadd.s32 $0xFFFFFFFF, v37;
	(xrf0) =	vadd.scan.msk.s32 $0xffff, v59;
	[tilespmem:v56+s15+$0x0] =	vst.idx.msk vm4, v29  }
0xd0: {  	[tilespmem:v57+s12+$0x0] =	vst.idx.msk vm6, v31  }
0xd1: {  	v62 =	vmpcnt.ones.xlane vm7;
	[tilespmem:v57+s13+$0x0] =	vst.idx.msk vm6, v20  }
0xd2: {  	[tilespmem:v57+s14+$0x0] =	vst.idx.msk vm6, v32  }
0xd3: {  	v22 =	vadd.s32 v22, v62;
	v62 =	vadd.s32 $0x81F, v35;
	[tilespmem:v57+s15+$0x0] =	vst.idx.msk vm6, v29  }
0xd4: {  	[tilespmem:v61+s12+$0x0] =	vst.idx.msk vm3, v31  }
0xd5: {  	v16 =	vadd.s32 v16, v63;
	v63, _, _ =	vpop (xrf0);
	[tilespmem:v61+s13+$0x0] =	vst.idx.msk vm3, v20  }
0xd6: {  	v35 =	vadd.s32 v63, v23;
	[tilespmem:v61+s14+$0x0] =	vst.idx.msk vm3, v32  }
0xd7: {  	v35 =	vadd.s32 $0x8BF, v35;
	[tilespmem:v61+s15+$0x0] =	vst.idx.msk vm3, v29  }
0xd8: {  	[tilespmem:v62+s12+$0x0] =	vst.idx.msk vm2, v31  }
0xd9: {  	[tilespmem:v62+s13+$0x0] =	vst.idx.msk vm2, v20  }
0xda: {  	p0 =	sne.s32 s22, $0x750;
	v60 =	vmpcnt.ones.xlane vm10;
	[tilespmem:v62+s14+$0x0] =	vst.idx.msk vm2, v32  }
.Ltmp0:
0xdb: {  	v15 =	vadd.s32 v15, v45;
	[tilespmem:v62+s15+$0x0] =	vst.idx.msk vm2, v29;
	(pc) =	sbr.rel @p0 .LBB2_2-.Ltmp0, $4  }
0xdc: {  	s23 =	smov.u32 s22;
	v21 =	vadd.s32 v21, v60;
	v51 =	vmpcnt.ones.xlane vm14;
	v60 =	vmpcnt.ones.xlane vm5;
	[tilespmem:v35+s12+$0x0] =	vst.idx.msk vm5, v31  }
0xdd: {  	s21 =	smov.u32 s23;
	v18 =	vadd.s32 v18, v46;
	v30 =	vmovc v17;
	v28 =	vmov v15;
	v24 =	vmov v6;
	[tilespmem:v35+s13+$0x0] =	vst.idx.msk vm5, v20  }
0xde: {  	v34 =	vadd.s32 s21, v2;
	v13 =	vadd.s32 v13, v51;
	v8 =	vadd.s32 v8, v60;
	[tilespmem:v35+s14+$0x0] =	vst.idx.msk vm5, v32  }
0xdf: {  	s22 =	sadd.s32 $0x30, s22;
	v27 =	vmovc v14;
	v33 =	vadd.s32 $0x95F, v39;
	v26 =	vmovc v12;
	v25 =	vmov v13;
	v23 =	vmov v8;
	[tilespmem:v35+s15+$0x0] =	vst.idx.msk vm5, v29  }
0xe0: {  	_ =	sdelay $0x4  }
0xe1: {  	[tilespmem:v33+s12+$0x0] =	vst.idx.msk vm0, v31  }
0xe2: {  	[tilespmem:v33+s13+$0x0] =	vst.idx.msk vm0, v20  }
0xe3: {  	[tilespmem:v33+s14+$0x0] =	vst.idx.msk vm0, v32  }
0xe4: {  	[tilespmem:v33+s15+$0x0] =	vst.idx.msk vm0, v29  }
0xe5: {  	v20 =	vld.idx.msk [tilespmem:v34+s2+$0x0], $0xffff;
	_ =	sdelay $0x4  }
0xe6: {  	v43 =	vsub.f32 $1.000000000e+00, v20;
	_ =	sdelay $0x1  }
0xe7: {  	v44 =	vadd.f32 $-5.009999870e-02, v43;
	v29 =	vadd.f32 $5.009999870e-02, v43;
	_ =	sdelay $0x1  }
0xe8: {  	v31 =	vmul.f32 $6.400000000e+01, v44;
	v29 =	vmul.f32 $6.400000000e+01, v29;
	_ =	sdelay $0x1  }
0xe9: {  	v31 =	vadd.f32 $-5.000000000e-01, v31;
	v29 =	vadd.f32 $-5.000000000e-01, v29;
	_ =	sdelay $0x1  }
0xea: {  	v45 =	vmax.f32 v31, $0.0e+00;
	v46 =	vmax.f32 v29, $0.0e+00  }
0xeb: {  	v32 =	vmin.f32 v45, $1.270000000e+02;
	v33 =	vmin.f32 v46, $1.270000000e+02  }
0xec: {  	v32 =	vtrunc.f32 v32;
	v33 =	vtrunc.f32 v33  }
0xed: {  	v32 =	vcvt.f32.s32 v32;
	v33 =	vcvt.f32.s32 v33  }
0xee: {  	vm15 =	vge.f32 v29, $0.0e+00;
	vm1 =	vle.f32 v31, $1.270000000e+02  }
0xef: {  	v47 =	vshra.s32 v32, $0x1F;
	vm2 =	vlt.s32 v32, $0x1;
	v48 =	vand.u32 $0x7, v33  }
0xf0: {  	v49 =	vand.u32 $0x7, v32;
	v35 =	vshra.s32 v33, $0x1F;
	vm3 =	vlt.s32 v33, $0x1  }
0xf1: {  	vm4 =	vne.s32 v49, $0x0;
	v50 =	vshrl.u32 v35, $0x1D;
	vm5 =	vne.s32 v48, $0x0  }
0xf2: {  	v29 =	vshrl.u32 v47, $0x1D;
	vm2 =	vmand vm2, vm4;
	v51 =	vadd.s32 v50, v33  }
0xf3: {  	v29 =	vadd.s32 v29, v32;
	vm3 =	vmand vm3, vm5;
	v31 =	vshra.s32 v51, $0x3  }
0xf4: {  	v29 =	vshra.s32 v29, $0x3;
	v52 =	vsel vm2, $0xFFFFFFFF, v4;
	v53 =	vsel vm3, $0xFFFFFFFF, v4  }
0xf5: {  	vm0 =	vmand vm15, vm1;
	v29 =	vadd.s32 v52, v29;
	v31 =	vadd.s32 v53, v31  }
0xf6: {  	v32 =	vnsel vm0, $0x1, v29;
	v29 =	vnsel vm0, $0x0, v31  }
0xf7: {  	v54 =	vadd.s32 s21, v3;
	vm8 =	vlt.s32 v32, $0x1;
	vm9 =	vgt.s32 v29, $0xFFFFFFFF  }
0xf8: {  	v55 =	vadd.s32 s21, v1;
	v59 =	vimm.s32 $0x0;
	vm6 =	vmand vm8, vm9  }
0xf9: {  	vm1 =	vgt.s32 v29, $0xC;
	vm10 =	vgt.s32 v29, $0x0;
	v56 =	vsel vm6, $0x1, v4  }
0xfa: {  	vm11 =	vgt.s32 v29, $0x5;
	vm12 =	vlt.s32 v32, $0x7;
	vm4 =	vlt.s32 v32, $0x4;
	(xrf0) =	vadd.scan.msk.s32 $0xffff, v56  }
0xfb: {  	vm7 =	vlt.s32 v32, $0x2;
	vm13 =	vgt.s32 v29, $0xB;
	vm5 =	vmand vm12, vm11  }
0xfc: {  	vm14 =	vgt.s32 v29, $0xA;
	vm7 =	vmand vm7, vm10;
	v57 =	vsel vm5, $0x1, v4  }
0xfd: {  	vm15 =	vlt.s32 v32, $0xB;
	vm8 =	vlt.s32 v32, $0x3;
	v58 =	vsel vm7, $0x1, v4;
	(xrf0) =	vadd.scan.msk.s32 $0xffff, v57  }
0xfe: {  	vm9 =	vgt.s32 v29, $0x9;
	vm10 =	vlt.s32 v32, $0xC;
	vm11 =	vgt.s32 v29, $0x1;
	(xrf0) =	vadd.scan.msk.s32 $0xffff, v58  }
0xff: {  	vm3 =	vmand vm15, vm9;
	vm0 =	vmand vm10, vm14;
	vm8 =	vmand vm8, vm11  }
0x100: {  	v34 =	vsel vm0, $0xFFFFFFFF, v59;
	v60 =	vsel vm3, $0x1, v4;
	v61 =	vsel vm0, $0x1, v4;
	v36, _, _ =	vpop (xrf0)  }
0x101: {  	v37 =	vsel vm8, $0x1, v4;
	vm0 =	vlt.s32 v32, $0xD;
	(xrf0) =	vadd.scan.msk.s32 $0xffff, v60;
	v36 =	vadd.s32 v36, v22  }
0x102: {  	v31 =	vld.idx.msk [tilespmem:v55+s2+$0x0], $0xffff;
	vm12 =	vlt.s32 v32, $0xE;
	vm2 =	vmand vm0, vm13;
	(xrf0) =	vadd.scan.msk.s32 $0xffff, v37;
	v36 =	vadd.s32 $0xFFFFFFFF, v36  }
0x103: {  	vm1 =	vmand vm12, vm1;
	vm13 =	vgt.s32 v29, $0x2;
	v62 =	vsel vm2, $0x1, v4;
	v63, _, _ =	vpop (xrf0);
	(xrf0) =	vadd.scan.msk.s32 $0xffff, v61  }
0x104: {  	v33 =	vld.idx.msk [tilespmem:v54+s2+$0x0], $0xffff;
	v44 =	vsel vm1, $0x1, v4;
	vm9 =	vmand vm4, vm13;
	v38, _, _ =	vpop (xrf0);
	(xrf0) =	vadd.scan.msk.s32 $0xffff, v62  }
0x105: {  	vm14 =	vlt.s32 v32, $0x5;
	v46 =	vsel vm9, $0x1, v4;
	v45 =	vadd.s32 v38, v21;
	(xrf0) =	vadd.scan.msk.s32 $0xffff, v44  }
0x106: {  	vm15 =	vgt.s32 v29, $0x3;
	[tilespmem:$0x1FFC0] =	vst v34;
	v47 =	vadd.s32 $0x9F, v45;
	(xrf0) =	vadd.scan.msk.s32 $0xffff, v46  }
0x107: {  	vm10 =	vmand vm14, vm15;
	v48, _, _ =	vpop (xrf0);
	[tilespmem:v36+s12+$0x0] =	vst.idx.msk vm6, v31  }
0x108: {  	s20 =	sadd.s32 $0x10, s20;
	v39 =	vsel vm10, $0x1, v4;
	v40, _, _ =	vpop (xrf0);
	[tilespmem:v36+s13+$0x0] =	vst.idx.msk vm6, v20  }
0x109: {  	v34 =	vor.u32 s20, v0;
	(xrf0) =	vadd.scan.msk.s32 $0xffff, v39;
	v40 =	vadd.s32 v40, v19;
	v49, _, _ =	vpop (xrf0);
	[tilespmem:v36+s14+$0x0] =	vst.idx.msk vm6, v33  }
0x10a: {  	vm0 =	vgt.s32 v29, $0xE;
	vm4 =	vlt.s32 v32, $0x10;
	v50 =	vadd.s32 $0x13F, v40;
	v51, _, _ =	vpop (xrf0);
	[tilespmem:v36+s15+$0x0] =	vst.idx.msk vm6, v34  }
0x10b: {  	vm12 =	vlt.s32 v32, $0x6;
	vm15 =	vgt.s32 v29, $0x4;
	vm4 =	vmand vm4, vm0;
	v41, _, _ =	vpop (xrf0);
	[tilespmem:v47+s12+$0x0] =	vst.idx.msk vm7, v31  }
0x10c: {  	vm11 =	vmand vm12, vm15;
	v42 =	vsel vm4, $0x1, v4;
	v43, _, _ =	vpop (xrf0);
	[tilespmem:v47+s13+$0x0] =	vst.idx.msk vm7, v20  }
0x10d: {  	v53 =	vsel vm11, $0x1, v4;
	(xrf0) =	vadd.scan.msk.s32 $0xffff, v42;
	v52 =	vadd.s32 v43, v18;
	[tilespmem:v47+s14+$0x0] =	vst.idx.msk vm7, v33  }
0x10e: {  	(xrf0) =	vadd.scan.msk.s32 $0xffff, v53;
	v54 =	vadd.s32 $0x1DF, v52;
	[tilespmem:v47+s15+$0x0] =	vst.idx.msk vm7, v34  }
0x10f: {  	v55, _, _ =	vpop (xrf0);
	[tilespmem:v50+s12+$0x0] =	vst.idx.msk vm8, v31  }
0x110: {  	v30 =	vadd.s32 v55, v30;
	[tilespmem:v50+s13+$0x0] =	vst.idx.msk vm8, v20  }
0x111: {  	v30 =	vadd.s32 $0x280, v30;
	[tilespmem:v50+s14+$0x0] =	vst.idx.msk vm8, v33  }
0x112: {  	v30 =	vadd.s32 $0xFFFFFFFF, v30;
	[tilespmem:v50+s15+$0x0] =	vst.idx.msk vm8, v34  }
0x113: {  	vm13 =	vgt.s32 v29, $0x6;
	vm0 =	vlt.s32 v32, $0x8;
	v56, _, _ =	vpop (xrf0);
	[tilespmem:v54+s12+$0x0] =	vst.idx.msk vm9, v31  }
0x114: {  	vm12 =	vmand vm0, vm13;
	v57, _, _ =	vpop (xrf0);
	[tilespmem:v54+s13+$0x0] =	vst.idx.msk vm9, v20  }
0x115: {  	vm14 =	vlt.s32 v32, $0x9;
	v58 =	vsel vm12, $0x1, v4;
	v28 =	vadd.s32 v57, v28;
	[tilespmem:v54+s14+$0x0] =	vst.idx.msk vm9, v33  }
0x116: {  	vm0 =	vgt.s32 v29, $0x7;
	(xrf0) =	vadd.scan.msk.s32 $0xffff, v58;
	v28 =	vadd.s32 $0x31F, v28;
	[tilespmem:v54+s15+$0x0] =	vst.idx.msk vm9, v34  }
0x117: {  	vm13 =	vmand vm14, vm0;
	[tilespmem:v30+s12+$0x0] =	vst.idx.msk vm10, v31  }
0x118: {  	v59 =	vsel vm13, $0x1, v4;
	[tilespmem:v30+s13+$0x0] =	vst.idx.msk vm10, v20  }
0x119: {  	v37 =	vadd.s32 v63, v16;
	(xrf0) =	vadd.scan.msk.s32 $0xffff, v59;
	[tilespmem:v30+s14+$0x0] =	vst.idx.msk vm10, v33  }
0x11a: {  	v60 =	vadd.s32 $0x3BF, v37;
	[tilespmem:v30+s15+$0x0] =	vst.idx.msk vm10, v34  }
0x11b: {  	vm15 =	vgt.s32 v29, $0x8;
	vm0 =	vlt.s32 v32, $0xA;
	[tilespmem:v28+s12+$0x0] =	vst.idx.msk vm11, v31  }
0x11c: {  	vm14 =	vmand vm0, vm15;
	v61, _, _ =	vpop (xrf0);
	[tilespmem:v28+s13+$0x0] =	vst.idx.msk vm11, v20  }
0x11d: {  	v62 =	vsel vm14, $0x1, v4;
	v27 =	vadd.s32 v61, v27;
	[tilespmem:v28+s14+$0x0] =	vst.idx.msk vm11, v33  }
0x11e: {  	(xrf0) =	vadd.scan.msk.s32 $0xffff, v62;
	v27 =	vadd.s32 $0x45F, v27;
	[tilespmem:v28+s15+$0x0] =	vst.idx.msk vm11, v34  }
0x11f: {  	v63, _, _ =	vpop (xrf0);
	[tilespmem:v60+s12+$0x0] =	vst.idx.msk vm5, v31  }
0x120: {  	v26 =	vadd.s32 v63, v26;
	[tilespmem:v60+s13+$0x0] =	vst.idx.msk vm5, v20  }
0x121: {  	v26 =	vadd.s32 $0x500, v26;
	[tilespmem:v60+s14+$0x0] =	vst.idx.msk vm5, v33  }
0x122: {  	v26 =	vadd.s32 $0xFFFFFFFF, v26;
	[tilespmem:v60+s15+$0x0] =	vst.idx.msk vm5, v34  }
0x123: {  	[tilespmem:v27+s12+$0x0] =	vst.idx.msk vm12, v31  }
0x124: {  	v35, _, _ =	vpop (xrf0);
	[tilespmem:v27+s13+$0x0] =	vst.idx.msk vm12, v20  }
0x125: {  	v25 =	vadd.s32 v35, v25;
	[tilespmem:v27+s14+$0x0] =	vst.idx.msk vm12, v33  }
0x126: {  	v25 =	vadd.s32 $0x59F, v25;
	[tilespmem:v27+s15+$0x0] =	vst.idx.msk vm12, v34  }
0x127: {  	[tilespmem:v26+s12+$0x0] =	vst.idx.msk vm13, v31  }
0x128: {  	v46 =	vld [tilespmem:$0x1FFC0];
	[tilespmem:v26+s13+$0x0] =	vst.idx.msk vm13, v20  }
0x129: {  	v37 =	vadd.s32 v48, v11;
	[tilespmem:v26+s14+$0x0] =	vst.idx.msk vm13, v33  }
0x12a: {  	v38 =	vadd.s32 $0x63F, v37;
	[tilespmem:v26+s15+$0x0] =	vst.idx.msk vm13, v34  }
0x12b: {  	[tilespmem:v25+s12+$0x0] =	vst.idx.msk vm14, v31  }
0x12c: {  	vm15 =	vlt.s32 v32, $0xF;
	vm0 =	vgt.s32 v29, $0xD;
	[tilespmem:v25+s13+$0x0] =	vst.idx.msk vm14, v20  }
0x12d: {  	vm15 =	vmand vm15, vm0;
	v39 =	vadd.s32 v49, v10;
	vm0 =	vnez.u8 v46;
	[tilespmem:v25+s14+$0x0] =	vst.idx.msk vm14, v33  }
0x12e: {  	v42 =	vadd.s32 $0x6DF, v39;
	[tilespmem:v25+s15+$0x0] =	vst.idx.msk vm14, v34  }
0x12f: {  	[tilespmem:v38+s12+$0x0] =	vst.idx.msk vm3, v31  }
0x130: {  	v43 =	vadd.s32 v51, v9;
	[tilespmem:v38+s13+$0x0] =	vst.idx.msk vm3, v20  }
0x131: {  	v44 =	vsel vm15, $0x1, v4;
	v27 =	vadd.s32 $0x780, v43;
	[tilespmem:v38+s14+$0x0] =	vst.idx.msk vm3, v33  }
0x132: {  	(xrf0) =	vadd.scan.msk.s32 $0xffff, v44;
	v45 =	vadd.s32 $0xFFFFFFFF, v27;
	[tilespmem:v38+s15+$0x0] =	vst.idx.msk vm3, v34  }
0x133: {  	[tilespmem:v42+s12+$0x0] =	vst.idx.msk vm0, v31  }
0x134: {  	[tilespmem:v42+s13+$0x0] =	vst.idx.msk vm0, v20  }
0x135: {  	v47 =	vadd.s32 v41, v7;
	[tilespmem:v42+s14+$0x0] =	vst.idx.msk vm0, v33  }
0x136: {  	v48 =	vadd.s32 $0x81F, v47;
	[tilespmem:v42+s15+$0x0] =	vst.idx.msk vm0, v34  }
0x137: {  	[tilespmem:v45+s12+$0x0] =	vst.idx.msk vm2, v31  }
0x138: {  	v49, _, _ =	vpop (xrf0);
	[tilespmem:v45+s13+$0x0] =	vst.idx.msk vm2, v20  }
0x139: {  	v23 =	vadd.s32 v49, v23;
	[tilespmem:v45+s14+$0x0] =	vst.idx.msk vm2, v33  }
0x13a: {  	v23 =	vadd.s32 $0x8BF, v23;
	[tilespmem:v45+s15+$0x0] =	vst.idx.msk vm2, v34  }
0x13b: {  	[tilespmem:v48+s12+$0x0] =	vst.idx.msk vm1, v31  }
0x13c: {  	[tilespmem:v48+s13+$0x0] =	vst.idx.msk vm1, v20  }
0x13d: {  	v24 =	vadd.s32 v56, v24;
	[tilespmem:v48+s14+$0x0] =	vst.idx.msk vm1, v33  }
0x13e: {  	v24 =	vadd.s32 $0x95F, v24;
	[tilespmem:v48+s15+$0x0] =	vst.idx.msk vm1, v34  }
0x13f: {  	v50 =	vmpcnt.ones.xlane vm6;
	[tilespmem:v23+s12+$0x0] =	vst.idx.msk vm15, v31  }
0x140: {  	[tilespmem:v23+s13+$0x0] =	vst.idx.msk vm15, v20  }
0x141: {  	v22 =	vadd.s32 v22, v50;
	[tilespmem:v23+s14+$0x0] =	vst.idx.msk vm15, v33  }
0x142: {  	v51 =	vadd.s32 v0, v22;
	[tilespmem:v23+s15+$0x0] =	vst.idx.msk vm15, v34  }
0x143: {  	v52 =	vmpcnt.ones.xlane vm7;
	[tilespmem:v24+s12+$0x0] =	vst.idx.msk vm4, v31  }
0x144: {  	[tilespmem:v24+s13+$0x0] =	vst.idx.msk vm4, v20  }
0x145: {  	v53 =	vor.u32 $0xA0, v0;
	v20 =	vadd.s32 v21, v52;
	[tilespmem:v24+s14+$0x0] =	vst.idx.msk vm4, v33  }
0x146: {  	v21 =	vadd.s32 v53, v20;
	[tilespmem:v24+s15+$0x0] =	vst.idx.msk vm4, v34  }
0x147: {  	v54 =	vmpcnt.ones.xlane vm8;
	[tilespmem:v51+s12+$0x0] =	vst.idx.msk $0x7fff, v5  }
0x148: {  	[tilespmem:v51+s13+$0x0] =	vst.idx.msk $0x7fff, v5  }
0x149: {  	v55 =	vor.u32 $0x140, v0;
	v19 =	vadd.s32 v19, v54;
	[tilespmem:v51+s14+$0x0] =	vst.idx.msk $0x7fff, v5  }
0x14a: {  	v56 =	vadd.s32 v55, v19;
	[tilespmem:v51+s15+$0x0] =	vst.idx.msk $0x7fff, v4  }
0x14b: {  	v57 =	vmpcnt.ones.xlane vm9;
	[tilespmem:v21+s12+$0x0] =	vst.idx.msk $0x7fff, v5  }
0x14c: {  	[tilespmem:v21+s13+$0x0] =	vst.idx.msk $0x7fff, v5  }
0x14d: {  	v58 =	vor.u32 $0x1E0, v0;
	v18 =	vadd.s32 v18, v57;
	[tilespmem:v21+s14+$0x0] =	vst.idx.msk $0x7fff, v5  }
0x14e: {  	v59 =	vadd.s32 v58, v18;
	[tilespmem:v21+s15+$0x0] =	vst.idx.msk $0x7fff, v4  }
0x14f: {  	v60 =	vmpcnt.ones.xlane vm10;
	[tilespmem:v56+s12+$0x0] =	vst.idx.msk $0x7fff, v5  }
0x150: {  	[tilespmem:v56+s13+$0x0] =	vst.idx.msk $0x7fff, v5  }
0x151: {  	v61 =	vor.u32 $0x280, v0;
	v17 =	vadd.s32 v17, v60;
	[tilespmem:v56+s14+$0x0] =	vst.idx.msk $0x7fff, v5  }
0x152: {  	v62 =	vadd.s32 v61, v17;
	[tilespmem:v56+s15+$0x0] =	vst.idx.msk $0x7fff, v4  }
0x153: {  	v63 =	vmpcnt.ones.xlane vm11;
	[tilespmem:v59+s12+$0x0] =	vst.idx.msk $0x7fff, v5  }
0x154: {  	[tilespmem:v59+s13+$0x0] =	vst.idx.msk $0x7fff, v5  }
0x155: {  	v15 =	vadd.s32 v15, v63;
	v28 =	vor.u32 $0x320, v0;
	[tilespmem:v59+s14+$0x0] =	vst.idx.msk $0x7fff, v5  }
0x156: {  	v29 =	vadd.s32 v28, v15;
	[tilespmem:v59+s15+$0x0] =	vst.idx.msk $0x7fff, v4  }
0x157: {  	v30 =	vmpcnt.ones.xlane vm5;
	[tilespmem:v62+s12+$0x0] =	vst.idx.msk $0x7fff, v5  }
0x158: {  	[tilespmem:v62+s13+$0x0] =	vst.idx.msk $0x7fff, v5  }
0x159: {  	v32 =	vor.u32 $0x3C0, v0;
	v31 =	vadd.s32 v16, v30;
	[tilespmem:v62+s14+$0x0] =	vst.idx.msk $0x7fff, v5  }
0x15a: {  	v33 =	vadd.s32 v32, v31;
	[tilespmem:v62+s15+$0x0] =	vst.idx.msk $0x7fff, v4  }
0x15b: {  	v34 =	vmpcnt.ones.xlane vm12;
	[tilespmem:v29+s12+$0x0] =	vst.idx.msk $0x7fff, v5  }
0x15c: {  	[tilespmem:v29+s13+$0x0] =	vst.idx.msk $0x7fff, v5  }
0x15d: {  	v35 =	vor.u32 $0x460, v0;
	v14 =	vadd.s32 v14, v34;
	[tilespmem:v29+s14+$0x0] =	vst.idx.msk $0x7fff, v5  }
0x15e: {  	v36 =	vadd.s32 v35, v14;
	[tilespmem:v29+s15+$0x0] =	vst.idx.msk $0x7fff, v4  }
0x15f: {  	v37 =	vmpcnt.ones.xlane vm13;
	[tilespmem:v33+s12+$0x0] =	vst.idx.msk $0x7fff, v5  }
0x160: {  	[tilespmem:v33+s13+$0x0] =	vst.idx.msk $0x7fff, v5  }
0x161: {  	v12 =	vadd.s32 v12, v37;
	v38 =	vor.u32 $0x500, v0;
	[tilespmem:v33+s14+$0x0] =	vst.idx.msk $0x7fff, v5  }
0x162: {  	v39 =	vadd.s32 v38, v12;
	[tilespmem:v33+s15+$0x0] =	vst.idx.msk $0x7fff, v4  }
0x163: {  	v40 =	vmpcnt.ones.xlane vm14;
	[tilespmem:v36+s12+$0x0] =	vst.idx.msk $0x7fff, v5  }
0x164: {  	[tilespmem:v36+s13+$0x0] =	vst.idx.msk $0x7fff, v5  }
0x165: {  	v13 =	vadd.s32 v13, v40;
	v41 =	vor.u32 $0x5A0, v0;
	[tilespmem:v36+s14+$0x0] =	vst.idx.msk $0x7fff, v5  }
0x166: {  	v42 =	vadd.s32 v41, v13;
	[tilespmem:v36+s15+$0x0] =	vst.idx.msk $0x7fff, v4  }
0x167: {  	v43 =	vmpcnt.ones.xlane vm3;
	[tilespmem:v39+s12+$0x0] =	vst.idx.msk $0x7fff, v5  }
0x168: {  	[tilespmem:v39+s13+$0x0] =	vst.idx.msk $0x7fff, v5  }
0x169: {  	v44 =	vadd.s32 v11, v43;
	v45 =	vor.u32 $0x640, v0;
	[tilespmem:v39+s14+$0x0] =	vst.idx.msk $0x7fff, v5  }
0x16a: {  	v46 =	vadd.s32 v45, v44;
	[tilespmem:v39+s15+$0x0] =	vst.idx.msk $0x7fff, v4  }
0x16b: {  	v47 =	vmpcnt.ones.xlane vm0;
	[tilespmem:v42+s12+$0x0] =	vst.idx.msk $0x7fff, v5  }
0x16c: {  	[tilespmem:v42+s13+$0x0] =	vst.idx.msk $0x7fff, v5  }
0x16d: {  	v49 =	vor.u32 $0x6E0, v0;
	v48 =	vadd.s32 v10, v47;
	[tilespmem:v42+s14+$0x0] =	vst.idx.msk $0x7fff, v5  }
0x16e: {  	v50 =	vadd.s32 v49, v48;
	[tilespmem:v42+s15+$0x0] =	vst.idx.msk $0x7fff, v4  }
0x16f: {  	v51 =	vmpcnt.ones.xlane vm2;
	[tilespmem:v46+s12+$0x0] =	vst.idx.msk $0x7fff, v5  }
0x170: {  	[tilespmem:v46+s13+$0x0] =	vst.idx.msk $0x7fff, v5  }
0x171: {  	v53 =	vor.u32 $0x780, v0;
	v52 =	vadd.s32 v9, v51;
	[tilespmem:v46+s14+$0x0] =	vst.idx.msk $0x7fff, v5  }
0x172: {  	v54 =	vadd.s32 v53, v52;
	[tilespmem:v46+s15+$0x0] =	vst.idx.msk $0x7fff, v4  }
0x173: {  	v55 =	vmpcnt.ones.xlane vm1;
	[tilespmem:v50+s12+$0x0] =	vst.idx.msk $0x7fff, v5  }
0x174: {  	[tilespmem:v50+s13+$0x0] =	vst.idx.msk $0x7fff, v5  }
0x175: {  	v57 =	vmpcnt.ones.xlane vm15;
	v7 =	vadd.s32 v7, v55;
	v56 =	vor.u32 $0x820, v0;
	[tilespmem:v50+s14+$0x0] =	vst.idx.msk $0x7fff, v5  }
0x176: {  	v58 =	vadd.s32 v56, v7;
	[tilespmem:v50+s15+$0x0] =	vst.idx.msk $0x7fff, v4  }
0x177: {  	v8 =	vadd.s32 v8, v57;
	vm13 =	vmmov $0x1;
	[tilespmem:v54+s12+$0x0] =	vst.idx.msk $0x7fff, v5  }
0x178: {  	v60 =	vor.u32 $0x8C0, v0;
	vm14 =	vmmov $0x3;
	v20 =	vsel vm13, v22, v20;
	[tilespmem:v54+s13+$0x0] =	vst.idx.msk $0x7fff, v5  }
0x179: {  	v61 =	vadd.s32 v60, v8;
	vm15 =	vmmov $0x7;
	v19 =	vsel vm14, v20, v19;
	[tilespmem:v54+s14+$0x0] =	vst.idx.msk $0x7fff, v5  }
0x17a: {  	v18 =	vsel vm15, v19, v18;
	v59 =	vmpcnt.ones.xlane vm4;
	vm4 =	vmmov $0xf;
	[tilespmem:v54+s15+$0x0] =	vst.idx.msk $0x7fff, v4  }
0x17b: {  	vm5 =	vmmov $0x1f;
	v17 =	vsel vm4, v18, v17;
	[tilespmem:v58+s12+$0x0] =	vst.idx.msk $0x7fff, v5  }
0x17c: {  	vm7 =	vmmov $0x7f;
	vm6 =	vmmov $0x3f;
	v15 =	vsel vm5, v17, v15;
	[tilespmem:v58+s13+$0x0] =	vst.idx.msk $0x7fff, v5  }
0x17d: {  	v6 =	vadd.s32 v6, v59;
	v15 =	vsel vm6, v15, v31;
	v62 =	vor.u32 $0x960, v0;
	[tilespmem:v58+s14+$0x0] =	vst.idx.msk $0x7fff, v5  }
0x17e: {  	vm8 =	vmmov $0xff;
	v14 =	vsel vm7, v15, v14;
	v63 =	vadd.s32 v62, v6;
	[tilespmem:v58+s15+$0x0] =	vst.idx.msk $0x7fff, v4  }
0x17f: {  	vm9 =	vmmov $0x1ff;
	v12 =	vsel vm8, v14, v12;
	[tilespmem:v61+s12+$0x0] =	vst.idx.msk $0x7fff, v5  }
0x180: {  	vm10 =	vmmov $0x3ff;
	v12 =	vsel vm9, v12, v13;
	[tilespmem:v61+s13+$0x0] =	vst.idx.msk $0x7fff, v5  }
0x181: {  	vm11 =	vmmov $0x7ff;
	v11 =	vsel vm10, v12, v44;
	[tilespmem:v61+s14+$0x0] =	vst.idx.msk $0x7fff, v5  }
0x182: {  	vm12 =	vmmov $0xfff;
	v10 =	vsel vm11, v11, v48;
	[tilespmem:v61+s15+$0x0] =	vst.idx.msk $0x7fff, v4  }
0x183: {  	vm13 =	vmmov $0x1fff;
	v9 =	vsel vm12, v10, v52;
	[tilespmem:v63+s12+$0x0] =	vst.idx.msk $0x7fff, v5  }
0x184: {  	vm14 =	vmmov $0x3fff;
	v7 =	vsel vm13, v9, v7;
	[tilespmem:v63+s13+$0x0] =	vst.idx.msk $0x7fff, v5  }
0x185: {  	vm15 =	vmmov $0x7fff;
	v7 =	vsel vm14, v7, v8;
	[tilespmem:v63+s14+$0x0] =	vst.idx.msk $0x7fff, v5  }
0x186: {  	v6 =	vsel vm15, v7, v6;
	[tilespmem:v63+s15+$0x0] =	vst.idx.msk $0x7fff, v4  }
0x187: {  	[tilespmem:$0x2F80] =	vst v6  }
0x188: {  	[hbm4b:s4+s16] =	stream.strided.scatter [tilespmem:s12], [sflag:$0x1], $0xA00, s17, s16, $0x38;
	[tilespmem:$0x3000] =	vst v63  }
0x189: {  	_ =	swait.ge [sflag:s11], $0xA00  }
0x18a: {  	[sflag:s11] =	ssyncset.done $0x0  }
0x18b: {  	[sflag:s11] =	ssyncadd.s32 $0xFFFFF600  }
0x18c: {  	[hbm4b:s5+s16] =	stream.strided.scatter [tilespmem:s13], [sflag:$0x1], $0xA00, s17, s16, $0x38;
	[tilespmem:$0x3000] =	vst v63  }
0x18d: {  	_ =	swait.ge [sflag:s11], $0xA00  }
0x18e: {  	[sflag:s11] =	ssyncset.done $0x0  }
0x18f: {  	[sflag:s11] =	ssyncadd.s32 $0xFFFFF600  }
0x190: {  	[hbm4b:s6+s16] =	stream.strided.scatter [tilespmem:s14], [sflag:$0x1], $0xA00, s17, s16, $0x38;
	[tilespmem:$0x3000] =	vst v63  }
0x191: {  	_ =	swait.ge [sflag:s11], $0xA00  }
0x192: {  	[sflag:s11] =	ssyncset.done $0x0  }
0x193: {  	[sflag:s11] =	ssyncadd.s32 $0xFFFFF600  }
0x194: {  	[hbm4b:s7+s16] =	stream.strided.scatter [tilespmem:s15], [sflag:$0x1], $0xA00, s17, s16, $0x38;
	[tilespmem:$0x3000] =	vst v63  }
0x195: {  	s19 =	sadd.s32 $0x1, s19;
	_ =	swait.ge [sflag:s11], $0xA00  }
0x196: {  	p0 =	sne.s32 s19, s9;
	[sflag:s11] =	ssyncset.done $0x0  }
.Ltmp1:
0x197: {  	[sflag:s11] =	ssyncadd.s32 $0xFFFFF600;
	(pc) =	sbr.rel @p0 .LBB2_1-.Ltmp1, $4  }
0x198: {  	[hbm4b:s8+s2] =	stream.linear.scatter [tilespmem:s18], [sflag:$0x1], $0x80, $0x38;
	[tilespmem:$0x3000] =	vst v63  }
0x199: {  	_ =	swait.ge [sflag:s11], $0x80  }
0x19a: {  	[sflag:s11] =	ssyncset.done $0x0  }
0x19b: {  	[sflag:s11] =	ssyncadd.s32 $0xFFFFFF80  }
0x19c: {  	_ =	sfence.sel $0x180000  }
0x19d: {  	[bflag:$0x0] =	sbarrier.arrive $0xFFFF  }
0x19e: {  	p0 =	sne.s32 s0, $0x0;
	_ =	strace $0x90000047  }
0x19f: {  	s0 =	sadd.s32 @!p0 $0x100000, s1;
	[bflag:$0x2] =	sbarrier.arrive $0xFFFF  }
0x1a0: {  	[sflag:s0] =	ssyncadd.tile.s32 @!p0 $0x1;
	_ =	shalt  }
.Lfunc_end2:
_tile_overlayer_lowered:
.L_overlay_start_2:
0x1a1: {  	(tag) =	ssettag $0x2  }
0x1a2: {  	s0 =	rddreg [dreg:$0x0];
	s2 =	stileid.u32  }
0x1a3: {  	s1 =	rddreg [dreg:$0x1];
	p0 =	sne.s32 s2, $0x0  }
0x1a4: {  	s3 =	rddreg [dreg:$0x2];
	[bflag:$0x3] =	sbarrier.arrive $0xFFFF;
	s2 =	simm.s32 @!p0 $0x1C01  }
0x1a5: {  	[timem:s3], [sflag:s2] =	dma.local @!p0 [hbm:s0], s1  }
0x1a6: {  	s0 =	simm.s32 @!p0 $0x1  }
0x1a7: {  	_ =	swait.ge @!p0 [sflag:s0], s1  }
0x1a8: {  	s1 =	ssub.s32 @!p0 $0x0, s1;
	[sflag:s0] =	ssyncset.done @!p0 $0x0  }
0x1a9: {  	[sflag:s0] =	ssyncadd.s32 @!p0 s1  }
0x1aa: {  	[bflag:$0x3] =	sbarrier.arrive $0xFFFF  }
0x1ab: {  	_ =	shalt  }

</sc_bundles>
